<compile_context>
chip_gen: v7x
topology: tpu7x:2x2x1
jax: 0.10.2.dev20260603
libtpu: 0.0.44.dev20260713+nightly
codegen_flags: <defaults>
</compile_context>

<pallas_src>
import functools

import jax
import jax.numpy as jnp
from jax import lax
from jax.experimental import pallas as pl
from jax.experimental.pallas import tpu as pltpu
from jax.experimental.pallas import tpu_sc as plsc

VOCAB = 33
EMB = 128
B = 16384
L = 20
N = B * L
NUM_TABLES = 7
NUM_TC = 2
NUM_SC = NUM_TABLES - NUM_TC
VOCAB_PAD = 40

NC = 2
NS = 16
NW = NC * NS
BPW = B // NW
CB = 4
CHUNK = CB * L
NCHUNK = BPW // CB
NBUF = 4
LAG = 2
NROUND = NCHUNK // NBUF

L_PAD = 24
TC_BB = 128


def _sc_lookup(idx_all, tab_all):
    mesh = plsc.VectorSubcoreMesh(core_axis_name="c", subcore_axis_name="s")
    out_type = tuple(
        jax.ShapeDtypeStruct((B, L, EMB), jnp.float32)
        for _ in range(NUM_SC)
    )

    scratch = [pltpu.VMEM((NCHUNK, CHUNK), jnp.int32) for _ in range(2)]
    scratch += [pltpu.VMEM((CHUNK, EMB), jnp.float32) for _ in range(NBUF)]
    scratch += [pltpu.SemaphoreType.DMA for _ in range(2 + 2 * NBUF)]

    @functools.partial(
        pl.kernel,
        out_type=out_type,
        mesh=mesh,
        scratch_types=scratch,
    )
    def body(idx_ref, tab_ref, *refs):
        out_refs = refs[0:NUM_SC]
        rest = refs[NUM_SC:]
        idx_v = rest[0:2]
        rows = rest[2:2 + NBUF]
        isem = rest[2 + NBUF:4 + NBUF]
        gsem = rest[4 + NBUF:4 + 2 * NBUF]
        osem = rest[4 + 2 * NBUF:4 + 3 * NBUF]

        wid = lax.axis_index("s") * NC + lax.axis_index("c")
        bbase = wid * BPW
        ibase = wid * NCHUNK

        def start_idx(t):
            return pltpu.async_copy(
                idx_ref.at[t].at[pl.ds(ibase, NCHUNK)], idx_v[t % 2],
                isem[t % 2])

        def wait_idx(t):
            pltpu.make_async_copy(
                idx_ref.at[t].at[pl.ds(ibase, NCHUNK)], idx_v[t % 2],
                isem[t % 2]).wait()

        def gather_src(t, c):
            return tab_ref.at[t].at[pl.ds(wid * VOCAB_PAD, VOCAB_PAD)].at[
                idx_v[t % 2].at[c]]

        def start_gather(t, c, b):
            return pltpu.async_copy(gather_src(t, c), rows[b], gsem[b])

        def wait_gather(t, c, b):
            pltpu.make_async_copy(gather_src(t, c), rows[b], gsem[b]).wait()

        def start_out(t, c, b):
            pltpu.async_copy(rows[b].reshape(CB, L, EMB),
                             out_refs[t].at[pl.ds(bbase + c * CB, CB)],
                             osem[b])

        def wait_out(t, c, b):
            pltpu.make_async_copy(rows[b].reshape(CB, L, EMB),
                                  out_refs[t].at[pl.ds(bbase + c * CB, CB)],
                                  osem[b]).wait()

        start_idx(0)
        for t in range(NUM_SC):
            wait_idx(t)
            if t + 1 < NUM_SC:
                start_idx(t + 1)

            for b in range(NBUF):
                if t > 0:
                    wait_out(t - 1, NCHUNK - NBUF + b, b)
                start_gather(t, b, b)
                if b >= LAG:
                    bo = b - LAG
                    wait_gather(t, bo, bo)
                    start_out(t, bo, bo)

            @pl.loop(1, NROUND)
            def _(r, _t=t):
                for b in range(NBUF):
                    s = r * NBUF + b
                    wait_out(_t, s - NBUF, b)
                    start_gather(_t, s, b)
                    bo = (b - LAG) % NBUF
                    wait_gather(_t, s - LAG, bo)
                    start_out(_t, s - LAG, bo)

            for i in range(LAG):
                c = NCHUNK - LAG + i
                b = c % NBUF
                wait_gather(t, c, b)
                start_out(t, c, b)

        for b in range(NBUF):
            wait_out(NUM_SC - 1, NCHUNK - NBUF + b, b)

    return body(idx_all, tab_all)


def _tc_lookup(idx_flat_pad, tab):
    blk = TC_BB * L_PAD

    def tck(idx_ref, tab_ref, out_ref):
        v = idx_ref[...]
        iota = lax.broadcasted_iota(jnp.int32, (1, VOCAB), 1)
        onehot = (v[:, None] == iota).astype(jnp.float32)
        res = jnp.dot(onehot, tab_ref[...],
                      precision=lax.Precision.HIGHEST,
                      preferred_element_type=jnp.float32)
        res3 = res.reshape(TC_BB, L_PAD, EMB)
        out_ref[...] = res3[:, :L, :]

    return pl.pallas_call(
        tck,
        grid=(B // TC_BB,),
        in_specs=[
            pl.BlockSpec((blk,), lambda i: (i,)),
            pl.BlockSpec((VOCAB, EMB), lambda i: (0, 0)),
        ],
        out_specs=pl.BlockSpec((TC_BB, L, EMB), lambda i: (i, 0, 0)),
        out_shape=jax.ShapeDtypeStruct((B, L, EMB), jnp.float32),
    )(idx_flat_pad, tab)


def kernel(A1, A2, A3, B1, B2, B3, peptide,
           W_a1, W_a2, W_a3, W_b1, W_b2, W_b3, W_peptide):
    idx_in = (A1, A2, A3, B1, B2, B3, peptide)
    tab_in = (W_a1, W_a2, W_a3, W_b1, W_b2, W_b3, W_peptide)

    idx_all = jnp.stack(
        [x.reshape(N // CHUNK, CHUNK).astype(jnp.int32)
         for x in idx_in[:NUM_SC]])
    tab_all = jnp.stack(
        [jnp.tile(jnp.pad(w, ((0, VOCAB_PAD - VOCAB), (0, 0))), (NW, 1))
         for w in tab_in[:NUM_SC]])
    sc_outs = _sc_lookup(idx_all, tab_all)

    tc_outs = tuple(
        _tc_lookup(
            jnp.pad(x.astype(jnp.int32), ((0, 0), (0, L_PAD - L))
                    ).reshape(B * L_PAD),
            w)
        for x, w in zip(idx_in[NUM_SC:], tab_in[NUM_SC:]))

    return sc_outs + tc_outs

# --- scband reference (transcript-rebuilt; emitter-appended) ---
"""Pipeline reference for scband-cdremb-net-20667382628612 (READ-ONLY COPY).

The authoritative reference and input builder live on the scoring server;
editing this copy changes nothing except your own understanding.
"""

import jax, jax.numpy as jnp
import numpy as np

VOCAB = 33
EMB = 128
B = 16384
L = 20


def setup_inputs(seed: int = 0) -> dict:
    key = jax.random.key(seed)
    keys = jax.random.split(key, 14)
    inp = {}
    names = ['A1', 'A2', 'A3', 'B1', 'B2', 'B3', 'peptide']
    for i, n in enumerate(names):
        inp[n] = jax.random.randint(keys[i], (B, L), 0, VOCAB, dtype=jnp.int64 if jax.config.jax_enable_x64 else jnp.int32)
    # learned embedding tables, uniform(-1, 1) per reset_parameters
    tnames = ['W_a1', 'W_a2', 'W_a3', 'W_b1', 'W_b2', 'W_b3', 'W_peptide']
    for i, n in enumerate(tnames):
        inp[n] = jax.random.uniform(keys[7 + i], (VOCAB, EMB), dtype=jnp.float32, minval=-1.0, maxval=1.0)
    return inp


def reference(A1, A2, A3, B1, B2, B3, peptide, W_a1, W_a2, W_a3, W_b1, W_b2, W_b3, W_peptide):
    a1 = jnp.take(W_a1, A1, axis=0)
    a2 = jnp.take(W_a2, A2, axis=0)
    a3 = jnp.take(W_a3, A3, axis=0)
    b1 = jnp.take(W_b1, B1, axis=0)
    b2 = jnp.take(W_b2, B2, axis=0)
    b3 = jnp.take(W_b3, B3, axis=0)
    pep = jnp.take(W_peptide, peptide, axis=0)
    # module returns a dict {'A1': a1, ..., 'peptide': peptide_emb}; return as tuple in fixed key order
    return (a1, a2, a3, b1, b2, b3, pep)

if __name__ == "__main__":
    import jax
    _d = setup_inputs()
    print(jax.jit(kernel)(*tuple(_d.values())))

</pallas_src>

<mosaic_0001>
#map = affine_map<(d0, d1) -> (0, 0, 0)>
module attributes {stable_mosaic.version = 14 : i64} {
  func.func @body(%arg0: i32, %arg1: i32, %arg2: memref<5x4096x80xi32, #tpu.memory_space<hbm>>, %arg3: memref<5x1280x128xf32, #tpu.memory_space<hbm>>, %arg4: memref<16384x20x128xf32, #tpu.memory_space<hbm>>, %arg5: memref<16384x20x128xf32, #tpu.memory_space<hbm>>, %arg6: memref<16384x20x128xf32, #tpu.memory_space<hbm>>, %arg7: memref<16384x20x128xf32, #tpu.memory_space<hbm>>, %arg8: memref<16384x20x128xf32, #tpu.memory_space<hbm>>, %arg9: memref<128x80xi32, #tpu.memory_space<vmem>>, %arg10: memref<128x80xi32, #tpu.memory_space<vmem>>, %arg11: memref<80x128xf32, #tpu.memory_space<vmem>>, %arg12: memref<80x128xf32, #tpu.memory_space<vmem>>, %arg13: memref<80x128xf32, #tpu.memory_space<vmem>>, %arg14: memref<80x128xf32, #tpu.memory_space<vmem>>, %arg15: memref<!tpu.dma_semaphore, #tpu.memory_space<semaphore_mem>>, %arg16: memref<!tpu.dma_semaphore, #tpu.memory_space<semaphore_mem>>, %arg17: memref<!tpu.dma_semaphore, #tpu.memory_space<semaphore_mem>>, %arg18: memref<!tpu.dma_semaphore, #tpu.memory_space<semaphore_mem>>, %arg19: memref<!tpu.dma_semaphore, #tpu.memory_space<semaphore_mem>>, %arg20: memref<!tpu.dma_semaphore, #tpu.memory_space<semaphore_mem>>, %arg21: memref<!tpu.dma_semaphore, #tpu.memory_space<semaphore_mem>>, %arg22: memref<!tpu.dma_semaphore, #tpu.memory_space<semaphore_mem>>, %arg23: memref<!tpu.dma_semaphore, #tpu.memory_space<semaphore_mem>>, %arg24: memref<!tpu.dma_semaphore, #tpu.memory_space<semaphore_mem>>) attributes {dimension_semantics = [#tpu.dimension_semantics<core_parallel>, #tpu.dimension_semantics<subcore_parallel>], iteration_bounds = array<i64: 2, 16>, scalar_prefetch = 0 : i64, scratch_operands = 16 : i64, tpu.core_type = #tpu.core_type<sc_vector_subcore>, window_params = [{transform_indices = #map}, {transform_indices = #map}, {transform_indices = #map}, {transform_indices = #map}, {transform_indices = #map}, {transform_indices = #map}, {transform_indices = #map}]} {
    %mul3A = arith.constant 2 : i32
    %mul3A_0 = arith.muli %arg1, %mul3A : i32
    %add3A = arith.addi %mul3A_0, %arg0 : i32
    %mul3A_1 = arith.constant 512 : i32
    %mul3A_2 = arith.muli %add3A, %mul3A_1 : i32
    %mul3A_3 = arith.constant 128 : i32
    %mul3A_4 = arith.muli %add3A, %mul3A_3 : i32
    %dma_start3A = arith.constant 0 : i32
    %dma_start3A_5 = arith.constant 0 : i32
    %dma_start3A_6 = arith.constant 0 : i32
    %dma_start3A_7 = tpu.memref_slice %arg2[%dma_start3A, %dma_start3A_5, %dma_start3A_6] : memref<5x4096x80xi32, #tpu.memory_space<hbm>> -> memref<1x4096x80xi32, #tpu.memory_space<hbm>>
    %dma_start3A_8 = tpu.memref_squeeze %dma_start3A_7 : memref<1x4096x80xi32, #tpu.memory_space<hbm>> -> memref<4096x80xi32, #tpu.memory_space<hbm>>
    %dma_start3A_9 = arith.constant 0 : i32
    %dma_start3A_10 = tpu.memref_slice %dma_start3A_8[%mul3A_4, %dma_start3A_9] : memref<4096x80xi32, #tpu.memory_space<hbm>> -> memref<128x80xi32, #tpu.memory_space<hbm>>
    %dma_start3A_11 = arith.constant 0 : i32
    %dma_start3A_12 = arith.constant 0 : i32
    %dma_start3A_13 = tpu.memref_slice %arg2[%dma_start3A, %dma_start3A_11, %dma_start3A_12] : memref<5x4096x80xi32, #tpu.memory_space<hbm>> -> memref<1x4096x80xi32, #tpu.memory_space<hbm>>
    %dma_start3A_14 = tpu.memref_squeeze %dma_start3A_13 : memref<1x4096x80xi32, #tpu.memory_space<hbm>> -> memref<4096x80xi32, #tpu.memory_space<hbm>>
    %dma_start3A_15 = arith.constant 0 : i32
    %dma_start3A_16 = tpu.memref_slice %dma_start3A_14[%mul3A_4, %dma_start3A_15] : memref<4096x80xi32, #tpu.memory_space<hbm>> -> memref<128x80xi32, #tpu.memory_space<hbm>>
    tpu.enqueue_dma source(%dma_start3A_16 : memref<128x80xi32, #tpu.memory_space<hbm>>) target(%arg9 : memref<128x80xi32, #tpu.memory_space<vmem>>) target_semaphore(%arg15 : memref<!tpu.dma_semaphore, #tpu.memory_space<semaphore_mem>>)
    %dma_wait3A = arith.constant 0 : i32
    %dma_wait3A_17 = arith.constant 0 : i32
    %dma_wait3A_18 = arith.constant 0 : i32
    %dma_wait3A_19 = tpu.memref_slice %arg2[%dma_wait3A, %dma_wait3A_17, %dma_wait3A_18] : memref<5x4096x80xi32, #tpu.memory_space<hbm>> -> memref<1x4096x80xi32, #tpu.memory_space<hbm>>
    %dma_wait3A_20 = tpu.memref_squeeze %dma_wait3A_19 : memref<1x4096x80xi32, #tpu.memory_space<hbm>> -> memref<4096x80xi32, #tpu.memory_space<hbm>>
    %dma_wait3A_21 = arith.constant 0 : i32
    %dma_wait3A_22 = tpu.memref_slice %dma_wait3A_20[%mul3A_4, %dma_wait3A_21] : memref<4096x80xi32, #tpu.memory_space<hbm>> -> memref<128x80xi32, #tpu.memory_space<hbm>>
    %dma_wait3A_23 = arith.constant 0 : i32
    %dma_wait3A_24 = arith.constant 0 : i32
    %dma_wait3A_25 = tpu.memref_slice %arg2[%dma_wait3A, %dma_wait3A_23, %dma_wait3A_24] : memref<5x4096x80xi32, #tpu.memory_space<hbm>> -> memref<1x4096x80xi32, #tpu.memory_space<hbm>>
    %dma_wait3A_26 = tpu.memref_squeeze %dma_wait3A_25 : memref<1x4096x80xi32, #tpu.memory_space<hbm>> -> memref<4096x80xi32, #tpu.memory_space<hbm>>
    %dma_wait3A_27 = arith.constant 0 : i32
    %dma_wait3A_28 = tpu.memref_slice %dma_wait3A_26[%mul3A_4, %dma_wait3A_27] : memref<4096x80xi32, #tpu.memory_space<hbm>> -> memref<128x80xi32, #tpu.memory_space<hbm>>
    tpu.wait_dma2 semaphore(%arg15 : memref<!tpu.dma_semaphore, #tpu.memory_space<semaphore_mem>>) src(%dma_wait3A_28 : memref<128x80xi32, #tpu.memory_space<hbm>>) dst(%arg9 : memref<128x80xi32, #tpu.memory_space<vmem>>)
    %dma_start3A_29 = arith.constant 1 : i32
    %dma_start3A_30 = arith.constant 0 : i32
    %dma_start3A_31 = arith.constant 0 : i32
    %dma_start3A_32 = tpu.memref_slice %arg2[%dma_start3A_29, %dma_start3A_30, %dma_start3A_31] : memref<5x4096x80xi32, #tpu.memory_space<hbm>> -> memref<1x4096x80xi32, #tpu.memory_space<hbm>>
    %dma_start3A_33 = tpu.memref_squeeze %dma_start3A_32 : memref<1x4096x80xi32, #tpu.memory_space<hbm>> -> memref<4096x80xi32, #tpu.memory_space<hbm>>
    %dma_start3A_34 = arith.constant 0 : i32
    %dma_start3A_35 = tpu.memref_slice %dma_start3A_33[%mul3A_4, %dma_start3A_34] : memref<4096x80xi32, #tpu.memory_space<hbm>> -> memref<128x80xi32, #tpu.memory_space<hbm>>
    %dma_start3A_36 = arith.constant 0 : i32
    %dma_start3A_37 = arith.constant 0 : i32
    %dma_start3A_38 = tpu.memref_slice %arg2[%dma_start3A_29, %dma_start3A_36, %dma_start3A_37] : memref<5x4096x80xi32, #tpu.memory_space<hbm>> -> memref<1x4096x80xi32, #tpu.memory_space<hbm>>
    %dma_start3A_39 = tpu.memref_squeeze %dma_start3A_38 : memref<1x4096x80xi32, #tpu.memory_space<hbm>> -> memref<4096x80xi32, #tpu.memory_space<hbm>>
    %dma_start3A_40 = arith.constant 0 : i32
    %dma_start3A_41 = tpu.memref_slice %dma_start3A_39[%mul3A_4, %dma_start3A_40] : memref<4096x80xi32, #tpu.memory_space<hbm>> -> memref<128x80xi32, #tpu.memory_space<hbm>>
    tpu.enqueue_dma source(%dma_start3A_41 : memref<128x80xi32, #tpu.memory_space<hbm>>) target(%arg10 : memref<128x80xi32, #tpu.memory_space<vmem>>) target_semaphore(%arg16 : memref<!tpu.dma_semaphore, #tpu.memory_space<semaphore_mem>>)
    %mul3A_42 = arith.constant 40 : i32
    %mul3A_43 = arith.muli %add3A, %mul3A_42 : i32
    %dma_start3A_44 = arith.constant 0 : i32
    %dma_start3A_45 = arith.constant 0 : i32
    %dma_start3A_46 = arith.constant 0 : i32
    %dma_start3A_47 = tpu.memref_slice %arg9[%dma_start3A_45, %dma_start3A_46] : memref<128x80xi32, #tpu.memory_space<vmem>> -> memref<1x80xi32, #tpu.memory_space<vmem>>
    %dma_start3A_48 = tpu.memref_squeeze %dma_start3A_47 : memref<1x80xi32, #tpu.memory_space<vmem>> -> memref<80xi32, #tpu.memory_space<vmem>>
    %dma_start3A_49 = arith.constant 0 : i32
    %dma_start3A_50 = arith.constant 0 : i32
    %dma_start3A_51 = tpu.memref_slice %arg3[%dma_start3A_44, %dma_start3A_49, %dma_start3A_50] : memref<5x1280x128xf32, #tpu.memory_space<hbm>> -> memref<1x1280x128xf32, #tpu.memory_space<hbm>>
    %dma_start3A_52 = tpu.memref_squeeze %dma_start3A_51 : memref<1x1280x128xf32, #tpu.memory_space<hbm>> -> memref<1280x128xf32, #tpu.memory_space<hbm>>
    %dma_start3A_53 = arith.constant 0 : i32
    %dma_start3A_54 = tpu.memref_slice %dma_start3A_52[%mul3A_43, %dma_start3A_53] : memref<1280x128xf32, #tpu.memory_space<hbm>> -> memref<40x128xf32, #tpu.memory_space<hbm>>
    %dma_start3A_55 = arith.constant 0 : i32
    %dma_start3A_56 = arith.constant 0 : i32
    %dma_start3A_57 = tpu.memref_slice %dma_start3A_54[%dma_start3A_55, %dma_start3A_56] : memref<40x128xf32, #tpu.memory_space<hbm>> -> memref<40x128xf32, #tpu.memory_space<hbm>>
    tpu.enqueue_indirect_dma source(%dma_start3A_57 : memref<40x128xf32, #tpu.memory_space<hbm>>) target(%arg11 : memref<80x128xf32, #tpu.memory_space<vmem>>) offsets(%dma_start3A_48 : memref<80xi32, #tpu.memory_space<vmem>>) semaphore(%arg17 : memref<!tpu.dma_semaphore, #tpu.memory_space<semaphore_mem>>)
    %mul3A_58 = arith.constant 40 : i32
    %mul3A_59 = arith.muli %add3A, %mul3A_58 : i32
    %dma_start3A_60 = arith.constant 0 : i32
    %dma_start3A_61 = arith.constant 1 : i32
    %dma_start3A_62 = arith.constant 0 : i32
    %dma_start3A_63 = tpu.memref_slice %arg9[%dma_start3A_61, %dma_start3A_62] : memref<128x80xi32, #tpu.memory_space<vmem>> -> memref<1x80xi32, #tpu.memory_space<vmem>>
    %dma_start3A_64 = tpu.memref_squeeze %dma_start3A_63 : memref<1x80xi32, #tpu.memory_space<vmem>> -> memref<80xi32, #tpu.memory_space<vmem>>
    %dma_start3A_65 = arith.constant 0 : i32
    %dma_start3A_66 = arith.constant 0 : i32
    %dma_start3A_67 = tpu.memref_slice %arg3[%dma_start3A_60, %dma_start3A_65, %dma_start3A_66] : memref<5x1280x128xf32, #tpu.memory_space<hbm>> -> memref<1x1280x128xf32, #tpu.memory_space<hbm>>
    %dma_start3A_68 = tpu.memref_squeeze %dma_start3A_67 : memref<1x1280x128xf32, #tpu.memory_space<hbm>> -> memref<1280x128xf32, #tpu.memory_space<hbm>>
    %dma_start3A_69 = arith.constant 0 : i32
    %dma_start3A_70 = tpu.memref_slice %dma_start3A_68[%mul3A_59, %dma_start3A_69] : memref<1280x128xf32, #tpu.memory_space<hbm>> -> memref<40x128xf32, #tpu.memory_space<hbm>>
    %dma_start3A_71 = arith.constant 0 : i32
    %dma_start3A_72 = arith.constant 0 : i32
    %dma_start3A_73 = tpu.memref_slice %dma_start3A_70[%dma_start3A_71, %dma_start3A_72] : memref<40x128xf32, #tpu.memory_space<hbm>> -> memref<40x128xf32, #tpu.memory_space<hbm>>
    tpu.enqueue_indirect_dma source(%dma_start3A_73 : memref<40x128xf32, #tpu.memory_space<hbm>>) target(%arg12 : memref<80x128xf32, #tpu.memory_space<vmem>>) offsets(%dma_start3A_64 : memref<80xi32, #tpu.memory_space<vmem>>) semaphore(%arg18 : memref<!tpu.dma_semaphore, #tpu.memory_space<semaphore_mem>>)
    %mul3A_74 = arith.constant 40 : i32
    %mul3A_75 = arith.muli %add3A, %mul3A_74 : i32
    %dma_start3A_76 = arith.constant 0 : i32
    %dma_start3A_77 = arith.constant 2 : i32
    %dma_start3A_78 = arith.constant 0 : i32
    %dma_start3A_79 = tpu.memref_slice %arg9[%dma_start3A_77, %dma_start3A_78] : memref<128x80xi32, #tpu.memory_space<vmem>> -> memref<1x80xi32, #tpu.memory_space<vmem>>
    %dma_start3A_80 = tpu.memref_squeeze %dma_start3A_79 : memref<1x80xi32, #tpu.memory_space<vmem>> -> memref<80xi32, #tpu.memory_space<vmem>>
    %dma_start3A_81 = arith.constant 0 : i32
    %dma_start3A_82 = arith.constant 0 : i32
    %dma_start3A_83 = tpu.memref_slice %arg3[%dma_start3A_76, %dma_start3A_81, %dma_start3A_82] : memref<5x1280x128xf32, #tpu.memory_space<hbm>> -> memref<1x1280x128xf32, #tpu.memory_space<hbm>>
    %dma_start3A_84 = tpu.memref_squeeze %dma_start3A_83 : memref<1x1280x128xf32, #tpu.memory_space<hbm>> -> memref<1280x128xf32, #tpu.memory_space<hbm>>
    %dma_start3A_85 = arith.constant 0 : i32
    %dma_start3A_86 = tpu.memref_slice %dma_start3A_84[%mul3A_75, %dma_start3A_85] : memref<1280x128xf32, #tpu.memory_space<hbm>> -> memref<40x128xf32, #tpu.memory_space<hbm>>
    %dma_start3A_87 = arith.constant 0 : i32
    %dma_start3A_88 = arith.constant 0 : i32
    %dma_start3A_89 = tpu.memref_slice %dma_start3A_86[%dma_start3A_87, %dma_start3A_88] : memref<40x128xf32, #tpu.memory_space<hbm>> -> memref<40x128xf32, #tpu.memory_space<hbm>>
    tpu.enqueue_indirect_dma source(%dma_start3A_89 : memref<40x128xf32, #tpu.memory_space<hbm>>) target(%arg13 : memref<80x128xf32, #tpu.memory_space<vmem>>) offsets(%dma_start3A_80 : memref<80xi32, #tpu.memory_space<vmem>>) semaphore(%arg19 : memref<!tpu.dma_semaphore, #tpu.memory_space<semaphore_mem>>)
    %mul3A_90 = arith.constant 40 : i32
    %mul3A_91 = arith.muli %add3A, %mul3A_90 : i32
    %dma_wait3A_92 = arith.constant 0 : i32
    %dma_wait3A_93 = arith.constant 0 : i32
    %dma_wait3A_94 = arith.constant 0 : i32
    %dma_wait3A_95 = tpu.memref_slice %arg9[%dma_wait3A_93, %dma_wait3A_94] : memref<128x80xi32, #tpu.memory_space<vmem>> -> memref<1x80xi32, #tpu.memory_space<vmem>>
    %dma_wait3A_96 = tpu.memref_squeeze %dma_wait3A_95 : memref<1x80xi32, #tpu.memory_space<vmem>> -> memref<80xi32, #tpu.memory_space<vmem>>
    %dma_wait3A_97 = arith.constant 0 : i32
    %dma_wait3A_98 = arith.constant 0 : i32
    %dma_wait3A_99 = tpu.memref_slice %arg3[%dma_wait3A_92, %dma_wait3A_97, %dma_wait3A_98] : memref<5x1280x128xf32, #tpu.memory_space<hbm>> -> memref<1x1280x128xf32, #tpu.memory_space<hbm>>
    %dma_wait3A_100 = tpu.memref_squeeze %dma_wait3A_99 : memref<1x1280x128xf32, #tpu.memory_space<hbm>> -> memref<1280x128xf32, #tpu.memory_space<hbm>>
    %dma_wait3A_101 = arith.constant 0 : i32
    %dma_wait3A_102 = tpu.memref_slice %dma_wait3A_100[%mul3A_91, %dma_wait3A_101] : memref<1280x128xf32, #tpu.memory_space<hbm>> -> memref<40x128xf32, #tpu.memory_space<hbm>>
    %dma_wait3A_103 = arith.constant 0 : i32
    %dma_wait3A_104 = arith.constant 0 : i32
    %dma_wait3A_105 = tpu.memref_slice %dma_wait3A_102[%dma_wait3A_103, %dma_wait3A_104] : memref<40x128xf32, #tpu.memory_space<hbm>> -> memref<40x128xf32, #tpu.memory_space<hbm>>
    tpu.wait_indirect_dma semaphore(%arg17 : memref<!tpu.dma_semaphore, #tpu.memory_space<semaphore_mem>>) src(%dma_wait3A_105 : memref<40x128xf32, #tpu.memory_space<hbm>>) dst(%arg11 : memref<80x128xf32, #tpu.memory_space<vmem>>)
    %add3A_106 = arith.constant 0 : i32
    %add3A_107 = arith.addi %mul3A_2, %add3A_106 : i32
    %dma_start3A_108 = tpu.memref_reshape %arg11 : memref<80x128xf32, #tpu.memory_space<vmem>> -> memref<4x20x128xf32, #tpu.memory_space<vmem>>
    %dma_start3A_109 = arith.constant 0 : i32
    %dma_start3A_110 = arith.constant 0 : i32
    %dma_start3A_111 = tpu.memref_slice %arg4[%add3A_107, %dma_start3A_109, %dma_start3A_110] : memref<16384x20x128xf32, #tpu.memory_space<hbm>> -> memref<4x20x128xf32, #tpu.memory_space<hbm>>
    %dma_start3A_112 = arith.constant 0 : i32
    %dma_start3A_113 = arith.constant 0 : i32
    %dma_start3A_114 = tpu.memref_slice %arg4[%add3A_107, %dma_start3A_112, %dma_start3A_113] : memref<16384x20x128xf32, #tpu.memory_space<hbm>> -> memref<4x20x128xf32, #tpu.memory_space<hbm>>
    %dma_start3A_115 = tpu.memref_reshape %arg11 : memref<80x128xf32, #tpu.memory_space<vmem>> -> memref<4x20x128xf32, #tpu.memory_space<vmem>>
    tpu.enqueue_dma source(%dma_start3A_115 : memref<4x20x128xf32, #tpu.memory_space<vmem>>) target(%dma_start3A_114 : memref<4x20x128xf32, #tpu.memory_space<hbm>>) target_semaphore(%arg21 : memref<!tpu.dma_semaphore, #tpu.memory_space<semaphore_mem>>)
    %mul3A_116 = arith.constant 40 : i32
    %mul3A_117 = arith.muli %add3A, %mul3A_116 : i32
    %dma_start3A_118 = arith.constant 0 : i32
    %dma_start3A_119 = arith.constant 3 : i32
    %dma_start3A_120 = arith.constant 0 : i32
    %dma_start3A_121 = tpu.memref_slice %arg9[%dma_start3A_119, %dma_start3A_120] : memref<128x80xi32, #tpu.memory_space<vmem>> -> memref<1x80xi32, #tpu.memory_space<vmem>>
    %dma_start3A_122 = tpu.memref_squeeze %dma_start3A_121 : memref<1x80xi32, #tpu.memory_space<vmem>> -> memref<80xi32, #tpu.memory_space<vmem>>
    %dma_start3A_123 = arith.constant 0 : i32
    %dma_start3A_124 = arith.constant 0 : i32
    %dma_start3A_125 = tpu.memref_slice %arg3[%dma_start3A_118, %dma_start3A_123, %dma_start3A_124] : memref<5x1280x128xf32, #tpu.memory_space<hbm>> -> memref<1x1280x128xf32, #tpu.memory_space<hbm>>
    %dma_start3A_126 = tpu.memref_squeeze %dma_start3A_125 : memref<1x1280x128xf32, #tpu.memory_space<hbm>> -> memref<1280x128xf32, #tpu.memory_space<hbm>>
    %dma_start3A_127 = arith.constant 0 : i32
    %dma_start3A_128 = tpu.memref_slice %dma_start3A_126[%mul3A_117, %dma_start3A_127] : memref<1280x128xf32, #tpu.memory_space<hbm>> -> memref<40x128xf32, #tpu.memory_space<hbm>>
    %dma_start3A_129 = arith.constant 0 : i32
    %dma_start3A_130 = arith.constant 0 : i32
    %dma_start3A_131 = tpu.memref_slice %dma_start3A_128[%dma_start3A_129, %dma_start3A_130] : memref<40x128xf32, #tpu.memory_space<hbm>> -> memref<40x128xf32, #tpu.memory_space<hbm>>
    tpu.enqueue_indirect_dma source(%dma_start3A_131 : memref<40x128xf32, #tpu.memory_space<hbm>>) target(%arg14 : memref<80x128xf32, #tpu.memory_space<vmem>>) offsets(%dma_start3A_122 : memref<80xi32, #tpu.memory_space<vmem>>) semaphore(%arg20 : memref<!tpu.dma_semaphore, #tpu.memory_space<semaphore_mem>>)
    %mul3A_132 = arith.constant 40 : i32
    %mul3A_133 = arith.muli %add3A, %mul3A_132 : i32
    %dma_wait3A_134 = arith.constant 0 : i32
    %dma_wait3A_135 = arith.constant 1 : i32
    %dma_wait3A_136 = arith.constant 0 : i32
    %dma_wait3A_137 = tpu.memref_slice %arg9[%dma_wait3A_135, %dma_wait3A_136] : memref<128x80xi32, #tpu.memory_space<vmem>> -> memref<1x80xi32, #tpu.memory_space<vmem>>
    %dma_wait3A_138 = tpu.memref_squeeze %dma_wait3A_137 : memref<1x80xi32, #tpu.memory_space<vmem>> -> memref<80xi32, #tpu.memory_space<vmem>>
    %dma_wait3A_139 = arith.constant 0 : i32
    %dma_wait3A_140 = arith.constant 0 : i32
    %dma_wait3A_141 = tpu.memref_slice %arg3[%dma_wait3A_134, %dma_wait3A_139, %dma_wait3A_140] : memref<5x1280x128xf32, #tpu.memory_space<hbm>> -> memref<1x1280x128xf32, #tpu.memory_space<hbm>>
    %dma_wait3A_142 = tpu.memref_squeeze %dma_wait3A_141 : memref<1x1280x128xf32, #tpu.memory_space<hbm>> -> memref<1280x128xf32, #tpu.memory_space<hbm>>
    %dma_wait3A_143 = arith.constant 0 : i32
    %dma_wait3A_144 = tpu.memref_slice %dma_wait3A_142[%mul3A_133, %dma_wait3A_143] : memref<1280x128xf32, #tpu.memory_space<hbm>> -> memref<40x128xf32, #tpu.memory_space<hbm>>
    %dma_wait3A_145 = arith.constant 0 : i32
    %dma_wait3A_146 = arith.constant 0 : i32
    %dma_wait3A_147 = tpu.memref_slice %dma_wait3A_144[%dma_wait3A_145, %dma_wait3A_146] : memref<40x128xf32, #tpu.memory_space<hbm>> -> memref<40x128xf32, #tpu.memory_space<hbm>>
    tpu.wait_indirect_dma semaphore(%arg18 : memref<!tpu.dma_semaphore, #tpu.memory_space<semaphore_mem>>) src(%dma_wait3A_147 : memref<40x128xf32, #tpu.memory_space<hbm>>) dst(%arg12 : memref<80x128xf32, #tpu.memory_space<vmem>>)
    %add3A_148 = arith.constant 4 : i32
    %add3A_149 = arith.addi %mul3A_2, %add3A_148 : i32
    %dma_start3A_150 = tpu.memref_reshape %arg12 : memref<80x128xf32, #tpu.memory_space<vmem>> -> memref<4x20x128xf32, #tpu.memory_space<vmem>>
    %dma_start3A_151 = arith.constant 0 : i32
    %dma_start3A_152 = arith.constant 0 : i32
    %dma_start3A_153 = tpu.memref_slice %arg4[%add3A_149, %dma_start3A_151, %dma_start3A_152] : memref<16384x20x128xf32, #tpu.memory_space<hbm>> -> memref<4x20x128xf32, #tpu.memory_space<hbm>>
    %dma_start3A_154 = arith.constant 0 : i32
    %dma_start3A_155 = arith.constant 0 : i32
    %dma_start3A_156 = tpu.memref_slice %arg4[%add3A_149, %dma_start3A_154, %dma_start3A_155] : memref<16384x20x128xf32, #tpu.memory_space<hbm>> -> memref<4x20x128xf32, #tpu.memory_space<hbm>>
    %dma_start3A_157 = tpu.memref_reshape %arg12 : memref<80x128xf32, #tpu.memory_space<vmem>> -> memref<4x20x128xf32, #tpu.memory_space<vmem>>
    tpu.enqueue_dma source(%dma_start3A_157 : memref<4x20x128xf32, #tpu.memory_space<vmem>>) target(%dma_start3A_156 : memref<4x20x128xf32, #tpu.memory_space<hbm>>) target_semaphore(%arg22 : memref<!tpu.dma_semaphore, #tpu.memory_space<semaphore_mem>>)
    %scan3A = arith.constant 0 : i32
    %scan3A_158 = arith.constant 31 : i32
    %scan3A_159 = arith.addi %scan3A, %scan3A_158 : i32
    %scan3A_160 = arith.constant 1 : i32
    scf.for %scan3A_1197 = %scan3A to %scan3A_159 step %scan3A_160  : i32 {
      %mul3A_1198 = arith.constant 1 : i32
      %mul3A_1199 = arith.muli %scan3A_1197, %mul3A_1198 : i32
      %add3A_1200 = arith.constant 1 : i32
      %add3A_1201 = arith.addi %add3A_1200, %mul3A_1199 : i32
      %mul3A_1202 = arith.constant 4 : i32
      %mul3A_1203 = arith.muli %add3A_1201, %mul3A_1202 : i32
      %add3A_1204 = arith.constant 0 : i32
      %add3A_1205 = arith.addi %mul3A_1203, %add3A_1204 : i32
      %sub3A = arith.constant 4 : i32
      %sub3A_1206 = arith.subi %add3A_1205, %sub3A : i32
      %mul3A_1207 = arith.constant 4 : i32
      %mul3A_1208 = arith.muli %sub3A_1206, %mul3A_1207 : i32
      %add3A_1209 = arith.addi %mul3A_2, %mul3A_1208 : i32
      %dma_wait3A_1210 = tpu.memref_reshape %arg11 : memref<80x128xf32, #tpu.memory_space<vmem>> -> memref<4x20x128xf32, #tpu.memory_space<vmem>>
      %dma_wait3A_1211 = arith.constant 0 : i32
      %dma_wait3A_1212 = arith.constant 0 : i32
      %dma_wait3A_1213 = tpu.memref_slice %arg4[%add3A_1209, %dma_wait3A_1211, %dma_wait3A_1212] : memref<16384x20x128xf32, #tpu.memory_space<hbm>> -> memref<4x20x128xf32, #tpu.memory_space<hbm>>
      %dma_wait3A_1214 = arith.constant 0 : i32
      %dma_wait3A_1215 = arith.constant 0 : i32
      %dma_wait3A_1216 = tpu.memref_slice %arg4[%add3A_1209, %dma_wait3A_1214, %dma_wait3A_1215] : memref<16384x20x128xf32, #tpu.memory_space<hbm>> -> memref<4x20x128xf32, #tpu.memory_space<hbm>>
      %dma_wait3A_1217 = tpu.memref_reshape %arg11 : memref<80x128xf32, #tpu.memory_space<vmem>> -> memref<4x20x128xf32, #tpu.memory_space<vmem>>
      tpu.wait_dma2 semaphore(%arg21 : memref<!tpu.dma_semaphore, #tpu.memory_space<semaphore_mem>>) src(%dma_wait3A_1217 : memref<4x20x128xf32, #tpu.memory_space<vmem>>) dst(%dma_wait3A_1216 : memref<4x20x128xf32, #tpu.memory_space<hbm>>)
      %mul3A_1218 = arith.constant 40 : i32
      %mul3A_1219 = arith.muli %add3A, %mul3A_1218 : i32
      %dma_start3A_1220 = arith.constant 0 : i32
      %dma_start3A_1221 = arith.constant 0 : i32
      %dma_start3A_1222 = tpu.memref_slice %arg9[%add3A_1205, %dma_start3A_1221] : memref<128x80xi32, #tpu.memory_space<vmem>> -> memref<1x80xi32, #tpu.memory_space<vmem>>
      %dma_start3A_1223 = tpu.memref_squeeze %dma_start3A_1222 : memref<1x80xi32, #tpu.memory_space<vmem>> -> memref<80xi32, #tpu.memory_space<vmem>>
      %dma_start3A_1224 = arith.constant 0 : i32
      %dma_start3A_1225 = arith.constant 0 : i32
      %dma_start3A_1226 = tpu.memref_slice %arg3[%dma_start3A_1220, %dma_start3A_1224, %dma_start3A_1225] : memref<5x1280x128xf32, #tpu.memory_space<hbm>> -> memref<1x1280x128xf32, #tpu.memory_space<hbm>>
      %dma_start3A_1227 = tpu.memref_squeeze %dma_start3A_1226 : memref<1x1280x128xf32, #tpu.memory_space<hbm>> -> memref<1280x128xf32, #tpu.memory_space<hbm>>
      %dma_start3A_1228 = arith.constant 0 : i32
      %dma_start3A_1229 = tpu.memref_slice %dma_start3A_1227[%mul3A_1219, %dma_start3A_1228] : memref<1280x128xf32, #tpu.memory_space<hbm>> -> memref<40x128xf32, #tpu.memory_space<hbm>>
      %dma_start3A_1230 = arith.constant 0 : i32
      %dma_start3A_1231 = arith.constant 0 : i32
      %dma_start3A_1232 = tpu.memref_slice %dma_start3A_1229[%dma_start3A_1230, %dma_start3A_1231] : memref<40x128xf32, #tpu.memory_space<hbm>> -> memref<40x128xf32, #tpu.memory_space<hbm>>
      tpu.enqueue_indirect_dma source(%dma_start3A_1232 : memref<40x128xf32, #tpu.memory_space<hbm>>) target(%arg11 : memref<80x128xf32, #tpu.memory_space<vmem>>) offsets(%dma_start3A_1223 : memref<80xi32, #tpu.memory_space<vmem>>) semaphore(%arg17 : memref<!tpu.dma_semaphore, #tpu.memory_space<semaphore_mem>>)
      %sub3A_1233 = arith.constant 2 : i32
      %sub3A_1234 = arith.subi %add3A_1205, %sub3A_1233 : i32
      %mul3A_1235 = arith.constant 40 : i32
      %mul3A_1236 = arith.muli %add3A, %mul3A_1235 : i32
      %dma_wait3A_1237 = arith.constant 0 : i32
      %dma_wait3A_1238 = arith.constant 0 : i32
      %dma_wait3A_1239 = tpu.memref_slice %arg9[%sub3A_1234, %dma_wait3A_1238] : memref<128x80xi32, #tpu.memory_space<vmem>> -> memref<1x80xi32, #tpu.memory_space<vmem>>
      %dma_wait3A_1240 = tpu.memref_squeeze %dma_wait3A_1239 : memref<1x80xi32, #tpu.memory_space<vmem>> -> memref<80xi32, #tpu.memory_space<vmem>>
      %dma_wait3A_1241 = arith.constant 0 : i32
      %dma_wait3A_1242 = arith.constant 0 : i32
      %dma_wait3A_1243 = tpu.memref_slice %arg3[%dma_wait3A_1237, %dma_wait3A_1241, %dma_wait3A_1242] : memref<5x1280x128xf32, #tpu.memory_space<hbm>> -> memref<1x1280x128xf32, #tpu.memory_space<hbm>>
      %dma_wait3A_1244 = tpu.memref_squeeze %dma_wait3A_1243 : memref<1x1280x128xf32, #tpu.memory_space<hbm>> -> memref<1280x128xf32, #tpu.memory_space<hbm>>
      %dma_wait3A_1245 = arith.constant 0 : i32
      %dma_wait3A_1246 = tpu.memref_slice %dma_wait3A_1244[%mul3A_1236, %dma_wait3A_1245] : memref<1280x128xf32, #tpu.memory_space<hbm>> -> memref<40x128xf32, #tpu.memory_space<hbm>>
      %dma_wait3A_1247 = arith.constant 0 : i32
      %dma_wait3A_1248 = arith.constant 0 : i32
      %dma_wait3A_1249 = tpu.memref_slice %dma_wait3A_1246[%dma_wait3A_1247, %dma_wait3A_1248] : memref<40x128xf32, #tpu.memory_space<hbm>> -> memref<40x128xf32, #tpu.memory_space<hbm>>
      tpu.wait_indirect_dma semaphore(%arg19 : memref<!tpu.dma_semaphore, #tpu.memory_space<semaphore_mem>>) src(%dma_wait3A_1249 : memref<40x128xf32, #tpu.memory_space<hbm>>) dst(%arg13 : memref<80x128xf32, #tpu.memory_space<vmem>>)
      %sub3A_1250 = arith.constant 2 : i32
      %sub3A_1251 = arith.subi %add3A_1205, %sub3A_1250 : i32
      %mul3A_1252 = arith.constant 4 : i32
      %mul3A_1253 = arith.muli %sub3A_1251, %mul3A_1252 : i32
      %add3A_1254 = arith.addi %mul3A_2, %mul3A_1253 : i32
      %dma_start3A_1255 = tpu.memref_reshape %arg13 : memref<80x128xf32, #tpu.memory_space<vmem>> -> memref<4x20x128xf32, #tpu.memory_space<vmem>>
      %dma_start3A_1256 = arith.constant 0 : i32
      %dma_start3A_1257 = arith.constant 0 : i32
      %dma_start3A_1258 = tpu.memref_slice %arg4[%add3A_1254, %dma_start3A_1256, %dma_start3A_1257] : memref<16384x20x128xf32, #tpu.memory_space<hbm>> -> memref<4x20x128xf32, #tpu.memory_space<hbm>>
      %dma_start3A_1259 = arith.constant 0 : i32
      %dma_start3A_1260 = arith.constant 0 : i32
      %dma_start3A_1261 = tpu.memref_slice %arg4[%add3A_1254, %dma_start3A_1259, %dma_start3A_1260] : memref<16384x20x128xf32, #tpu.memory_space<hbm>> -> memref<4x20x128xf32, #tpu.memory_space<hbm>>
      %dma_start3A_1262 = tpu.memref_reshape %arg13 : memref<80x128xf32, #tpu.memory_space<vmem>> -> memref<4x20x128xf32, #tpu.memory_space<vmem>>
      tpu.enqueue_dma source(%dma_start3A_1262 : memref<4x20x128xf32, #tpu.memory_space<vmem>>) target(%dma_start3A_1261 : memref<4x20x128xf32, #tpu.memory_space<hbm>>) target_semaphore(%arg23 : memref<!tpu.dma_semaphore, #tpu.memory_space<semaphore_mem>>)
      %mul3A_1263 = arith.constant 4 : i32
      %mul3A_1264 = arith.muli %add3A_1201, %mul3A_1263 : i32
      %add3A_1265 = arith.constant 1 : i32
      %add3A_1266 = arith.addi %mul3A_1264, %add3A_1265 : i32
      %sub3A_1267 = arith.constant 4 : i32
      %sub3A_1268 = arith.subi %add3A_1266, %sub3A_1267 : i32
      %mul3A_1269 = arith.constant 4 : i32
      %mul3A_1270 = arith.muli %sub3A_1268, %mul3A_1269 : i32
      %add3A_1271 = arith.addi %mul3A_2, %mul3A_1270 : i32
      %dma_wait3A_1272 = tpu.memref_reshape %arg12 : memref<80x128xf32, #tpu.memory_space<vmem>> -> memref<4x20x128xf32, #tpu.memory_space<vmem>>
      %dma_wait3A_1273 = arith.constant 0 : i32
      %dma_wait3A_1274 = arith.constant 0 : i32
      %dma_wait3A_1275 = tpu.memref_slice %arg4[%add3A_1271, %dma_wait3A_1273, %dma_wait3A_1274] : memref<16384x20x128xf32, #tpu.memory_space<hbm>> -> memref<4x20x128xf32, #tpu.memory_space<hbm>>
      %dma_wait3A_1276 = arith.constant 0 : i32
      %dma_wait3A_1277 = arith.constant 0 : i32
      %dma_wait3A_1278 = tpu.memref_slice %arg4[%add3A_1271, %dma_wait3A_1276, %dma_wait3A_1277] : memref<16384x20x128xf32, #tpu.memory_space<hbm>> -> memref<4x20x128xf32, #tpu.memory_space<hbm>>
      %dma_wait3A_1279 = tpu.memref_reshape %arg12 : memref<80x128xf32, #tpu.memory_space<vmem>> -> memref<4x20x128xf32, #tpu.memory_space<vmem>>
      tpu.wait_dma2 semaphore(%arg22 : memref<!tpu.dma_semaphore, #tpu.memory_space<semaphore_mem>>) src(%dma_wait3A_1279 : memref<4x20x128xf32, #tpu.memory_space<vmem>>) dst(%dma_wait3A_1278 : memref<4x20x128xf32, #tpu.memory_space<hbm>>)
      %mul3A_1280 = arith.constant 40 : i32
      %mul3A_1281 = arith.muli %add3A, %mul3A_1280 : i32
      %dma_start3A_1282 = arith.constant 0 : i32
      %dma_start3A_1283 = arith.constant 0 : i32
      %dma_start3A_1284 = tpu.memref_slice %arg9[%add3A_1266, %dma_start3A_1283] : memref<128x80xi32, #tpu.memory_space<vmem>> -> memref<1x80xi32, #tpu.memory_space<vmem>>
      %dma_start3A_1285 = tpu.memref_squeeze %dma_start3A_1284 : memref<1x80xi32, #tpu.memory_space<vmem>> -> memref<80xi32, #tpu.memory_space<vmem>>
      %dma_start3A_1286 = arith.constant 0 : i32
      %dma_start3A_1287 = arith.constant 0 : i32
      %dma_start3A_1288 = tpu.memref_slice %arg3[%dma_start3A_1282, %dma_start3A_1286, %dma_start3A_1287] : memref<5x1280x128xf32, #tpu.memory_space<hbm>> -> memref<1x1280x128xf32, #tpu.memory_space<hbm>>
      %dma_start3A_1289 = tpu.memref_squeeze %dma_start3A_1288 : memref<1x1280x128xf32, #tpu.memory_space<hbm>> -> memref<1280x128xf32, #tpu.memory_space<hbm>>
      %dma_start3A_1290 = arith.constant 0 : i32
      %dma_start3A_1291 = tpu.memref_slice %dma_start3A_1289[%mul3A_1281, %dma_start3A_1290] : memref<1280x128xf32, #tpu.memory_space<hbm>> -> memref<40x128xf32, #tpu.memory_space<hbm>>
      %dma_start3A_1292 = arith.constant 0 : i32
      %dma_start3A_1293 = arith.constant 0 : i32
      %dma_start3A_1294 = tpu.memref_slice %dma_start3A_1291[%dma_start3A_1292, %dma_start3A_1293] : memref<40x128xf32, #tpu.memory_space<hbm>> -> memref<40x128xf32, #tpu.memory_space<hbm>>
      tpu.enqueue_indirect_dma source(%dma_start3A_1294 : memref<40x128xf32, #tpu.memory_space<hbm>>) target(%arg12 : memref<80x128xf32, #tpu.memory_space<vmem>>) offsets(%dma_start3A_1285 : memref<80xi32, #tpu.memory_space<vmem>>) semaphore(%arg18 : memref<!tpu.dma_semaphore, #tpu.memory_space<semaphore_mem>>)
      %sub3A_1295 = arith.constant 2 : i32
      %sub3A_1296 = arith.subi %add3A_1266, %sub3A_1295 : i32
      %mul3A_1297 = arith.constant 40 : i32
      %mul3A_1298 = arith.muli %add3A, %mul3A_1297 : i32
      %dma_wait3A_1299 = arith.constant 0 : i32
      %dma_wait3A_1300 = arith.constant 0 : i32
      %dma_wait3A_1301 = tpu.memref_slice %arg9[%sub3A_1296, %dma_wait3A_1300] : memref<128x80xi32, #tpu.memory_space<vmem>> -> memref<1x80xi32, #tpu.memory_space<vmem>>
      %dma_wait3A_1302 = tpu.memref_squeeze %dma_wait3A_1301 : memref<1x80xi32, #tpu.memory_space<vmem>> -> memref<80xi32, #tpu.memory_space<vmem>>
      %dma_wait3A_1303 = arith.constant 0 : i32
      %dma_wait3A_1304 = arith.constant 0 : i32
      %dma_wait3A_1305 = tpu.memref_slice %arg3[%dma_wait3A_1299, %dma_wait3A_1303, %dma_wait3A_1304] : memref<5x1280x128xf32, #tpu.memory_space<hbm>> -> memref<1x1280x128xf32, #tpu.memory_space<hbm>>
      %dma_wait3A_1306 = tpu.memref_squeeze %dma_wait3A_1305 : memref<1x1280x128xf32, #tpu.memory_space<hbm>> -> memref<1280x128xf32, #tpu.memory_space<hbm>>
      %dma_wait3A_1307 = arith.constant 0 : i32
      %dma_wait3A_1308 = tpu.memref_slice %dma_wait3A_1306[%mul3A_1298, %dma_wait3A_1307] : memref<1280x128xf32, #tpu.memory_space<hbm>> -> memref<40x128xf32, #tpu.memory_space<hbm>>
      %dma_wait3A_1309 = arith.constant 0 : i32
      %dma_wait3A_1310 = arith.constant 0 : i32
      %dma_wait3A_1311 = tpu.memref_slice %dma_wait3A_1308[%dma_wait3A_1309, %dma_wait3A_1310] : memref<40x128xf32, #tpu.memory_space<hbm>> -> memref<40x128xf32, #tpu.memory_space<hbm>>
      tpu.wait_indirect_dma semaphore(%arg20 : memref<!tpu.dma_semaphore, #tpu.memory_space<semaphore_mem>>) src(%dma_wait3A_1311 : memref<40x128xf32, #tpu.memory_space<hbm>>) dst(%arg14 : memref<80x128xf32, #tpu.memory_space<vmem>>)
      %sub3A_1312 = arith.constant 2 : i32
      %sub3A_1313 = arith.subi %add3A_1266, %sub3A_1312 : i32
      %mul3A_1314 = arith.constant 4 : i32
      %mul3A_1315 = arith.muli %sub3A_1313, %mul3A_1314 : i32
      %add3A_1316 = arith.addi %mul3A_2, %mul3A_1315 : i32
      %dma_start3A_1317 = tpu.memref_reshape %arg14 : memref<80x128xf32, #tpu.memory_space<vmem>> -> memref<4x20x128xf32, #tpu.memory_space<vmem>>
      %dma_start3A_1318 = arith.constant 0 : i32
      %dma_start3A_1319 = arith.constant 0 : i32
      %dma_start3A_1320 = tpu.memref_slice %arg4[%add3A_1316, %dma_start3A_1318, %dma_start3A_1319] : memref<16384x20x128xf32, #tpu.memory_space<hbm>> -> memref<4x20x128xf32, #tpu.memory_space<hbm>>
      %dma_start3A_1321 = arith.constant 0 : i32
      %dma_start3A_1322 = arith.constant 0 : i32
      %dma_start3A_1323 = tpu.memref_slice %arg4[%add3A_1316, %dma_start3A_1321, %dma_start3A_1322] : memref<16384x20x128xf32, #tpu.memory_space<hbm>> -> memref<4x20x128xf32, #tpu.memory_space<hbm>>
      %dma_start3A_1324 = tpu.memref_reshape %arg14 : memref<80x128xf32, #tpu.memory_space<vmem>> -> memref<4x20x128xf32, #tpu.memory_space<vmem>>
      tpu.enqueue_dma source(%dma_start3A_1324 : memref<4x20x128xf32, #tpu.memory_space<vmem>>) target(%dma_start3A_1323 : memref<4x20x128xf32, #tpu.memory_space<hbm>>) target_semaphore(%arg24 : memref<!tpu.dma_semaphore, #tpu.memory_space<semaphore_mem>>)
      %mul3A_1325 = arith.constant 4 : i32
      %mul3A_1326 = arith.muli %add3A_1201, %mul3A_1325 : i32
      %add3A_1327 = arith.constant 2 : i32
      %add3A_1328 = arith.addi %mul3A_1326, %add3A_1327 : i32
      %sub3A_1329 = arith.constant 4 : i32
      %sub3A_1330 = arith.subi %add3A_1328, %sub3A_1329 : i32
      %mul3A_1331 = arith.constant 4 : i32
      %mul3A_1332 = arith.muli %sub3A_1330, %mul3A_1331 : i32
      %add3A_1333 = arith.addi %mul3A_2, %mul3A_1332 : i32
      %dma_wait3A_1334 = tpu.memref_reshape %arg13 : memref<80x128xf32, #tpu.memory_space<vmem>> -> memref<4x20x128xf32, #tpu.memory_space<vmem>>
      %dma_wait3A_1335 = arith.constant 0 : i32
      %dma_wait3A_1336 = arith.constant 0 : i32
      %dma_wait3A_1337 = tpu.memref_slice %arg4[%add3A_1333, %dma_wait3A_1335, %dma_wait3A_1336] : memref<16384x20x128xf32, #tpu.memory_space<hbm>> -> memref<4x20x128xf32, #tpu.memory_space<hbm>>
      %dma_wait3A_1338 = arith.constant 0 : i32
      %dma_wait3A_1339 = arith.constant 0 : i32
      %dma_wait3A_1340 = tpu.memref_slice %arg4[%add3A_1333, %dma_wait3A_1338, %dma_wait3A_1339] : memref<16384x20x128xf32, #tpu.memory_space<hbm>> -> memref<4x20x128xf32, #tpu.memory_space<hbm>>
      %dma_wait3A_1341 = tpu.memref_reshape %arg13 : memref<80x128xf32, #tpu.memory_space<vmem>> -> memref<4x20x128xf32, #tpu.memory_space<vmem>>
      tpu.wait_dma2 semaphore(%arg23 : memref<!tpu.dma_semaphore, #tpu.memory_space<semaphore_mem>>) src(%dma_wait3A_1341 : memref<4x20x128xf32, #tpu.memory_space<vmem>>) dst(%dma_wait3A_1340 : memref<4x20x128xf32, #tpu.memory_space<hbm>>)
      %mul3A_1342 = arith.constant 40 : i32
      %mul3A_1343 = arith.muli %add3A, %mul3A_1342 : i32
      %dma_start3A_1344 = arith.constant 0 : i32
      %dma_start3A_1345 = arith.constant 0 : i32
      %dma_start3A_1346 = tpu.memref_slice %arg9[%add3A_1328, %dma_start3A_1345] : memref<128x80xi32, #tpu.memory_space<vmem>> -> memref<1x80xi32, #tpu.memory_space<vmem>>
      %dma_start3A_1347 = tpu.memref_squeeze %dma_start3A_1346 : memref<1x80xi32, #tpu.memory_space<vmem>> -> memref<80xi32, #tpu.memory_space<vmem>>
      %dma_start3A_1348 = arith.constant 0 : i32
      %dma_start3A_1349 = arith.constant 0 : i32
      %dma_start3A_1350 = tpu.memref_slice %arg3[%dma_start3A_1344, %dma_start3A_1348, %dma_start3A_1349] : memref<5x1280x128xf32, #tpu.memory_space<hbm>> -> memref<1x1280x128xf32, #tpu.memory_space<hbm>>
      %dma_start3A_1351 = tpu.memref_squeeze %dma_start3A_1350 : memref<1x1280x128xf32, #tpu.memory_space<hbm>> -> memref<1280x128xf32, #tpu.memory_space<hbm>>
      %dma_start3A_1352 = arith.constant 0 : i32
      %dma_start3A_1353 = tpu.memref_slice %dma_start3A_1351[%mul3A_1343, %dma_start3A_1352] : memref<1280x128xf32, #tpu.memory_space<hbm>> -> memref<40x128xf32, #tpu.memory_space<hbm>>
      %dma_start3A_1354 = arith.constant 0 : i32
      %dma_start3A_1355 = arith.constant 0 : i32
      %dma_start3A_1356 = tpu.memref_slice %dma_start3A_1353[%dma_start3A_1354, %dma_start3A_1355] : memref<40x128xf32, #tpu.memory_space<hbm>> -> memref<40x128xf32, #tpu.memory_space<hbm>>
      tpu.enqueue_indirect_dma source(%dma_start3A_1356 : memref<40x128xf32, #tpu.memory_space<hbm>>) target(%arg13 : memref<80x128xf32, #tpu.memory_space<vmem>>) offsets(%dma_start3A_1347 : memref<80xi32, #tpu.memory_space<vmem>>) semaphore(%arg19 : memref<!tpu.dma_semaphore, #tpu.memory_space<semaphore_mem>>)
      %sub3A_1357 = arith.constant 2 : i32
      %sub3A_1358 = arith.subi %add3A_1328, %sub3A_1357 : i32
      %mul3A_1359 = arith.constant 40 : i32
      %mul3A_1360 = arith.muli %add3A, %mul3A_1359 : i32
      %dma_wait3A_1361 = arith.constant 0 : i32
      %dma_wait3A_1362 = arith.constant 0 : i32
      %dma_wait3A_1363 = tpu.memref_slice %arg9[%sub3A_1358, %dma_wait3A_1362] : memref<128x80xi32, #tpu.memory_space<vmem>> -> memref<1x80xi32, #tpu.memory_space<vmem>>
      %dma_wait3A_1364 = tpu.memref_squeeze %dma_wait3A_1363 : memref<1x80xi32, #tpu.memory_space<vmem>> -> memref<80xi32, #tpu.memory_space<vmem>>
      %dma_wait3A_1365 = arith.constant 0 : i32
      %dma_wait3A_1366 = arith.constant 0 : i32
      %dma_wait3A_1367 = tpu.memref_slice %arg3[%dma_wait3A_1361, %dma_wait3A_1365, %dma_wait3A_1366] : memref<5x1280x128xf32, #tpu.memory_space<hbm>> -> memref<1x1280x128xf32, #tpu.memory_space<hbm>>
      %dma_wait3A_1368 = tpu.memref_squeeze %dma_wait3A_1367 : memref<1x1280x128xf32, #tpu.memory_space<hbm>> -> memref<1280x128xf32, #tpu.memory_space<hbm>>
      %dma_wait3A_1369 = arith.constant 0 : i32
      %dma_wait3A_1370 = tpu.memref_slice %dma_wait3A_1368[%mul3A_1360, %dma_wait3A_1369] : memref<1280x128xf32, #tpu.memory_space<hbm>> -> memref<40x128xf32, #tpu.memory_space<hbm>>
      %dma_wait3A_1371 = arith.constant 0 : i32
      %dma_wait3A_1372 = arith.constant 0 : i32
      %dma_wait3A_1373 = tpu.memref_slice %dma_wait3A_1370[%dma_wait3A_1371, %dma_wait3A_1372] : memref<40x128xf32, #tpu.memory_space<hbm>> -> memref<40x128xf32, #tpu.memory_space<hbm>>
      tpu.wait_indirect_dma semaphore(%arg17 : memref<!tpu.dma_semaphore, #tpu.memory_space<semaphore_mem>>) src(%dma_wait3A_1373 : memref<40x128xf32, #tpu.memory_space<hbm>>) dst(%arg11 : memref<80x128xf32, #tpu.memory_space<vmem>>)
      %sub3A_1374 = arith.constant 2 : i32
      %sub3A_1375 = arith.subi %add3A_1328, %sub3A_1374 : i32
      %mul3A_1376 = arith.constant 4 : i32
      %mul3A_1377 = arith.muli %sub3A_1375, %mul3A_1376 : i32
      %add3A_1378 = arith.addi %mul3A_2, %mul3A_1377 : i32
      %dma_start3A_1379 = tpu.memref_reshape %arg11 : memref<80x128xf32, #tpu.memory_space<vmem>> -> memref<4x20x128xf32, #tpu.memory_space<vmem>>
      %dma_start3A_1380 = arith.constant 0 : i32
      %dma_start3A_1381 = arith.constant 0 : i32
      %dma_start3A_1382 = tpu.memref_slice %arg4[%add3A_1378, %dma_start3A_1380, %dma_start3A_1381] : memref<16384x20x128xf32, #tpu.memory_space<hbm>> -> memref<4x20x128xf32, #tpu.memory_space<hbm>>
      %dma_start3A_1383 = arith.constant 0 : i32
      %dma_start3A_1384 = arith.constant 0 : i32
      %dma_start3A_1385 = tpu.memref_slice %arg4[%add3A_1378, %dma_start3A_1383, %dma_start3A_1384] : memref<16384x20x128xf32, #tpu.memory_space<hbm>> -> memref<4x20x128xf32, #tpu.memory_space<hbm>>
      %dma_start3A_1386 = tpu.memref_reshape %arg11 : memref<80x128xf32, #tpu.memory_space<vmem>> -> memref<4x20x128xf32, #tpu.memory_space<vmem>>
      tpu.enqueue_dma source(%dma_start3A_1386 : memref<4x20x128xf32, #tpu.memory_space<vmem>>) target(%dma_start3A_1385 : memref<4x20x128xf32, #tpu.memory_space<hbm>>) target_semaphore(%arg21 : memref<!tpu.dma_semaphore, #tpu.memory_space<semaphore_mem>>)
      %mul3A_1387 = arith.constant 4 : i32
      %mul3A_1388 = arith.muli %add3A_1201, %mul3A_1387 : i32
      %add3A_1389 = arith.constant 3 : i32
      %add3A_1390 = arith.addi %mul3A_1388, %add3A_1389 : i32
      %sub3A_1391 = arith.constant 4 : i32
      %sub3A_1392 = arith.subi %add3A_1390, %sub3A_1391 : i32
      %mul3A_1393 = arith.constant 4 : i32
      %mul3A_1394 = arith.muli %sub3A_1392, %mul3A_1393 : i32
      %add3A_1395 = arith.addi %mul3A_2, %mul3A_1394 : i32
      %dma_wait3A_1396 = tpu.memref_reshape %arg14 : memref<80x128xf32, #tpu.memory_space<vmem>> -> memref<4x20x128xf32, #tpu.memory_space<vmem>>
      %dma_wait3A_1397 = arith.constant 0 : i32
      %dma_wait3A_1398 = arith.constant 0 : i32
      %dma_wait3A_1399 = tpu.memref_slice %arg4[%add3A_1395, %dma_wait3A_1397, %dma_wait3A_1398] : memref<16384x20x128xf32, #tpu.memory_space<hbm>> -> memref<4x20x128xf32, #tpu.memory_space<hbm>>
      %dma_wait3A_1400 = arith.constant 0 : i32
      %dma_wait3A_1401 = arith.constant 0 : i32
      %dma_wait3A_1402 = tpu.memref_slice %arg4[%add3A_1395, %dma_wait3A_1400, %dma_wait3A_1401] : memref<16384x20x128xf32, #tpu.memory_space<hbm>> -> memref<4x20x128xf32, #tpu.memory_space<hbm>>
      %dma_wait3A_1403 = tpu.memref_reshape %arg14 : memref<80x128xf32, #tpu.memory_space<vmem>> -> memref<4x20x128xf32, #tpu.memory_space<vmem>>
      tpu.wait_dma2 semaphore(%arg24 : memref<!tpu.dma_semaphore, #tpu.memory_space<semaphore_mem>>) src(%dma_wait3A_1403 : memref<4x20x128xf32, #tpu.memory_space<vmem>>) dst(%dma_wait3A_1402 : memref<4x20x128xf32, #tpu.memory_space<hbm>>)
      %mul3A_1404 = arith.constant 40 : i32
      %mul3A_1405 = arith.muli %add3A, %mul3A_1404 : i32
      %dma_start3A_1406 = arith.constant 0 : i32
      %dma_start3A_1407 = arith.constant 0 : i32
      %dma_start3A_1408 = tpu.memref_slice %arg9[%add3A_1390, %dma_start3A_1407] : memref<128x80xi32, #tpu.memory_space<vmem>> -> memref<1x80xi32, #tpu.memory_space<vmem>>
      %dma_start3A_1409 = tpu.memref_squeeze %dma_start3A_1408 : memref<1x80xi32, #tpu.memory_space<vmem>> -> memref<80xi32, #tpu.memory_space<vmem>>
      %dma_start3A_1410 = arith.constant 0 : i32
      %dma_start3A_1411 = arith.constant 0 : i32
      %dma_start3A_1412 = tpu.memref_slice %arg3[%dma_start3A_1406, %dma_start3A_1410, %dma_start3A_1411] : memref<5x1280x128xf32, #tpu.memory_space<hbm>> -> memref<1x1280x128xf32, #tpu.memory_space<hbm>>
      %dma_start3A_1413 = tpu.memref_squeeze %dma_start3A_1412 : memref<1x1280x128xf32, #tpu.memory_space<hbm>> -> memref<1280x128xf32, #tpu.memory_space<hbm>>
      %dma_start3A_1414 = arith.constant 0 : i32
      %dma_start3A_1415 = tpu.memref_slice %dma_start3A_1413[%mul3A_1405, %dma_start3A_1414] : memref<1280x128xf32, #tpu.memory_space<hbm>> -> memref<40x128xf32, #tpu.memory_space<hbm>>
      %dma_start3A_1416 = arith.constant 0 : i32
      %dma_start3A_1417 = arith.constant 0 : i32
      %dma_start3A_1418 = tpu.memref_slice %dma_start3A_1415[%dma_start3A_1416, %dma_start3A_1417] : memref<40x128xf32, #tpu.memory_space<hbm>> -> memref<40x128xf32, #tpu.memory_space<hbm>>
      tpu.enqueue_indirect_dma source(%dma_start3A_1418 : memref<40x128xf32, #tpu.memory_space<hbm>>) target(%arg14 : memref<80x128xf32, #tpu.memory_space<vmem>>) offsets(%dma_start3A_1409 : memref<80xi32, #tpu.memory_space<vmem>>) semaphore(%arg20 : memref<!tpu.dma_semaphore, #tpu.memory_space<semaphore_mem>>)
      %sub3A_1419 = arith.constant 2 : i32
      %sub3A_1420 = arith.subi %add3A_1390, %sub3A_1419 : i32
      %mul3A_1421 = arith.constant 40 : i32
      %mul3A_1422 = arith.muli %add3A, %mul3A_1421 : i32
      %dma_wait3A_1423 = arith.constant 0 : i32
      %dma_wait3A_1424 = arith.constant 0 : i32
      %dma_wait3A_1425 = tpu.memref_slice %arg9[%sub3A_1420, %dma_wait3A_1424] : memref<128x80xi32, #tpu.memory_space<vmem>> -> memref<1x80xi32, #tpu.memory_space<vmem>>
      %dma_wait3A_1426 = tpu.memref_squeeze %dma_wait3A_1425 : memref<1x80xi32, #tpu.memory_space<vmem>> -> memref<80xi32, #tpu.memory_space<vmem>>
      %dma_wait3A_1427 = arith.constant 0 : i32
      %dma_wait3A_1428 = arith.constant 0 : i32
      %dma_wait3A_1429 = tpu.memref_slice %arg3[%dma_wait3A_1423, %dma_wait3A_1427, %dma_wait3A_1428] : memref<5x1280x128xf32, #tpu.memory_space<hbm>> -> memref<1x1280x128xf32, #tpu.memory_space<hbm>>
      %dma_wait3A_1430 = tpu.memref_squeeze %dma_wait3A_1429 : memref<1x1280x128xf32, #tpu.memory_space<hbm>> -> memref<1280x128xf32, #tpu.memory_space<hbm>>
      %dma_wait3A_1431 = arith.constant 0 : i32
      %dma_wait3A_1432 = tpu.memref_slice %dma_wait3A_1430[%mul3A_1422, %dma_wait3A_1431] : memref<1280x128xf32, #tpu.memory_space<hbm>> -> memref<40x128xf32, #tpu.memory_space<hbm>>
      %dma_wait3A_1433 = arith.constant 0 : i32
      %dma_wait3A_1434 = arith.constant 0 : i32
      %dma_wait3A_1435 = tpu.memref_slice %dma_wait3A_1432[%dma_wait3A_1433, %dma_wait3A_1434] : memref<40x128xf32, #tpu.memory_space<hbm>> -> memref<40x128xf32, #tpu.memory_space<hbm>>
      tpu.wait_indirect_dma semaphore(%arg18 : memref<!tpu.dma_semaphore, #tpu.memory_space<semaphore_mem>>) src(%dma_wait3A_1435 : memref<40x128xf32, #tpu.memory_space<hbm>>) dst(%arg12 : memref<80x128xf32, #tpu.memory_space<vmem>>)
      %sub3A_1436 = arith.constant 2 : i32
      %sub3A_1437 = arith.subi %add3A_1390, %sub3A_1436 : i32
      %mul3A_1438 = arith.constant 4 : i32
      %mul3A_1439 = arith.muli %sub3A_1437, %mul3A_1438 : i32
      %add3A_1440 = arith.addi %mul3A_2, %mul3A_1439 : i32
      %dma_start3A_1441 = tpu.memref_reshape %arg12 : memref<80x128xf32, #tpu.memory_space<vmem>> -> memref<4x20x128xf32, #tpu.memory_space<vmem>>
      %dma_start3A_1442 = arith.constant 0 : i32
      %dma_start3A_1443 = arith.constant 0 : i32
      %dma_start3A_1444 = tpu.memref_slice %arg4[%add3A_1440, %dma_start3A_1442, %dma_start3A_1443] : memref<16384x20x128xf32, #tpu.memory_space<hbm>> -> memref<4x20x128xf32, #tpu.memory_space<hbm>>
      %dma_start3A_1445 = arith.constant 0 : i32
      %dma_start3A_1446 = arith.constant 0 : i32
      %dma_start3A_1447 = tpu.memref_slice %arg4[%add3A_1440, %dma_start3A_1445, %dma_start3A_1446] : memref<16384x20x128xf32, #tpu.memory_space<hbm>> -> memref<4x20x128xf32, #tpu.memory_space<hbm>>
      %dma_start3A_1448 = tpu.memref_reshape %arg12 : memref<80x128xf32, #tpu.memory_space<vmem>> -> memref<4x20x128xf32, #tpu.memory_space<vmem>>
      tpu.enqueue_dma source(%dma_start3A_1448 : memref<4x20x128xf32, #tpu.memory_space<vmem>>) target(%dma_start3A_1447 : memref<4x20x128xf32, #tpu.memory_space<hbm>>) target_semaphore(%arg22 : memref<!tpu.dma_semaphore, #tpu.memory_space<semaphore_mem>>)
    }
    %scan3A_161 = arith.constant 31 : i32
    %mul3A_162 = arith.constant 40 : i32
    %mul3A_163 = arith.muli %add3A, %mul3A_162 : i32
    %dma_wait3A_164 = arith.constant 0 : i32
    %dma_wait3A_165 = arith.constant 126 : i32
    %dma_wait3A_166 = arith.constant 0 : i32
    %dma_wait3A_167 = tpu.memref_slice %arg9[%dma_wait3A_165, %dma_wait3A_166] : memref<128x80xi32, #tpu.memory_space<vmem>> -> memref<1x80xi32, #tpu.memory_space<vmem>>
    %dma_wait3A_168 = tpu.memref_squeeze %dma_wait3A_167 : memref<1x80xi32, #tpu.memory_space<vmem>> -> memref<80xi32, #tpu.memory_space<vmem>>
    %dma_wait3A_169 = arith.constant 0 : i32
    %dma_wait3A_170 = arith.constant 0 : i32
    %dma_wait3A_171 = tpu.memref_slice %arg3[%dma_wait3A_164, %dma_wait3A_169, %dma_wait3A_170] : memref<5x1280x128xf32, #tpu.memory_space<hbm>> -> memref<1x1280x128xf32, #tpu.memory_space<hbm>>
    %dma_wait3A_172 = tpu.memref_squeeze %dma_wait3A_171 : memref<1x1280x128xf32, #tpu.memory_space<hbm>> -> memref<1280x128xf32, #tpu.memory_space<hbm>>
    %dma_wait3A_173 = arith.constant 0 : i32
    %dma_wait3A_174 = tpu.memref_slice %dma_wait3A_172[%mul3A_163, %dma_wait3A_173] : memref<1280x128xf32, #tpu.memory_space<hbm>> -> memref<40x128xf32, #tpu.memory_space<hbm>>
    %dma_wait3A_175 = arith.constant 0 : i32
    %dma_wait3A_176 = arith.constant 0 : i32
    %dma_wait3A_177 = tpu.memref_slice %dma_wait3A_174[%dma_wait3A_175, %dma_wait3A_176] : memref<40x128xf32, #tpu.memory_space<hbm>> -> memref<40x128xf32, #tpu.memory_space<hbm>>
    tpu.wait_indirect_dma semaphore(%arg19 : memref<!tpu.dma_semaphore, #tpu.memory_space<semaphore_mem>>) src(%dma_wait3A_177 : memref<40x128xf32, #tpu.memory_space<hbm>>) dst(%arg13 : memref<80x128xf32, #tpu.memory_space<vmem>>)
    %add3A_178 = arith.constant 504 : i32
    %add3A_179 = arith.addi %mul3A_2, %add3A_178 : i32
    %dma_start3A_180 = tpu.memref_reshape %arg13 : memref<80x128xf32, #tpu.memory_space<vmem>> -> memref<4x20x128xf32, #tpu.memory_space<vmem>>
    %dma_start3A_181 = arith.constant 0 : i32
    %dma_start3A_182 = arith.constant 0 : i32
    %dma_start3A_183 = tpu.memref_slice %arg4[%add3A_179, %dma_start3A_181, %dma_start3A_182] : memref<16384x20x128xf32, #tpu.memory_space<hbm>> -> memref<4x20x128xf32, #tpu.memory_space<hbm>>
    %dma_start3A_184 = arith.constant 0 : i32
    %dma_start3A_185 = arith.constant 0 : i32
    %dma_start3A_186 = tpu.memref_slice %arg4[%add3A_179, %dma_start3A_184, %dma_start3A_185] : memref<16384x20x128xf32, #tpu.memory_space<hbm>> -> memref<4x20x128xf32, #tpu.memory_space<hbm>>
    %dma_start3A_187 = tpu.memref_reshape %arg13 : memref<80x128xf32, #tpu.memory_space<vmem>> -> memref<4x20x128xf32, #tpu.memory_space<vmem>>
    tpu.enqueue_dma source(%dma_start3A_187 : memref<4x20x128xf32, #tpu.memory_space<vmem>>) target(%dma_start3A_186 : memref<4x20x128xf32, #tpu.memory_space<hbm>>) target_semaphore(%arg23 : memref<!tpu.dma_semaphore, #tpu.memory_space<semaphore_mem>>)
    %mul3A_188 = arith.constant 40 : i32
    %mul3A_189 = arith.muli %add3A, %mul3A_188 : i32
    %dma_wait3A_190 = arith.constant 0 : i32
    %dma_wait3A_191 = arith.constant 127 : i32
    %dma_wait3A_192 = arith.constant 0 : i32
    %dma_wait3A_193 = tpu.memref_slice %arg9[%dma_wait3A_191, %dma_wait3A_192] : memref<128x80xi32, #tpu.memory_space<vmem>> -> memref<1x80xi32, #tpu.memory_space<vmem>>
    %dma_wait3A_194 = tpu.memref_squeeze %dma_wait3A_193 : memref<1x80xi32, #tpu.memory_space<vmem>> -> memref<80xi32, #tpu.memory_space<vmem>>
    %dma_wait3A_195 = arith.constant 0 : i32
    %dma_wait3A_196 = arith.constant 0 : i32
    %dma_wait3A_197 = tpu.memref_slice %arg3[%dma_wait3A_190, %dma_wait3A_195, %dma_wait3A_196] : memref<5x1280x128xf32, #tpu.memory_space<hbm>> -> memref<1x1280x128xf32, #tpu.memory_space<hbm>>
    %dma_wait3A_198 = tpu.memref_squeeze %dma_wait3A_197 : memref<1x1280x128xf32, #tpu.memory_space<hbm>> -> memref<1280x128xf32, #tpu.memory_space<hbm>>
    %dma_wait3A_199 = arith.constant 0 : i32
    %dma_wait3A_200 = tpu.memref_slice %dma_wait3A_198[%mul3A_189, %dma_wait3A_199] : memref<1280x128xf32, #tpu.memory_space<hbm>> -> memref<40x128xf32, #tpu.memory_space<hbm>>
    %dma_wait3A_201 = arith.constant 0 : i32
    %dma_wait3A_202 = arith.constant 0 : i32
    %dma_wait3A_203 = tpu.memref_slice %dma_wait3A_200[%dma_wait3A_201, %dma_wait3A_202] : memref<40x128xf32, #tpu.memory_space<hbm>> -> memref<40x128xf32, #tpu.memory_space<hbm>>
    tpu.wait_indirect_dma semaphore(%arg20 : memref<!tpu.dma_semaphore, #tpu.memory_space<semaphore_mem>>) src(%dma_wait3A_203 : memref<40x128xf32, #tpu.memory_space<hbm>>) dst(%arg14 : memref<80x128xf32, #tpu.memory_space<vmem>>)
    %add3A_204 = arith.constant 508 : i32
    %add3A_205 = arith.addi %mul3A_2, %add3A_204 : i32
    %dma_start3A_206 = tpu.memref_reshape %arg14 : memref<80x128xf32, #tpu.memory_space<vmem>> -> memref<4x20x128xf32, #tpu.memory_space<vmem>>
    %dma_start3A_207 = arith.constant 0 : i32
    %dma_start3A_208 = arith.constant 0 : i32
    %dma_start3A_209 = tpu.memref_slice %arg4[%add3A_205, %dma_start3A_207, %dma_start3A_208] : memref<16384x20x128xf32, #tpu.memory_space<hbm>> -> memref<4x20x128xf32, #tpu.memory_space<hbm>>
    %dma_start3A_210 = arith.constant 0 : i32
    %dma_start3A_211 = arith.constant 0 : i32
    %dma_start3A_212 = tpu.memref_slice %arg4[%add3A_205, %dma_start3A_210, %dma_start3A_211] : memref<16384x20x128xf32, #tpu.memory_space<hbm>> -> memref<4x20x128xf32, #tpu.memory_space<hbm>>
    %dma_start3A_213 = tpu.memref_reshape %arg14 : memref<80x128xf32, #tpu.memory_space<vmem>> -> memref<4x20x128xf32, #tpu.memory_space<vmem>>
    tpu.enqueue_dma source(%dma_start3A_213 : memref<4x20x128xf32, #tpu.memory_space<vmem>>) target(%dma_start3A_212 : memref<4x20x128xf32, #tpu.memory_space<hbm>>) target_semaphore(%arg24 : memref<!tpu.dma_semaphore, #tpu.memory_space<semaphore_mem>>)
    %dma_wait3A_214 = arith.constant 1 : i32
    %dma_wait3A_215 = arith.constant 0 : i32
    %dma_wait3A_216 = arith.constant 0 : i32
    %dma_wait3A_217 = tpu.memref_slice %arg2[%dma_wait3A_214, %dma_wait3A_215, %dma_wait3A_216] : memref<5x4096x80xi32, #tpu.memory_space<hbm>> -> memref<1x4096x80xi32, #tpu.memory_space<hbm>>
    %dma_wait3A_218 = tpu.memref_squeeze %dma_wait3A_217 : memref<1x4096x80xi32, #tpu.memory_space<hbm>> -> memref<4096x80xi32, #tpu.memory_space<hbm>>
    %dma_wait3A_219 = arith.constant 0 : i32
    %dma_wait3A_220 = tpu.memref_slice %dma_wait3A_218[%mul3A_4, %dma_wait3A_219] : memref<4096x80xi32, #tpu.memory_space<hbm>> -> memref<128x80xi32, #tpu.memory_space<hbm>>
    %dma_wait3A_221 = arith.constant 0 : i32
    %dma_wait3A_222 = arith.constant 0 : i32
    %dma_wait3A_223 = tpu.memref_slice %arg2[%dma_wait3A_214, %dma_wait3A_221, %dma_wait3A_222] : memref<5x4096x80xi32, #tpu.memory_space<hbm>> -> memref<1x4096x80xi32, #tpu.memory_space<hbm>>
    %dma_wait3A_224 = tpu.memref_squeeze %dma_wait3A_223 : memref<1x4096x80xi32, #tpu.memory_space<hbm>> -> memref<4096x80xi32, #tpu.memory_space<hbm>>
    %dma_wait3A_225 = arith.constant 0 : i32
    %dma_wait3A_226 = tpu.memref_slice %dma_wait3A_224[%mul3A_4, %dma_wait3A_225] : memref<4096x80xi32, #tpu.memory_space<hbm>> -> memref<128x80xi32, #tpu.memory_space<hbm>>
    tpu.wait_dma2 semaphore(%arg16 : memref<!tpu.dma_semaphore, #tpu.memory_space<semaphore_mem>>) src(%dma_wait3A_226 : memref<128x80xi32, #tpu.memory_space<hbm>>) dst(%arg10 : memref<128x80xi32, #tpu.memory_space<vmem>>)
    %dma_start3A_227 = arith.constant 2 : i32
    %dma_start3A_228 = arith.constant 0 : i32
    %dma_start3A_229 = arith.constant 0 : i32
    %dma_start3A_230 = tpu.memref_slice %arg2[%dma_start3A_227, %dma_start3A_228, %dma_start3A_229] : memref<5x4096x80xi32, #tpu.memory_space<hbm>> -> memref<1x4096x80xi32, #tpu.memory_space<hbm>>
    %dma_start3A_231 = tpu.memref_squeeze %dma_start3A_230 : memref<1x4096x80xi32, #tpu.memory_space<hbm>> -> memref<4096x80xi32, #tpu.memory_space<hbm>>
    %dma_start3A_232 = arith.constant 0 : i32
    %dma_start3A_233 = tpu.memref_slice %dma_start3A_231[%mul3A_4, %dma_start3A_232] : memref<4096x80xi32, #tpu.memory_space<hbm>> -> memref<128x80xi32, #tpu.memory_space<hbm>>
    %dma_start3A_234 = arith.constant 0 : i32
    %dma_start3A_235 = arith.constant 0 : i32
    %dma_start3A_236 = tpu.memref_slice %arg2[%dma_start3A_227, %dma_start3A_234, %dma_start3A_235] : memref<5x4096x80xi32, #tpu.memory_space<hbm>> -> memref<1x4096x80xi32, #tpu.memory_space<hbm>>
    %dma_start3A_237 = tpu.memref_squeeze %dma_start3A_236 : memref<1x4096x80xi32, #tpu.memory_space<hbm>> -> memref<4096x80xi32, #tpu.memory_space<hbm>>
    %dma_start3A_238 = arith.constant 0 : i32
    %dma_start3A_239 = tpu.memref_slice %dma_start3A_237[%mul3A_4, %dma_start3A_238] : memref<4096x80xi32, #tpu.memory_space<hbm>> -> memref<128x80xi32, #tpu.memory_space<hbm>>
    tpu.enqueue_dma source(%dma_start3A_239 : memref<128x80xi32, #tpu.memory_space<hbm>>) target(%arg9 : memref<128x80xi32, #tpu.memory_space<vmem>>) target_semaphore(%arg15 : memref<!tpu.dma_semaphore, #tpu.memory_space<semaphore_mem>>)
    %add3A_240 = arith.constant 496 : i32
    %add3A_241 = arith.addi %mul3A_2, %add3A_240 : i32
    %dma_wait3A_242 = tpu.memref_reshape %arg11 : memref<80x128xf32, #tpu.memory_space<vmem>> -> memref<4x20x128xf32, #tpu.memory_space<vmem>>
    %dma_wait3A_243 = arith.constant 0 : i32
    %dma_wait3A_244 = arith.constant 0 : i32
    %dma_wait3A_245 = tpu.memref_slice %arg4[%add3A_241, %dma_wait3A_243, %dma_wait3A_244] : memref<16384x20x128xf32, #tpu.memory_space<hbm>> -> memref<4x20x128xf32, #tpu.memory_space<hbm>>
    %dma_wait3A_246 = arith.constant 0 : i32
    %dma_wait3A_247 = arith.constant 0 : i32
    %dma_wait3A_248 = tpu.memref_slice %arg4[%add3A_241, %dma_wait3A_246, %dma_wait3A_247] : memref<16384x20x128xf32, #tpu.memory_space<hbm>> -> memref<4x20x128xf32, #tpu.memory_space<hbm>>
    %dma_wait3A_249 = tpu.memref_reshape %arg11 : memref<80x128xf32, #tpu.memory_space<vmem>> -> memref<4x20x128xf32, #tpu.memory_space<vmem>>
    tpu.wait_dma2 semaphore(%arg21 : memref<!tpu.dma_semaphore, #tpu.memory_space<semaphore_mem>>) src(%dma_wait3A_249 : memref<4x20x128xf32, #tpu.memory_space<vmem>>) dst(%dma_wait3A_248 : memref<4x20x128xf32, #tpu.memory_space<hbm>>)
    %mul3A_250 = arith.constant 40 : i32
    %mul3A_251 = arith.muli %add3A, %mul3A_250 : i32
    %dma_start3A_252 = arith.constant 1 : i32
    %dma_start3A_253 = arith.constant 0 : i32
    %dma_start3A_254 = arith.constant 0 : i32
    %dma_start3A_255 = tpu.memref_slice %arg10[%dma_start3A_253, %dma_start3A_254] : memref<128x80xi32, #tpu.memory_space<vmem>> -> memref<1x80xi32, #tpu.memory_space<vmem>>
    %dma_start3A_256 = tpu.memref_squeeze %dma_start3A_255 : memref<1x80xi32, #tpu.memory_space<vmem>> -> memref<80xi32, #tpu.memory_space<vmem>>
    %dma_start3A_257 = arith.constant 0 : i32
    %dma_start3A_258 = arith.constant 0 : i32
    %dma_start3A_259 = tpu.memref_slice %arg3[%dma_start3A_252, %dma_start3A_257, %dma_start3A_258] : memref<5x1280x128xf32, #tpu.memory_space<hbm>> -> memref<1x1280x128xf32, #tpu.memory_space<hbm>>
    %dma_start3A_260 = tpu.memref_squeeze %dma_start3A_259 : memref<1x1280x128xf32, #tpu.memory_space<hbm>> -> memref<1280x128xf32, #tpu.memory_space<hbm>>
    %dma_start3A_261 = arith.constant 0 : i32
    %dma_start3A_262 = tpu.memref_slice %dma_start3A_260[%mul3A_251, %dma_start3A_261] : memref<1280x128xf32, #tpu.memory_space<hbm>> -> memref<40x128xf32, #tpu.memory_space<hbm>>
    %dma_start3A_263 = arith.constant 0 : i32
    %dma_start3A_264 = arith.constant 0 : i32
    %dma_start3A_265 = tpu.memref_slice %dma_start3A_262[%dma_start3A_263, %dma_start3A_264] : memref<40x128xf32, #tpu.memory_space<hbm>> -> memref<40x128xf32, #tpu.memory_space<hbm>>
    tpu.enqueue_indirect_dma source(%dma_start3A_265 : memref<40x128xf32, #tpu.memory_space<hbm>>) target(%arg11 : memref<80x128xf32, #tpu.memory_space<vmem>>) offsets(%dma_start3A_256 : memref<80xi32, #tpu.memory_space<vmem>>) semaphore(%arg17 : memref<!tpu.dma_semaphore, #tpu.memory_space<semaphore_mem>>)
    %add3A_266 = arith.constant 500 : i32
    %add3A_267 = arith.addi %mul3A_2, %add3A_266 : i32
    %dma_wait3A_268 = tpu.memref_reshape %arg12 : memref<80x128xf32, #tpu.memory_space<vmem>> -> memref<4x20x128xf32, #tpu.memory_space<vmem>>
    %dma_wait3A_269 = arith.constant 0 : i32
    %dma_wait3A_270 = arith.constant 0 : i32
    %dma_wait3A_271 = tpu.memref_slice %arg4[%add3A_267, %dma_wait3A_269, %dma_wait3A_270] : memref<16384x20x128xf32, #tpu.memory_space<hbm>> -> memref<4x20x128xf32, #tpu.memory_space<hbm>>
    %dma_wait3A_272 = arith.constant 0 : i32
    %dma_wait3A_273 = arith.constant 0 : i32
    %dma_wait3A_274 = tpu.memref_slice %arg4[%add3A_267, %dma_wait3A_272, %dma_wait3A_273] : memref<16384x20x128xf32, #tpu.memory_space<hbm>> -> memref<4x20x128xf32, #tpu.memory_space<hbm>>
    %dma_wait3A_275 = tpu.memref_reshape %arg12 : memref<80x128xf32, #tpu.memory_space<vmem>> -> memref<4x20x128xf32, #tpu.memory_space<vmem>>
    tpu.wait_dma2 semaphore(%arg22 : memref<!tpu.dma_semaphore, #tpu.memory_space<semaphore_mem>>) src(%dma_wait3A_275 : memref<4x20x128xf32, #tpu.memory_space<vmem>>) dst(%dma_wait3A_274 : memref<4x20x128xf32, #tpu.memory_space<hbm>>)
    %mul3A_276 = arith.constant 40 : i32
    %mul3A_277 = arith.muli %add3A, %mul3A_276 : i32
    %dma_start3A_278 = arith.constant 1 : i32
    %dma_start3A_279 = arith.constant 1 : i32
    %dma_start3A_280 = arith.constant 0 : i32
    %dma_start3A_281 = tpu.memref_slice %arg10[%dma_start3A_279, %dma_start3A_280] : memref<128x80xi32, #tpu.memory_space<vmem>> -> memref<1x80xi32, #tpu.memory_space<vmem>>
    %dma_start3A_282 = tpu.memref_squeeze %dma_start3A_281 : memref<1x80xi32, #tpu.memory_space<vmem>> -> memref<80xi32, #tpu.memory_space<vmem>>
    %dma_start3A_283 = arith.constant 0 : i32
    %dma_start3A_284 = arith.constant 0 : i32
    %dma_start3A_285 = tpu.memref_slice %arg3[%dma_start3A_278, %dma_start3A_283, %dma_start3A_284] : memref<5x1280x128xf32, #tpu.memory_space<hbm>> -> memref<1x1280x128xf32, #tpu.memory_space<hbm>>
    %dma_start3A_286 = tpu.memref_squeeze %dma_start3A_285 : memref<1x1280x128xf32, #tpu.memory_space<hbm>> -> memref<1280x128xf32, #tpu.memory_space<hbm>>
    %dma_start3A_287 = arith.constant 0 : i32
    %dma_start3A_288 = tpu.memref_slice %dma_start3A_286[%mul3A_277, %dma_start3A_287] : memref<1280x128xf32, #tpu.memory_space<hbm>> -> memref<40x128xf32, #tpu.memory_space<hbm>>
    %dma_start3A_289 = arith.constant 0 : i32
    %dma_start3A_290 = arith.constant 0 : i32
    %dma_start3A_291 = tpu.memref_slice %dma_start3A_288[%dma_start3A_289, %dma_start3A_290] : memref<40x128xf32, #tpu.memory_space<hbm>> -> memref<40x128xf32, #tpu.memory_space<hbm>>
    tpu.enqueue_indirect_dma source(%dma_start3A_291 : memref<40x128xf32, #tpu.memory_space<hbm>>) target(%arg12 : memref<80x128xf32, #tpu.memory_space<vmem>>) offsets(%dma_start3A_282 : memref<80xi32, #tpu.memory_space<vmem>>) semaphore(%arg18 : memref<!tpu.dma_semaphore, #tpu.memory_space<semaphore_mem>>)
    %add3A_292 = arith.constant 504 : i32
    %add3A_293 = arith.addi %mul3A_2, %add3A_292 : i32
    %dma_wait3A_294 = tpu.memref_reshape %arg13 : memref<80x128xf32, #tpu.memory_space<vmem>> -> memref<4x20x128xf32, #tpu.memory_space<vmem>>
    %dma_wait3A_295 = arith.constant 0 : i32
    %dma_wait3A_296 = arith.constant 0 : i32
    %dma_wait3A_297 = tpu.memref_slice %arg4[%add3A_293, %dma_wait3A_295, %dma_wait3A_296] : memref<16384x20x128xf32, #tpu.memory_space<hbm>> -> memref<4x20x128xf32, #tpu.memory_space<hbm>>
    %dma_wait3A_298 = arith.constant 0 : i32
    %dma_wait3A_299 = arith.constant 0 : i32
    %dma_wait3A_300 = tpu.memref_slice %arg4[%add3A_293, %dma_wait3A_298, %dma_wait3A_299] : memref<16384x20x128xf32, #tpu.memory_space<hbm>> -> memref<4x20x128xf32, #tpu.memory_space<hbm>>
    %dma_wait3A_301 = tpu.memref_reshape %arg13 : memref<80x128xf32, #tpu.memory_space<vmem>> -> memref<4x20x128xf32, #tpu.memory_space<vmem>>
    tpu.wait_dma2 semaphore(%arg23 : memref<!tpu.dma_semaphore, #tpu.memory_space<semaphore_mem>>) src(%dma_wait3A_301 : memref<4x20x128xf32, #tpu.memory_space<vmem>>) dst(%dma_wait3A_300 : memref<4x20x128xf32, #tpu.memory_space<hbm>>)
    %mul3A_302 = arith.constant 40 : i32
    %mul3A_303 = arith.muli %add3A, %mul3A_302 : i32
    %dma_start3A_304 = arith.constant 1 : i32
    %dma_start3A_305 = arith.constant 2 : i32
    %dma_start3A_306 = arith.constant 0 : i32
    %dma_start3A_307 = tpu.memref_slice %arg10[%dma_start3A_305, %dma_start3A_306] : memref<128x80xi32, #tpu.memory_space<vmem>> -> memref<1x80xi32, #tpu.memory_space<vmem>>
    %dma_start3A_308 = tpu.memref_squeeze %dma_start3A_307 : memref<1x80xi32, #tpu.memory_space<vmem>> -> memref<80xi32, #tpu.memory_space<vmem>>
    %dma_start3A_309 = arith.constant 0 : i32
    %dma_start3A_310 = arith.constant 0 : i32
    %dma_start3A_311 = tpu.memref_slice %arg3[%dma_start3A_304, %dma_start3A_309, %dma_start3A_310] : memref<5x1280x128xf32, #tpu.memory_space<hbm>> -> memref<1x1280x128xf32, #tpu.memory_space<hbm>>
    %dma_start3A_312 = tpu.memref_squeeze %dma_start3A_311 : memref<1x1280x128xf32, #tpu.memory_space<hbm>> -> memref<1280x128xf32, #tpu.memory_space<hbm>>
    %dma_start3A_313 = arith.constant 0 : i32
    %dma_start3A_314 = tpu.memref_slice %dma_start3A_312[%mul3A_303, %dma_start3A_313] : memref<1280x128xf32, #tpu.memory_space<hbm>> -> memref<40x128xf32, #tpu.memory_space<hbm>>
    %dma_start3A_315 = arith.constant 0 : i32
    %dma_start3A_316 = arith.constant 0 : i32
    %dma_start3A_317 = tpu.memref_slice %dma_start3A_314[%dma_start3A_315, %dma_start3A_316] : memref<40x128xf32, #tpu.memory_space<hbm>> -> memref<40x128xf32, #tpu.memory_space<hbm>>
    tpu.enqueue_indirect_dma source(%dma_start3A_317 : memref<40x128xf32, #tpu.memory_space<hbm>>) target(%arg13 : memref<80x128xf32, #tpu.memory_space<vmem>>) offsets(%dma_start3A_308 : memref<80xi32, #tpu.memory_space<vmem>>) semaphore(%arg19 : memref<!tpu.dma_semaphore, #tpu.memory_space<semaphore_mem>>)
    %mul3A_318 = arith.constant 40 : i32
    %mul3A_319 = arith.muli %add3A, %mul3A_318 : i32
    %dma_wait3A_320 = arith.constant 1 : i32
    %dma_wait3A_321 = arith.constant 0 : i32
    %dma_wait3A_322 = arith.constant 0 : i32
    %dma_wait3A_323 = tpu.memref_slice %arg10[%dma_wait3A_321, %dma_wait3A_322] : memref<128x80xi32, #tpu.memory_space<vmem>> -> memref<1x80xi32, #tpu.memory_space<vmem>>
    %dma_wait3A_324 = tpu.memref_squeeze %dma_wait3A_323 : memref<1x80xi32, #tpu.memory_space<vmem>> -> memref<80xi32, #tpu.memory_space<vmem>>
    %dma_wait3A_325 = arith.constant 0 : i32
    %dma_wait3A_326 = arith.constant 0 : i32
    %dma_wait3A_327 = tpu.memref_slice %arg3[%dma_wait3A_320, %dma_wait3A_325, %dma_wait3A_326] : memref<5x1280x128xf32, #tpu.memory_space<hbm>> -> memref<1x1280x128xf32, #tpu.memory_space<hbm>>
    %dma_wait3A_328 = tpu.memref_squeeze %dma_wait3A_327 : memref<1x1280x128xf32, #tpu.memory_space<hbm>> -> memref<1280x128xf32, #tpu.memory_space<hbm>>
    %dma_wait3A_329 = arith.constant 0 : i32
    %dma_wait3A_330 = tpu.memref_slice %dma_wait3A_328[%mul3A_319, %dma_wait3A_329] : memref<1280x128xf32, #tpu.memory_space<hbm>> -> memref<40x128xf32, #tpu.memory_space<hbm>>
    %dma_wait3A_331 = arith.constant 0 : i32
    %dma_wait3A_332 = arith.constant 0 : i32
    %dma_wait3A_333 = tpu.memref_slice %dma_wait3A_330[%dma_wait3A_331, %dma_wait3A_332] : memref<40x128xf32, #tpu.memory_space<hbm>> -> memref<40x128xf32, #tpu.memory_space<hbm>>
    tpu.wait_indirect_dma semaphore(%arg17 : memref<!tpu.dma_semaphore, #tpu.memory_space<semaphore_mem>>) src(%dma_wait3A_333 : memref<40x128xf32, #tpu.memory_space<hbm>>) dst(%arg11 : memref<80x128xf32, #tpu.memory_space<vmem>>)
    %add3A_334 = arith.constant 0 : i32
    %add3A_335 = arith.addi %mul3A_2, %add3A_334 : i32
    %dma_start3A_336 = tpu.memref_reshape %arg11 : memref<80x128xf32, #tpu.memory_space<vmem>> -> memref<4x20x128xf32, #tpu.memory_space<vmem>>
    %dma_start3A_337 = arith.constant 0 : i32
    %dma_start3A_338 = arith.constant 0 : i32
    %dma_start3A_339 = tpu.memref_slice %arg5[%add3A_335, %dma_start3A_337, %dma_start3A_338] : memref<16384x20x128xf32, #tpu.memory_space<hbm>> -> memref<4x20x128xf32, #tpu.memory_space<hbm>>
    %dma_start3A_340 = arith.constant 0 : i32
    %dma_start3A_341 = arith.constant 0 : i32
    %dma_start3A_342 = tpu.memref_slice %arg5[%add3A_335, %dma_start3A_340, %dma_start3A_341] : memref<16384x20x128xf32, #tpu.memory_space<hbm>> -> memref<4x20x128xf32, #tpu.memory_space<hbm>>
    %dma_start3A_343 = tpu.memref_reshape %arg11 : memref<80x128xf32, #tpu.memory_space<vmem>> -> memref<4x20x128xf32, #tpu.memory_space<vmem>>
    tpu.enqueue_dma source(%dma_start3A_343 : memref<4x20x128xf32, #tpu.memory_space<vmem>>) target(%dma_start3A_342 : memref<4x20x128xf32, #tpu.memory_space<hbm>>) target_semaphore(%arg21 : memref<!tpu.dma_semaphore, #tpu.memory_space<semaphore_mem>>)
    %add3A_344 = arith.constant 508 : i32
    %add3A_345 = arith.addi %mul3A_2, %add3A_344 : i32
    %dma_wait3A_346 = tpu.memref_reshape %arg14 : memref<80x128xf32, #tpu.memory_space<vmem>> -> memref<4x20x128xf32, #tpu.memory_space<vmem>>
    %dma_wait3A_347 = arith.constant 0 : i32
    %dma_wait3A_348 = arith.constant 0 : i32
    %dma_wait3A_349 = tpu.memref_slice %arg4[%add3A_345, %dma_wait3A_347, %dma_wait3A_348] : memref<16384x20x128xf32, #tpu.memory_space<hbm>> -> memref<4x20x128xf32, #tpu.memory_space<hbm>>
    %dma_wait3A_350 = arith.constant 0 : i32
    %dma_wait3A_351 = arith.constant 0 : i32
    %dma_wait3A_352 = tpu.memref_slice %arg4[%add3A_345, %dma_wait3A_350, %dma_wait3A_351] : memref<16384x20x128xf32, #tpu.memory_space<hbm>> -> memref<4x20x128xf32, #tpu.memory_space<hbm>>
    %dma_wait3A_353 = tpu.memref_reshape %arg14 : memref<80x128xf32, #tpu.memory_space<vmem>> -> memref<4x20x128xf32, #tpu.memory_space<vmem>>
    tpu.wait_dma2 semaphore(%arg24 : memref<!tpu.dma_semaphore, #tpu.memory_space<semaphore_mem>>) src(%dma_wait3A_353 : memref<4x20x128xf32, #tpu.memory_space<vmem>>) dst(%dma_wait3A_352 : memref<4x20x128xf32, #tpu.memory_space<hbm>>)
    %mul3A_354 = arith.constant 40 : i32
    %mul3A_355 = arith.muli %add3A, %mul3A_354 : i32
    %dma_start3A_356 = arith.constant 1 : i32
    %dma_start3A_357 = arith.constant 3 : i32
    %dma_start3A_358 = arith.constant 0 : i32
    %dma_start3A_359 = tpu.memref_slice %arg10[%dma_start3A_357, %dma_start3A_358] : memref<128x80xi32, #tpu.memory_space<vmem>> -> memref<1x80xi32, #tpu.memory_space<vmem>>
    %dma_start3A_360 = tpu.memref_squeeze %dma_start3A_359 : memref<1x80xi32, #tpu.memory_space<vmem>> -> memref<80xi32, #tpu.memory_space<vmem>>
    %dma_start3A_361 = arith.constant 0 : i32
    %dma_start3A_362 = arith.constant 0 : i32
    %dma_start3A_363 = tpu.memref_slice %arg3[%dma_start3A_356, %dma_start3A_361, %dma_start3A_362] : memref<5x1280x128xf32, #tpu.memory_space<hbm>> -> memref<1x1280x128xf32, #tpu.memory_space<hbm>>
    %dma_start3A_364 = tpu.memref_squeeze %dma_start3A_363 : memref<1x1280x128xf32, #tpu.memory_space<hbm>> -> memref<1280x128xf32, #tpu.memory_space<hbm>>
    %dma_start3A_365 = arith.constant 0 : i32
    %dma_start3A_366 = tpu.memref_slice %dma_start3A_364[%mul3A_355, %dma_start3A_365] : memref<1280x128xf32, #tpu.memory_space<hbm>> -> memref<40x128xf32, #tpu.memory_space<hbm>>
    %dma_start3A_367 = arith.constant 0 : i32
    %dma_start3A_368 = arith.constant 0 : i32
    %dma_start3A_369 = tpu.memref_slice %dma_start3A_366[%dma_start3A_367, %dma_start3A_368] : memref<40x128xf32, #tpu.memory_space<hbm>> -> memref<40x128xf32, #tpu.memory_space<hbm>>
    tpu.enqueue_indirect_dma source(%dma_start3A_369 : memref<40x128xf32, #tpu.memory_space<hbm>>) target(%arg14 : memref<80x128xf32, #tpu.memory_space<vmem>>) offsets(%dma_start3A_360 : memref<80xi32, #tpu.memory_space<vmem>>) semaphore(%arg20 : memref<!tpu.dma_semaphore, #tpu.memory_space<semaphore_mem>>)
    %mul3A_370 = arith.constant 40 : i32
    %mul3A_371 = arith.muli %add3A, %mul3A_370 : i32
    %dma_wait3A_372 = arith.constant 1 : i32
    %dma_wait3A_373 = arith.constant 1 : i32
    %dma_wait3A_374 = arith.constant 0 : i32
    %dma_wait3A_375 = tpu.memref_slice %arg10[%dma_wait3A_373, %dma_wait3A_374] : memref<128x80xi32, #tpu.memory_space<vmem>> -> memref<1x80xi32, #tpu.memory_space<vmem>>
    %dma_wait3A_376 = tpu.memref_squeeze %dma_wait3A_375 : memref<1x80xi32, #tpu.memory_space<vmem>> -> memref<80xi32, #tpu.memory_space<vmem>>
    %dma_wait3A_377 = arith.constant 0 : i32
    %dma_wait3A_378 = arith.constant 0 : i32
    %dma_wait3A_379 = tpu.memref_slice %arg3[%dma_wait3A_372, %dma_wait3A_377, %dma_wait3A_378] : memref<5x1280x128xf32, #tpu.memory_space<hbm>> -> memref<1x1280x128xf32, #tpu.memory_space<hbm>>
    %dma_wait3A_380 = tpu.memref_squeeze %dma_wait3A_379 : memref<1x1280x128xf32, #tpu.memory_space<hbm>> -> memref<1280x128xf32, #tpu.memory_space<hbm>>
    %dma_wait3A_381 = arith.constant 0 : i32
    %dma_wait3A_382 = tpu.memref_slice %dma_wait3A_380[%mul3A_371, %dma_wait3A_381] : memref<1280x128xf32, #tpu.memory_space<hbm>> -> memref<40x128xf32, #tpu.memory_space<hbm>>
    %dma_wait3A_383 = arith.constant 0 : i32
    %dma_wait3A_384 = arith.constant 0 : i32
    %dma_wait3A_385 = tpu.memref_slice %dma_wait3A_382[%dma_wait3A_383, %dma_wait3A_384] : memref<40x128xf32, #tpu.memory_space<hbm>> -> memref<40x128xf32, #tpu.memory_space<hbm>>
    tpu.wait_indirect_dma semaphore(%arg18 : memref<!tpu.dma_semaphore, #tpu.memory_space<semaphore_mem>>) src(%dma_wait3A_385 : memref<40x128xf32, #tpu.memory_space<hbm>>) dst(%arg12 : memref<80x128xf32, #tpu.memory_space<vmem>>)
    %add3A_386 = arith.constant 4 : i32
    %add3A_387 = arith.addi %mul3A_2, %add3A_386 : i32
    %dma_start3A_388 = tpu.memref_reshape %arg12 : memref<80x128xf32, #tpu.memory_space<vmem>> -> memref<4x20x128xf32, #tpu.memory_space<vmem>>
    %dma_start3A_389 = arith.constant 0 : i32
    %dma_start3A_390 = arith.constant 0 : i32
    %dma_start3A_391 = tpu.memref_slice %arg5[%add3A_387, %dma_start3A_389, %dma_start3A_390] : memref<16384x20x128xf32, #tpu.memory_space<hbm>> -> memref<4x20x128xf32, #tpu.memory_space<hbm>>
    %dma_start3A_392 = arith.constant 0 : i32
    %dma_start3A_393 = arith.constant 0 : i32
    %dma_start3A_394 = tpu.memref_slice %arg5[%add3A_387, %dma_start3A_392, %dma_start3A_393] : memref<16384x20x128xf32, #tpu.memory_space<hbm>> -> memref<4x20x128xf32, #tpu.memory_space<hbm>>
    %dma_start3A_395 = tpu.memref_reshape %arg12 : memref<80x128xf32, #tpu.memory_space<vmem>> -> memref<4x20x128xf32, #tpu.memory_space<vmem>>
    tpu.enqueue_dma source(%dma_start3A_395 : memref<4x20x128xf32, #tpu.memory_space<vmem>>) target(%dma_start3A_394 : memref<4x20x128xf32, #tpu.memory_space<hbm>>) target_semaphore(%arg22 : memref<!tpu.dma_semaphore, #tpu.memory_space<semaphore_mem>>)
    %scan3A_396 = arith.constant 0 : i32
    %scan3A_397 = arith.constant 31 : i32
    %scan3A_398 = arith.addi %scan3A_396, %scan3A_397 : i32
    %scan3A_399 = arith.constant 1 : i32
    scf.for %scan3A_1197 = %scan3A_396 to %scan3A_398 step %scan3A_399  : i32 {
      %mul3A_1198 = arith.constant 1 : i32
      %mul3A_1199 = arith.muli %scan3A_1197, %mul3A_1198 : i32
      %add3A_1200 = arith.constant 1 : i32
      %add3A_1201 = arith.addi %add3A_1200, %mul3A_1199 : i32
      %mul3A_1202 = arith.constant 4 : i32
      %mul3A_1203 = arith.muli %add3A_1201, %mul3A_1202 : i32
      %add3A_1204 = arith.constant 0 : i32
      %add3A_1205 = arith.addi %mul3A_1203, %add3A_1204 : i32
      %sub3A = arith.constant 4 : i32
      %sub3A_1206 = arith.subi %add3A_1205, %sub3A : i32
      %mul3A_1207 = arith.constant 4 : i32
      %mul3A_1208 = arith.muli %sub3A_1206, %mul3A_1207 : i32
      %add3A_1209 = arith.addi %mul3A_2, %mul3A_1208 : i32
      %dma_wait3A_1210 = tpu.memref_reshape %arg11 : memref<80x128xf32, #tpu.memory_space<vmem>> -> memref<4x20x128xf32, #tpu.memory_space<vmem>>
      %dma_wait3A_1211 = arith.constant 0 : i32
      %dma_wait3A_1212 = arith.constant 0 : i32
      %dma_wait3A_1213 = tpu.memref_slice %arg5[%add3A_1209, %dma_wait3A_1211, %dma_wait3A_1212] : memref<16384x20x128xf32, #tpu.memory_space<hbm>> -> memref<4x20x128xf32, #tpu.memory_space<hbm>>
      %dma_wait3A_1214 = arith.constant 0 : i32
      %dma_wait3A_1215 = arith.constant 0 : i32
      %dma_wait3A_1216 = tpu.memref_slice %arg5[%add3A_1209, %dma_wait3A_1214, %dma_wait3A_1215] : memref<16384x20x128xf32, #tpu.memory_space<hbm>> -> memref<4x20x128xf32, #tpu.memory_space<hbm>>
      %dma_wait3A_1217 = tpu.memref_reshape %arg11 : memref<80x128xf32, #tpu.memory_space<vmem>> -> memref<4x20x128xf32, #tpu.memory_space<vmem>>
      tpu.wait_dma2 semaphore(%arg21 : memref<!tpu.dma_semaphore, #tpu.memory_space<semaphore_mem>>) src(%dma_wait3A_1217 : memref<4x20x128xf32, #tpu.memory_space<vmem>>) dst(%dma_wait3A_1216 : memref<4x20x128xf32, #tpu.memory_space<hbm>>)
      %mul3A_1218 = arith.constant 40 : i32
      %mul3A_1219 = arith.muli %add3A, %mul3A_1218 : i32
      %dma_start3A_1220 = arith.constant 1 : i32
      %dma_start3A_1221 = arith.constant 0 : i32
      %dma_start3A_1222 = tpu.memref_slice %arg10[%add3A_1205, %dma_start3A_1221] : memref<128x80xi32, #tpu.memory_space<vmem>> -> memref<1x80xi32, #tpu.memory_space<vmem>>
      %dma_start3A_1223 = tpu.memref_squeeze %dma_start3A_1222 : memref<1x80xi32, #tpu.memory_space<vmem>> -> memref<80xi32, #tpu.memory_space<vmem>>
      %dma_start3A_1224 = arith.constant 0 : i32
      %dma_start3A_1225 = arith.constant 0 : i32
      %dma_start3A_1226 = tpu.memref_slice %arg3[%dma_start3A_1220, %dma_start3A_1224, %dma_start3A_1225] : memref<5x1280x128xf32, #tpu.memory_space<hbm>> -> memref<1x1280x128xf32, #tpu.memory_space<hbm>>
      %dma_start3A_1227 = tpu.memref_squeeze %dma_start3A_1226 : memref<1x1280x128xf32, #tpu.memory_space<hbm>> -> memref<1280x128xf32, #tpu.memory_space<hbm>>
      %dma_start3A_1228 = arith.constant 0 : i32
      %dma_start3A_1229 = tpu.memref_slice %dma_start3A_1227[%mul3A_1219, %dma_start3A_1228] : memref<1280x128xf32, #tpu.memory_space<hbm>> -> memref<40x128xf32, #tpu.memory_space<hbm>>
      %dma_start3A_1230 = arith.constant 0 : i32
      %dma_start3A_1231 = arith.constant 0 : i32
      %dma_start3A_1232 = tpu.memref_slice %dma_start3A_1229[%dma_start3A_1230, %dma_start3A_1231] : memref<40x128xf32, #tpu.memory_space<hbm>> -> memref<40x128xf32, #tpu.memory_space<hbm>>
      tpu.enqueue_indirect_dma source(%dma_start3A_1232 : memref<40x128xf32, #tpu.memory_space<hbm>>) target(%arg11 : memref<80x128xf32, #tpu.memory_space<vmem>>) offsets(%dma_start3A_1223 : memref<80xi32, #tpu.memory_space<vmem>>) semaphore(%arg17 : memref<!tpu.dma_semaphore, #tpu.memory_space<semaphore_mem>>)
      %sub3A_1233 = arith.constant 2 : i32
      %sub3A_1234 = arith.subi %add3A_1205, %sub3A_1233 : i32
      %mul3A_1235 = arith.constant 40 : i32
      %mul3A_1236 = arith.muli %add3A, %mul3A_1235 : i32
      %dma_wait3A_1237 = arith.constant 1 : i32
      %dma_wait3A_1238 = arith.constant 0 : i32
      %dma_wait3A_1239 = tpu.memref_slice %arg10[%sub3A_1234, %dma_wait3A_1238] : memref<128x80xi32, #tpu.memory_space<vmem>> -> memref<1x80xi32, #tpu.memory_space<vmem>>
      %dma_wait3A_1240 = tpu.memref_squeeze %dma_wait3A_1239 : memref<1x80xi32, #tpu.memory_space<vmem>> -> memref<80xi32, #tpu.memory_space<vmem>>
      %dma_wait3A_1241 = arith.constant 0 : i32
      %dma_wait3A_1242 = arith.constant 0 : i32
      %dma_wait3A_1243 = tpu.memref_slice %arg3[%dma_wait3A_1237, %dma_wait3A_1241, %dma_wait3A_1242] : memref<5x1280x128xf32, #tpu.memory_space<hbm>> -> memref<1x1280x128xf32, #tpu.memory_space<hbm>>
      %dma_wait3A_1244 = tpu.memref_squeeze %dma_wait3A_1243 : memref<1x1280x128xf32, #tpu.memory_space<hbm>> -> memref<1280x128xf32, #tpu.memory_space<hbm>>
      %dma_wait3A_1245 = arith.constant 0 : i32
      %dma_wait3A_1246 = tpu.memref_slice %dma_wait3A_1244[%mul3A_1236, %dma_wait3A_1245] : memref<1280x128xf32, #tpu.memory_space<hbm>> -> memref<40x128xf32, #tpu.memory_space<hbm>>
      %dma_wait3A_1247 = arith.constant 0 : i32
      %dma_wait3A_1248 = arith.constant 0 : i32
      %dma_wait3A_1249 = tpu.memref_slice %dma_wait3A_1246[%dma_wait3A_1247, %dma_wait3A_1248] : memref<40x128xf32, #tpu.memory_space<hbm>> -> memref<40x128xf32, #tpu.memory_space<hbm>>
      tpu.wait_indirect_dma semaphore(%arg19 : memref<!tpu.dma_semaphore, #tpu.memory_space<semaphore_mem>>) src(%dma_wait3A_1249 : memref<40x128xf32, #tpu.memory_space<hbm>>) dst(%arg13 : memref<80x128xf32, #tpu.memory_space<vmem>>)
      %sub3A_1250 = arith.constant 2 : i32
      %sub3A_1251 = arith.subi %add3A_1205, %sub3A_1250 : i32
      %mul3A_1252 = arith.constant 4 : i32
      %mul3A_1253 = arith.muli %sub3A_1251, %mul3A_1252 : i32
      %add3A_1254 = arith.addi %mul3A_2, %mul3A_1253 : i32
      %dma_start3A_1255 = tpu.memref_reshape %arg13 : memref<80x128xf32, #tpu.memory_space<vmem>> -> memref<4x20x128xf32, #tpu.memory_space<vmem>>
      %dma_start3A_1256 = arith.constant 0 : i32
      %dma_start3A_1257 = arith.constant 0 : i32
      %dma_start3A_1258 = tpu.memref_slice %arg5[%add3A_1254, %dma_start3A_1256, %dma_start3A_1257] : memref<16384x20x128xf32, #tpu.memory_space<hbm>> -> memref<4x20x128xf32, #tpu.memory_space<hbm>>
      %dma_start3A_1259 = arith.constant 0 : i32
      %dma_start3A_1260 = arith.constant 0 : i32
      %dma_start3A_1261 = tpu.memref_slice %arg5[%add3A_1254, %dma_start3A_1259, %dma_start3A_1260] : memref<16384x20x128xf32, #tpu.memory_space<hbm>> -> memref<4x20x128xf32, #tpu.memory_space<hbm>>
      %dma_start3A_1262 = tpu.memref_reshape %arg13 : memref<80x128xf32, #tpu.memory_space<vmem>> -> memref<4x20x128xf32, #tpu.memory_space<vmem>>
      tpu.enqueue_dma source(%dma_start3A_1262 : memref<4x20x128xf32, #tpu.memory_space<vmem>>) target(%dma_start3A_1261 : memref<4x20x128xf32, #tpu.memory_space<hbm>>) target_semaphore(%arg23 : memref<!tpu.dma_semaphore, #tpu.memory_space<semaphore_mem>>)
      %mul3A_1263 = arith.constant 4 : i32
      %mul3A_1264 = arith.muli %add3A_1201, %mul3A_1263 : i32
      %add3A_1265 = arith.constant 1 : i32
      %add3A_1266 = arith.addi %mul3A_1264, %add3A_1265 : i32
      %sub3A_1267 = arith.constant 4 : i32
      %sub3A_1268 = arith.subi %add3A_1266, %sub3A_1267 : i32
      %mul3A_1269 = arith.constant 4 : i32
      %mul3A_1270 = arith.muli %sub3A_1268, %mul3A_1269 : i32
      %add3A_1271 = arith.addi %mul3A_2, %mul3A_1270 : i32
      %dma_wait3A_1272 = tpu.memref_reshape %arg12 : memref<80x128xf32, #tpu.memory_space<vmem>> -> memref<4x20x128xf32, #tpu.memory_space<vmem>>
      %dma_wait3A_1273 = arith.constant 0 : i32
      %dma_wait3A_1274 = arith.constant 0 : i32
      %dma_wait3A_1275 = tpu.memref_slice %arg5[%add3A_1271, %dma_wait3A_1273, %dma_wait3A_1274] : memref<16384x20x128xf32, #tpu.memory_space<hbm>> -> memref<4x20x128xf32, #tpu.memory_space<hbm>>
      %dma_wait3A_1276 = arith.constant 0 : i32
      %dma_wait3A_1277 = arith.constant 0 : i32
      %dma_wait3A_1278 = tpu.memref_slice %arg5[%add3A_1271, %dma_wait3A_1276, %dma_wait3A_1277] : memref<16384x20x128xf32, #tpu.memory_space<hbm>> -> memref<4x20x128xf32, #tpu.memory_space<hbm>>
      %dma_wait3A_1279 = tpu.memref_reshape %arg12 : memref<80x128xf32, #tpu.memory_space<vmem>> -> memref<4x20x128xf32, #tpu.memory_space<vmem>>
      tpu.wait_dma2 semaphore(%arg22 : memref<!tpu.dma_semaphore, #tpu.memory_space<semaphore_mem>>) src(%dma_wait3A_1279 : memref<4x20x128xf32, #tpu.memory_space<vmem>>) dst(%dma_wait3A_1278 : memref<4x20x128xf32, #tpu.memory_space<hbm>>)
      %mul3A_1280 = arith.constant 40 : i32
      %mul3A_1281 = arith.muli %add3A, %mul3A_1280 : i32
      %dma_start3A_1282 = arith.constant 1 : i32
      %dma_start3A_1283 = arith.constant 0 : i32
      %dma_start3A_1284 = tpu.memref_slice %arg10[%add3A_1266, %dma_start3A_1283] : memref<128x80xi32, #tpu.memory_space<vmem>> -> memref<1x80xi32, #tpu.memory_space<vmem>>
      %dma_start3A_1285 = tpu.memref_squeeze %dma_start3A_1284 : memref<1x80xi32, #tpu.memory_space<vmem>> -> memref<80xi32, #tpu.memory_space<vmem>>
      %dma_start3A_1286 = arith.constant 0 : i32
      %dma_start3A_1287 = arith.constant 0 : i32
      %dma_start3A_1288 = tpu.memref_slice %arg3[%dma_start3A_1282, %dma_start3A_1286, %dma_start3A_1287] : memref<5x1280x128xf32, #tpu.memory_space<hbm>> -> memref<1x1280x128xf32, #tpu.memory_space<hbm>>
      %dma_start3A_1289 = tpu.memref_squeeze %dma_start3A_1288 : memref<1x1280x128xf32, #tpu.memory_space<hbm>> -> memref<1280x128xf32, #tpu.memory_space<hbm>>
      %dma_start3A_1290 = arith.constant 0 : i32
      %dma_start3A_1291 = tpu.memref_slice %dma_start3A_1289[%mul3A_1281, %dma_start3A_1290] : memref<1280x128xf32, #tpu.memory_space<hbm>> -> memref<40x128xf32, #tpu.memory_space<hbm>>
      %dma_start3A_1292 = arith.constant 0 : i32
      %dma_start3A_1293 = arith.constant 0 : i32
      %dma_start3A_1294 = tpu.memref_slice %dma_start3A_1291[%dma_start3A_1292, %dma_start3A_1293] : memref<40x128xf32, #tpu.memory_space<hbm>> -> memref<40x128xf32, #tpu.memory_space<hbm>>
      tpu.enqueue_indirect_dma source(%dma_start3A_1294 : memref<40x128xf32, #tpu.memory_space<hbm>>) target(%arg12 : memref<80x128xf32, #tpu.memory_space<vmem>>) offsets(%dma_start3A_1285 : memref<80xi32, #tpu.memory_space<vmem>>) semaphore(%arg18 : memref<!tpu.dma_semaphore, #tpu.memory_space<semaphore_mem>>)
      %sub3A_1295 = arith.constant 2 : i32
      %sub3A_1296 = arith.subi %add3A_1266, %sub3A_1295 : i32
      %mul3A_1297 = arith.constant 40 : i32
      %mul3A_1298 = arith.muli %add3A, %mul3A_1297 : i32
      %dma_wait3A_1299 = arith.constant 1 : i32
      %dma_wait3A_1300 = arith.constant 0 : i32
      %dma_wait3A_1301 = tpu.memref_slice %arg10[%sub3A_1296, %dma_wait3A_1300] : memref<128x80xi32, #tpu.memory_space<vmem>> -> memref<1x80xi32, #tpu.memory_space<vmem>>
      %dma_wait3A_1302 = tpu.memref_squeeze %dma_wait3A_1301 : memref<1x80xi32, #tpu.memory_space<vmem>> -> memref<80xi32, #tpu.memory_space<vmem>>
      %dma_wait3A_1303 = arith.constant 0 : i32
      %dma_wait3A_1304 = arith.constant 0 : i32
      %dma_wait3A_1305 = tpu.memref_slice %arg3[%dma_wait3A_1299, %dma_wait3A_1303, %dma_wait3A_1304] : memref<5x1280x128xf32, #tpu.memory_space<hbm>> -> memref<1x1280x128xf32, #tpu.memory_space<hbm>>
      %dma_wait3A_1306 = tpu.memref_squeeze %dma_wait3A_1305 : memref<1x1280x128xf32, #tpu.memory_space<hbm>> -> memref<1280x128xf32, #tpu.memory_space<hbm>>
      %dma_wait3A_1307 = arith.constant 0 : i32
      %dma_wait3A_1308 = tpu.memref_slice %dma_wait3A_1306[%mul3A_1298, %dma_wait3A_1307] : memref<1280x128xf32, #tpu.memory_space<hbm>> -> memref<40x128xf32, #tpu.memory_space<hbm>>
      %dma_wait3A_1309 = arith.constant 0 : i32
      %dma_wait3A_1310 = arith.constant 0 : i32
      %dma_wait3A_1311 = tpu.memref_slice %dma_wait3A_1308[%dma_wait3A_1309, %dma_wait3A_1310] : memref<40x128xf32, #tpu.memory_space<hbm>> -> memref<40x128xf32, #tpu.memory_space<hbm>>
      tpu.wait_indirect_dma semaphore(%arg20 : memref<!tpu.dma_semaphore, #tpu.memory_space<semaphore_mem>>) src(%dma_wait3A_1311 : memref<40x128xf32, #tpu.memory_space<hbm>>) dst(%arg14 : memref<80x128xf32, #tpu.memory_space<vmem>>)
      %sub3A_1312 = arith.constant 2 : i32
      %sub3A_1313 = arith.subi %add3A_1266, %sub3A_1312 : i32
      %mul3A_1314 = arith.constant 4 : i32
      %mul3A_1315 = arith.muli %sub3A_1313, %mul3A_1314 : i32
      %add3A_1316 = arith.addi %mul3A_2, %mul3A_1315 : i32
      %dma_start3A_1317 = tpu.memref_reshape %arg14 : memref<80x128xf32, #tpu.memory_space<vmem>> -> memref<4x20x128xf32, #tpu.memory_space<vmem>>
      %dma_start3A_1318 = arith.constant 0 : i32
      %dma_start3A_1319 = arith.constant 0 : i32
      %dma_start3A_1320 = tpu.memref_slice %arg5[%add3A_1316, %dma_start3A_1318, %dma_start3A_1319] : memref<16384x20x128xf32, #tpu.memory_space<hbm>> -> memref<4x20x128xf32, #tpu.memory_space<hbm>>
      %dma_start3A_1321 = arith.constant 0 : i32
      %dma_start3A_1322 = arith.constant 0 : i32
      %dma_start3A_1323 = tpu.memref_slice %arg5[%add3A_1316, %dma_start3A_1321, %dma_start3A_1322] : memref<16384x20x128xf32, #tpu.memory_space<hbm>> -> memref<4x20x128xf32, #tpu.memory_space<hbm>>
      %dma_start3A_1324 = tpu.memref_reshape %arg14 : memref<80x128xf32, #tpu.memory_space<vmem>> -> memref<4x20x128xf32, #tpu.memory_space<vmem>>
      tpu.enqueue_dma source(%dma_start3A_1324 : memref<4x20x128xf32, #tpu.memory_space<vmem>>) target(%dma_start3A_1323 : memref<4x20x128xf32, #tpu.memory_space<hbm>>) target_semaphore(%arg24 : memref<!tpu.dma_semaphore, #tpu.memory_space<semaphore_mem>>)
      %mul3A_1325 = arith.constant 4 : i32
      %mul3A_1326 = arith.muli %add3A_1201, %mul3A_1325 : i32
      %add3A_1327 = arith.constant 2 : i32
      %add3A_1328 = arith.addi %mul3A_1326, %add3A_1327 : i32
      %sub3A_1329 = arith.constant 4 : i32
      %sub3A_1330 = arith.subi %add3A_1328, %sub3A_1329 : i32
      %mul3A_1331 = arith.constant 4 : i32
      %mul3A_1332 = arith.muli %sub3A_1330, %mul3A_1331 : i32
      %add3A_1333 = arith.addi %mul3A_2, %mul3A_1332 : i32
      %dma_wait3A_1334 = tpu.memref_reshape %arg13 : memref<80x128xf32, #tpu.memory_space<vmem>> -> memref<4x20x128xf32, #tpu.memory_space<vmem>>
      %dma_wait3A_1335 = arith.constant 0 : i32
      %dma_wait3A_1336 = arith.constant 0 : i32
      %dma_wait3A_1337 = tpu.memref_slice %arg5[%add3A_1333, %dma_wait3A_1335, %dma_wait3A_1336] : memref<16384x20x128xf32, #tpu.memory_space<hbm>> -> memref<4x20x128xf32, #tpu.memory_space<hbm>>
      %dma_wait3A_1338 = arith.constant 0 : i32
      %dma_wait3A_1339 = arith.constant 0 : i32
      %dma_wait3A_1340 = tpu.memref_slice %arg5[%add3A_1333, %dma_wait3A_1338, %dma_wait3A_1339] : memref<16384x20x128xf32, #tpu.memory_space<hbm>> -> memref<4x20x128xf32, #tpu.memory_space<hbm>>
      %dma_wait3A_1341 = tpu.memref_reshape %arg13 : memref<80x128xf32, #tpu.memory_space<vmem>> -> memref<4x20x128xf32, #tpu.memory_space<vmem>>
      tpu.wait_dma2 semaphore(%arg23 : memref<!tpu.dma_semaphore, #tpu.memory_space<semaphore_mem>>) src(%dma_wait3A_1341 : memref<4x20x128xf32, #tpu.memory_space<vmem>>) dst(%dma_wait3A_1340 : memref<4x20x128xf32, #tpu.memory_space<hbm>>)
      %mul3A_1342 = arith.constant 40 : i32
      %mul3A_1343 = arith.muli %add3A, %mul3A_1342 : i32
      %dma_start3A_1344 = arith.constant 1 : i32
      %dma_start3A_1345 = arith.constant 0 : i32
      %dma_start3A_1346 = tpu.memref_slice %arg10[%add3A_1328, %dma_start3A_1345] : memref<128x80xi32, #tpu.memory_space<vmem>> -> memref<1x80xi32, #tpu.memory_space<vmem>>
      %dma_start3A_1347 = tpu.memref_squeeze %dma_start3A_1346 : memref<1x80xi32, #tpu.memory_space<vmem>> -> memref<80xi32, #tpu.memory_space<vmem>>
      %dma_start3A_1348 = arith.constant 0 : i32
      %dma_start3A_1349 = arith.constant 0 : i32
      %dma_start3A_1350 = tpu.memref_slice %arg3[%dma_start3A_1344, %dma_start3A_1348, %dma_start3A_1349] : memref<5x1280x128xf32, #tpu.memory_space<hbm>> -> memref<1x1280x128xf32, #tpu.memory_space<hbm>>
      %dma_start3A_1351 = tpu.memref_squeeze %dma_start3A_1350 : memref<1x1280x128xf32, #tpu.memory_space<hbm>> -> memref<1280x128xf32, #tpu.memory_space<hbm>>
      %dma_start3A_1352 = arith.constant 0 : i32
      %dma_start3A_1353 = tpu.memref_slice %dma_start3A_1351[%mul3A_1343, %dma_start3A_1352] : memref<1280x128xf32, #tpu.memory_space<hbm>> -> memref<40x128xf32, #tpu.memory_space<hbm>>
      %dma_start3A_1354 = arith.constant 0 : i32
      %dma_start3A_1355 = arith.constant 0 : i32
      %dma_start3A_1356 = tpu.memref_slice %dma_start3A_1353[%dma_start3A_1354, %dma_start3A_1355] : memref<40x128xf32, #tpu.memory_space<hbm>> -> memref<40x128xf32, #tpu.memory_space<hbm>>
      tpu.enqueue_indirect_dma source(%dma_start3A_1356 : memref<40x128xf32, #tpu.memory_space<hbm>>) target(%arg13 : memref<80x128xf32, #tpu.memory_space<vmem>>) offsets(%dma_start3A_1347 : memref<80xi32, #tpu.memory_space<vmem>>) semaphore(%arg19 : memref<!tpu.dma_semaphore, #tpu.memory_space<semaphore_mem>>)
      %sub3A_1357 = arith.constant 2 : i32
      %sub3A_1358 = arith.subi %add3A_1328, %sub3A_1357 : i32
      %mul3A_1359 = arith.constant 40 : i32
      %mul3A_1360 = arith.muli %add3A, %mul3A_1359 : i32
      %dma_wait3A_1361 = arith.constant 1 : i32
      %dma_wait3A_1362 = arith.constant 0 : i32
      %dma_wait3A_1363 = tpu.memref_slice %arg10[%sub3A_1358, %dma_wait3A_1362] : memref<128x80xi32, #tpu.memory_space<vmem>> -> memref<1x80xi32, #tpu.memory_space<vmem>>
      %dma_wait3A_1364 = tpu.memref_squeeze %dma_wait3A_1363 : memref<1x80xi32, #tpu.memory_space<vmem>> -> memref<80xi32, #tpu.memory_space<vmem>>
      %dma_wait3A_1365 = arith.constant 0 : i32
      %dma_wait3A_1366 = arith.constant 0 : i32
      %dma_wait3A_1367 = tpu.memref_slice %arg3[%dma_wait3A_1361, %dma_wait3A_1365, %dma_wait3A_1366] : memref<5x1280x128xf32, #tpu.memory_space<hbm>> -> memref<1x1280x128xf32, #tpu.memory_space<hbm>>
      %dma_wait3A_1368 = tpu.memref_squeeze %dma_wait3A_1367 : memref<1x1280x128xf32, #tpu.memory_space<hbm>> -> memref<1280x128xf32, #tpu.memory_space<hbm>>
      %dma_wait3A_1369 = arith.constant 0 : i32
      %dma_wait3A_1370 = tpu.memref_slice %dma_wait3A_1368[%mul3A_1360, %dma_wait3A_1369] : memref<1280x128xf32, #tpu.memory_space<hbm>> -> memref<40x128xf32, #tpu.memory_space<hbm>>
      %dma_wait3A_1371 = arith.constant 0 : i32
      %dma_wait3A_1372 = arith.constant 0 : i32
      %dma_wait3A_1373 = tpu.memref_slice %dma_wait3A_1370[%dma_wait3A_1371, %dma_wait3A_1372] : memref<40x128xf32, #tpu.memory_space<hbm>> -> memref<40x128xf32, #tpu.memory_space<hbm>>
      tpu.wait_indirect_dma semaphore(%arg17 : memref<!tpu.dma_semaphore, #tpu.memory_space<semaphore_mem>>) src(%dma_wait3A_1373 : memref<40x128xf32, #tpu.memory_space<hbm>>) dst(%arg11 : memref<80x128xf32, #tpu.memory_space<vmem>>)
      %sub3A_1374 = arith.constant 2 : i32
      %sub3A_1375 = arith.subi %add3A_1328, %sub3A_1374 : i32
      %mul3A_1376 = arith.constant 4 : i32
      %mul3A_1377 = arith.muli %sub3A_1375, %mul3A_1376 : i32
      %add3A_1378 = arith.addi %mul3A_2, %mul3A_1377 : i32
      %dma_start3A_1379 = tpu.memref_reshape %arg11 : memref<80x128xf32, #tpu.memory_space<vmem>> -> memref<4x20x128xf32, #tpu.memory_space<vmem>>
      %dma_start3A_1380 = arith.constant 0 : i32
      %dma_start3A_1381 = arith.constant 0 : i32
      %dma_start3A_1382 = tpu.memref_slice %arg5[%add3A_1378, %dma_start3A_1380, %dma_start3A_1381] : memref<16384x20x128xf32, #tpu.memory_space<hbm>> -> memref<4x20x128xf32, #tpu.memory_space<hbm>>
      %dma_start3A_1383 = arith.constant 0 : i32
      %dma_start3A_1384 = arith.constant 0 : i32
      %dma_start3A_1385 = tpu.memref_slice %arg5[%add3A_1378, %dma_start3A_1383, %dma_start3A_1384] : memref<16384x20x128xf32, #tpu.memory_space<hbm>> -> memref<4x20x128xf32, #tpu.memory_space<hbm>>
      %dma_start3A_1386 = tpu.memref_reshape %arg11 : memref<80x128xf32, #tpu.memory_space<vmem>> -> memref<4x20x128xf32, #tpu.memory_space<vmem>>
      tpu.enqueue_dma source(%dma_start3A_1386 : memref<4x20x128xf32, #tpu.memory_space<vmem>>) target(%dma_start3A_1385 : memref<4x20x128xf32, #tpu.memory_space<hbm>>) target_semaphore(%arg21 : memref<!tpu.dma_semaphore, #tpu.memory_space<semaphore_mem>>)
      %mul3A_1387 = arith.constant 4 : i32
      %mul3A_1388 = arith.muli %add3A_1201, %mul3A_1387 : i32
      %add3A_1389 = arith.constant 3 : i32
      %add3A_1390 = arith.addi %mul3A_1388, %add3A_1389 : i32
      %sub3A_1391 = arith.constant 4 : i32
      %sub3A_1392 = arith.subi %add3A_1390, %sub3A_1391 : i32
      %mul3A_1393 = arith.constant 4 : i32
      %mul3A_1394 = arith.muli %sub3A_1392, %mul3A_1393 : i32
      %add3A_1395 = arith.addi %mul3A_2, %mul3A_1394 : i32
      %dma_wait3A_1396 = tpu.memref_reshape %arg14 : memref<80x128xf32, #tpu.memory_space<vmem>> -> memref<4x20x128xf32, #tpu.memory_space<vmem>>
      %dma_wait3A_1397 = arith.constant 0 : i32
      %dma_wait3A_1398 = arith.constant 0 : i32
      %dma_wait3A_1399 = tpu.memref_slice %arg5[%add3A_1395, %dma_wait3A_1397, %dma_wait3A_1398] : memref<16384x20x128xf32, #tpu.memory_space<hbm>> -> memref<4x20x128xf32, #tpu.memory_space<hbm>>
      %dma_wait3A_1400 = arith.constant 0 : i32
      %dma_wait3A_1401 = arith.constant 0 : i32
      %dma_wait3A_1402 = tpu.memref_slice %arg5[%add3A_1395, %dma_wait3A_1400, %dma_wait3A_1401] : memref<16384x20x128xf32, #tpu.memory_space<hbm>> -> memref<4x20x128xf32, #tpu.memory_space<hbm>>
      %dma_wait3A_1403 = tpu.memref_reshape %arg14 : memref<80x128xf32, #tpu.memory_space<vmem>> -> memref<4x20x128xf32, #tpu.memory_space<vmem>>
      tpu.wait_dma2 semaphore(%arg24 : memref<!tpu.dma_semaphore, #tpu.memory_space<semaphore_mem>>) src(%dma_wait3A_1403 : memref<4x20x128xf32, #tpu.memory_space<vmem>>) dst(%dma_wait3A_1402 : memref<4x20x128xf32, #tpu.memory_space<hbm>>)
      %mul3A_1404 = arith.constant 40 : i32
      %mul3A_1405 = arith.muli %add3A, %mul3A_1404 : i32
      %dma_start3A_1406 = arith.constant 1 : i32
      %dma_start3A_1407 = arith.constant 0 : i32
      %dma_start3A_1408 = tpu.memref_slice %arg10[%add3A_1390, %dma_start3A_1407] : memref<128x80xi32, #tpu.memory_space<vmem>> -> memref<1x80xi32, #tpu.memory_space<vmem>>
      %dma_start3A_1409 = tpu.memref_squeeze %dma_start3A_1408 : memref<1x80xi32, #tpu.memory_space<vmem>> -> memref<80xi32, #tpu.memory_space<vmem>>
      %dma_start3A_1410 = arith.constant 0 : i32
      %dma_start3A_1411 = arith.constant 0 : i32
      %dma_start3A_1412 = tpu.memref_slice %arg3[%dma_start3A_1406, %dma_start3A_1410, %dma_start3A_1411] : memref<5x1280x128xf32, #tpu.memory_space<hbm>> -> memref<1x1280x128xf32, #tpu.memory_space<hbm>>
      %dma_start3A_1413 = tpu.memref_squeeze %dma_start3A_1412 : memref<1x1280x128xf32, #tpu.memory_space<hbm>> -> memref<1280x128xf32, #tpu.memory_space<hbm>>
      %dma_start3A_1414 = arith.constant 0 : i32
      %dma_start3A_1415 = tpu.memref_slice %dma_start3A_1413[%mul3A_1405, %dma_start3A_1414] : memref<1280x128xf32, #tpu.memory_space<hbm>> -> memref<40x128xf32, #tpu.memory_space<hbm>>
      %dma_start3A_1416 = arith.constant 0 : i32
      %dma_start3A_1417 = arith.constant 0 : i32
      %dma_start3A_1418 = tpu.memref_slice %dma_start3A_1415[%dma_start3A_1416, %dma_start3A_1417] : memref<40x128xf32, #tpu.memory_space<hbm>> -> memref<40x128xf32, #tpu.memory_space<hbm>>
      tpu.enqueue_indirect_dma source(%dma_start3A_1418 : memref<40x128xf32, #tpu.memory_space<hbm>>) target(%arg14 : memref<80x128xf32, #tpu.memory_space<vmem>>) offsets(%dma_start3A_1409 : memref<80xi32, #tpu.memory_space<vmem>>) semaphore(%arg20 : memref<!tpu.dma_semaphore, #tpu.memory_space<semaphore_mem>>)
      %sub3A_1419 = arith.constant 2 : i32
      %sub3A_1420 = arith.subi %add3A_1390, %sub3A_1419 : i32
      %mul3A_1421 = arith.constant 40 : i32
      %mul3A_1422 = arith.muli %add3A, %mul3A_1421 : i32
      %dma_wait3A_1423 = arith.constant 1 : i32
      %dma_wait3A_1424 = arith.constant 0 : i32
      %dma_wait3A_1425 = tpu.memref_slice %arg10[%sub3A_1420, %dma_wait3A_1424] : memref<128x80xi32, #tpu.memory_space<vmem>> -> memref<1x80xi32, #tpu.memory_space<vmem>>
      %dma_wait3A_1426 = tpu.memref_squeeze %dma_wait3A_1425 : memref<1x80xi32, #tpu.memory_space<vmem>> -> memref<80xi32, #tpu.memory_space<vmem>>
      %dma_wait3A_1427 = arith.constant 0 : i32
      %dma_wait3A_1428 = arith.constant 0 : i32
      %dma_wait3A_1429 = tpu.memref_slice %arg3[%dma_wait3A_1423, %dma_wait3A_1427, %dma_wait3A_1428] : memref<5x1280x128xf32, #tpu.memory_space<hbm>> -> memref<1x1280x128xf32, #tpu.memory_space<hbm>>
      %dma_wait3A_1430 = tpu.memref_squeeze %dma_wait3A_1429 : memref<1x1280x128xf32, #tpu.memory_space<hbm>> -> memref<1280x128xf32, #tpu.memory_space<hbm>>
      %dma_wait3A_1431 = arith.constant 0 : i32
      %dma_wait3A_1432 = tpu.memref_slice %dma_wait3A_1430[%mul3A_1422, %dma_wait3A_1431] : memref<1280x128xf32, #tpu.memory_space<hbm>> -> memref<40x128xf32, #tpu.memory_space<hbm>>
      %dma_wait3A_1433 = arith.constant 0 : i32
      %dma_wait3A_1434 = arith.constant 0 : i32
      %dma_wait3A_1435 = tpu.memref_slice %dma_wait3A_1432[%dma_wait3A_1433, %dma_wait3A_1434] : memref<40x128xf32, #tpu.memory_space<hbm>> -> memref<40x128xf32, #tpu.memory_space<hbm>>
      tpu.wait_indirect_dma semaphore(%arg18 : memref<!tpu.dma_semaphore, #tpu.memory_space<semaphore_mem>>) src(%dma_wait3A_1435 : memref<40x128xf32, #tpu.memory_space<hbm>>) dst(%arg12 : memref<80x128xf32, #tpu.memory_space<vmem>>)
      %sub3A_1436 = arith.constant 2 : i32
      %sub3A_1437 = arith.subi %add3A_1390, %sub3A_1436 : i32
      %mul3A_1438 = arith.constant 4 : i32
      %mul3A_1439 = arith.muli %sub3A_1437, %mul3A_1438 : i32
      %add3A_1440 = arith.addi %mul3A_2, %mul3A_1439 : i32
      %dma_start3A_1441 = tpu.memref_reshape %arg12 : memref<80x128xf32, #tpu.memory_space<vmem>> -> memref<4x20x128xf32, #tpu.memory_space<vmem>>
      %dma_start3A_1442 = arith.constant 0 : i32
      %dma_start3A_1443 = arith.constant 0 : i32
      %dma_start3A_1444 = tpu.memref_slice %arg5[%add3A_1440, %dma_start3A_1442, %dma_start3A_1443] : memref<16384x20x128xf32, #tpu.memory_space<hbm>> -> memref<4x20x128xf32, #tpu.memory_space<hbm>>
      %dma_start3A_1445 = arith.constant 0 : i32
      %dma_start3A_1446 = arith.constant 0 : i32
      %dma_start3A_1447 = tpu.memref_slice %arg5[%add3A_1440, %dma_start3A_1445, %dma_start3A_1446] : memref<16384x20x128xf32, #tpu.memory_space<hbm>> -> memref<4x20x128xf32, #tpu.memory_space<hbm>>
      %dma_start3A_1448 = tpu.memref_reshape %arg12 : memref<80x128xf32, #tpu.memory_space<vmem>> -> memref<4x20x128xf32, #tpu.memory_space<vmem>>
      tpu.enqueue_dma source(%dma_start3A_1448 : memref<4x20x128xf32, #tpu.memory_space<vmem>>) target(%dma_start3A_1447 : memref<4x20x128xf32, #tpu.memory_space<hbm>>) target_semaphore(%arg22 : memref<!tpu.dma_semaphore, #tpu.memory_space<semaphore_mem>>)
    }
    %scan3A_400 = arith.constant 31 : i32
    %mul3A_401 = arith.constant 40 : i32
    %mul3A_402 = arith.muli %add3A, %mul3A_401 : i32
    %dma_wait3A_403 = arith.constant 1 : i32
    %dma_wait3A_404 = arith.constant 126 : i32
    %dma_wait3A_405 = arith.constant 0 : i32
    %dma_wait3A_406 = tpu.memref_slice %arg10[%dma_wait3A_404, %dma_wait3A_405] : memref<128x80xi32, #tpu.memory_space<vmem>> -> memref<1x80xi32, #tpu.memory_space<vmem>>
    %dma_wait3A_407 = tpu.memref_squeeze %dma_wait3A_406 : memref<1x80xi32, #tpu.memory_space<vmem>> -> memref<80xi32, #tpu.memory_space<vmem>>
    %dma_wait3A_408 = arith.constant 0 : i32
    %dma_wait3A_409 = arith.constant 0 : i32
    %dma_wait3A_410 = tpu.memref_slice %arg3[%dma_wait3A_403, %dma_wait3A_408, %dma_wait3A_409] : memref<5x1280x128xf32, #tpu.memory_space<hbm>> -> memref<1x1280x128xf32, #tpu.memory_space<hbm>>
    %dma_wait3A_411 = tpu.memref_squeeze %dma_wait3A_410 : memref<1x1280x128xf32, #tpu.memory_space<hbm>> -> memref<1280x128xf32, #tpu.memory_space<hbm>>
    %dma_wait3A_412 = arith.constant 0 : i32
    %dma_wait3A_413 = tpu.memref_slice %dma_wait3A_411[%mul3A_402, %dma_wait3A_412] : memref<1280x128xf32, #tpu.memory_space<hbm>> -> memref<40x128xf32, #tpu.memory_space<hbm>>
    %dma_wait3A_414 = arith.constant 0 : i32
    %dma_wait3A_415 = arith.constant 0 : i32
    %dma_wait3A_416 = tpu.memref_slice %dma_wait3A_413[%dma_wait3A_414, %dma_wait3A_415] : memref<40x128xf32, #tpu.memory_space<hbm>> -> memref<40x128xf32, #tpu.memory_space<hbm>>
    tpu.wait_indirect_dma semaphore(%arg19 : memref<!tpu.dma_semaphore, #tpu.memory_space<semaphore_mem>>) src(%dma_wait3A_416 : memref<40x128xf32, #tpu.memory_space<hbm>>) dst(%arg13 : memref<80x128xf32, #tpu.memory_space<vmem>>)
    %add3A_417 = arith.constant 504 : i32
    %add3A_418 = arith.addi %mul3A_2, %add3A_417 : i32
    %dma_start3A_419 = tpu.memref_reshape %arg13 : memref<80x128xf32, #tpu.memory_space<vmem>> -> memref<4x20x128xf32, #tpu.memory_space<vmem>>
    %dma_start3A_420 = arith.constant 0 : i32
    %dma_start3A_421 = arith.constant 0 : i32
    %dma_start3A_422 = tpu.memref_slice %arg5[%add3A_418, %dma_start3A_420, %dma_start3A_421] : memref<16384x20x128xf32, #tpu.memory_space<hbm>> -> memref<4x20x128xf32, #tpu.memory_space<hbm>>
    %dma_start3A_423 = arith.constant 0 : i32
    %dma_start3A_424 = arith.constant 0 : i32
    %dma_start3A_425 = tpu.memref_slice %arg5[%add3A_418, %dma_start3A_423, %dma_start3A_424] : memref<16384x20x128xf32, #tpu.memory_space<hbm>> -> memref<4x20x128xf32, #tpu.memory_space<hbm>>
    %dma_start3A_426 = tpu.memref_reshape %arg13 : memref<80x128xf32, #tpu.memory_space<vmem>> -> memref<4x20x128xf32, #tpu.memory_space<vmem>>
    tpu.enqueue_dma source(%dma_start3A_426 : memref<4x20x128xf32, #tpu.memory_space<vmem>>) target(%dma_start3A_425 : memref<4x20x128xf32, #tpu.memory_space<hbm>>) target_semaphore(%arg23 : memref<!tpu.dma_semaphore, #tpu.memory_space<semaphore_mem>>)
    %mul3A_427 = arith.constant 40 : i32
    %mul3A_428 = arith.muli %add3A, %mul3A_427 : i32
    %dma_wait3A_429 = arith.constant 1 : i32
    %dma_wait3A_430 = arith.constant 127 : i32
    %dma_wait3A_431 = arith.constant 0 : i32
    %dma_wait3A_432 = tpu.memref_slice %arg10[%dma_wait3A_430, %dma_wait3A_431] : memref<128x80xi32, #tpu.memory_space<vmem>> -> memref<1x80xi32, #tpu.memory_space<vmem>>
    %dma_wait3A_433 = tpu.memref_squeeze %dma_wait3A_432 : memref<1x80xi32, #tpu.memory_space<vmem>> -> memref<80xi32, #tpu.memory_space<vmem>>
    %dma_wait3A_434 = arith.constant 0 : i32
    %dma_wait3A_435 = arith.constant 0 : i32
    %dma_wait3A_436 = tpu.memref_slice %arg3[%dma_wait3A_429, %dma_wait3A_434, %dma_wait3A_435] : memref<5x1280x128xf32, #tpu.memory_space<hbm>> -> memref<1x1280x128xf32, #tpu.memory_space<hbm>>
    %dma_wait3A_437 = tpu.memref_squeeze %dma_wait3A_436 : memref<1x1280x128xf32, #tpu.memory_space<hbm>> -> memref<1280x128xf32, #tpu.memory_space<hbm>>
    %dma_wait3A_438 = arith.constant 0 : i32
    %dma_wait3A_439 = tpu.memref_slice %dma_wait3A_437[%mul3A_428, %dma_wait3A_438] : memref<1280x128xf32, #tpu.memory_space<hbm>> -> memref<40x128xf32, #tpu.memory_space<hbm>>
    %dma_wait3A_440 = arith.constant 0 : i32
    %dma_wait3A_441 = arith.constant 0 : i32
    %dma_wait3A_442 = tpu.memref_slice %dma_wait3A_439[%dma_wait3A_440, %dma_wait3A_441] : memref<40x128xf32, #tpu.memory_space<hbm>> -> memref<40x128xf32, #tpu.memory_space<hbm>>
    tpu.wait_indirect_dma semaphore(%arg20 : memref<!tpu.dma_semaphore, #tpu.memory_space<semaphore_mem>>) src(%dma_wait3A_442 : memref<40x128xf32, #tpu.memory_space<hbm>>) dst(%arg14 : memref<80x128xf32, #tpu.memory_space<vmem>>)
    %add3A_443 = arith.constant 508 : i32
    %add3A_444 = arith.addi %mul3A_2, %add3A_443 : i32
    %dma_start3A_445 = tpu.memref_reshape %arg14 : memref<80x128xf32, #tpu.memory_space<vmem>> -> memref<4x20x128xf32, #tpu.memory_space<vmem>>
    %dma_start3A_446 = arith.constant 0 : i32
    %dma_start3A_447 = arith.constant 0 : i32
    %dma_start3A_448 = tpu.memref_slice %arg5[%add3A_444, %dma_start3A_446, %dma_start3A_447] : memref<16384x20x128xf32, #tpu.memory_space<hbm>> -> memref<4x20x128xf32, #tpu.memory_space<hbm>>
    %dma_start3A_449 = arith.constant 0 : i32
    %dma_start3A_450 = arith.constant 0 : i32
    %dma_start3A_451 = tpu.memref_slice %arg5[%add3A_444, %dma_start3A_449, %dma_start3A_450] : memref<16384x20x128xf32, #tpu.memory_space<hbm>> -> memref<4x20x128xf32, #tpu.memory_space<hbm>>
    %dma_start3A_452 = tpu.memref_reshape %arg14 : memref<80x128xf32, #tpu.memory_space<vmem>> -> memref<4x20x128xf32, #tpu.memory_space<vmem>>
    tpu.enqueue_dma source(%dma_start3A_452 : memref<4x20x128xf32, #tpu.memory_space<vmem>>) target(%dma_start3A_451 : memref<4x20x128xf32, #tpu.memory_space<hbm>>) target_semaphore(%arg24 : memref<!tpu.dma_semaphore, #tpu.memory_space<semaphore_mem>>)
    %dma_wait3A_453 = arith.constant 2 : i32
    %dma_wait3A_454 = arith.constant 0 : i32
    %dma_wait3A_455 = arith.constant 0 : i32
    %dma_wait3A_456 = tpu.memref_slice %arg2[%dma_wait3A_453, %dma_wait3A_454, %dma_wait3A_455] : memref<5x4096x80xi32, #tpu.memory_space<hbm>> -> memref<1x4096x80xi32, #tpu.memory_space<hbm>>
    %dma_wait3A_457 = tpu.memref_squeeze %dma_wait3A_456 : memref<1x4096x80xi32, #tpu.memory_space<hbm>> -> memref<4096x80xi32, #tpu.memory_space<hbm>>
    %dma_wait3A_458 = arith.constant 0 : i32
    %dma_wait3A_459 = tpu.memref_slice %dma_wait3A_457[%mul3A_4, %dma_wait3A_458] : memref<4096x80xi32, #tpu.memory_space<hbm>> -> memref<128x80xi32, #tpu.memory_space<hbm>>
    %dma_wait3A_460 = arith.constant 0 : i32
    %dma_wait3A_461 = arith.constant 0 : i32
    %dma_wait3A_462 = tpu.memref_slice %arg2[%dma_wait3A_453, %dma_wait3A_460, %dma_wait3A_461] : memref<5x4096x80xi32, #tpu.memory_space<hbm>> -> memref<1x4096x80xi32, #tpu.memory_space<hbm>>
    %dma_wait3A_463 = tpu.memref_squeeze %dma_wait3A_462 : memref<1x4096x80xi32, #tpu.memory_space<hbm>> -> memref<4096x80xi32, #tpu.memory_space<hbm>>
    %dma_wait3A_464 = arith.constant 0 : i32
    %dma_wait3A_465 = tpu.memref_slice %dma_wait3A_463[%mul3A_4, %dma_wait3A_464] : memref<4096x80xi32, #tpu.memory_space<hbm>> -> memref<128x80xi32, #tpu.memory_space<hbm>>
    tpu.wait_dma2 semaphore(%arg15 : memref<!tpu.dma_semaphore, #tpu.memory_space<semaphore_mem>>) src(%dma_wait3A_465 : memref<128x80xi32, #tpu.memory_space<hbm>>) dst(%arg9 : memref<128x80xi32, #tpu.memory_space<vmem>>)
    %dma_start3A_466 = arith.constant 3 : i32
    %dma_start3A_467 = arith.constant 0 : i32
    %dma_start3A_468 = arith.constant 0 : i32
    %dma_start3A_469 = tpu.memref_slice %arg2[%dma_start3A_466, %dma_start3A_467, %dma_start3A_468] : memref<5x4096x80xi32, #tpu.memory_space<hbm>> -> memref<1x4096x80xi32, #tpu.memory_space<hbm>>
    %dma_start3A_470 = tpu.memref_squeeze %dma_start3A_469 : memref<1x4096x80xi32, #tpu.memory_space<hbm>> -> memref<4096x80xi32, #tpu.memory_space<hbm>>
    %dma_start3A_471 = arith.constant 0 : i32
    %dma_start3A_472 = tpu.memref_slice %dma_start3A_470[%mul3A_4, %dma_start3A_471] : memref<4096x80xi32, #tpu.memory_space<hbm>> -> memref<128x80xi32, #tpu.memory_space<hbm>>
    %dma_start3A_473 = arith.constant 0 : i32
    %dma_start3A_474 = arith.constant 0 : i32
    %dma_start3A_475 = tpu.memref_slice %arg2[%dma_start3A_466, %dma_start3A_473, %dma_start3A_474] : memref<5x4096x80xi32, #tpu.memory_space<hbm>> -> memref<1x4096x80xi32, #tpu.memory_space<hbm>>
    %dma_start3A_476 = tpu.memref_squeeze %dma_start3A_475 : memref<1x4096x80xi32, #tpu.memory_space<hbm>> -> memref<4096x80xi32, #tpu.memory_space<hbm>>
    %dma_start3A_477 = arith.constant 0 : i32
    %dma_start3A_478 = tpu.memref_slice %dma_start3A_476[%mul3A_4, %dma_start3A_477] : memref<4096x80xi32, #tpu.memory_space<hbm>> -> memref<128x80xi32, #tpu.memory_space<hbm>>
    tpu.enqueue_dma source(%dma_start3A_478 : memref<128x80xi32, #tpu.memory_space<hbm>>) target(%arg10 : memref<128x80xi32, #tpu.memory_space<vmem>>) target_semaphore(%arg16 : memref<!tpu.dma_semaphore, #tpu.memory_space<semaphore_mem>>)
    %add3A_479 = arith.constant 496 : i32
    %add3A_480 = arith.addi %mul3A_2, %add3A_479 : i32
    %dma_wait3A_481 = tpu.memref_reshape %arg11 : memref<80x128xf32, #tpu.memory_space<vmem>> -> memref<4x20x128xf32, #tpu.memory_space<vmem>>
    %dma_wait3A_482 = arith.constant 0 : i32
    %dma_wait3A_483 = arith.constant 0 : i32
    %dma_wait3A_484 = tpu.memref_slice %arg5[%add3A_480, %dma_wait3A_482, %dma_wait3A_483] : memref<16384x20x128xf32, #tpu.memory_space<hbm>> -> memref<4x20x128xf32, #tpu.memory_space<hbm>>
    %dma_wait3A_485 = arith.constant 0 : i32
    %dma_wait3A_486 = arith.constant 0 : i32
    %dma_wait3A_487 = tpu.memref_slice %arg5[%add3A_480, %dma_wait3A_485, %dma_wait3A_486] : memref<16384x20x128xf32, #tpu.memory_space<hbm>> -> memref<4x20x128xf32, #tpu.memory_space<hbm>>
    %dma_wait3A_488 = tpu.memref_reshape %arg11 : memref<80x128xf32, #tpu.memory_space<vmem>> -> memref<4x20x128xf32, #tpu.memory_space<vmem>>
    tpu.wait_dma2 semaphore(%arg21 : memref<!tpu.dma_semaphore, #tpu.memory_space<semaphore_mem>>) src(%dma_wait3A_488 : memref<4x20x128xf32, #tpu.memory_space<vmem>>) dst(%dma_wait3A_487 : memref<4x20x128xf32, #tpu.memory_space<hbm>>)
    %mul3A_489 = arith.constant 40 : i32
    %mul3A_490 = arith.muli %add3A, %mul3A_489 : i32
    %dma_start3A_491 = arith.constant 2 : i32
    %dma_start3A_492 = arith.constant 0 : i32
    %dma_start3A_493 = arith.constant 0 : i32
    %dma_start3A_494 = tpu.memref_slice %arg9[%dma_start3A_492, %dma_start3A_493] : memref<128x80xi32, #tpu.memory_space<vmem>> -> memref<1x80xi32, #tpu.memory_space<vmem>>
    %dma_start3A_495 = tpu.memref_squeeze %dma_start3A_494 : memref<1x80xi32, #tpu.memory_space<vmem>> -> memref<80xi32, #tpu.memory_space<vmem>>
    %dma_start3A_496 = arith.constant 0 : i32
    %dma_start3A_497 = arith.constant 0 : i32
    %dma_start3A_498 = tpu.memref_slice %arg3[%dma_start3A_491, %dma_start3A_496, %dma_start3A_497] : memref<5x1280x128xf32, #tpu.memory_space<hbm>> -> memref<1x1280x128xf32, #tpu.memory_space<hbm>>
    %dma_start3A_499 = tpu.memref_squeeze %dma_start3A_498 : memref<1x1280x128xf32, #tpu.memory_space<hbm>> -> memref<1280x128xf32, #tpu.memory_space<hbm>>
    %dma_start3A_500 = arith.constant 0 : i32
    %dma_start3A_501 = tpu.memref_slice %dma_start3A_499[%mul3A_490, %dma_start3A_500] : memref<1280x128xf32, #tpu.memory_space<hbm>> -> memref<40x128xf32, #tpu.memory_space<hbm>>
    %dma_start3A_502 = arith.constant 0 : i32
    %dma_start3A_503 = arith.constant 0 : i32
    %dma_start3A_504 = tpu.memref_slice %dma_start3A_501[%dma_start3A_502, %dma_start3A_503] : memref<40x128xf32, #tpu.memory_space<hbm>> -> memref<40x128xf32, #tpu.memory_space<hbm>>
    tpu.enqueue_indirect_dma source(%dma_start3A_504 : memref<40x128xf32, #tpu.memory_space<hbm>>) target(%arg11 : memref<80x128xf32, #tpu.memory_space<vmem>>) offsets(%dma_start3A_495 : memref<80xi32, #tpu.memory_space<vmem>>) semaphore(%arg17 : memref<!tpu.dma_semaphore, #tpu.memory_space<semaphore_mem>>)
    %add3A_505 = arith.constant 500 : i32
    %add3A_506 = arith.addi %mul3A_2, %add3A_505 : i32
    %dma_wait3A_507 = tpu.memref_reshape %arg12 : memref<80x128xf32, #tpu.memory_space<vmem>> -> memref<4x20x128xf32, #tpu.memory_space<vmem>>
    %dma_wait3A_508 = arith.constant 0 : i32
    %dma_wait3A_509 = arith.constant 0 : i32
    %dma_wait3A_510 = tpu.memref_slice %arg5[%add3A_506, %dma_wait3A_508, %dma_wait3A_509] : memref<16384x20x128xf32, #tpu.memory_space<hbm>> -> memref<4x20x128xf32, #tpu.memory_space<hbm>>
    %dma_wait3A_511 = arith.constant 0 : i32
    %dma_wait3A_512 = arith.constant 0 : i32
    %dma_wait3A_513 = tpu.memref_slice %arg5[%add3A_506, %dma_wait3A_511, %dma_wait3A_512] : memref<16384x20x128xf32, #tpu.memory_space<hbm>> -> memref<4x20x128xf32, #tpu.memory_space<hbm>>
    %dma_wait3A_514 = tpu.memref_reshape %arg12 : memref<80x128xf32, #tpu.memory_space<vmem>> -> memref<4x20x128xf32, #tpu.memory_space<vmem>>
    tpu.wait_dma2 semaphore(%arg22 : memref<!tpu.dma_semaphore, #tpu.memory_space<semaphore_mem>>) src(%dma_wait3A_514 : memref<4x20x128xf32, #tpu.memory_space<vmem>>) dst(%dma_wait3A_513 : memref<4x20x128xf32, #tpu.memory_space<hbm>>)
    %mul3A_515 = arith.constant 40 : i32
    %mul3A_516 = arith.muli %add3A, %mul3A_515 : i32
    %dma_start3A_517 = arith.constant 2 : i32
    %dma_start3A_518 = arith.constant 1 : i32
    %dma_start3A_519 = arith.constant 0 : i32
    %dma_start3A_520 = tpu.memref_slice %arg9[%dma_start3A_518, %dma_start3A_519] : memref<128x80xi32, #tpu.memory_space<vmem>> -> memref<1x80xi32, #tpu.memory_space<vmem>>
    %dma_start3A_521 = tpu.memref_squeeze %dma_start3A_520 : memref<1x80xi32, #tpu.memory_space<vmem>> -> memref<80xi32, #tpu.memory_space<vmem>>
    %dma_start3A_522 = arith.constant 0 : i32
    %dma_start3A_523 = arith.constant 0 : i32
    %dma_start3A_524 = tpu.memref_slice %arg3[%dma_start3A_517, %dma_start3A_522, %dma_start3A_523] : memref<5x1280x128xf32, #tpu.memory_space<hbm>> -> memref<1x1280x128xf32, #tpu.memory_space<hbm>>
    %dma_start3A_525 = tpu.memref_squeeze %dma_start3A_524 : memref<1x1280x128xf32, #tpu.memory_space<hbm>> -> memref<1280x128xf32, #tpu.memory_space<hbm>>
    %dma_start3A_526 = arith.constant 0 : i32
    %dma_start3A_527 = tpu.memref_slice %dma_start3A_525[%mul3A_516, %dma_start3A_526] : memref<1280x128xf32, #tpu.memory_space<hbm>> -> memref<40x128xf32, #tpu.memory_space<hbm>>
    %dma_start3A_528 = arith.constant 0 : i32
    %dma_start3A_529 = arith.constant 0 : i32
    %dma_start3A_530 = tpu.memref_slice %dma_start3A_527[%dma_start3A_528, %dma_start3A_529] : memref<40x128xf32, #tpu.memory_space<hbm>> -> memref<40x128xf32, #tpu.memory_space<hbm>>
    tpu.enqueue_indirect_dma source(%dma_start3A_530 : memref<40x128xf32, #tpu.memory_space<hbm>>) target(%arg12 : memref<80x128xf32, #tpu.memory_space<vmem>>) offsets(%dma_start3A_521 : memref<80xi32, #tpu.memory_space<vmem>>) semaphore(%arg18 : memref<!tpu.dma_semaphore, #tpu.memory_space<semaphore_mem>>)
    %add3A_531 = arith.constant 504 : i32
    %add3A_532 = arith.addi %mul3A_2, %add3A_531 : i32
    %dma_wait3A_533 = tpu.memref_reshape %arg13 : memref<80x128xf32, #tpu.memory_space<vmem>> -> memref<4x20x128xf32, #tpu.memory_space<vmem>>
    %dma_wait3A_534 = arith.constant 0 : i32
    %dma_wait3A_535 = arith.constant 0 : i32
    %dma_wait3A_536 = tpu.memref_slice %arg5[%add3A_532, %dma_wait3A_534, %dma_wait3A_535] : memref<16384x20x128xf32, #tpu.memory_space<hbm>> -> memref<4x20x128xf32, #tpu.memory_space<hbm>>
    %dma_wait3A_537 = arith.constant 0 : i32
    %dma_wait3A_538 = arith.constant 0 : i32
    %dma_wait3A_539 = tpu.memref_slice %arg5[%add3A_532, %dma_wait3A_537, %dma_wait3A_538] : memref<16384x20x128xf32, #tpu.memory_space<hbm>> -> memref<4x20x128xf32, #tpu.memory_space<hbm>>
    %dma_wait3A_540 = tpu.memref_reshape %arg13 : memref<80x128xf32, #tpu.memory_space<vmem>> -> memref<4x20x128xf32, #tpu.memory_space<vmem>>
    tpu.wait_dma2 semaphore(%arg23 : memref<!tpu.dma_semaphore, #tpu.memory_space<semaphore_mem>>) src(%dma_wait3A_540 : memref<4x20x128xf32, #tpu.memory_space<vmem>>) dst(%dma_wait3A_539 : memref<4x20x128xf32, #tpu.memory_space<hbm>>)
    %mul3A_541 = arith.constant 40 : i32
    %mul3A_542 = arith.muli %add3A, %mul3A_541 : i32
    %dma_start3A_543 = arith.constant 2 : i32
    %dma_start3A_544 = arith.constant 2 : i32
    %dma_start3A_545 = arith.constant 0 : i32
    %dma_start3A_546 = tpu.memref_slice %arg9[%dma_start3A_544, %dma_start3A_545] : memref<128x80xi32, #tpu.memory_space<vmem>> -> memref<1x80xi32, #tpu.memory_space<vmem>>
    %dma_start3A_547 = tpu.memref_squeeze %dma_start3A_546 : memref<1x80xi32, #tpu.memory_space<vmem>> -> memref<80xi32, #tpu.memory_space<vmem>>
    %dma_start3A_548 = arith.constant 0 : i32
    %dma_start3A_549 = arith.constant 0 : i32
    %dma_start3A_550 = tpu.memref_slice %arg3[%dma_start3A_543, %dma_start3A_548, %dma_start3A_549] : memref<5x1280x128xf32, #tpu.memory_space<hbm>> -> memref<1x1280x128xf32, #tpu.memory_space<hbm>>
    %dma_start3A_551 = tpu.memref_squeeze %dma_start3A_550 : memref<1x1280x128xf32, #tpu.memory_space<hbm>> -> memref<1280x128xf32, #tpu.memory_space<hbm>>
    %dma_start3A_552 = arith.constant 0 : i32
    %dma_start3A_553 = tpu.memref_slice %dma_start3A_551[%mul3A_542, %dma_start3A_552] : memref<1280x128xf32, #tpu.memory_space<hbm>> -> memref<40x128xf32, #tpu.memory_space<hbm>>
    %dma_start3A_554 = arith.constant 0 : i32
    %dma_start3A_555 = arith.constant 0 : i32
    %dma_start3A_556 = tpu.memref_slice %dma_start3A_553[%dma_start3A_554, %dma_start3A_555] : memref<40x128xf32, #tpu.memory_space<hbm>> -> memref<40x128xf32, #tpu.memory_space<hbm>>
    tpu.enqueue_indirect_dma source(%dma_start3A_556 : memref<40x128xf32, #tpu.memory_space<hbm>>) target(%arg13 : memref<80x128xf32, #tpu.memory_space<vmem>>) offsets(%dma_start3A_547 : memref<80xi32, #tpu.memory_space<vmem>>) semaphore(%arg19 : memref<!tpu.dma_semaphore, #tpu.memory_space<semaphore_mem>>)
    %mul3A_557 = arith.constant 40 : i32
    %mul3A_558 = arith.muli %add3A, %mul3A_557 : i32
    %dma_wait3A_559 = arith.constant 2 : i32
    %dma_wait3A_560 = arith.constant 0 : i32
    %dma_wait3A_561 = arith.constant 0 : i32
    %dma_wait3A_562 = tpu.memref_slice %arg9[%dma_wait3A_560, %dma_wait3A_561] : memref<128x80xi32, #tpu.memory_space<vmem>> -> memref<1x80xi32, #tpu.memory_space<vmem>>
    %dma_wait3A_563 = tpu.memref_squeeze %dma_wait3A_562 : memref<1x80xi32, #tpu.memory_space<vmem>> -> memref<80xi32, #tpu.memory_space<vmem>>
    %dma_wait3A_564 = arith.constant 0 : i32
    %dma_wait3A_565 = arith.constant 0 : i32
    %dma_wait3A_566 = tpu.memref_slice %arg3[%dma_wait3A_559, %dma_wait3A_564, %dma_wait3A_565] : memref<5x1280x128xf32, #tpu.memory_space<hbm>> -> memref<1x1280x128xf32, #tpu.memory_space<hbm>>
    %dma_wait3A_567 = tpu.memref_squeeze %dma_wait3A_566 : memref<1x1280x128xf32, #tpu.memory_space<hbm>> -> memref<1280x128xf32, #tpu.memory_space<hbm>>
    %dma_wait3A_568 = arith.constant 0 : i32
    %dma_wait3A_569 = tpu.memref_slice %dma_wait3A_567[%mul3A_558, %dma_wait3A_568] : memref<1280x128xf32, #tpu.memory_space<hbm>> -> memref<40x128xf32, #tpu.memory_space<hbm>>
    %dma_wait3A_570 = arith.constant 0 : i32
    %dma_wait3A_571 = arith.constant 0 : i32
    %dma_wait3A_572 = tpu.memref_slice %dma_wait3A_569[%dma_wait3A_570, %dma_wait3A_571] : memref<40x128xf32, #tpu.memory_space<hbm>> -> memref<40x128xf32, #tpu.memory_space<hbm>>
    tpu.wait_indirect_dma semaphore(%arg17 : memref<!tpu.dma_semaphore, #tpu.memory_space<semaphore_mem>>) src(%dma_wait3A_572 : memref<40x128xf32, #tpu.memory_space<hbm>>) dst(%arg11 : memref<80x128xf32, #tpu.memory_space<vmem>>)
    %add3A_573 = arith.constant 0 : i32
    %add3A_574 = arith.addi %mul3A_2, %add3A_573 : i32
    %dma_start3A_575 = tpu.memref_reshape %arg11 : memref<80x128xf32, #tpu.memory_space<vmem>> -> memref<4x20x128xf32, #tpu.memory_space<vmem>>
    %dma_start3A_576 = arith.constant 0 : i32
    %dma_start3A_577 = arith.constant 0 : i32
    %dma_start3A_578 = tpu.memref_slice %arg6[%add3A_574, %dma_start3A_576, %dma_start3A_577] : memref<16384x20x128xf32, #tpu.memory_space<hbm>> -> memref<4x20x128xf32, #tpu.memory_space<hbm>>
    %dma_start3A_579 = arith.constant 0 : i32
    %dma_start3A_580 = arith.constant 0 : i32
    %dma_start3A_581 = tpu.memref_slice %arg6[%add3A_574, %dma_start3A_579, %dma_start3A_580] : memref<16384x20x128xf32, #tpu.memory_space<hbm>> -> memref<4x20x128xf32, #tpu.memory_space<hbm>>
    %dma_start3A_582 = tpu.memref_reshape %arg11 : memref<80x128xf32, #tpu.memory_space<vmem>> -> memref<4x20x128xf32, #tpu.memory_space<vmem>>
    tpu.enqueue_dma source(%dma_start3A_582 : memref<4x20x128xf32, #tpu.memory_space<vmem>>) target(%dma_start3A_581 : memref<4x20x128xf32, #tpu.memory_space<hbm>>) target_semaphore(%arg21 : memref<!tpu.dma_semaphore, #tpu.memory_space<semaphore_mem>>)
    %add3A_583 = arith.constant 508 : i32
    %add3A_584 = arith.addi %mul3A_2, %add3A_583 : i32
    %dma_wait3A_585 = tpu.memref_reshape %arg14 : memref<80x128xf32, #tpu.memory_space<vmem>> -> memref<4x20x128xf32, #tpu.memory_space<vmem>>
    %dma_wait3A_586 = arith.constant 0 : i32
    %dma_wait3A_587 = arith.constant 0 : i32
    %dma_wait3A_588 = tpu.memref_slice %arg5[%add3A_584, %dma_wait3A_586, %dma_wait3A_587] : memref<16384x20x128xf32, #tpu.memory_space<hbm>> -> memref<4x20x128xf32, #tpu.memory_space<hbm>>
    %dma_wait3A_589 = arith.constant 0 : i32
    %dma_wait3A_590 = arith.constant 0 : i32
    %dma_wait3A_591 = tpu.memref_slice %arg5[%add3A_584, %dma_wait3A_589, %dma_wait3A_590] : memref<16384x20x128xf32, #tpu.memory_space<hbm>> -> memref<4x20x128xf32, #tpu.memory_space<hbm>>
    %dma_wait3A_592 = tpu.memref_reshape %arg14 : memref<80x128xf32, #tpu.memory_space<vmem>> -> memref<4x20x128xf32, #tpu.memory_space<vmem>>
    tpu.wait_dma2 semaphore(%arg24 : memref<!tpu.dma_semaphore, #tpu.memory_space<semaphore_mem>>) src(%dma_wait3A_592 : memref<4x20x128xf32, #tpu.memory_space<vmem>>) dst(%dma_wait3A_591 : memref<4x20x128xf32, #tpu.memory_space<hbm>>)
    %mul3A_593 = arith.constant 40 : i32
    %mul3A_594 = arith.muli %add3A, %mul3A_593 : i32
    %dma_start3A_595 = arith.constant 2 : i32
    %dma_start3A_596 = arith.constant 3 : i32
    %dma_start3A_597 = arith.constant 0 : i32
    %dma_start3A_598 = tpu.memref_slice %arg9[%dma_start3A_596, %dma_start3A_597] : memref<128x80xi32, #tpu.memory_space<vmem>> -> memref<1x80xi32, #tpu.memory_space<vmem>>
    %dma_start3A_599 = tpu.memref_squeeze %dma_start3A_598 : memref<1x80xi32, #tpu.memory_space<vmem>> -> memref<80xi32, #tpu.memory_space<vmem>>
    %dma_start3A_600 = arith.constant 0 : i32
    %dma_start3A_601 = arith.constant 0 : i32
    %dma_start3A_602 = tpu.memref_slice %arg3[%dma_start3A_595, %dma_start3A_600, %dma_start3A_601] : memref<5x1280x128xf32, #tpu.memory_space<hbm>> -> memref<1x1280x128xf32, #tpu.memory_space<hbm>>
    %dma_start3A_603 = tpu.memref_squeeze %dma_start3A_602 : memref<1x1280x128xf32, #tpu.memory_space<hbm>> -> memref<1280x128xf32, #tpu.memory_space<hbm>>
    %dma_start3A_604 = arith.constant 0 : i32
    %dma_start3A_605 = tpu.memref_slice %dma_start3A_603[%mul3A_594, %dma_start3A_604] : memref<1280x128xf32, #tpu.memory_space<hbm>> -> memref<40x128xf32, #tpu.memory_space<hbm>>
    %dma_start3A_606 = arith.constant 0 : i32
    %dma_start3A_607 = arith.constant 0 : i32
    %dma_start3A_608 = tpu.memref_slice %dma_start3A_605[%dma_start3A_606, %dma_start3A_607] : memref<40x128xf32, #tpu.memory_space<hbm>> -> memref<40x128xf32, #tpu.memory_space<hbm>>
    tpu.enqueue_indirect_dma source(%dma_start3A_608 : memref<40x128xf32, #tpu.memory_space<hbm>>) target(%arg14 : memref<80x128xf32, #tpu.memory_space<vmem>>) offsets(%dma_start3A_599 : memref<80xi32, #tpu.memory_space<vmem>>) semaphore(%arg20 : memref<!tpu.dma_semaphore, #tpu.memory_space<semaphore_mem>>)
    %mul3A_609 = arith.constant 40 : i32
    %mul3A_610 = arith.muli %add3A, %mul3A_609 : i32
    %dma_wait3A_611 = arith.constant 2 : i32
    %dma_wait3A_612 = arith.constant 1 : i32
    %dma_wait3A_613 = arith.constant 0 : i32
    %dma_wait3A_614 = tpu.memref_slice %arg9[%dma_wait3A_612, %dma_wait3A_613] : memref<128x80xi32, #tpu.memory_space<vmem>> -> memref<1x80xi32, #tpu.memory_space<vmem>>
    %dma_wait3A_615 = tpu.memref_squeeze %dma_wait3A_614 : memref<1x80xi32, #tpu.memory_space<vmem>> -> memref<80xi32, #tpu.memory_space<vmem>>
    %dma_wait3A_616 = arith.constant 0 : i32
    %dma_wait3A_617 = arith.constant 0 : i32
    %dma_wait3A_618 = tpu.memref_slice %arg3[%dma_wait3A_611, %dma_wait3A_616, %dma_wait3A_617] : memref<5x1280x128xf32, #tpu.memory_space<hbm>> -> memref<1x1280x128xf32, #tpu.memory_space<hbm>>
    %dma_wait3A_619 = tpu.memref_squeeze %dma_wait3A_618 : memref<1x1280x128xf32, #tpu.memory_space<hbm>> -> memref<1280x128xf32, #tpu.memory_space<hbm>>
    %dma_wait3A_620 = arith.constant 0 : i32
    %dma_wait3A_621 = tpu.memref_slice %dma_wait3A_619[%mul3A_610, %dma_wait3A_620] : memref<1280x128xf32, #tpu.memory_space<hbm>> -> memref<40x128xf32, #tpu.memory_space<hbm>>
    %dma_wait3A_622 = arith.constant 0 : i32
    %dma_wait3A_623 = arith.constant 0 : i32
    %dma_wait3A_624 = tpu.memref_slice %dma_wait3A_621[%dma_wait3A_622, %dma_wait3A_623] : memref<40x128xf32, #tpu.memory_space<hbm>> -> memref<40x128xf32, #tpu.memory_space<hbm>>
    tpu.wait_indirect_dma semaphore(%arg18 : memref<!tpu.dma_semaphore, #tpu.memory_space<semaphore_mem>>) src(%dma_wait3A_624 : memref<40x128xf32, #tpu.memory_space<hbm>>) dst(%arg12 : memref<80x128xf32, #tpu.memory_space<vmem>>)
    %add3A_625 = arith.constant 4 : i32
    %add3A_626 = arith.addi %mul3A_2, %add3A_625 : i32
    %dma_start3A_627 = tpu.memref_reshape %arg12 : memref<80x128xf32, #tpu.memory_space<vmem>> -> memref<4x20x128xf32, #tpu.memory_space<vmem>>
    %dma_start3A_628 = arith.constant 0 : i32
    %dma_start3A_629 = arith.constant 0 : i32
    %dma_start3A_630 = tpu.memref_slice %arg6[%add3A_626, %dma_start3A_628, %dma_start3A_629] : memref<16384x20x128xf32, #tpu.memory_space<hbm>> -> memref<4x20x128xf32, #tpu.memory_space<hbm>>
    %dma_start3A_631 = arith.constant 0 : i32
    %dma_start3A_632 = arith.constant 0 : i32
    %dma_start3A_633 = tpu.memref_slice %arg6[%add3A_626, %dma_start3A_631, %dma_start3A_632] : memref<16384x20x128xf32, #tpu.memory_space<hbm>> -> memref<4x20x128xf32, #tpu.memory_space<hbm>>
    %dma_start3A_634 = tpu.memref_reshape %arg12 : memref<80x128xf32, #tpu.memory_space<vmem>> -> memref<4x20x128xf32, #tpu.memory_space<vmem>>
    tpu.enqueue_dma source(%dma_start3A_634 : memref<4x20x128xf32, #tpu.memory_space<vmem>>) target(%dma_start3A_633 : memref<4x20x128xf32, #tpu.memory_space<hbm>>) target_semaphore(%arg22 : memref<!tpu.dma_semaphore, #tpu.memory_space<semaphore_mem>>)
    %scan3A_635 = arith.constant 0 : i32
    %scan3A_636 = arith.constant 31 : i32
    %scan3A_637 = arith.addi %scan3A_635, %scan3A_636 : i32
    %scan3A_638 = arith.constant 1 : i32
    scf.for %scan3A_1197 = %scan3A_635 to %scan3A_637 step %scan3A_638  : i32 {
      %mul3A_1198 = arith.constant 1 : i32
      %mul3A_1199 = arith.muli %scan3A_1197, %mul3A_1198 : i32
      %add3A_1200 = arith.constant 1 : i32
      %add3A_1201 = arith.addi %add3A_1200, %mul3A_1199 : i32
      %mul3A_1202 = arith.constant 4 : i32
      %mul3A_1203 = arith.muli %add3A_1201, %mul3A_1202 : i32
      %add3A_1204 = arith.constant 0 : i32
      %add3A_1205 = arith.addi %mul3A_1203, %add3A_1204 : i32
      %sub3A = arith.constant 4 : i32
      %sub3A_1206 = arith.subi %add3A_1205, %sub3A : i32
      %mul3A_1207 = arith.constant 4 : i32
      %mul3A_1208 = arith.muli %sub3A_1206, %mul3A_1207 : i32
      %add3A_1209 = arith.addi %mul3A_2, %mul3A_1208 : i32
      %dma_wait3A_1210 = tpu.memref_reshape %arg11 : memref<80x128xf32, #tpu.memory_space<vmem>> -> memref<4x20x128xf32, #tpu.memory_space<vmem>>
      %dma_wait3A_1211 = arith.constant 0 : i32
      %dma_wait3A_1212 = arith.constant 0 : i32
      %dma_wait3A_1213 = tpu.memref_slice %arg6[%add3A_1209, %dma_wait3A_1211, %dma_wait3A_1212] : memref<16384x20x128xf32, #tpu.memory_space<hbm>> -> memref<4x20x128xf32, #tpu.memory_space<hbm>>
      %dma_wait3A_1214 = arith.constant 0 : i32
      %dma_wait3A_1215 = arith.constant 0 : i32
      %dma_wait3A_1216 = tpu.memref_slice %arg6[%add3A_1209, %dma_wait3A_1214, %dma_wait3A_1215] : memref<16384x20x128xf32, #tpu.memory_space<hbm>> -> memref<4x20x128xf32, #tpu.memory_space<hbm>>
      %dma_wait3A_1217 = tpu.memref_reshape %arg11 : memref<80x128xf32, #tpu.memory_space<vmem>> -> memref<4x20x128xf32, #tpu.memory_space<vmem>>
      tpu.wait_dma2 semaphore(%arg21 : memref<!tpu.dma_semaphore, #tpu.memory_space<semaphore_mem>>) src(%dma_wait3A_1217 : memref<4x20x128xf32, #tpu.memory_space<vmem>>) dst(%dma_wait3A_1216 : memref<4x20x128xf32, #tpu.memory_space<hbm>>)
      %mul3A_1218 = arith.constant 40 : i32
      %mul3A_1219 = arith.muli %add3A, %mul3A_1218 : i32
      %dma_start3A_1220 = arith.constant 2 : i32
      %dma_start3A_1221 = arith.constant 0 : i32
      %dma_start3A_1222 = tpu.memref_slice %arg9[%add3A_1205, %dma_start3A_1221] : memref<128x80xi32, #tpu.memory_space<vmem>> -> memref<1x80xi32, #tpu.memory_space<vmem>>
      %dma_start3A_1223 = tpu.memref_squeeze %dma_start3A_1222 : memref<1x80xi32, #tpu.memory_space<vmem>> -> memref<80xi32, #tpu.memory_space<vmem>>
      %dma_start3A_1224 = arith.constant 0 : i32
      %dma_start3A_1225 = arith.constant 0 : i32
      %dma_start3A_1226 = tpu.memref_slice %arg3[%dma_start3A_1220, %dma_start3A_1224, %dma_start3A_1225] : memref<5x1280x128xf32, #tpu.memory_space<hbm>> -> memref<1x1280x128xf32, #tpu.memory_space<hbm>>
      %dma_start3A_1227 = tpu.memref_squeeze %dma_start3A_1226 : memref<1x1280x128xf32, #tpu.memory_space<hbm>> -> memref<1280x128xf32, #tpu.memory_space<hbm>>
      %dma_start3A_1228 = arith.constant 0 : i32
      %dma_start3A_1229 = tpu.memref_slice %dma_start3A_1227[%mul3A_1219, %dma_start3A_1228] : memref<1280x128xf32, #tpu.memory_space<hbm>> -> memref<40x128xf32, #tpu.memory_space<hbm>>
      %dma_start3A_1230 = arith.constant 0 : i32
      %dma_start3A_1231 = arith.constant 0 : i32
      %dma_start3A_1232 = tpu.memref_slice %dma_start3A_1229[%dma_start3A_1230, %dma_start3A_1231] : memref<40x128xf32, #tpu.memory_space<hbm>> -> memref<40x128xf32, #tpu.memory_space<hbm>>
      tpu.enqueue_indirect_dma source(%dma_start3A_1232 : memref<40x128xf32, #tpu.memory_space<hbm>>) target(%arg11 : memref<80x128xf32, #tpu.memory_space<vmem>>) offsets(%dma_start3A_1223 : memref<80xi32, #tpu.memory_space<vmem>>) semaphore(%arg17 : memref<!tpu.dma_semaphore, #tpu.memory_space<semaphore_mem>>)
      %sub3A_1233 = arith.constant 2 : i32
      %sub3A_1234 = arith.subi %add3A_1205, %sub3A_1233 : i32
      %mul3A_1235 = arith.constant 40 : i32
      %mul3A_1236 = arith.muli %add3A, %mul3A_1235 : i32
      %dma_wait3A_1237 = arith.constant 2 : i32
      %dma_wait3A_1238 = arith.constant 0 : i32
      %dma_wait3A_1239 = tpu.memref_slice %arg9[%sub3A_1234, %dma_wait3A_1238] : memref<128x80xi32, #tpu.memory_space<vmem>> -> memref<1x80xi32, #tpu.memory_space<vmem>>
      %dma_wait3A_1240 = tpu.memref_squeeze %dma_wait3A_1239 : memref<1x80xi32, #tpu.memory_space<vmem>> -> memref<80xi32, #tpu.memory_space<vmem>>
      %dma_wait3A_1241 = arith.constant 0 : i32
      %dma_wait3A_1242 = arith.constant 0 : i32
      %dma_wait3A_1243 = tpu.memref_slice %arg3[%dma_wait3A_1237, %dma_wait3A_1241, %dma_wait3A_1242] : memref<5x1280x128xf32, #tpu.memory_space<hbm>> -> memref<1x1280x128xf32, #tpu.memory_space<hbm>>
      %dma_wait3A_1244 = tpu.memref_squeeze %dma_wait3A_1243 : memref<1x1280x128xf32, #tpu.memory_space<hbm>> -> memref<1280x128xf32, #tpu.memory_space<hbm>>
      %dma_wait3A_1245 = arith.constant 0 : i32
      %dma_wait3A_1246 = tpu.memref_slice %dma_wait3A_1244[%mul3A_1236, %dma_wait3A_1245] : memref<1280x128xf32, #tpu.memory_space<hbm>> -> memref<40x128xf32, #tpu.memory_space<hbm>>
      %dma_wait3A_1247 = arith.constant 0 : i32
      %dma_wait3A_1248 = arith.constant 0 : i32
      %dma_wait3A_1249 = tpu.memref_slice %dma_wait3A_1246[%dma_wait3A_1247, %dma_wait3A_1248] : memref<40x128xf32, #tpu.memory_space<hbm>> -> memref<40x128xf32, #tpu.memory_space<hbm>>
      tpu.wait_indirect_dma semaphore(%arg19 : memref<!tpu.dma_semaphore, #tpu.memory_space<semaphore_mem>>) src(%dma_wait3A_1249 : memref<40x128xf32, #tpu.memory_space<hbm>>) dst(%arg13 : memref<80x128xf32, #tpu.memory_space<vmem>>)
      %sub3A_1250 = arith.constant 2 : i32
      %sub3A_1251 = arith.subi %add3A_1205, %sub3A_1250 : i32
      %mul3A_1252 = arith.constant 4 : i32
      %mul3A_1253 = arith.muli %sub3A_1251, %mul3A_1252 : i32
      %add3A_1254 = arith.addi %mul3A_2, %mul3A_1253 : i32
      %dma_start3A_1255 = tpu.memref_reshape %arg13 : memref<80x128xf32, #tpu.memory_space<vmem>> -> memref<4x20x128xf32, #tpu.memory_space<vmem>>
      %dma_start3A_1256 = arith.constant 0 : i32
      %dma_start3A_1257 = arith.constant 0 : i32
      %dma_start3A_1258 = tpu.memref_slice %arg6[%add3A_1254, %dma_start3A_1256, %dma_start3A_1257] : memref<16384x20x128xf32, #tpu.memory_space<hbm>> -> memref<4x20x128xf32, #tpu.memory_space<hbm>>
      %dma_start3A_1259 = arith.constant 0 : i32
      %dma_start3A_1260 = arith.constant 0 : i32
      %dma_start3A_1261 = tpu.memref_slice %arg6[%add3A_1254, %dma_start3A_1259, %dma_start3A_1260] : memref<16384x20x128xf32, #tpu.memory_space<hbm>> -> memref<4x20x128xf32, #tpu.memory_space<hbm>>
      %dma_start3A_1262 = tpu.memref_reshape %arg13 : memref<80x128xf32, #tpu.memory_space<vmem>> -> memref<4x20x128xf32, #tpu.memory_space<vmem>>
      tpu.enqueue_dma source(%dma_start3A_1262 : memref<4x20x128xf32, #tpu.memory_space<vmem>>) target(%dma_start3A_1261 : memref<4x20x128xf32, #tpu.memory_space<hbm>>) target_semaphore(%arg23 : memref<!tpu.dma_semaphore, #tpu.memory_space<semaphore_mem>>)
      %mul3A_1263 = arith.constant 4 : i32
      %mul3A_1264 = arith.muli %add3A_1201, %mul3A_1263 : i32
      %add3A_1265 = arith.constant 1 : i32
      %add3A_1266 = arith.addi %mul3A_1264, %add3A_1265 : i32
      %sub3A_1267 = arith.constant 4 : i32
      %sub3A_1268 = arith.subi %add3A_1266, %sub3A_1267 : i32
      %mul3A_1269 = arith.constant 4 : i32
      %mul3A_1270 = arith.muli %sub3A_1268, %mul3A_1269 : i32
      %add3A_1271 = arith.addi %mul3A_2, %mul3A_1270 : i32
      %dma_wait3A_1272 = tpu.memref_reshape %arg12 : memref<80x128xf32, #tpu.memory_space<vmem>> -> memref<4x20x128xf32, #tpu.memory_space<vmem>>
      %dma_wait3A_1273 = arith.constant 0 : i32
      %dma_wait3A_1274 = arith.constant 0 : i32
      %dma_wait3A_1275 = tpu.memref_slice %arg6[%add3A_1271, %dma_wait3A_1273, %dma_wait3A_1274] : memref<16384x20x128xf32, #tpu.memory_space<hbm>> -> memref<4x20x128xf32, #tpu.memory_space<hbm>>
      %dma_wait3A_1276 = arith.constant 0 : i32
      %dma_wait3A_1277 = arith.constant 0 : i32
      %dma_wait3A_1278 = tpu.memref_slice %arg6[%add3A_1271, %dma_wait3A_1276, %dma_wait3A_1277] : memref<16384x20x128xf32, #tpu.memory_space<hbm>> -> memref<4x20x128xf32, #tpu.memory_space<hbm>>
      %dma_wait3A_1279 = tpu.memref_reshape %arg12 : memref<80x128xf32, #tpu.memory_space<vmem>> -> memref<4x20x128xf32, #tpu.memory_space<vmem>>
      tpu.wait_dma2 semaphore(%arg22 : memref<!tpu.dma_semaphore, #tpu.memory_space<semaphore_mem>>) src(%dma_wait3A_1279 : memref<4x20x128xf32, #tpu.memory_space<vmem>>) dst(%dma_wait3A_1278 : memref<4x20x128xf32, #tpu.memory_space<hbm>>)
      %mul3A_1280 = arith.constant 40 : i32
      %mul3A_1281 = arith.muli %add3A, %mul3A_1280 : i32
      %dma_start3A_1282 = arith.constant 2 : i32
      %dma_start3A_1283 = arith.constant 0 : i32
      %dma_start3A_1284 = tpu.memref_slice %arg9[%add3A_1266, %dma_start3A_1283] : memref<128x80xi32, #tpu.memory_space<vmem>> -> memref<1x80xi32, #tpu.memory_space<vmem>>
      %dma_start3A_1285 = tpu.memref_squeeze %dma_start3A_1284 : memref<1x80xi32, #tpu.memory_space<vmem>> -> memref<80xi32, #tpu.memory_space<vmem>>
      %dma_start3A_1286 = arith.constant 0 : i32
      %dma_start3A_1287 = arith.constant 0 : i32
      %dma_start3A_1288 = tpu.memref_slice %arg3[%dma_start3A_1282, %dma_start3A_1286, %dma_start3A_1287] : memref<5x1280x128xf32, #tpu.memory_space<hbm>> -> memref<1x1280x128xf32, #tpu.memory_space<hbm>>
      %dma_start3A_1289 = tpu.memref_squeeze %dma_start3A_1288 : memref<1x1280x128xf32, #tpu.memory_space<hbm>> -> memref<1280x128xf32, #tpu.memory_space<hbm>>
      %dma_start3A_1290 = arith.constant 0 : i32
      %dma_start3A_1291 = tpu.memref_slice %dma_start3A_1289[%mul3A_1281, %dma_start3A_1290] : memref<1280x128xf32, #tpu.memory_space<hbm>> -> memref<40x128xf32, #tpu.memory_space<hbm>>
      %dma_start3A_1292 = arith.constant 0 : i32
      %dma_start3A_1293 = arith.constant 0 : i32
      %dma_start3A_1294 = tpu.memref_slice %dma_start3A_1291[%dma_start3A_1292, %dma_start3A_1293] : memref<40x128xf32, #tpu.memory_space<hbm>> -> memref<40x128xf32, #tpu.memory_space<hbm>>
      tpu.enqueue_indirect_dma source(%dma_start3A_1294 : memref<40x128xf32, #tpu.memory_space<hbm>>) target(%arg12 : memref<80x128xf32, #tpu.memory_space<vmem>>) offsets(%dma_start3A_1285 : memref<80xi32, #tpu.memory_space<vmem>>) semaphore(%arg18 : memref<!tpu.dma_semaphore, #tpu.memory_space<semaphore_mem>>)
      %sub3A_1295 = arith.constant 2 : i32
      %sub3A_1296 = arith.subi %add3A_1266, %sub3A_1295 : i32
      %mul3A_1297 = arith.constant 40 : i32
      %mul3A_1298 = arith.muli %add3A, %mul3A_1297 : i32
      %dma_wait3A_1299 = arith.constant 2 : i32
      %dma_wait3A_1300 = arith.constant 0 : i32
      %dma_wait3A_1301 = tpu.memref_slice %arg9[%sub3A_1296, %dma_wait3A_1300] : memref<128x80xi32, #tpu.memory_space<vmem>> -> memref<1x80xi32, #tpu.memory_space<vmem>>
      %dma_wait3A_1302 = tpu.memref_squeeze %dma_wait3A_1301 : memref<1x80xi32, #tpu.memory_space<vmem>> -> memref<80xi32, #tpu.memory_space<vmem>>
      %dma_wait3A_1303 = arith.constant 0 : i32
      %dma_wait3A_1304 = arith.constant 0 : i32
      %dma_wait3A_1305 = tpu.memref_slice %arg3[%dma_wait3A_1299, %dma_wait3A_1303, %dma_wait3A_1304] : memref<5x1280x128xf32, #tpu.memory_space<hbm>> -> memref<1x1280x128xf32, #tpu.memory_space<hbm>>
      %dma_wait3A_1306 = tpu.memref_squeeze %dma_wait3A_1305 : memref<1x1280x128xf32, #tpu.memory_space<hbm>> -> memref<1280x128xf32, #tpu.memory_space<hbm>>
      %dma_wait3A_1307 = arith.constant 0 : i32
      %dma_wait3A_1308 = tpu.memref_slice %dma_wait3A_1306[%mul3A_1298, %dma_wait3A_1307] : memref<1280x128xf32, #tpu.memory_space<hbm>> -> memref<40x128xf32, #tpu.memory_space<hbm>>
      %dma_wait3A_1309 = arith.constant 0 : i32
      %dma_wait3A_1310 = arith.constant 0 : i32
      %dma_wait3A_1311 = tpu.memref_slice %dma_wait3A_1308[%dma_wait3A_1309, %dma_wait3A_1310] : memref<40x128xf32, #tpu.memory_space<hbm>> -> memref<40x128xf32, #tpu.memory_space<hbm>>
      tpu.wait_indirect_dma semaphore(%arg20 : memref<!tpu.dma_semaphore, #tpu.memory_space<semaphore_mem>>) src(%dma_wait3A_1311 : memref<40x128xf32, #tpu.memory_space<hbm>>) dst(%arg14 : memref<80x128xf32, #tpu.memory_space<vmem>>)
      %sub3A_1312 = arith.constant 2 : i32
      %sub3A_1313 = arith.subi %add3A_1266, %sub3A_1312 : i32
      %mul3A_1314 = arith.constant 4 : i32
      %mul3A_1315 = arith.muli %sub3A_1313, %mul3A_1314 : i32
      %add3A_1316 = arith.addi %mul3A_2, %mul3A_1315 : i32
      %dma_start3A_1317 = tpu.memref_reshape %arg14 : memref<80x128xf32, #tpu.memory_space<vmem>> -> memref<4x20x128xf32, #tpu.memory_space<vmem>>
      %dma_start3A_1318 = arith.constant 0 : i32
      %dma_start3A_1319 = arith.constant 0 : i32
      %dma_start3A_1320 = tpu.memref_slice %arg6[%add3A_1316, %dma_start3A_1318, %dma_start3A_1319] : memref<16384x20x128xf32, #tpu.memory_space<hbm>> -> memref<4x20x128xf32, #tpu.memory_space<hbm>>
      %dma_start3A_1321 = arith.constant 0 : i32
      %dma_start3A_1322 = arith.constant 0 : i32
      %dma_start3A_1323 = tpu.memref_slice %arg6[%add3A_1316, %dma_start3A_1321, %dma_start3A_1322] : memref<16384x20x128xf32, #tpu.memory_space<hbm>> -> memref<4x20x128xf32, #tpu.memory_space<hbm>>
      %dma_start3A_1324 = tpu.memref_reshape %arg14 : memref<80x128xf32, #tpu.memory_space<vmem>> -> memref<4x20x128xf32, #tpu.memory_space<vmem>>
      tpu.enqueue_dma source(%dma_start3A_1324 : memref<4x20x128xf32, #tpu.memory_space<vmem>>) target(%dma_start3A_1323 : memref<4x20x128xf32, #tpu.memory_space<hbm>>) target_semaphore(%arg24 : memref<!tpu.dma_semaphore, #tpu.memory_space<semaphore_mem>>)
      %mul3A_1325 = arith.constant 4 : i32
      %mul3A_1326 = arith.muli %add3A_1201, %mul3A_1325 : i32
      %add3A_1327 = arith.constant 2 : i32
      %add3A_1328 = arith.addi %mul3A_1326, %add3A_1327 : i32
      %sub3A_1329 = arith.constant 4 : i32
      %sub3A_1330 = arith.subi %add3A_1328, %sub3A_1329 : i32
      %mul3A_1331 = arith.constant 4 : i32
      %mul3A_1332 = arith.muli %sub3A_1330, %mul3A_1331 : i32
      %add3A_1333 = arith.addi %mul3A_2, %mul3A_1332 : i32
      %dma_wait3A_1334 = tpu.memref_reshape %arg13 : memref<80x128xf32, #tpu.memory_space<vmem>> -> memref<4x20x128xf32, #tpu.memory_space<vmem>>
      %dma_wait3A_1335 = arith.constant 0 : i32
      %dma_wait3A_1336 = arith.constant 0 : i32
      %dma_wait3A_1337 = tpu.memref_slice %arg6[%add3A_1333, %dma_wait3A_1335, %dma_wait3A_1336] : memref<16384x20x128xf32, #tpu.memory_space<hbm>> -> memref<4x20x128xf32, #tpu.memory_space<hbm>>
      %dma_wait3A_1338 = arith.constant 0 : i32
      %dma_wait3A_1339 = arith.constant 0 : i32
      %dma_wait3A_1340 = tpu.memref_slice %arg6[%add3A_1333, %dma_wait3A_1338, %dma_wait3A_1339] : memref<16384x20x128xf32, #tpu.memory_space<hbm>> -> memref<4x20x128xf32, #tpu.memory_space<hbm>>
      %dma_wait3A_1341 = tpu.memref_reshape %arg13 : memref<80x128xf32, #tpu.memory_space<vmem>> -> memref<4x20x128xf32, #tpu.memory_space<vmem>>
      tpu.wait_dma2 semaphore(%arg23 : memref<!tpu.dma_semaphore, #tpu.memory_space<semaphore_mem>>) src(%dma_wait3A_1341 : memref<4x20x128xf32, #tpu.memory_space<vmem>>) dst(%dma_wait3A_1340 : memref<4x20x128xf32, #tpu.memory_space<hbm>>)
      %mul3A_1342 = arith.constant 40 : i32
      %mul3A_1343 = arith.muli %add3A, %mul3A_1342 : i32
      %dma_start3A_1344 = arith.constant 2 : i32
      %dma_start3A_1345 = arith.constant 0 : i32
      %dma_start3A_1346 = tpu.memref_slice %arg9[%add3A_1328, %dma_start3A_1345] : memref<128x80xi32, #tpu.memory_space<vmem>> -> memref<1x80xi32, #tpu.memory_space<vmem>>
      %dma_start3A_1347 = tpu.memref_squeeze %dma_start3A_1346 : memref<1x80xi32, #tpu.memory_space<vmem>> -> memref<80xi32, #tpu.memory_space<vmem>>
      %dma_start3A_1348 = arith.constant 0 : i32
      %dma_start3A_1349 = arith.constant 0 : i32
      %dma_start3A_1350 = tpu.memref_slice %arg3[%dma_start3A_1344, %dma_start3A_1348, %dma_start3A_1349] : memref<5x1280x128xf32, #tpu.memory_space<hbm>> -> memref<1x1280x128xf32, #tpu.memory_space<hbm>>
      %dma_start3A_1351 = tpu.memref_squeeze %dma_start3A_1350 : memref<1x1280x128xf32, #tpu.memory_space<hbm>> -> memref<1280x128xf32, #tpu.memory_space<hbm>>
      %dma_start3A_1352 = arith.constant 0 : i32
      %dma_start3A_1353 = tpu.memref_slice %dma_start3A_1351[%mul3A_1343, %dma_start3A_1352] : memref<1280x128xf32, #tpu.memory_space<hbm>> -> memref<40x128xf32, #tpu.memory_space<hbm>>
      %dma_start3A_1354 = arith.constant 0 : i32
      %dma_start3A_1355 = arith.constant 0 : i32
      %dma_start3A_1356 = tpu.memref_slice %dma_start3A_1353[%dma_start3A_1354, %dma_start3A_1355] : memref<40x128xf32, #tpu.memory_space<hbm>> -> memref<40x128xf32, #tpu.memory_space<hbm>>
      tpu.enqueue_indirect_dma source(%dma_start3A_1356 : memref<40x128xf32, #tpu.memory_space<hbm>>) target(%arg13 : memref<80x128xf32, #tpu.memory_space<vmem>>) offsets(%dma_start3A_1347 : memref<80xi32, #tpu.memory_space<vmem>>) semaphore(%arg19 : memref<!tpu.dma_semaphore, #tpu.memory_space<semaphore_mem>>)
      %sub3A_1357 = arith.constant 2 : i32
      %sub3A_1358 = arith.subi %add3A_1328, %sub3A_1357 : i32
      %mul3A_1359 = arith.constant 40 : i32
      %mul3A_1360 = arith.muli %add3A, %mul3A_1359 : i32
      %dma_wait3A_1361 = arith.constant 2 : i32
      %dma_wait3A_1362 = arith.constant 0 : i32
      %dma_wait3A_1363 = tpu.memref_slice %arg9[%sub3A_1358, %dma_wait3A_1362] : memref<128x80xi32, #tpu.memory_space<vmem>> -> memref<1x80xi32, #tpu.memory_space<vmem>>
      %dma_wait3A_1364 = tpu.memref_squeeze %dma_wait3A_1363 : memref<1x80xi32, #tpu.memory_space<vmem>> -> memref<80xi32, #tpu.memory_space<vmem>>
      %dma_wait3A_1365 = arith.constant 0 : i32
      %dma_wait3A_1366 = arith.constant 0 : i32
      %dma_wait3A_1367 = tpu.memref_slice %arg3[%dma_wait3A_1361, %dma_wait3A_1365, %dma_wait3A_1366] : memref<5x1280x128xf32, #tpu.memory_space<hbm>> -> memref<1x1280x128xf32, #tpu.memory_space<hbm>>
      %dma_wait3A_1368 = tpu.memref_squeeze %dma_wait3A_1367 : memref<1x1280x128xf32, #tpu.memory_space<hbm>> -> memref<1280x128xf32, #tpu.memory_space<hbm>>
      %dma_wait3A_1369 = arith.constant 0 : i32
      %dma_wait3A_1370 = tpu.memref_slice %dma_wait3A_1368[%mul3A_1360, %dma_wait3A_1369] : memref<1280x128xf32, #tpu.memory_space<hbm>> -> memref<40x128xf32, #tpu.memory_space<hbm>>
      %dma_wait3A_1371 = arith.constant 0 : i32
      %dma_wait3A_1372 = arith.constant 0 : i32
      %dma_wait3A_1373 = tpu.memref_slice %dma_wait3A_1370[%dma_wait3A_1371, %dma_wait3A_1372] : memref<40x128xf32, #tpu.memory_space<hbm>> -> memref<40x128xf32, #tpu.memory_space<hbm>>
      tpu.wait_indirect_dma semaphore(%arg17 : memref<!tpu.dma_semaphore, #tpu.memory_space<semaphore_mem>>) src(%dma_wait3A_1373 : memref<40x128xf32, #tpu.memory_space<hbm>>) dst(%arg11 : memref<80x128xf32, #tpu.memory_space<vmem>>)
      %sub3A_1374 = arith.constant 2 : i32
      %sub3A_1375 = arith.subi %add3A_1328, %sub3A_1374 : i32
      %mul3A_1376 = arith.constant 4 : i32
      %mul3A_1377 = arith.muli %sub3A_1375, %mul3A_1376 : i32
      %add3A_1378 = arith.addi %mul3A_2, %mul3A_1377 : i32
      %dma_start3A_1379 = tpu.memref_reshape %arg11 : memref<80x128xf32, #tpu.memory_space<vmem>> -> memref<4x20x128xf32, #tpu.memory_space<vmem>>
      %dma_start3A_1380 = arith.constant 0 : i32
      %dma_start3A_1381 = arith.constant 0 : i32
      %dma_start3A_1382 = tpu.memref_slice %arg6[%add3A_1378, %dma_start3A_1380, %dma_start3A_1381] : memref<16384x20x128xf32, #tpu.memory_space<hbm>> -> memref<4x20x128xf32, #tpu.memory_space<hbm>>
      %dma_start3A_1383 = arith.constant 0 : i32
      %dma_start3A_1384 = arith.constant 0 : i32
      %dma_start3A_1385 = tpu.memref_slice %arg6[%add3A_1378, %dma_start3A_1383, %dma_start3A_1384] : memref<16384x20x128xf32, #tpu.memory_space<hbm>> -> memref<4x20x128xf32, #tpu.memory_space<hbm>>
      %dma_start3A_1386 = tpu.memref_reshape %arg11 : memref<80x128xf32, #tpu.memory_space<vmem>> -> memref<4x20x128xf32, #tpu.memory_space<vmem>>
      tpu.enqueue_dma source(%dma_start3A_1386 : memref<4x20x128xf32, #tpu.memory_space<vmem>>) target(%dma_start3A_1385 : memref<4x20x128xf32, #tpu.memory_space<hbm>>) target_semaphore(%arg21 : memref<!tpu.dma_semaphore, #tpu.memory_space<semaphore_mem>>)
      %mul3A_1387 = arith.constant 4 : i32
      %mul3A_1388 = arith.muli %add3A_1201, %mul3A_1387 : i32
      %add3A_1389 = arith.constant 3 : i32
      %add3A_1390 = arith.addi %mul3A_1388, %add3A_1389 : i32
      %sub3A_1391 = arith.constant 4 : i32
      %sub3A_1392 = arith.subi %add3A_1390, %sub3A_1391 : i32
      %mul3A_1393 = arith.constant 4 : i32
      %mul3A_1394 = arith.muli %sub3A_1392, %mul3A_1393 : i32
      %add3A_1395 = arith.addi %mul3A_2, %mul3A_1394 : i32
      %dma_wait3A_1396 = tpu.memref_reshape %arg14 : memref<80x128xf32, #tpu.memory_space<vmem>> -> memref<4x20x128xf32, #tpu.memory_space<vmem>>
      %dma_wait3A_1397 = arith.constant 0 : i32
      %dma_wait3A_1398 = arith.constant 0 : i32
      %dma_wait3A_1399 = tpu.memref_slice %arg6[%add3A_1395, %dma_wait3A_1397, %dma_wait3A_1398] : memref<16384x20x128xf32, #tpu.memory_space<hbm>> -> memref<4x20x128xf32, #tpu.memory_space<hbm>>
      %dma_wait3A_1400 = arith.constant 0 : i32
      %dma_wait3A_1401 = arith.constant 0 : i32
      %dma_wait3A_1402 = tpu.memref_slice %arg6[%add3A_1395, %dma_wait3A_1400, %dma_wait3A_1401] : memref<16384x20x128xf32, #tpu.memory_space<hbm>> -> memref<4x20x128xf32, #tpu.memory_space<hbm>>
      %dma_wait3A_1403 = tpu.memref_reshape %arg14 : memref<80x128xf32, #tpu.memory_space<vmem>> -> memref<4x20x128xf32, #tpu.memory_space<vmem>>
      tpu.wait_dma2 semaphore(%arg24 : memref<!tpu.dma_semaphore, #tpu.memory_space<semaphore_mem>>) src(%dma_wait3A_1403 : memref<4x20x128xf32, #tpu.memory_space<vmem>>) dst(%dma_wait3A_1402 : memref<4x20x128xf32, #tpu.memory_space<hbm>>)
      %mul3A_1404 = arith.constant 40 : i32
      %mul3A_1405 = arith.muli %add3A, %mul3A_1404 : i32
      %dma_start3A_1406 = arith.constant 2 : i32
      %dma_start3A_1407 = arith.constant 0 : i32
      %dma_start3A_1408 = tpu.memref_slice %arg9[%add3A_1390, %dma_start3A_1407] : memref<128x80xi32, #tpu.memory_space<vmem>> -> memref<1x80xi32, #tpu.memory_space<vmem>>
      %dma_start3A_1409 = tpu.memref_squeeze %dma_start3A_1408 : memref<1x80xi32, #tpu.memory_space<vmem>> -> memref<80xi32, #tpu.memory_space<vmem>>
      %dma_start3A_1410 = arith.constant 0 : i32
      %dma_start3A_1411 = arith.constant 0 : i32
      %dma_start3A_1412 = tpu.memref_slice %arg3[%dma_start3A_1406, %dma_start3A_1410, %dma_start3A_1411] : memref<5x1280x128xf32, #tpu.memory_space<hbm>> -> memref<1x1280x128xf32, #tpu.memory_space<hbm>>
      %dma_start3A_1413 = tpu.memref_squeeze %dma_start3A_1412 : memref<1x1280x128xf32, #tpu.memory_space<hbm>> -> memref<1280x128xf32, #tpu.memory_space<hbm>>
      %dma_start3A_1414 = arith.constant 0 : i32
      %dma_start3A_1415 = tpu.memref_slice %dma_start3A_1413[%mul3A_1405, %dma_start3A_1414] : memref<1280x128xf32, #tpu.memory_space<hbm>> -> memref<40x128xf32, #tpu.memory_space<hbm>>
      %dma_start3A_1416 = arith.constant 0 : i32
      %dma_start3A_1417 = arith.constant 0 : i32
      %dma_start3A_1418 = tpu.memref_slice %dma_start3A_1415[%dma_start3A_1416, %dma_start3A_1417] : memref<40x128xf32, #tpu.memory_space<hbm>> -> memref<40x128xf32, #tpu.memory_space<hbm>>
      tpu.enqueue_indirect_dma source(%dma_start3A_1418 : memref<40x128xf32, #tpu.memory_space<hbm>>) target(%arg14 : memref<80x128xf32, #tpu.memory_space<vmem>>) offsets(%dma_start3A_1409 : memref<80xi32, #tpu.memory_space<vmem>>) semaphore(%arg20 : memref<!tpu.dma_semaphore, #tpu.memory_space<semaphore_mem>>)
      %sub3A_1419 = arith.constant 2 : i32
      %sub3A_1420 = arith.subi %add3A_1390, %sub3A_1419 : i32
      %mul3A_1421 = arith.constant 40 : i32
      %mul3A_1422 = arith.muli %add3A, %mul3A_1421 : i32
      %dma_wait3A_1423 = arith.constant 2 : i32
      %dma_wait3A_1424 = arith.constant 0 : i32
      %dma_wait3A_1425 = tpu.memref_slice %arg9[%sub3A_1420, %dma_wait3A_1424] : memref<128x80xi32, #tpu.memory_space<vmem>> -> memref<1x80xi32, #tpu.memory_space<vmem>>
      %dma_wait3A_1426 = tpu.memref_squeeze %dma_wait3A_1425 : memref<1x80xi32, #tpu.memory_space<vmem>> -> memref<80xi32, #tpu.memory_space<vmem>>
      %dma_wait3A_1427 = arith.constant 0 : i32
      %dma_wait3A_1428 = arith.constant 0 : i32
      %dma_wait3A_1429 = tpu.memref_slice %arg3[%dma_wait3A_1423, %dma_wait3A_1427, %dma_wait3A_1428] : memref<5x1280x128xf32, #tpu.memory_space<hbm>> -> memref<1x1280x128xf32, #tpu.memory_space<hbm>>
      %dma_wait3A_1430 = tpu.memref_squeeze %dma_wait3A_1429 : memref<1x1280x128xf32, #tpu.memory_space<hbm>> -> memref<1280x128xf32, #tpu.memory_space<hbm>>
      %dma_wait3A_1431 = arith.constant 0 : i32
      %dma_wait3A_1432 = tpu.memref_slice %dma_wait3A_1430[%mul3A_1422, %dma_wait3A_1431] : memref<1280x128xf32, #tpu.memory_space<hbm>> -> memref<40x128xf32, #tpu.memory_space<hbm>>
      %dma_wait3A_1433 = arith.constant 0 : i32
      %dma_wait3A_1434 = arith.constant 0 : i32
      %dma_wait3A_1435 = tpu.memref_slice %dma_wait3A_1432[%dma_wait3A_1433, %dma_wait3A_1434] : memref<40x128xf32, #tpu.memory_space<hbm>> -> memref<40x128xf32, #tpu.memory_space<hbm>>
      tpu.wait_indirect_dma semaphore(%arg18 : memref<!tpu.dma_semaphore, #tpu.memory_space<semaphore_mem>>) src(%dma_wait3A_1435 : memref<40x128xf32, #tpu.memory_space<hbm>>) dst(%arg12 : memref<80x128xf32, #tpu.memory_space<vmem>>)
      %sub3A_1436 = arith.constant 2 : i32
      %sub3A_1437 = arith.subi %add3A_1390, %sub3A_1436 : i32
      %mul3A_1438 = arith.constant 4 : i32
      %mul3A_1439 = arith.muli %sub3A_1437, %mul3A_1438 : i32
      %add3A_1440 = arith.addi %mul3A_2, %mul3A_1439 : i32
      %dma_start3A_1441 = tpu.memref_reshape %arg12 : memref<80x128xf32, #tpu.memory_space<vmem>> -> memref<4x20x128xf32, #tpu.memory_space<vmem>>
      %dma_start3A_1442 = arith.constant 0 : i32
      %dma_start3A_1443 = arith.constant 0 : i32
      %dma_start3A_1444 = tpu.memref_slice %arg6[%add3A_1440, %dma_start3A_1442, %dma_start3A_1443] : memref<16384x20x128xf32, #tpu.memory_space<hbm>> -> memref<4x20x128xf32, #tpu.memory_space<hbm>>
      %dma_start3A_1445 = arith.constant 0 : i32
      %dma_start3A_1446 = arith.constant 0 : i32
      %dma_start3A_1447 = tpu.memref_slice %arg6[%add3A_1440, %dma_start3A_1445, %dma_start3A_1446] : memref<16384x20x128xf32, #tpu.memory_space<hbm>> -> memref<4x20x128xf32, #tpu.memory_space<hbm>>
      %dma_start3A_1448 = tpu.memref_reshape %arg12 : memref<80x128xf32, #tpu.memory_space<vmem>> -> memref<4x20x128xf32, #tpu.memory_space<vmem>>
      tpu.enqueue_dma source(%dma_start3A_1448 : memref<4x20x128xf32, #tpu.memory_space<vmem>>) target(%dma_start3A_1447 : memref<4x20x128xf32, #tpu.memory_space<hbm>>) target_semaphore(%arg22 : memref<!tpu.dma_semaphore, #tpu.memory_space<semaphore_mem>>)
    }
    %scan3A_639 = arith.constant 31 : i32
    %mul3A_640 = arith.constant 40 : i32
    %mul3A_641 = arith.muli %add3A, %mul3A_640 : i32
    %dma_wait3A_642 = arith.constant 2 : i32
    %dma_wait3A_643 = arith.constant 126 : i32
    %dma_wait3A_644 = arith.constant 0 : i32
    %dma_wait3A_645 = tpu.memref_slice %arg9[%dma_wait3A_643, %dma_wait3A_644] : memref<128x80xi32, #tpu.memory_space<vmem>> -> memref<1x80xi32, #tpu.memory_space<vmem>>
    %dma_wait3A_646 = tpu.memref_squeeze %dma_wait3A_645 : memref<1x80xi32, #tpu.memory_space<vmem>> -> memref<80xi32, #tpu.memory_space<vmem>>
    %dma_wait3A_647 = arith.constant 0 : i32
    %dma_wait3A_648 = arith.constant 0 : i32
    %dma_wait3A_649 = tpu.memref_slice %arg3[%dma_wait3A_642, %dma_wait3A_647, %dma_wait3A_648] : memref<5x1280x128xf32, #tpu.memory_space<hbm>> -> memref<1x1280x128xf32, #tpu.memory_space<hbm>>
    %dma_wait3A_650 = tpu.memref_squeeze %dma_wait3A_649 : memref<1x1280x128xf32, #tpu.memory_space<hbm>> -> memref<1280x128xf32, #tpu.memory_space<hbm>>
    %dma_wait3A_651 = arith.constant 0 : i32
    %dma_wait3A_652 = tpu.memref_slice %dma_wait3A_650[%mul3A_641, %dma_wait3A_651] : memref<1280x128xf32, #tpu.memory_space<hbm>> -> memref<40x128xf32, #tpu.memory_space<hbm>>
    %dma_wait3A_653 = arith.constant 0 : i32
    %dma_wait3A_654 = arith.constant 0 : i32
    %dma_wait3A_655 = tpu.memref_slice %dma_wait3A_652[%dma_wait3A_653, %dma_wait3A_654] : memref<40x128xf32, #tpu.memory_space<hbm>> -> memref<40x128xf32, #tpu.memory_space<hbm>>
    tpu.wait_indirect_dma semaphore(%arg19 : memref<!tpu.dma_semaphore, #tpu.memory_space<semaphore_mem>>) src(%dma_wait3A_655 : memref<40x128xf32, #tpu.memory_space<hbm>>) dst(%arg13 : memref<80x128xf32, #tpu.memory_space<vmem>>)
    %add3A_656 = arith.constant 504 : i32
    %add3A_657 = arith.addi %mul3A_2, %add3A_656 : i32
    %dma_start3A_658 = tpu.memref_reshape %arg13 : memref<80x128xf32, #tpu.memory_space<vmem>> -> memref<4x20x128xf32, #tpu.memory_space<vmem>>
    %dma_start3A_659 = arith.constant 0 : i32
    %dma_start3A_660 = arith.constant 0 : i32
    %dma_start3A_661 = tpu.memref_slice %arg6[%add3A_657, %dma_start3A_659, %dma_start3A_660] : memref<16384x20x128xf32, #tpu.memory_space<hbm>> -> memref<4x20x128xf32, #tpu.memory_space<hbm>>
    %dma_start3A_662 = arith.constant 0 : i32
    %dma_start3A_663 = arith.constant 0 : i32
    %dma_start3A_664 = tpu.memref_slice %arg6[%add3A_657, %dma_start3A_662, %dma_start3A_663] : memref<16384x20x128xf32, #tpu.memory_space<hbm>> -> memref<4x20x128xf32, #tpu.memory_space<hbm>>
    %dma_start3A_665 = tpu.memref_reshape %arg13 : memref<80x128xf32, #tpu.memory_space<vmem>> -> memref<4x20x128xf32, #tpu.memory_space<vmem>>
    tpu.enqueue_dma source(%dma_start3A_665 : memref<4x20x128xf32, #tpu.memory_space<vmem>>) target(%dma_start3A_664 : memref<4x20x128xf32, #tpu.memory_space<hbm>>) target_semaphore(%arg23 : memref<!tpu.dma_semaphore, #tpu.memory_space<semaphore_mem>>)
    %mul3A_666 = arith.constant 40 : i32
    %mul3A_667 = arith.muli %add3A, %mul3A_666 : i32
    %dma_wait3A_668 = arith.constant 2 : i32
    %dma_wait3A_669 = arith.constant 127 : i32
    %dma_wait3A_670 = arith.constant 0 : i32
    %dma_wait3A_671 = tpu.memref_slice %arg9[%dma_wait3A_669, %dma_wait3A_670] : memref<128x80xi32, #tpu.memory_space<vmem>> -> memref<1x80xi32, #tpu.memory_space<vmem>>
    %dma_wait3A_672 = tpu.memref_squeeze %dma_wait3A_671 : memref<1x80xi32, #tpu.memory_space<vmem>> -> memref<80xi32, #tpu.memory_space<vmem>>
    %dma_wait3A_673 = arith.constant 0 : i32
    %dma_wait3A_674 = arith.constant 0 : i32
    %dma_wait3A_675 = tpu.memref_slice %arg3[%dma_wait3A_668, %dma_wait3A_673, %dma_wait3A_674] : memref<5x1280x128xf32, #tpu.memory_space<hbm>> -> memref<1x1280x128xf32, #tpu.memory_space<hbm>>
    %dma_wait3A_676 = tpu.memref_squeeze %dma_wait3A_675 : memref<1x1280x128xf32, #tpu.memory_space<hbm>> -> memref<1280x128xf32, #tpu.memory_space<hbm>>
    %dma_wait3A_677 = arith.constant 0 : i32
    %dma_wait3A_678 = tpu.memref_slice %dma_wait3A_676[%mul3A_667, %dma_wait3A_677] : memref<1280x128xf32, #tpu.memory_space<hbm>> -> memref<40x128xf32, #tpu.memory_space<hbm>>
    %dma_wait3A_679 = arith.constant 0 : i32
    %dma_wait3A_680 = arith.constant 0 : i32
    %dma_wait3A_681 = tpu.memref_slice %dma_wait3A_678[%dma_wait3A_679, %dma_wait3A_680] : memref<40x128xf32, #tpu.memory_space<hbm>> -> memref<40x128xf32, #tpu.memory_space<hbm>>
    tpu.wait_indirect_dma semaphore(%arg20 : memref<!tpu.dma_semaphore, #tpu.memory_space<semaphore_mem>>) src(%dma_wait3A_681 : memref<40x128xf32, #tpu.memory_space<hbm>>) dst(%arg14 : memref<80x128xf32, #tpu.memory_space<vmem>>)
    %add3A_682 = arith.constant 508 : i32
    %add3A_683 = arith.addi %mul3A_2, %add3A_682 : i32
    %dma_start3A_684 = tpu.memref_reshape %arg14 : memref<80x128xf32, #tpu.memory_space<vmem>> -> memref<4x20x128xf32, #tpu.memory_space<vmem>>
    %dma_start3A_685 = arith.constant 0 : i32
    %dma_start3A_686 = arith.constant 0 : i32
    %dma_start3A_687 = tpu.memref_slice %arg6[%add3A_683, %dma_start3A_685, %dma_start3A_686] : memref<16384x20x128xf32, #tpu.memory_space<hbm>> -> memref<4x20x128xf32, #tpu.memory_space<hbm>>
    %dma_start3A_688 = arith.constant 0 : i32
    %dma_start3A_689 = arith.constant 0 : i32
    %dma_start3A_690 = tpu.memref_slice %arg6[%add3A_683, %dma_start3A_688, %dma_start3A_689] : memref<16384x20x128xf32, #tpu.memory_space<hbm>> -> memref<4x20x128xf32, #tpu.memory_space<hbm>>
    %dma_start3A_691 = tpu.memref_reshape %arg14 : memref<80x128xf32, #tpu.memory_space<vmem>> -> memref<4x20x128xf32, #tpu.memory_space<vmem>>
    tpu.enqueue_dma source(%dma_start3A_691 : memref<4x20x128xf32, #tpu.memory_space<vmem>>) target(%dma_start3A_690 : memref<4x20x128xf32, #tpu.memory_space<hbm>>) target_semaphore(%arg24 : memref<!tpu.dma_semaphore, #tpu.memory_space<semaphore_mem>>)
    %dma_wait3A_692 = arith.constant 3 : i32
    %dma_wait3A_693 = arith.constant 0 : i32
    %dma_wait3A_694 = arith.constant 0 : i32
    %dma_wait3A_695 = tpu.memref_slice %arg2[%dma_wait3A_692, %dma_wait3A_693, %dma_wait3A_694] : memref<5x4096x80xi32, #tpu.memory_space<hbm>> -> memref<1x4096x80xi32, #tpu.memory_space<hbm>>
    %dma_wait3A_696 = tpu.memref_squeeze %dma_wait3A_695 : memref<1x4096x80xi32, #tpu.memory_space<hbm>> -> memref<4096x80xi32, #tpu.memory_space<hbm>>
    %dma_wait3A_697 = arith.constant 0 : i32
    %dma_wait3A_698 = tpu.memref_slice %dma_wait3A_696[%mul3A_4, %dma_wait3A_697] : memref<4096x80xi32, #tpu.memory_space<hbm>> -> memref<128x80xi32, #tpu.memory_space<hbm>>
    %dma_wait3A_699 = arith.constant 0 : i32
    %dma_wait3A_700 = arith.constant 0 : i32
    %dma_wait3A_701 = tpu.memref_slice %arg2[%dma_wait3A_692, %dma_wait3A_699, %dma_wait3A_700] : memref<5x4096x80xi32, #tpu.memory_space<hbm>> -> memref<1x4096x80xi32, #tpu.memory_space<hbm>>
    %dma_wait3A_702 = tpu.memref_squeeze %dma_wait3A_701 : memref<1x4096x80xi32, #tpu.memory_space<hbm>> -> memref<4096x80xi32, #tpu.memory_space<hbm>>
    %dma_wait3A_703 = arith.constant 0 : i32
    %dma_wait3A_704 = tpu.memref_slice %dma_wait3A_702[%mul3A_4, %dma_wait3A_703] : memref<4096x80xi32, #tpu.memory_space<hbm>> -> memref<128x80xi32, #tpu.memory_space<hbm>>
    tpu.wait_dma2 semaphore(%arg16 : memref<!tpu.dma_semaphore, #tpu.memory_space<semaphore_mem>>) src(%dma_wait3A_704 : memref<128x80xi32, #tpu.memory_space<hbm>>) dst(%arg10 : memref<128x80xi32, #tpu.memory_space<vmem>>)
    %dma_start3A_705 = arith.constant 4 : i32
    %dma_start3A_706 = arith.constant 0 : i32
    %dma_start3A_707 = arith.constant 0 : i32
    %dma_start3A_708 = tpu.memref_slice %arg2[%dma_start3A_705, %dma_start3A_706, %dma_start3A_707] : memref<5x4096x80xi32, #tpu.memory_space<hbm>> -> memref<1x4096x80xi32, #tpu.memory_space<hbm>>
    %dma_start3A_709 = tpu.memref_squeeze %dma_start3A_708 : memref<1x4096x80xi32, #tpu.memory_space<hbm>> -> memref<4096x80xi32, #tpu.memory_space<hbm>>
    %dma_start3A_710 = arith.constant 0 : i32
    %dma_start3A_711 = tpu.memref_slice %dma_start3A_709[%mul3A_4, %dma_start3A_710] : memref<4096x80xi32, #tpu.memory_space<hbm>> -> memref<128x80xi32, #tpu.memory_space<hbm>>
    %dma_start3A_712 = arith.constant 0 : i32
    %dma_start3A_713 = arith.constant 0 : i32
    %dma_start3A_714 = tpu.memref_slice %arg2[%dma_start3A_705, %dma_start3A_712, %dma_start3A_713] : memref<5x4096x80xi32, #tpu.memory_space<hbm>> -> memref<1x4096x80xi32, #tpu.memory_space<hbm>>
    %dma_start3A_715 = tpu.memref_squeeze %dma_start3A_714 : memref<1x4096x80xi32, #tpu.memory_space<hbm>> -> memref<4096x80xi32, #tpu.memory_space<hbm>>
    %dma_start3A_716 = arith.constant 0 : i32
    %dma_start3A_717 = tpu.memref_slice %dma_start3A_715[%mul3A_4, %dma_start3A_716] : memref<4096x80xi32, #tpu.memory_space<hbm>> -> memref<128x80xi32, #tpu.memory_space<hbm>>
    tpu.enqueue_dma source(%dma_start3A_717 : memref<128x80xi32, #tpu.memory_space<hbm>>) target(%arg9 : memref<128x80xi32, #tpu.memory_space<vmem>>) target_semaphore(%arg15 : memref<!tpu.dma_semaphore, #tpu.memory_space<semaphore_mem>>)
    %add3A_718 = arith.constant 496 : i32
    %add3A_719 = arith.addi %mul3A_2, %add3A_718 : i32
    %dma_wait3A_720 = tpu.memref_reshape %arg11 : memref<80x128xf32, #tpu.memory_space<vmem>> -> memref<4x20x128xf32, #tpu.memory_space<vmem>>
    %dma_wait3A_721 = arith.constant 0 : i32
    %dma_wait3A_722 = arith.constant 0 : i32
    %dma_wait3A_723 = tpu.memref_slice %arg6[%add3A_719, %dma_wait3A_721, %dma_wait3A_722] : memref<16384x20x128xf32, #tpu.memory_space<hbm>> -> memref<4x20x128xf32, #tpu.memory_space<hbm>>
    %dma_wait3A_724 = arith.constant 0 : i32
    %dma_wait3A_725 = arith.constant 0 : i32
    %dma_wait3A_726 = tpu.memref_slice %arg6[%add3A_719, %dma_wait3A_724, %dma_wait3A_725] : memref<16384x20x128xf32, #tpu.memory_space<hbm>> -> memref<4x20x128xf32, #tpu.memory_space<hbm>>
    %dma_wait3A_727 = tpu.memref_reshape %arg11 : memref<80x128xf32, #tpu.memory_space<vmem>> -> memref<4x20x128xf32, #tpu.memory_space<vmem>>
    tpu.wait_dma2 semaphore(%arg21 : memref<!tpu.dma_semaphore, #tpu.memory_space<semaphore_mem>>) src(%dma_wait3A_727 : memref<4x20x128xf32, #tpu.memory_space<vmem>>) dst(%dma_wait3A_726 : memref<4x20x128xf32, #tpu.memory_space<hbm>>)
    %mul3A_728 = arith.constant 40 : i32
    %mul3A_729 = arith.muli %add3A, %mul3A_728 : i32
    %dma_start3A_730 = arith.constant 3 : i32
    %dma_start3A_731 = arith.constant 0 : i32
    %dma_start3A_732 = arith.constant 0 : i32
    %dma_start3A_733 = tpu.memref_slice %arg10[%dma_start3A_731, %dma_start3A_732] : memref<128x80xi32, #tpu.memory_space<vmem>> -> memref<1x80xi32, #tpu.memory_space<vmem>>
    %dma_start3A_734 = tpu.memref_squeeze %dma_start3A_733 : memref<1x80xi32, #tpu.memory_space<vmem>> -> memref<80xi32, #tpu.memory_space<vmem>>
    %dma_start3A_735 = arith.constant 0 : i32
    %dma_start3A_736 = arith.constant 0 : i32
    %dma_start3A_737 = tpu.memref_slice %arg3[%dma_start3A_730, %dma_start3A_735, %dma_start3A_736] : memref<5x1280x128xf32, #tpu.memory_space<hbm>> -> memref<1x1280x128xf32, #tpu.memory_space<hbm>>
    %dma_start3A_738 = tpu.memref_squeeze %dma_start3A_737 : memref<1x1280x128xf32, #tpu.memory_space<hbm>> -> memref<1280x128xf32, #tpu.memory_space<hbm>>
    %dma_start3A_739 = arith.constant 0 : i32
    %dma_start3A_740 = tpu.memref_slice %dma_start3A_738[%mul3A_729, %dma_start3A_739] : memref<1280x128xf32, #tpu.memory_space<hbm>> -> memref<40x128xf32, #tpu.memory_space<hbm>>
    %dma_start3A_741 = arith.constant 0 : i32
    %dma_start3A_742 = arith.constant 0 : i32
    %dma_start3A_743 = tpu.memref_slice %dma_start3A_740[%dma_start3A_741, %dma_start3A_742] : memref<40x128xf32, #tpu.memory_space<hbm>> -> memref<40x128xf32, #tpu.memory_space<hbm>>
    tpu.enqueue_indirect_dma source(%dma_start3A_743 : memref<40x128xf32, #tpu.memory_space<hbm>>) target(%arg11 : memref<80x128xf32, #tpu.memory_space<vmem>>) offsets(%dma_start3A_734 : memref<80xi32, #tpu.memory_space<vmem>>) semaphore(%arg17 : memref<!tpu.dma_semaphore, #tpu.memory_space<semaphore_mem>>)
    %add3A_744 = arith.constant 500 : i32
    %add3A_745 = arith.addi %mul3A_2, %add3A_744 : i32
    %dma_wait3A_746 = tpu.memref_reshape %arg12 : memref<80x128xf32, #tpu.memory_space<vmem>> -> memref<4x20x128xf32, #tpu.memory_space<vmem>>
    %dma_wait3A_747 = arith.constant 0 : i32
    %dma_wait3A_748 = arith.constant 0 : i32
    %dma_wait3A_749 = tpu.memref_slice %arg6[%add3A_745, %dma_wait3A_747, %dma_wait3A_748] : memref<16384x20x128xf32, #tpu.memory_space<hbm>> -> memref<4x20x128xf32, #tpu.memory_space<hbm>>
    %dma_wait3A_750 = arith.constant 0 : i32
    %dma_wait3A_751 = arith.constant 0 : i32
    %dma_wait3A_752 = tpu.memref_slice %arg6[%add3A_745, %dma_wait3A_750, %dma_wait3A_751] : memref<16384x20x128xf32, #tpu.memory_space<hbm>> -> memref<4x20x128xf32, #tpu.memory_space<hbm>>
    %dma_wait3A_753 = tpu.memref_reshape %arg12 : memref<80x128xf32, #tpu.memory_space<vmem>> -> memref<4x20x128xf32, #tpu.memory_space<vmem>>
    tpu.wait_dma2 semaphore(%arg22 : memref<!tpu.dma_semaphore, #tpu.memory_space<semaphore_mem>>) src(%dma_wait3A_753 : memref<4x20x128xf32, #tpu.memory_space<vmem>>) dst(%dma_wait3A_752 : memref<4x20x128xf32, #tpu.memory_space<hbm>>)
    %mul3A_754 = arith.constant 40 : i32
    %mul3A_755 = arith.muli %add3A, %mul3A_754 : i32
    %dma_start3A_756 = arith.constant 3 : i32
    %dma_start3A_757 = arith.constant 1 : i32
    %dma_start3A_758 = arith.constant 0 : i32
    %dma_start3A_759 = tpu.memref_slice %arg10[%dma_start3A_757, %dma_start3A_758] : memref<128x80xi32, #tpu.memory_space<vmem>> -> memref<1x80xi32, #tpu.memory_space<vmem>>
    %dma_start3A_760 = tpu.memref_squeeze %dma_start3A_759 : memref<1x80xi32, #tpu.memory_space<vmem>> -> memref<80xi32, #tpu.memory_space<vmem>>
    %dma_start3A_761 = arith.constant 0 : i32
    %dma_start3A_762 = arith.constant 0 : i32
    %dma_start3A_763 = tpu.memref_slice %arg3[%dma_start3A_756, %dma_start3A_761, %dma_start3A_762] : memref<5x1280x128xf32, #tpu.memory_space<hbm>> -> memref<1x1280x128xf32, #tpu.memory_space<hbm>>
    %dma_start3A_764 = tpu.memref_squeeze %dma_start3A_763 : memref<1x1280x128xf32, #tpu.memory_space<hbm>> -> memref<1280x128xf32, #tpu.memory_space<hbm>>
    %dma_start3A_765 = arith.constant 0 : i32
    %dma_start3A_766 = tpu.memref_slice %dma_start3A_764[%mul3A_755, %dma_start3A_765] : memref<1280x128xf32, #tpu.memory_space<hbm>> -> memref<40x128xf32, #tpu.memory_space<hbm>>
    %dma_start3A_767 = arith.constant 0 : i32
    %dma_start3A_768 = arith.constant 0 : i32
    %dma_start3A_769 = tpu.memref_slice %dma_start3A_766[%dma_start3A_767, %dma_start3A_768] : memref<40x128xf32, #tpu.memory_space<hbm>> -> memref<40x128xf32, #tpu.memory_space<hbm>>
    tpu.enqueue_indirect_dma source(%dma_start3A_769 : memref<40x128xf32, #tpu.memory_space<hbm>>) target(%arg12 : memref<80x128xf32, #tpu.memory_space<vmem>>) offsets(%dma_start3A_760 : memref<80xi32, #tpu.memory_space<vmem>>) semaphore(%arg18 : memref<!tpu.dma_semaphore, #tpu.memory_space<semaphore_mem>>)
    %add3A_770 = arith.constant 504 : i32
    %add3A_771 = arith.addi %mul3A_2, %add3A_770 : i32
    %dma_wait3A_772 = tpu.memref_reshape %arg13 : memref<80x128xf32, #tpu.memory_space<vmem>> -> memref<4x20x128xf32, #tpu.memory_space<vmem>>
    %dma_wait3A_773 = arith.constant 0 : i32
    %dma_wait3A_774 = arith.constant 0 : i32
    %dma_wait3A_775 = tpu.memref_slice %arg6[%add3A_771, %dma_wait3A_773, %dma_wait3A_774] : memref<16384x20x128xf32, #tpu.memory_space<hbm>> -> memref<4x20x128xf32, #tpu.memory_space<hbm>>
    %dma_wait3A_776 = arith.constant 0 : i32
    %dma_wait3A_777 = arith.constant 0 : i32
    %dma_wait3A_778 = tpu.memref_slice %arg6[%add3A_771, %dma_wait3A_776, %dma_wait3A_777] : memref<16384x20x128xf32, #tpu.memory_space<hbm>> -> memref<4x20x128xf32, #tpu.memory_space<hbm>>
    %dma_wait3A_779 = tpu.memref_reshape %arg13 : memref<80x128xf32, #tpu.memory_space<vmem>> -> memref<4x20x128xf32, #tpu.memory_space<vmem>>
    tpu.wait_dma2 semaphore(%arg23 : memref<!tpu.dma_semaphore, #tpu.memory_space<semaphore_mem>>) src(%dma_wait3A_779 : memref<4x20x128xf32, #tpu.memory_space<vmem>>) dst(%dma_wait3A_778 : memref<4x20x128xf32, #tpu.memory_space<hbm>>)
    %mul3A_780 = arith.constant 40 : i32
    %mul3A_781 = arith.muli %add3A, %mul3A_780 : i32
    %dma_start3A_782 = arith.constant 3 : i32
    %dma_start3A_783 = arith.constant 2 : i32
    %dma_start3A_784 = arith.constant 0 : i32
    %dma_start3A_785 = tpu.memref_slice %arg10[%dma_start3A_783, %dma_start3A_784] : memref<128x80xi32, #tpu.memory_space<vmem>> -> memref<1x80xi32, #tpu.memory_space<vmem>>
    %dma_start3A_786 = tpu.memref_squeeze %dma_start3A_785 : memref<1x80xi32, #tpu.memory_space<vmem>> -> memref<80xi32, #tpu.memory_space<vmem>>
    %dma_start3A_787 = arith.constant 0 : i32
    %dma_start3A_788 = arith.constant 0 : i32
    %dma_start3A_789 = tpu.memref_slice %arg3[%dma_start3A_782, %dma_start3A_787, %dma_start3A_788] : memref<5x1280x128xf32, #tpu.memory_space<hbm>> -> memref<1x1280x128xf32, #tpu.memory_space<hbm>>
    %dma_start3A_790 = tpu.memref_squeeze %dma_start3A_789 : memref<1x1280x128xf32, #tpu.memory_space<hbm>> -> memref<1280x128xf32, #tpu.memory_space<hbm>>
    %dma_start3A_791 = arith.constant 0 : i32
    %dma_start3A_792 = tpu.memref_slice %dma_start3A_790[%mul3A_781, %dma_start3A_791] : memref<1280x128xf32, #tpu.memory_space<hbm>> -> memref<40x128xf32, #tpu.memory_space<hbm>>
    %dma_start3A_793 = arith.constant 0 : i32
    %dma_start3A_794 = arith.constant 0 : i32
    %dma_start3A_795 = tpu.memref_slice %dma_start3A_792[%dma_start3A_793, %dma_start3A_794] : memref<40x128xf32, #tpu.memory_space<hbm>> -> memref<40x128xf32, #tpu.memory_space<hbm>>
    tpu.enqueue_indirect_dma source(%dma_start3A_795 : memref<40x128xf32, #tpu.memory_space<hbm>>) target(%arg13 : memref<80x128xf32, #tpu.memory_space<vmem>>) offsets(%dma_start3A_786 : memref<80xi32, #tpu.memory_space<vmem>>) semaphore(%arg19 : memref<!tpu.dma_semaphore, #tpu.memory_space<semaphore_mem>>)
    %mul3A_796 = arith.constant 40 : i32
    %mul3A_797 = arith.muli %add3A, %mul3A_796 : i32
    %dma_wait3A_798 = arith.constant 3 : i32
    %dma_wait3A_799 = arith.constant 0 : i32
    %dma_wait3A_800 = arith.constant 0 : i32
    %dma_wait3A_801 = tpu.memref_slice %arg10[%dma_wait3A_799, %dma_wait3A_800] : memref<128x80xi32, #tpu.memory_space<vmem>> -> memref<1x80xi32, #tpu.memory_space<vmem>>
    %dma_wait3A_802 = tpu.memref_squeeze %dma_wait3A_801 : memref<1x80xi32, #tpu.memory_space<vmem>> -> memref<80xi32, #tpu.memory_space<vmem>>
    %dma_wait3A_803 = arith.constant 0 : i32
    %dma_wait3A_804 = arith.constant 0 : i32
    %dma_wait3A_805 = tpu.memref_slice %arg3[%dma_wait3A_798, %dma_wait3A_803, %dma_wait3A_804] : memref<5x1280x128xf32, #tpu.memory_space<hbm>> -> memref<1x1280x128xf32, #tpu.memory_space<hbm>>
    %dma_wait3A_806 = tpu.memref_squeeze %dma_wait3A_805 : memref<1x1280x128xf32, #tpu.memory_space<hbm>> -> memref<1280x128xf32, #tpu.memory_space<hbm>>
    %dma_wait3A_807 = arith.constant 0 : i32
    %dma_wait3A_808 = tpu.memref_slice %dma_wait3A_806[%mul3A_797, %dma_wait3A_807] : memref<1280x128xf32, #tpu.memory_space<hbm>> -> memref<40x128xf32, #tpu.memory_space<hbm>>
    %dma_wait3A_809 = arith.constant 0 : i32
    %dma_wait3A_810 = arith.constant 0 : i32
    %dma_wait3A_811 = tpu.memref_slice %dma_wait3A_808[%dma_wait3A_809, %dma_wait3A_810] : memref<40x128xf32, #tpu.memory_space<hbm>> -> memref<40x128xf32, #tpu.memory_space<hbm>>
    tpu.wait_indirect_dma semaphore(%arg17 : memref<!tpu.dma_semaphore, #tpu.memory_space<semaphore_mem>>) src(%dma_wait3A_811 : memref<40x128xf32, #tpu.memory_space<hbm>>) dst(%arg11 : memref<80x128xf32, #tpu.memory_space<vmem>>)
    %add3A_812 = arith.constant 0 : i32
    %add3A_813 = arith.addi %mul3A_2, %add3A_812 : i32
    %dma_start3A_814 = tpu.memref_reshape %arg11 : memref<80x128xf32, #tpu.memory_space<vmem>> -> memref<4x20x128xf32, #tpu.memory_space<vmem>>
    %dma_start3A_815 = arith.constant 0 : i32
    %dma_start3A_816 = arith.constant 0 : i32
    %dma_start3A_817 = tpu.memref_slice %arg7[%add3A_813, %dma_start3A_815, %dma_start3A_816] : memref<16384x20x128xf32, #tpu.memory_space<hbm>> -> memref<4x20x128xf32, #tpu.memory_space<hbm>>
    %dma_start3A_818 = arith.constant 0 : i32
    %dma_start3A_819 = arith.constant 0 : i32
    %dma_start3A_820 = tpu.memref_slice %arg7[%add3A_813, %dma_start3A_818, %dma_start3A_819] : memref<16384x20x128xf32, #tpu.memory_space<hbm>> -> memref<4x20x128xf32, #tpu.memory_space<hbm>>
    %dma_start3A_821 = tpu.memref_reshape %arg11 : memref<80x128xf32, #tpu.memory_space<vmem>> -> memref<4x20x128xf32, #tpu.memory_space<vmem>>
    tpu.enqueue_dma source(%dma_start3A_821 : memref<4x20x128xf32, #tpu.memory_space<vmem>>) target(%dma_start3A_820 : memref<4x20x128xf32, #tpu.memory_space<hbm>>) target_semaphore(%arg21 : memref<!tpu.dma_semaphore, #tpu.memory_space<semaphore_mem>>)
    %add3A_822 = arith.constant 508 : i32
    %add3A_823 = arith.addi %mul3A_2, %add3A_822 : i32
    %dma_wait3A_824 = tpu.memref_reshape %arg14 : memref<80x128xf32, #tpu.memory_space<vmem>> -> memref<4x20x128xf32, #tpu.memory_space<vmem>>
    %dma_wait3A_825 = arith.constant 0 : i32
    %dma_wait3A_826 = arith.constant 0 : i32
    %dma_wait3A_827 = tpu.memref_slice %arg6[%add3A_823, %dma_wait3A_825, %dma_wait3A_826] : memref<16384x20x128xf32, #tpu.memory_space<hbm>> -> memref<4x20x128xf32, #tpu.memory_space<hbm>>
    %dma_wait3A_828 = arith.constant 0 : i32
    %dma_wait3A_829 = arith.constant 0 : i32
    %dma_wait3A_830 = tpu.memref_slice %arg6[%add3A_823, %dma_wait3A_828, %dma_wait3A_829] : memref<16384x20x128xf32, #tpu.memory_space<hbm>> -> memref<4x20x128xf32, #tpu.memory_space<hbm>>
    %dma_wait3A_831 = tpu.memref_reshape %arg14 : memref<80x128xf32, #tpu.memory_space<vmem>> -> memref<4x20x128xf32, #tpu.memory_space<vmem>>
    tpu.wait_dma2 semaphore(%arg24 : memref<!tpu.dma_semaphore, #tpu.memory_space<semaphore_mem>>) src(%dma_wait3A_831 : memref<4x20x128xf32, #tpu.memory_space<vmem>>) dst(%dma_wait3A_830 : memref<4x20x128xf32, #tpu.memory_space<hbm>>)
    %mul3A_832 = arith.constant 40 : i32
    %mul3A_833 = arith.muli %add3A, %mul3A_832 : i32
    %dma_start3A_834 = arith.constant 3 : i32
    %dma_start3A_835 = arith.constant 3 : i32
    %dma_start3A_836 = arith.constant 0 : i32
    %dma_start3A_837 = tpu.memref_slice %arg10[%dma_start3A_835, %dma_start3A_836] : memref<128x80xi32, #tpu.memory_space<vmem>> -> memref<1x80xi32, #tpu.memory_space<vmem>>
    %dma_start3A_838 = tpu.memref_squeeze %dma_start3A_837 : memref<1x80xi32, #tpu.memory_space<vmem>> -> memref<80xi32, #tpu.memory_space<vmem>>
    %dma_start3A_839 = arith.constant 0 : i32
    %dma_start3A_840 = arith.constant 0 : i32
    %dma_start3A_841 = tpu.memref_slice %arg3[%dma_start3A_834, %dma_start3A_839, %dma_start3A_840] : memref<5x1280x128xf32, #tpu.memory_space<hbm>> -> memref<1x1280x128xf32, #tpu.memory_space<hbm>>
    %dma_start3A_842 = tpu.memref_squeeze %dma_start3A_841 : memref<1x1280x128xf32, #tpu.memory_space<hbm>> -> memref<1280x128xf32, #tpu.memory_space<hbm>>
    %dma_start3A_843 = arith.constant 0 : i32
    %dma_start3A_844 = tpu.memref_slice %dma_start3A_842[%mul3A_833, %dma_start3A_843] : memref<1280x128xf32, #tpu.memory_space<hbm>> -> memref<40x128xf32, #tpu.memory_space<hbm>>
    %dma_start3A_845 = arith.constant 0 : i32
    %dma_start3A_846 = arith.constant 0 : i32
    %dma_start3A_847 = tpu.memref_slice %dma_start3A_844[%dma_start3A_845, %dma_start3A_846] : memref<40x128xf32, #tpu.memory_space<hbm>> -> memref<40x128xf32, #tpu.memory_space<hbm>>
    tpu.enqueue_indirect_dma source(%dma_start3A_847 : memref<40x128xf32, #tpu.memory_space<hbm>>) target(%arg14 : memref<80x128xf32, #tpu.memory_space<vmem>>) offsets(%dma_start3A_838 : memref<80xi32, #tpu.memory_space<vmem>>) semaphore(%arg20 : memref<!tpu.dma_semaphore, #tpu.memory_space<semaphore_mem>>)
    %mul3A_848 = arith.constant 40 : i32
    %mul3A_849 = arith.muli %add3A, %mul3A_848 : i32
    %dma_wait3A_850 = arith.constant 3 : i32
    %dma_wait3A_851 = arith.constant 1 : i32
    %dma_wait3A_852 = arith.constant 0 : i32
    %dma_wait3A_853 = tpu.memref_slice %arg10[%dma_wait3A_851, %dma_wait3A_852] : memref<128x80xi32, #tpu.memory_space<vmem>> -> memref<1x80xi32, #tpu.memory_space<vmem>>
    %dma_wait3A_854 = tpu.memref_squeeze %dma_wait3A_853 : memref<1x80xi32, #tpu.memory_space<vmem>> -> memref<80xi32, #tpu.memory_space<vmem>>
    %dma_wait3A_855 = arith.constant 0 : i32
    %dma_wait3A_856 = arith.constant 0 : i32
    %dma_wait3A_857 = tpu.memref_slice %arg3[%dma_wait3A_850, %dma_wait3A_855, %dma_wait3A_856] : memref<5x1280x128xf32, #tpu.memory_space<hbm>> -> memref<1x1280x128xf32, #tpu.memory_space<hbm>>
    %dma_wait3A_858 = tpu.memref_squeeze %dma_wait3A_857 : memref<1x1280x128xf32, #tpu.memory_space<hbm>> -> memref<1280x128xf32, #tpu.memory_space<hbm>>
    %dma_wait3A_859 = arith.constant 0 : i32
    %dma_wait3A_860 = tpu.memref_slice %dma_wait3A_858[%mul3A_849, %dma_wait3A_859] : memref<1280x128xf32, #tpu.memory_space<hbm>> -> memref<40x128xf32, #tpu.memory_space<hbm>>
    %dma_wait3A_861 = arith.constant 0 : i32
    %dma_wait3A_862 = arith.constant 0 : i32
    %dma_wait3A_863 = tpu.memref_slice %dma_wait3A_860[%dma_wait3A_861, %dma_wait3A_862] : memref<40x128xf32, #tpu.memory_space<hbm>> -> memref<40x128xf32, #tpu.memory_space<hbm>>
    tpu.wait_indirect_dma semaphore(%arg18 : memref<!tpu.dma_semaphore, #tpu.memory_space<semaphore_mem>>) src(%dma_wait3A_863 : memref<40x128xf32, #tpu.memory_space<hbm>>) dst(%arg12 : memref<80x128xf32, #tpu.memory_space<vmem>>)
    %add3A_864 = arith.constant 4 : i32
    %add3A_865 = arith.addi %mul3A_2, %add3A_864 : i32
    %dma_start3A_866 = tpu.memref_reshape %arg12 : memref<80x128xf32, #tpu.memory_space<vmem>> -> memref<4x20x128xf32, #tpu.memory_space<vmem>>
    %dma_start3A_867 = arith.constant 0 : i32
    %dma_start3A_868 = arith.constant 0 : i32
    %dma_start3A_869 = tpu.memref_slice %arg7[%add3A_865, %dma_start3A_867, %dma_start3A_868] : memref<16384x20x128xf32, #tpu.memory_space<hbm>> -> memref<4x20x128xf32, #tpu.memory_space<hbm>>
    %dma_start3A_870 = arith.constant 0 : i32
    %dma_start3A_871 = arith.constant 0 : i32
    %dma_start3A_872 = tpu.memref_slice %arg7[%add3A_865, %dma_start3A_870, %dma_start3A_871] : memref<16384x20x128xf32, #tpu.memory_space<hbm>> -> memref<4x20x128xf32, #tpu.memory_space<hbm>>
    %dma_start3A_873 = tpu.memref_reshape %arg12 : memref<80x128xf32, #tpu.memory_space<vmem>> -> memref<4x20x128xf32, #tpu.memory_space<vmem>>
    tpu.enqueue_dma source(%dma_start3A_873 : memref<4x20x128xf32, #tpu.memory_space<vmem>>) target(%dma_start3A_872 : memref<4x20x128xf32, #tpu.memory_space<hbm>>) target_semaphore(%arg22 : memref<!tpu.dma_semaphore, #tpu.memory_space<semaphore_mem>>)
    %scan3A_874 = arith.constant 0 : i32
    %scan3A_875 = arith.constant 31 : i32
    %scan3A_876 = arith.addi %scan3A_874, %scan3A_875 : i32
    %scan3A_877 = arith.constant 1 : i32
    scf.for %scan3A_1197 = %scan3A_874 to %scan3A_876 step %scan3A_877  : i32 {
      %mul3A_1198 = arith.constant 1 : i32
      %mul3A_1199 = arith.muli %scan3A_1197, %mul3A_1198 : i32
      %add3A_1200 = arith.constant 1 : i32
      %add3A_1201 = arith.addi %add3A_1200, %mul3A_1199 : i32
      %mul3A_1202 = arith.constant 4 : i32
      %mul3A_1203 = arith.muli %add3A_1201, %mul3A_1202 : i32
      %add3A_1204 = arith.constant 0 : i32
      %add3A_1205 = arith.addi %mul3A_1203, %add3A_1204 : i32
      %sub3A = arith.constant 4 : i32
      %sub3A_1206 = arith.subi %add3A_1205, %sub3A : i32
      %mul3A_1207 = arith.constant 4 : i32
      %mul3A_1208 = arith.muli %sub3A_1206, %mul3A_1207 : i32
      %add3A_1209 = arith.addi %mul3A_2, %mul3A_1208 : i32
      %dma_wait3A_1210 = tpu.memref_reshape %arg11 : memref<80x128xf32, #tpu.memory_space<vmem>> -> memref<4x20x128xf32, #tpu.memory_space<vmem>>
      %dma_wait3A_1211 = arith.constant 0 : i32
      %dma_wait3A_1212 = arith.constant 0 : i32
      %dma_wait3A_1213 = tpu.memref_slice %arg7[%add3A_1209, %dma_wait3A_1211, %dma_wait3A_1212] : memref<16384x20x128xf32, #tpu.memory_space<hbm>> -> memref<4x20x128xf32, #tpu.memory_space<hbm>>
      %dma_wait3A_1214 = arith.constant 0 : i32
      %dma_wait3A_1215 = arith.constant 0 : i32
      %dma_wait3A_1216 = tpu.memref_slice %arg7[%add3A_1209, %dma_wait3A_1214, %dma_wait3A_1215] : memref<16384x20x128xf32, #tpu.memory_space<hbm>> -> memref<4x20x128xf32, #tpu.memory_space<hbm>>
      %dma_wait3A_1217 = tpu.memref_reshape %arg11 : memref<80x128xf32, #tpu.memory_space<vmem>> -> memref<4x20x128xf32, #tpu.memory_space<vmem>>
      tpu.wait_dma2 semaphore(%arg21 : memref<!tpu.dma_semaphore, #tpu.memory_space<semaphore_mem>>) src(%dma_wait3A_1217 : memref<4x20x128xf32, #tpu.memory_space<vmem>>) dst(%dma_wait3A_1216 : memref<4x20x128xf32, #tpu.memory_space<hbm>>)
      %mul3A_1218 = arith.constant 40 : i32
      %mul3A_1219 = arith.muli %add3A, %mul3A_1218 : i32
      %dma_start3A_1220 = arith.constant 3 : i32
      %dma_start3A_1221 = arith.constant 0 : i32
      %dma_start3A_1222 = tpu.memref_slice %arg10[%add3A_1205, %dma_start3A_1221] : memref<128x80xi32, #tpu.memory_space<vmem>> -> memref<1x80xi32, #tpu.memory_space<vmem>>
      %dma_start3A_1223 = tpu.memref_squeeze %dma_start3A_1222 : memref<1x80xi32, #tpu.memory_space<vmem>> -> memref<80xi32, #tpu.memory_space<vmem>>
      %dma_start3A_1224 = arith.constant 0 : i32
      %dma_start3A_1225 = arith.constant 0 : i32
      %dma_start3A_1226 = tpu.memref_slice %arg3[%dma_start3A_1220, %dma_start3A_1224, %dma_start3A_1225] : memref<5x1280x128xf32, #tpu.memory_space<hbm>> -> memref<1x1280x128xf32, #tpu.memory_space<hbm>>
      %dma_start3A_1227 = tpu.memref_squeeze %dma_start3A_1226 : memref<1x1280x128xf32, #tpu.memory_space<hbm>> -> memref<1280x128xf32, #tpu.memory_space<hbm>>
      %dma_start3A_1228 = arith.constant 0 : i32
      %dma_start3A_1229 = tpu.memref_slice %dma_start3A_1227[%mul3A_1219, %dma_start3A_1228] : memref<1280x128xf32, #tpu.memory_space<hbm>> -> memref<40x128xf32, #tpu.memory_space<hbm>>
      %dma_start3A_1230 = arith.constant 0 : i32
      %dma_start3A_1231 = arith.constant 0 : i32
      %dma_start3A_1232 = tpu.memref_slice %dma_start3A_1229[%dma_start3A_1230, %dma_start3A_1231] : memref<40x128xf32, #tpu.memory_space<hbm>> -> memref<40x128xf32, #tpu.memory_space<hbm>>
      tpu.enqueue_indirect_dma source(%dma_start3A_1232 : memref<40x128xf32, #tpu.memory_space<hbm>>) target(%arg11 : memref<80x128xf32, #tpu.memory_space<vmem>>) offsets(%dma_start3A_1223 : memref<80xi32, #tpu.memory_space<vmem>>) semaphore(%arg17 : memref<!tpu.dma_semaphore, #tpu.memory_space<semaphore_mem>>)
      %sub3A_1233 = arith.constant 2 : i32
      %sub3A_1234 = arith.subi %add3A_1205, %sub3A_1233 : i32
      %mul3A_1235 = arith.constant 40 : i32
      %mul3A_1236 = arith.muli %add3A, %mul3A_1235 : i32
      %dma_wait3A_1237 = arith.constant 3 : i32
      %dma_wait3A_1238 = arith.constant 0 : i32
      %dma_wait3A_1239 = tpu.memref_slice %arg10[%sub3A_1234, %dma_wait3A_1238] : memref<128x80xi32, #tpu.memory_space<vmem>> -> memref<1x80xi32, #tpu.memory_space<vmem>>
      %dma_wait3A_1240 = tpu.memref_squeeze %dma_wait3A_1239 : memref<1x80xi32, #tpu.memory_space<vmem>> -> memref<80xi32, #tpu.memory_space<vmem>>
      %dma_wait3A_1241 = arith.constant 0 : i32
      %dma_wait3A_1242 = arith.constant 0 : i32
      %dma_wait3A_1243 = tpu.memref_slice %arg3[%dma_wait3A_1237, %dma_wait3A_1241, %dma_wait3A_1242] : memref<5x1280x128xf32, #tpu.memory_space<hbm>> -> memref<1x1280x128xf32, #tpu.memory_space<hbm>>
      %dma_wait3A_1244 = tpu.memref_squeeze %dma_wait3A_1243 : memref<1x1280x128xf32, #tpu.memory_space<hbm>> -> memref<1280x128xf32, #tpu.memory_space<hbm>>
      %dma_wait3A_1245 = arith.constant 0 : i32
      %dma_wait3A_1246 = tpu.memref_slice %dma_wait3A_1244[%mul3A_1236, %dma_wait3A_1245] : memref<1280x128xf32, #tpu.memory_space<hbm>> -> memref<40x128xf32, #tpu.memory_space<hbm>>
      %dma_wait3A_1247 = arith.constant 0 : i32
      %dma_wait3A_1248 = arith.constant 0 : i32
      %dma_wait3A_1249 = tpu.memref_slice %dma_wait3A_1246[%dma_wait3A_1247, %dma_wait3A_1248] : memref<40x128xf32, #tpu.memory_space<hbm>> -> memref<40x128xf32, #tpu.memory_space<hbm>>
      tpu.wait_indirect_dma semaphore(%arg19 : memref<!tpu.dma_semaphore, #tpu.memory_space<semaphore_mem>>) src(%dma_wait3A_1249 : memref<40x128xf32, #tpu.memory_space<hbm>>) dst(%arg13 : memref<80x128xf32, #tpu.memory_space<vmem>>)
      %sub3A_1250 = arith.constant 2 : i32
      %sub3A_1251 = arith.subi %add3A_1205, %sub3A_1250 : i32
      %mul3A_1252 = arith.constant 4 : i32
      %mul3A_1253 = arith.muli %sub3A_1251, %mul3A_1252 : i32
      %add3A_1254 = arith.addi %mul3A_2, %mul3A_1253 : i32
      %dma_start3A_1255 = tpu.memref_reshape %arg13 : memref<80x128xf32, #tpu.memory_space<vmem>> -> memref<4x20x128xf32, #tpu.memory_space<vmem>>
      %dma_start3A_1256 = arith.constant 0 : i32
      %dma_start3A_1257 = arith.constant 0 : i32
      %dma_start3A_1258 = tpu.memref_slice %arg7[%add3A_1254, %dma_start3A_1256, %dma_start3A_1257] : memref<16384x20x128xf32, #tpu.memory_space<hbm>> -> memref<4x20x128xf32, #tpu.memory_space<hbm>>
      %dma_start3A_1259 = arith.constant 0 : i32
      %dma_start3A_1260 = arith.constant 0 : i32
      %dma_start3A_1261 = tpu.memref_slice %arg7[%add3A_1254, %dma_start3A_1259, %dma_start3A_1260] : memref<16384x20x128xf32, #tpu.memory_space<hbm>> -> memref<4x20x128xf32, #tpu.memory_space<hbm>>
      %dma_start3A_1262 = tpu.memref_reshape %arg13 : memref<80x128xf32, #tpu.memory_space<vmem>> -> memref<4x20x128xf32, #tpu.memory_space<vmem>>
      tpu.enqueue_dma source(%dma_start3A_1262 : memref<4x20x128xf32, #tpu.memory_space<vmem>>) target(%dma_start3A_1261 : memref<4x20x128xf32, #tpu.memory_space<hbm>>) target_semaphore(%arg23 : memref<!tpu.dma_semaphore, #tpu.memory_space<semaphore_mem>>)
      %mul3A_1263 = arith.constant 4 : i32
      %mul3A_1264 = arith.muli %add3A_1201, %mul3A_1263 : i32
      %add3A_1265 = arith.constant 1 : i32
      %add3A_1266 = arith.addi %mul3A_1264, %add3A_1265 : i32
      %sub3A_1267 = arith.constant 4 : i32
      %sub3A_1268 = arith.subi %add3A_1266, %sub3A_1267 : i32
      %mul3A_1269 = arith.constant 4 : i32
      %mul3A_1270 = arith.muli %sub3A_1268, %mul3A_1269 : i32
      %add3A_1271 = arith.addi %mul3A_2, %mul3A_1270 : i32
      %dma_wait3A_1272 = tpu.memref_reshape %arg12 : memref<80x128xf32, #tpu.memory_space<vmem>> -> memref<4x20x128xf32, #tpu.memory_space<vmem>>
      %dma_wait3A_1273 = arith.constant 0 : i32
      %dma_wait3A_1274 = arith.constant 0 : i32
      %dma_wait3A_1275 = tpu.memref_slice %arg7[%add3A_1271, %dma_wait3A_1273, %dma_wait3A_1274] : memref<16384x20x128xf32, #tpu.memory_space<hbm>> -> memref<4x20x128xf32, #tpu.memory_space<hbm>>
      %dma_wait3A_1276 = arith.constant 0 : i32
      %dma_wait3A_1277 = arith.constant 0 : i32
      %dma_wait3A_1278 = tpu.memref_slice %arg7[%add3A_1271, %dma_wait3A_1276, %dma_wait3A_1277] : memref<16384x20x128xf32, #tpu.memory_space<hbm>> -> memref<4x20x128xf32, #tpu.memory_space<hbm>>
      %dma_wait3A_1279 = tpu.memref_reshape %arg12 : memref<80x128xf32, #tpu.memory_space<vmem>> -> memref<4x20x128xf32, #tpu.memory_space<vmem>>
      tpu.wait_dma2 semaphore(%arg22 : memref<!tpu.dma_semaphore, #tpu.memory_space<semaphore_mem>>) src(%dma_wait3A_1279 : memref<4x20x128xf32, #tpu.memory_space<vmem>>) dst(%dma_wait3A_1278 : memref<4x20x128xf32, #tpu.memory_space<hbm>>)
      %mul3A_1280 = arith.constant 40 : i32
      %mul3A_1281 = arith.muli %add3A, %mul3A_1280 : i32
      %dma_start3A_1282 = arith.constant 3 : i32
      %dma_start3A_1283 = arith.constant 0 : i32
      %dma_start3A_1284 = tpu.memref_slice %arg10[%add3A_1266, %dma_start3A_1283] : memref<128x80xi32, #tpu.memory_space<vmem>> -> memref<1x80xi32, #tpu.memory_space<vmem>>
      %dma_start3A_1285 = tpu.memref_squeeze %dma_start3A_1284 : memref<1x80xi32, #tpu.memory_space<vmem>> -> memref<80xi32, #tpu.memory_space<vmem>>
      %dma_start3A_1286 = arith.constant 0 : i32
      %dma_start3A_1287 = arith.constant 0 : i32
      %dma_start3A_1288 = tpu.memref_slice %arg3[%dma_start3A_1282, %dma_start3A_1286, %dma_start3A_1287] : memref<5x1280x128xf32, #tpu.memory_space<hbm>> -> memref<1x1280x128xf32, #tpu.memory_space<hbm>>
      %dma_start3A_1289 = tpu.memref_squeeze %dma_start3A_1288 : memref<1x1280x128xf32, #tpu.memory_space<hbm>> -> memref<1280x128xf32, #tpu.memory_space<hbm>>
      %dma_start3A_1290 = arith.constant 0 : i32
      %dma_start3A_1291 = tpu.memref_slice %dma_start3A_1289[%mul3A_1281, %dma_start3A_1290] : memref<1280x128xf32, #tpu.memory_space<hbm>> -> memref<40x128xf32, #tpu.memory_space<hbm>>
      %dma_start3A_1292 = arith.constant 0 : i32
      %dma_start3A_1293 = arith.constant 0 : i32
      %dma_start3A_1294 = tpu.memref_slice %dma_start3A_1291[%dma_start3A_1292, %dma_start3A_1293] : memref<40x128xf32, #tpu.memory_space<hbm>> -> memref<40x128xf32, #tpu.memory_space<hbm>>
      tpu.enqueue_indirect_dma source(%dma_start3A_1294 : memref<40x128xf32, #tpu.memory_space<hbm>>) target(%arg12 : memref<80x128xf32, #tpu.memory_space<vmem>>) offsets(%dma_start3A_1285 : memref<80xi32, #tpu.memory_space<vmem>>) semaphore(%arg18 : memref<!tpu.dma_semaphore, #tpu.memory_space<semaphore_mem>>)
      %sub3A_1295 = arith.constant 2 : i32
      %sub3A_1296 = arith.subi %add3A_1266, %sub3A_1295 : i32
      %mul3A_1297 = arith.constant 40 : i32
      %mul3A_1298 = arith.muli %add3A, %mul3A_1297 : i32
      %dma_wait3A_1299 = arith.constant 3 : i32
      %dma_wait3A_1300 = arith.constant 0 : i32
      %dma_wait3A_1301 = tpu.memref_slice %arg10[%sub3A_1296, %dma_wait3A_1300] : memref<128x80xi32, #tpu.memory_space<vmem>> -> memref<1x80xi32, #tpu.memory_space<vmem>>
      %dma_wait3A_1302 = tpu.memref_squeeze %dma_wait3A_1301 : memref<1x80xi32, #tpu.memory_space<vmem>> -> memref<80xi32, #tpu.memory_space<vmem>>
      %dma_wait3A_1303 = arith.constant 0 : i32
      %dma_wait3A_1304 = arith.constant 0 : i32
      %dma_wait3A_1305 = tpu.memref_slice %arg3[%dma_wait3A_1299, %dma_wait3A_1303, %dma_wait3A_1304] : memref<5x1280x128xf32, #tpu.memory_space<hbm>> -> memref<1x1280x128xf32, #tpu.memory_space<hbm>>
      %dma_wait3A_1306 = tpu.memref_squeeze %dma_wait3A_1305 : memref<1x1280x128xf32, #tpu.memory_space<hbm>> -> memref<1280x128xf32, #tpu.memory_space<hbm>>
      %dma_wait3A_1307 = arith.constant 0 : i32
      %dma_wait3A_1308 = tpu.memref_slice %dma_wait3A_1306[%mul3A_1298, %dma_wait3A_1307] : memref<1280x128xf32, #tpu.memory_space<hbm>> -> memref<40x128xf32, #tpu.memory_space<hbm>>
      %dma_wait3A_1309 = arith.constant 0 : i32
      %dma_wait3A_1310 = arith.constant 0 : i32
      %dma_wait3A_1311 = tpu.memref_slice %dma_wait3A_1308[%dma_wait3A_1309, %dma_wait3A_1310] : memref<40x128xf32, #tpu.memory_space<hbm>> -> memref<40x128xf32, #tpu.memory_space<hbm>>
      tpu.wait_indirect_dma semaphore(%arg20 : memref<!tpu.dma_semaphore, #tpu.memory_space<semaphore_mem>>) src(%dma_wait3A_1311 : memref<40x128xf32, #tpu.memory_space<hbm>>) dst(%arg14 : memref<80x128xf32, #tpu.memory_space<vmem>>)
      %sub3A_1312 = arith.constant 2 : i32
      %sub3A_1313 = arith.subi %add3A_1266, %sub3A_1312 : i32
      %mul3A_1314 = arith.constant 4 : i32
      %mul3A_1315 = arith.muli %sub3A_1313, %mul3A_1314 : i32
      %add3A_1316 = arith.addi %mul3A_2, %mul3A_1315 : i32
      %dma_start3A_1317 = tpu.memref_reshape %arg14 : memref<80x128xf32, #tpu.memory_space<vmem>> -> memref<4x20x128xf32, #tpu.memory_space<vmem>>
      %dma_start3A_1318 = arith.constant 0 : i32
      %dma_start3A_1319 = arith.constant 0 : i32
      %dma_start3A_1320 = tpu.memref_slice %arg7[%add3A_1316, %dma_start3A_1318, %dma_start3A_1319] : memref<16384x20x128xf32, #tpu.memory_space<hbm>> -> memref<4x20x128xf32, #tpu.memory_space<hbm>>
      %dma_start3A_1321 = arith.constant 0 : i32
      %dma_start3A_1322 = arith.constant 0 : i32
      %dma_start3A_1323 = tpu.memref_slice %arg7[%add3A_1316, %dma_start3A_1321, %dma_start3A_1322] : memref<16384x20x128xf32, #tpu.memory_space<hbm>> -> memref<4x20x128xf32, #tpu.memory_space<hbm>>
      %dma_start3A_1324 = tpu.memref_reshape %arg14 : memref<80x128xf32, #tpu.memory_space<vmem>> -> memref<4x20x128xf32, #tpu.memory_space<vmem>>
      tpu.enqueue_dma source(%dma_start3A_1324 : memref<4x20x128xf32, #tpu.memory_space<vmem>>) target(%dma_start3A_1323 : memref<4x20x128xf32, #tpu.memory_space<hbm>>) target_semaphore(%arg24 : memref<!tpu.dma_semaphore, #tpu.memory_space<semaphore_mem>>)
      %mul3A_1325 = arith.constant 4 : i32
      %mul3A_1326 = arith.muli %add3A_1201, %mul3A_1325 : i32
      %add3A_1327 = arith.constant 2 : i32
      %add3A_1328 = arith.addi %mul3A_1326, %add3A_1327 : i32
      %sub3A_1329 = arith.constant 4 : i32
      %sub3A_1330 = arith.subi %add3A_1328, %sub3A_1329 : i32
      %mul3A_1331 = arith.constant 4 : i32
      %mul3A_1332 = arith.muli %sub3A_1330, %mul3A_1331 : i32
      %add3A_1333 = arith.addi %mul3A_2, %mul3A_1332 : i32
      %dma_wait3A_1334 = tpu.memref_reshape %arg13 : memref<80x128xf32, #tpu.memory_space<vmem>> -> memref<4x20x128xf32, #tpu.memory_space<vmem>>
      %dma_wait3A_1335 = arith.constant 0 : i32
      %dma_wait3A_1336 = arith.constant 0 : i32
      %dma_wait3A_1337 = tpu.memref_slice %arg7[%add3A_1333, %dma_wait3A_1335, %dma_wait3A_1336] : memref<16384x20x128xf32, #tpu.memory_space<hbm>> -> memref<4x20x128xf32, #tpu.memory_space<hbm>>
      %dma_wait3A_1338 = arith.constant 0 : i32
      %dma_wait3A_1339 = arith.constant 0 : i32
      %dma_wait3A_1340 = tpu.memref_slice %arg7[%add3A_1333, %dma_wait3A_1338, %dma_wait3A_1339] : memref<16384x20x128xf32, #tpu.memory_space<hbm>> -> memref<4x20x128xf32, #tpu.memory_space<hbm>>
      %dma_wait3A_1341 = tpu.memref_reshape %arg13 : memref<80x128xf32, #tpu.memory_space<vmem>> -> memref<4x20x128xf32, #tpu.memory_space<vmem>>
      tpu.wait_dma2 semaphore(%arg23 : memref<!tpu.dma_semaphore, #tpu.memory_space<semaphore_mem>>) src(%dma_wait3A_1341 : memref<4x20x128xf32, #tpu.memory_space<vmem>>) dst(%dma_wait3A_1340 : memref<4x20x128xf32, #tpu.memory_space<hbm>>)
      %mul3A_1342 = arith.constant 40 : i32
      %mul3A_1343 = arith.muli %add3A, %mul3A_1342 : i32
      %dma_start3A_1344 = arith.constant 3 : i32
      %dma_start3A_1345 = arith.constant 0 : i32
      %dma_start3A_1346 = tpu.memref_slice %arg10[%add3A_1328, %dma_start3A_1345] : memref<128x80xi32, #tpu.memory_space<vmem>> -> memref<1x80xi32, #tpu.memory_space<vmem>>
      %dma_start3A_1347 = tpu.memref_squeeze %dma_start3A_1346 : memref<1x80xi32, #tpu.memory_space<vmem>> -> memref<80xi32, #tpu.memory_space<vmem>>
      %dma_start3A_1348 = arith.constant 0 : i32
      %dma_start3A_1349 = arith.constant 0 : i32
      %dma_start3A_1350 = tpu.memref_slice %arg3[%dma_start3A_1344, %dma_start3A_1348, %dma_start3A_1349] : memref<5x1280x128xf32, #tpu.memory_space<hbm>> -> memref<1x1280x128xf32, #tpu.memory_space<hbm>>
      %dma_start3A_1351 = tpu.memref_squeeze %dma_start3A_1350 : memref<1x1280x128xf32, #tpu.memory_space<hbm>> -> memref<1280x128xf32, #tpu.memory_space<hbm>>
      %dma_start3A_1352 = arith.constant 0 : i32
      %dma_start3A_1353 = tpu.memref_slice %dma_start3A_1351[%mul3A_1343, %dma_start3A_1352] : memref<1280x128xf32, #tpu.memory_space<hbm>> -> memref<40x128xf32, #tpu.memory_space<hbm>>
      %dma_start3A_1354 = arith.constant 0 : i32
      %dma_start3A_1355 = arith.constant 0 : i32
      %dma_start3A_1356 = tpu.memref_slice %dma_start3A_1353[%dma_start3A_1354, %dma_start3A_1355] : memref<40x128xf32, #tpu.memory_space<hbm>> -> memref<40x128xf32, #tpu.memory_space<hbm>>
      tpu.enqueue_indirect_dma source(%dma_start3A_1356 : memref<40x128xf32, #tpu.memory_space<hbm>>) target(%arg13 : memref<80x128xf32, #tpu.memory_space<vmem>>) offsets(%dma_start3A_1347 : memref<80xi32, #tpu.memory_space<vmem>>) semaphore(%arg19 : memref<!tpu.dma_semaphore, #tpu.memory_space<semaphore_mem>>)
      %sub3A_1357 = arith.constant 2 : i32
      %sub3A_1358 = arith.subi %add3A_1328, %sub3A_1357 : i32
      %mul3A_1359 = arith.constant 40 : i32
      %mul3A_1360 = arith.muli %add3A, %mul3A_1359 : i32
      %dma_wait3A_1361 = arith.constant 3 : i32
      %dma_wait3A_1362 = arith.constant 0 : i32
      %dma_wait3A_1363 = tpu.memref_slice %arg10[%sub3A_1358, %dma_wait3A_1362] : memref<128x80xi32, #tpu.memory_space<vmem>> -> memref<1x80xi32, #tpu.memory_space<vmem>>
      %dma_wait3A_1364 = tpu.memref_squeeze %dma_wait3A_1363 : memref<1x80xi32, #tpu.memory_space<vmem>> -> memref<80xi32, #tpu.memory_space<vmem>>
      %dma_wait3A_1365 = arith.constant 0 : i32
      %dma_wait3A_1366 = arith.constant 0 : i32
      %dma_wait3A_1367 = tpu.memref_slice %arg3[%dma_wait3A_1361, %dma_wait3A_1365, %dma_wait3A_1366] : memref<5x1280x128xf32, #tpu.memory_space<hbm>> -> memref<1x1280x128xf32, #tpu.memory_space<hbm>>
      %dma_wait3A_1368 = tpu.memref_squeeze %dma_wait3A_1367 : memref<1x1280x128xf32, #tpu.memory_space<hbm>> -> memref<1280x128xf32, #tpu.memory_space<hbm>>
      %dma_wait3A_1369 = arith.constant 0 : i32
      %dma_wait3A_1370 = tpu.memref_slice %dma_wait3A_1368[%mul3A_1360, %dma_wait3A_1369] : memref<1280x128xf32, #tpu.memory_space<hbm>> -> memref<40x128xf32, #tpu.memory_space<hbm>>
      %dma_wait3A_1371 = arith.constant 0 : i32
      %dma_wait3A_1372 = arith.constant 0 : i32
      %dma_wait3A_1373 = tpu.memref_slice %dma_wait3A_1370[%dma_wait3A_1371, %dma_wait3A_1372] : memref<40x128xf32, #tpu.memory_space<hbm>> -> memref<40x128xf32, #tpu.memory_space<hbm>>
      tpu.wait_indirect_dma semaphore(%arg17 : memref<!tpu.dma_semaphore, #tpu.memory_space<semaphore_mem>>) src(%dma_wait3A_1373 : memref<40x128xf32, #tpu.memory_space<hbm>>) dst(%arg11 : memref<80x128xf32, #tpu.memory_space<vmem>>)
      %sub3A_1374 = arith.constant 2 : i32
      %sub3A_1375 = arith.subi %add3A_1328, %sub3A_1374 : i32
      %mul3A_1376 = arith.constant 4 : i32
      %mul3A_1377 = arith.muli %sub3A_1375, %mul3A_1376 : i32
      %add3A_1378 = arith.addi %mul3A_2, %mul3A_1377 : i32
      %dma_start3A_1379 = tpu.memref_reshape %arg11 : memref<80x128xf32, #tpu.memory_space<vmem>> -> memref<4x20x128xf32, #tpu.memory_space<vmem>>
      %dma_start3A_1380 = arith.constant 0 : i32
      %dma_start3A_1381 = arith.constant 0 : i32
      %dma_start3A_1382 = tpu.memref_slice %arg7[%add3A_1378, %dma_start3A_1380, %dma_start3A_1381] : memref<16384x20x128xf32, #tpu.memory_space<hbm>> -> memref<4x20x128xf32, #tpu.memory_space<hbm>>
      %dma_start3A_1383 = arith.constant 0 : i32
      %dma_start3A_1384 = arith.constant 0 : i32
      %dma_start3A_1385 = tpu.memref_slice %arg7[%add3A_1378, %dma_start3A_1383, %dma_start3A_1384] : memref<16384x20x128xf32, #tpu.memory_space<hbm>> -> memref<4x20x128xf32, #tpu.memory_space<hbm>>
      %dma_start3A_1386 = tpu.memref_reshape %arg11 : memref<80x128xf32, #tpu.memory_space<vmem>> -> memref<4x20x128xf32, #tpu.memory_space<vmem>>
      tpu.enqueue_dma source(%dma_start3A_1386 : memref<4x20x128xf32, #tpu.memory_space<vmem>>) target(%dma_start3A_1385 : memref<4x20x128xf32, #tpu.memory_space<hbm>>) target_semaphore(%arg21 : memref<!tpu.dma_semaphore, #tpu.memory_space<semaphore_mem>>)
      %mul3A_1387 = arith.constant 4 : i32
      %mul3A_1388 = arith.muli %add3A_1201, %mul3A_1387 : i32
      %add3A_1389 = arith.constant 3 : i32
      %add3A_1390 = arith.addi %mul3A_1388, %add3A_1389 : i32
      %sub3A_1391 = arith.constant 4 : i32
      %sub3A_1392 = arith.subi %add3A_1390, %sub3A_1391 : i32
      %mul3A_1393 = arith.constant 4 : i32
      %mul3A_1394 = arith.muli %sub3A_1392, %mul3A_1393 : i32
      %add3A_1395 = arith.addi %mul3A_2, %mul3A_1394 : i32
      %dma_wait3A_1396 = tpu.memref_reshape %arg14 : memref<80x128xf32, #tpu.memory_space<vmem>> -> memref<4x20x128xf32, #tpu.memory_space<vmem>>
      %dma_wait3A_1397 = arith.constant 0 : i32
      %dma_wait3A_1398 = arith.constant 0 : i32
      %dma_wait3A_1399 = tpu.memref_slice %arg7[%add3A_1395, %dma_wait3A_1397, %dma_wait3A_1398] : memref<16384x20x128xf32, #tpu.memory_space<hbm>> -> memref<4x20x128xf32, #tpu.memory_space<hbm>>
      %dma_wait3A_1400 = arith.constant 0 : i32
      %dma_wait3A_1401 = arith.constant 0 : i32
      %dma_wait3A_1402 = tpu.memref_slice %arg7[%add3A_1395, %dma_wait3A_1400, %dma_wait3A_1401] : memref<16384x20x128xf32, #tpu.memory_space<hbm>> -> memref<4x20x128xf32, #tpu.memory_space<hbm>>
      %dma_wait3A_1403 = tpu.memref_reshape %arg14 : memref<80x128xf32, #tpu.memory_space<vmem>> -> memref<4x20x128xf32, #tpu.memory_space<vmem>>
      tpu.wait_dma2 semaphore(%arg24 : memref<!tpu.dma_semaphore, #tpu.memory_space<semaphore_mem>>) src(%dma_wait3A_1403 : memref<4x20x128xf32, #tpu.memory_space<vmem>>) dst(%dma_wait3A_1402 : memref<4x20x128xf32, #tpu.memory_space<hbm>>)
      %mul3A_1404 = arith.constant 40 : i32
      %mul3A_1405 = arith.muli %add3A, %mul3A_1404 : i32
      %dma_start3A_1406 = arith.constant 3 : i32
      %dma_start3A_1407 = arith.constant 0 : i32
      %dma_start3A_1408 = tpu.memref_slice %arg10[%add3A_1390, %dma_start3A_1407] : memref<128x80xi32, #tpu.memory_space<vmem>> -> memref<1x80xi32, #tpu.memory_space<vmem>>
      %dma_start3A_1409 = tpu.memref_squeeze %dma_start3A_1408 : memref<1x80xi32, #tpu.memory_space<vmem>> -> memref<80xi32, #tpu.memory_space<vmem>>
      %dma_start3A_1410 = arith.constant 0 : i32
      %dma_start3A_1411 = arith.constant 0 : i32
      %dma_start3A_1412 = tpu.memref_slice %arg3[%dma_start3A_1406, %dma_start3A_1410, %dma_start3A_1411] : memref<5x1280x128xf32, #tpu.memory_space<hbm>> -> memref<1x1280x128xf32, #tpu.memory_space<hbm>>
      %dma_start3A_1413 = tpu.memref_squeeze %dma_start3A_1412 : memref<1x1280x128xf32, #tpu.memory_space<hbm>> -> memref<1280x128xf32, #tpu.memory_space<hbm>>
      %dma_start3A_1414 = arith.constant 0 : i32
      %dma_start3A_1415 = tpu.memref_slice %dma_start3A_1413[%mul3A_1405, %dma_start3A_1414] : memref<1280x128xf32, #tpu.memory_space<hbm>> -> memref<40x128xf32, #tpu.memory_space<hbm>>
      %dma_start3A_1416 = arith.constant 0 : i32
      %dma_start3A_1417 = arith.constant 0 : i32
      %dma_start3A_1418 = tpu.memref_slice %dma_start3A_1415[%dma_start3A_1416, %dma_start3A_1417] : memref<40x128xf32, #tpu.memory_space<hbm>> -> memref<40x128xf32, #tpu.memory_space<hbm>>
      tpu.enqueue_indirect_dma source(%dma_start3A_1418 : memref<40x128xf32, #tpu.memory_space<hbm>>) target(%arg14 : memref<80x128xf32, #tpu.memory_space<vmem>>) offsets(%dma_start3A_1409 : memref<80xi32, #tpu.memory_space<vmem>>) semaphore(%arg20 : memref<!tpu.dma_semaphore, #tpu.memory_space<semaphore_mem>>)
      %sub3A_1419 = arith.constant 2 : i32
      %sub3A_1420 = arith.subi %add3A_1390, %sub3A_1419 : i32
      %mul3A_1421 = arith.constant 40 : i32
      %mul3A_1422 = arith.muli %add3A, %mul3A_1421 : i32
      %dma_wait3A_1423 = arith.constant 3 : i32
      %dma_wait3A_1424 = arith.constant 0 : i32
      %dma_wait3A_1425 = tpu.memref_slice %arg10[%sub3A_1420, %dma_wait3A_1424] : memref<128x80xi32, #tpu.memory_space<vmem>> -> memref<1x80xi32, #tpu.memory_space<vmem>>
      %dma_wait3A_1426 = tpu.memref_squeeze %dma_wait3A_1425 : memref<1x80xi32, #tpu.memory_space<vmem>> -> memref<80xi32, #tpu.memory_space<vmem>>
      %dma_wait3A_1427 = arith.constant 0 : i32
      %dma_wait3A_1428 = arith.constant 0 : i32
      %dma_wait3A_1429 = tpu.memref_slice %arg3[%dma_wait3A_1423, %dma_wait3A_1427, %dma_wait3A_1428] : memref<5x1280x128xf32, #tpu.memory_space<hbm>> -> memref<1x1280x128xf32, #tpu.memory_space<hbm>>
      %dma_wait3A_1430 = tpu.memref_squeeze %dma_wait3A_1429 : memref<1x1280x128xf32, #tpu.memory_space<hbm>> -> memref<1280x128xf32, #tpu.memory_space<hbm>>
      %dma_wait3A_1431 = arith.constant 0 : i32
      %dma_wait3A_1432 = tpu.memref_slice %dma_wait3A_1430[%mul3A_1422, %dma_wait3A_1431] : memref<1280x128xf32, #tpu.memory_space<hbm>> -> memref<40x128xf32, #tpu.memory_space<hbm>>
      %dma_wait3A_1433 = arith.constant 0 : i32
      %dma_wait3A_1434 = arith.constant 0 : i32
      %dma_wait3A_1435 = tpu.memref_slice %dma_wait3A_1432[%dma_wait3A_1433, %dma_wait3A_1434] : memref<40x128xf32, #tpu.memory_space<hbm>> -> memref<40x128xf32, #tpu.memory_space<hbm>>
      tpu.wait_indirect_dma semaphore(%arg18 : memref<!tpu.dma_semaphore, #tpu.memory_space<semaphore_mem>>) src(%dma_wait3A_1435 : memref<40x128xf32, #tpu.memory_space<hbm>>) dst(%arg12 : memref<80x128xf32, #tpu.memory_space<vmem>>)
      %sub3A_1436 = arith.constant 2 : i32
      %sub3A_1437 = arith.subi %add3A_1390, %sub3A_1436 : i32
      %mul3A_1438 = arith.constant 4 : i32
      %mul3A_1439 = arith.muli %sub3A_1437, %mul3A_1438 : i32
      %add3A_1440 = arith.addi %mul3A_2, %mul3A_1439 : i32
      %dma_start3A_1441 = tpu.memref_reshape %arg12 : memref<80x128xf32, #tpu.memory_space<vmem>> -> memref<4x20x128xf32, #tpu.memory_space<vmem>>
      %dma_start3A_1442 = arith.constant 0 : i32
      %dma_start3A_1443 = arith.constant 0 : i32
      %dma_start3A_1444 = tpu.memref_slice %arg7[%add3A_1440, %dma_start3A_1442, %dma_start3A_1443] : memref<16384x20x128xf32, #tpu.memory_space<hbm>> -> memref<4x20x128xf32, #tpu.memory_space<hbm>>
      %dma_start3A_1445 = arith.constant 0 : i32
      %dma_start3A_1446 = arith.constant 0 : i32
      %dma_start3A_1447 = tpu.memref_slice %arg7[%add3A_1440, %dma_start3A_1445, %dma_start3A_1446] : memref<16384x20x128xf32, #tpu.memory_space<hbm>> -> memref<4x20x128xf32, #tpu.memory_space<hbm>>
      %dma_start3A_1448 = tpu.memref_reshape %arg12 : memref<80x128xf32, #tpu.memory_space<vmem>> -> memref<4x20x128xf32, #tpu.memory_space<vmem>>
      tpu.enqueue_dma source(%dma_start3A_1448 : memref<4x20x128xf32, #tpu.memory_space<vmem>>) target(%dma_start3A_1447 : memref<4x20x128xf32, #tpu.memory_space<hbm>>) target_semaphore(%arg22 : memref<!tpu.dma_semaphore, #tpu.memory_space<semaphore_mem>>)
    }
    %scan3A_878 = arith.constant 31 : i32
    %mul3A_879 = arith.constant 40 : i32
    %mul3A_880 = arith.muli %add3A, %mul3A_879 : i32
    %dma_wait3A_881 = arith.constant 3 : i32
    %dma_wait3A_882 = arith.constant 126 : i32
    %dma_wait3A_883 = arith.constant 0 : i32
    %dma_wait3A_884 = tpu.memref_slice %arg10[%dma_wait3A_882, %dma_wait3A_883] : memref<128x80xi32, #tpu.memory_space<vmem>> -> memref<1x80xi32, #tpu.memory_space<vmem>>
    %dma_wait3A_885 = tpu.memref_squeeze %dma_wait3A_884 : memref<1x80xi32, #tpu.memory_space<vmem>> -> memref<80xi32, #tpu.memory_space<vmem>>
    %dma_wait3A_886 = arith.constant 0 : i32
    %dma_wait3A_887 = arith.constant 0 : i32
    %dma_wait3A_888 = tpu.memref_slice %arg3[%dma_wait3A_881, %dma_wait3A_886, %dma_wait3A_887] : memref<5x1280x128xf32, #tpu.memory_space<hbm>> -> memref<1x1280x128xf32, #tpu.memory_space<hbm>>
    %dma_wait3A_889 = tpu.memref_squeeze %dma_wait3A_888 : memref<1x1280x128xf32, #tpu.memory_space<hbm>> -> memref<1280x128xf32, #tpu.memory_space<hbm>>
    %dma_wait3A_890 = arith.constant 0 : i32
    %dma_wait3A_891 = tpu.memref_slice %dma_wait3A_889[%mul3A_880, %dma_wait3A_890] : memref<1280x128xf32, #tpu.memory_space<hbm>> -> memref<40x128xf32, #tpu.memory_space<hbm>>
    %dma_wait3A_892 = arith.constant 0 : i32
    %dma_wait3A_893 = arith.constant 0 : i32
    %dma_wait3A_894 = tpu.memref_slice %dma_wait3A_891[%dma_wait3A_892, %dma_wait3A_893] : memref<40x128xf32, #tpu.memory_space<hbm>> -> memref<40x128xf32, #tpu.memory_space<hbm>>
    tpu.wait_indirect_dma semaphore(%arg19 : memref<!tpu.dma_semaphore, #tpu.memory_space<semaphore_mem>>) src(%dma_wait3A_894 : memref<40x128xf32, #tpu.memory_space<hbm>>) dst(%arg13 : memref<80x128xf32, #tpu.memory_space<vmem>>)
    %add3A_895 = arith.constant 504 : i32
    %add3A_896 = arith.addi %mul3A_2, %add3A_895 : i32
    %dma_start3A_897 = tpu.memref_reshape %arg13 : memref<80x128xf32, #tpu.memory_space<vmem>> -> memref<4x20x128xf32, #tpu.memory_space<vmem>>
    %dma_start3A_898 = arith.constant 0 : i32
    %dma_start3A_899 = arith.constant 0 : i32
    %dma_start3A_900 = tpu.memref_slice %arg7[%add3A_896, %dma_start3A_898, %dma_start3A_899] : memref<16384x20x128xf32, #tpu.memory_space<hbm>> -> memref<4x20x128xf32, #tpu.memory_space<hbm>>
    %dma_start3A_901 = arith.constant 0 : i32
    %dma_start3A_902 = arith.constant 0 : i32
    %dma_start3A_903 = tpu.memref_slice %arg7[%add3A_896, %dma_start3A_901, %dma_start3A_902] : memref<16384x20x128xf32, #tpu.memory_space<hbm>> -> memref<4x20x128xf32, #tpu.memory_space<hbm>>
    %dma_start3A_904 = tpu.memref_reshape %arg13 : memref<80x128xf32, #tpu.memory_space<vmem>> -> memref<4x20x128xf32, #tpu.memory_space<vmem>>
    tpu.enqueue_dma source(%dma_start3A_904 : memref<4x20x128xf32, #tpu.memory_space<vmem>>) target(%dma_start3A_903 : memref<4x20x128xf32, #tpu.memory_space<hbm>>) target_semaphore(%arg23 : memref<!tpu.dma_semaphore, #tpu.memory_space<semaphore_mem>>)
    %mul3A_905 = arith.constant 40 : i32
    %mul3A_906 = arith.muli %add3A, %mul3A_905 : i32
    %dma_wait3A_907 = arith.constant 3 : i32
    %dma_wait3A_908 = arith.constant 127 : i32
    %dma_wait3A_909 = arith.constant 0 : i32
    %dma_wait3A_910 = tpu.memref_slice %arg10[%dma_wait3A_908, %dma_wait3A_909] : memref<128x80xi32, #tpu.memory_space<vmem>> -> memref<1x80xi32, #tpu.memory_space<vmem>>
    %dma_wait3A_911 = tpu.memref_squeeze %dma_wait3A_910 : memref<1x80xi32, #tpu.memory_space<vmem>> -> memref<80xi32, #tpu.memory_space<vmem>>
    %dma_wait3A_912 = arith.constant 0 : i32
    %dma_wait3A_913 = arith.constant 0 : i32
    %dma_wait3A_914 = tpu.memref_slice %arg3[%dma_wait3A_907, %dma_wait3A_912, %dma_wait3A_913] : memref<5x1280x128xf32, #tpu.memory_space<hbm>> -> memref<1x1280x128xf32, #tpu.memory_space<hbm>>
    %dma_wait3A_915 = tpu.memref_squeeze %dma_wait3A_914 : memref<1x1280x128xf32, #tpu.memory_space<hbm>> -> memref<1280x128xf32, #tpu.memory_space<hbm>>
    %dma_wait3A_916 = arith.constant 0 : i32
    %dma_wait3A_917 = tpu.memref_slice %dma_wait3A_915[%mul3A_906, %dma_wait3A_916] : memref<1280x128xf32, #tpu.memory_space<hbm>> -> memref<40x128xf32, #tpu.memory_space<hbm>>
    %dma_wait3A_918 = arith.constant 0 : i32
    %dma_wait3A_919 = arith.constant 0 : i32
    %dma_wait3A_920 = tpu.memref_slice %dma_wait3A_917[%dma_wait3A_918, %dma_wait3A_919] : memref<40x128xf32, #tpu.memory_space<hbm>> -> memref<40x128xf32, #tpu.memory_space<hbm>>
    tpu.wait_indirect_dma semaphore(%arg20 : memref<!tpu.dma_semaphore, #tpu.memory_space<semaphore_mem>>) src(%dma_wait3A_920 : memref<40x128xf32, #tpu.memory_space<hbm>>) dst(%arg14 : memref<80x128xf32, #tpu.memory_space<vmem>>)
    %add3A_921 = arith.constant 508 : i32
    %add3A_922 = arith.addi %mul3A_2, %add3A_921 : i32
    %dma_start3A_923 = tpu.memref_reshape %arg14 : memref<80x128xf32, #tpu.memory_space<vmem>> -> memref<4x20x128xf32, #tpu.memory_space<vmem>>
    %dma_start3A_924 = arith.constant 0 : i32
    %dma_start3A_925 = arith.constant 0 : i32
    %dma_start3A_926 = tpu.memref_slice %arg7[%add3A_922, %dma_start3A_924, %dma_start3A_925] : memref<16384x20x128xf32, #tpu.memory_space<hbm>> -> memref<4x20x128xf32, #tpu.memory_space<hbm>>
    %dma_start3A_927 = arith.constant 0 : i32
    %dma_start3A_928 = arith.constant 0 : i32
    %dma_start3A_929 = tpu.memref_slice %arg7[%add3A_922, %dma_start3A_927, %dma_start3A_928] : memref<16384x20x128xf32, #tpu.memory_space<hbm>> -> memref<4x20x128xf32, #tpu.memory_space<hbm>>
    %dma_start3A_930 = tpu.memref_reshape %arg14 : memref<80x128xf32, #tpu.memory_space<vmem>> -> memref<4x20x128xf32, #tpu.memory_space<vmem>>
    tpu.enqueue_dma source(%dma_start3A_930 : memref<4x20x128xf32, #tpu.memory_space<vmem>>) target(%dma_start3A_929 : memref<4x20x128xf32, #tpu.memory_space<hbm>>) target_semaphore(%arg24 : memref<!tpu.dma_semaphore, #tpu.memory_space<semaphore_mem>>)
    %dma_wait3A_931 = arith.constant 4 : i32
    %dma_wait3A_932 = arith.constant 0 : i32
    %dma_wait3A_933 = arith.constant 0 : i32
    %dma_wait3A_934 = tpu.memref_slice %arg2[%dma_wait3A_931, %dma_wait3A_932, %dma_wait3A_933] : memref<5x4096x80xi32, #tpu.memory_space<hbm>> -> memref<1x4096x80xi32, #tpu.memory_space<hbm>>
    %dma_wait3A_935 = tpu.memref_squeeze %dma_wait3A_934 : memref<1x4096x80xi32, #tpu.memory_space<hbm>> -> memref<4096x80xi32, #tpu.memory_space<hbm>>
    %dma_wait3A_936 = arith.constant 0 : i32
    %dma_wait3A_937 = tpu.memref_slice %dma_wait3A_935[%mul3A_4, %dma_wait3A_936] : memref<4096x80xi32, #tpu.memory_space<hbm>> -> memref<128x80xi32, #tpu.memory_space<hbm>>
    %dma_wait3A_938 = arith.constant 0 : i32
    %dma_wait3A_939 = arith.constant 0 : i32
    %dma_wait3A_940 = tpu.memref_slice %arg2[%dma_wait3A_931, %dma_wait3A_938, %dma_wait3A_939] : memref<5x4096x80xi32, #tpu.memory_space<hbm>> -> memref<1x4096x80xi32, #tpu.memory_space<hbm>>
    %dma_wait3A_941 = tpu.memref_squeeze %dma_wait3A_940 : memref<1x4096x80xi32, #tpu.memory_space<hbm>> -> memref<4096x80xi32, #tpu.memory_space<hbm>>
    %dma_wait3A_942 = arith.constant 0 : i32
    %dma_wait3A_943 = tpu.memref_slice %dma_wait3A_941[%mul3A_4, %dma_wait3A_942] : memref<4096x80xi32, #tpu.memory_space<hbm>> -> memref<128x80xi32, #tpu.memory_space<hbm>>
    tpu.wait_dma2 semaphore(%arg15 : memref<!tpu.dma_semaphore, #tpu.memory_space<semaphore_mem>>) src(%dma_wait3A_943 : memref<128x80xi32, #tpu.memory_space<hbm>>) dst(%arg9 : memref<128x80xi32, #tpu.memory_space<vmem>>)
    %add3A_944 = arith.constant 496 : i32
    %add3A_945 = arith.addi %mul3A_2, %add3A_944 : i32
    %dma_wait3A_946 = tpu.memref_reshape %arg11 : memref<80x128xf32, #tpu.memory_space<vmem>> -> memref<4x20x128xf32, #tpu.memory_space<vmem>>
    %dma_wait3A_947 = arith.constant 0 : i32
    %dma_wait3A_948 = arith.constant 0 : i32
    %dma_wait3A_949 = tpu.memref_slice %arg7[%add3A_945, %dma_wait3A_947, %dma_wait3A_948] : memref<16384x20x128xf32, #tpu.memory_space<hbm>> -> memref<4x20x128xf32, #tpu.memory_space<hbm>>
    %dma_wait3A_950 = arith.constant 0 : i32
    %dma_wait3A_951 = arith.constant 0 : i32
    %dma_wait3A_952 = tpu.memref_slice %arg7[%add3A_945, %dma_wait3A_950, %dma_wait3A_951] : memref<16384x20x128xf32, #tpu.memory_space<hbm>> -> memref<4x20x128xf32, #tpu.memory_space<hbm>>
    %dma_wait3A_953 = tpu.memref_reshape %arg11 : memref<80x128xf32, #tpu.memory_space<vmem>> -> memref<4x20x128xf32, #tpu.memory_space<vmem>>
    tpu.wait_dma2 semaphore(%arg21 : memref<!tpu.dma_semaphore, #tpu.memory_space<semaphore_mem>>) src(%dma_wait3A_953 : memref<4x20x128xf32, #tpu.memory_space<vmem>>) dst(%dma_wait3A_952 : memref<4x20x128xf32, #tpu.memory_space<hbm>>)
    %mul3A_954 = arith.constant 40 : i32
    %mul3A_955 = arith.muli %add3A, %mul3A_954 : i32
    %dma_start3A_956 = arith.constant 4 : i32
    %dma_start3A_957 = arith.constant 0 : i32
    %dma_start3A_958 = arith.constant 0 : i32
    %dma_start3A_959 = tpu.memref_slice %arg9[%dma_start3A_957, %dma_start3A_958] : memref<128x80xi32, #tpu.memory_space<vmem>> -> memref<1x80xi32, #tpu.memory_space<vmem>>
    %dma_start3A_960 = tpu.memref_squeeze %dma_start3A_959 : memref<1x80xi32, #tpu.memory_space<vmem>> -> memref<80xi32, #tpu.memory_space<vmem>>
    %dma_start3A_961 = arith.constant 0 : i32
    %dma_start3A_962 = arith.constant 0 : i32
    %dma_start3A_963 = tpu.memref_slice %arg3[%dma_start3A_956, %dma_start3A_961, %dma_start3A_962] : memref<5x1280x128xf32, #tpu.memory_space<hbm>> -> memref<1x1280x128xf32, #tpu.memory_space<hbm>>
    %dma_start3A_964 = tpu.memref_squeeze %dma_start3A_963 : memref<1x1280x128xf32, #tpu.memory_space<hbm>> -> memref<1280x128xf32, #tpu.memory_space<hbm>>
    %dma_start3A_965 = arith.constant 0 : i32
    %dma_start3A_966 = tpu.memref_slice %dma_start3A_964[%mul3A_955, %dma_start3A_965] : memref<1280x128xf32, #tpu.memory_space<hbm>> -> memref<40x128xf32, #tpu.memory_space<hbm>>
    %dma_start3A_967 = arith.constant 0 : i32
    %dma_start3A_968 = arith.constant 0 : i32
    %dma_start3A_969 = tpu.memref_slice %dma_start3A_966[%dma_start3A_967, %dma_start3A_968] : memref<40x128xf32, #tpu.memory_space<hbm>> -> memref<40x128xf32, #tpu.memory_space<hbm>>
    tpu.enqueue_indirect_dma source(%dma_start3A_969 : memref<40x128xf32, #tpu.memory_space<hbm>>) target(%arg11 : memref<80x128xf32, #tpu.memory_space<vmem>>) offsets(%dma_start3A_960 : memref<80xi32, #tpu.memory_space<vmem>>) semaphore(%arg17 : memref<!tpu.dma_semaphore, #tpu.memory_space<semaphore_mem>>)
    %add3A_970 = arith.constant 500 : i32
    %add3A_971 = arith.addi %mul3A_2, %add3A_970 : i32
    %dma_wait3A_972 = tpu.memref_reshape %arg12 : memref<80x128xf32, #tpu.memory_space<vmem>> -> memref<4x20x128xf32, #tpu.memory_space<vmem>>
    %dma_wait3A_973 = arith.constant 0 : i32
    %dma_wait3A_974 = arith.constant 0 : i32
    %dma_wait3A_975 = tpu.memref_slice %arg7[%add3A_971, %dma_wait3A_973, %dma_wait3A_974] : memref<16384x20x128xf32, #tpu.memory_space<hbm>> -> memref<4x20x128xf32, #tpu.memory_space<hbm>>
    %dma_wait3A_976 = arith.constant 0 : i32
    %dma_wait3A_977 = arith.constant 0 : i32
    %dma_wait3A_978 = tpu.memref_slice %arg7[%add3A_971, %dma_wait3A_976, %dma_wait3A_977] : memref<16384x20x128xf32, #tpu.memory_space<hbm>> -> memref<4x20x128xf32, #tpu.memory_space<hbm>>
    %dma_wait3A_979 = tpu.memref_reshape %arg12 : memref<80x128xf32, #tpu.memory_space<vmem>> -> memref<4x20x128xf32, #tpu.memory_space<vmem>>
    tpu.wait_dma2 semaphore(%arg22 : memref<!tpu.dma_semaphore, #tpu.memory_space<semaphore_mem>>) src(%dma_wait3A_979 : memref<4x20x128xf32, #tpu.memory_space<vmem>>) dst(%dma_wait3A_978 : memref<4x20x128xf32, #tpu.memory_space<hbm>>)
    %mul3A_980 = arith.constant 40 : i32
    %mul3A_981 = arith.muli %add3A, %mul3A_980 : i32
    %dma_start3A_982 = arith.constant 4 : i32
    %dma_start3A_983 = arith.constant 1 : i32
    %dma_start3A_984 = arith.constant 0 : i32
    %dma_start3A_985 = tpu.memref_slice %arg9[%dma_start3A_983, %dma_start3A_984] : memref<128x80xi32, #tpu.memory_space<vmem>> -> memref<1x80xi32, #tpu.memory_space<vmem>>
    %dma_start3A_986 = tpu.memref_squeeze %dma_start3A_985 : memref<1x80xi32, #tpu.memory_space<vmem>> -> memref<80xi32, #tpu.memory_space<vmem>>
    %dma_start3A_987 = arith.constant 0 : i32
    %dma_start3A_988 = arith.constant 0 : i32
    %dma_start3A_989 = tpu.memref_slice %arg3[%dma_start3A_982, %dma_start3A_987, %dma_start3A_988] : memref<5x1280x128xf32, #tpu.memory_space<hbm>> -> memref<1x1280x128xf32, #tpu.memory_space<hbm>>
    %dma_start3A_990 = tpu.memref_squeeze %dma_start3A_989 : memref<1x1280x128xf32, #tpu.memory_space<hbm>> -> memref<1280x128xf32, #tpu.memory_space<hbm>>
    %dma_start3A_991 = arith.constant 0 : i32
    %dma_start3A_992 = tpu.memref_slice %dma_start3A_990[%mul3A_981, %dma_start3A_991] : memref<1280x128xf32, #tpu.memory_space<hbm>> -> memref<40x128xf32, #tpu.memory_space<hbm>>
    %dma_start3A_993 = arith.constant 0 : i32
    %dma_start3A_994 = arith.constant 0 : i32
    %dma_start3A_995 = tpu.memref_slice %dma_start3A_992[%dma_start3A_993, %dma_start3A_994] : memref<40x128xf32, #tpu.memory_space<hbm>> -> memref<40x128xf32, #tpu.memory_space<hbm>>
    tpu.enqueue_indirect_dma source(%dma_start3A_995 : memref<40x128xf32, #tpu.memory_space<hbm>>) target(%arg12 : memref<80x128xf32, #tpu.memory_space<vmem>>) offsets(%dma_start3A_986 : memref<80xi32, #tpu.memory_space<vmem>>) semaphore(%arg18 : memref<!tpu.dma_semaphore, #tpu.memory_space<semaphore_mem>>)
    %add3A_996 = arith.constant 504 : i32
    %add3A_997 = arith.addi %mul3A_2, %add3A_996 : i32
    %dma_wait3A_998 = tpu.memref_reshape %arg13 : memref<80x128xf32, #tpu.memory_space<vmem>> -> memref<4x20x128xf32, #tpu.memory_space<vmem>>
    %dma_wait3A_999 = arith.constant 0 : i32
    %dma_wait3A_1000 = arith.constant 0 : i32
    %dma_wait3A_1001 = tpu.memref_slice %arg7[%add3A_997, %dma_wait3A_999, %dma_wait3A_1000] : memref<16384x20x128xf32, #tpu.memory_space<hbm>> -> memref<4x20x128xf32, #tpu.memory_space<hbm>>
    %dma_wait3A_1002 = arith.constant 0 : i32
    %dma_wait3A_1003 = arith.constant 0 : i32
    %dma_wait3A_1004 = tpu.memref_slice %arg7[%add3A_997, %dma_wait3A_1002, %dma_wait3A_1003] : memref<16384x20x128xf32, #tpu.memory_space<hbm>> -> memref<4x20x128xf32, #tpu.memory_space<hbm>>
    %dma_wait3A_1005 = tpu.memref_reshape %arg13 : memref<80x128xf32, #tpu.memory_space<vmem>> -> memref<4x20x128xf32, #tpu.memory_space<vmem>>
    tpu.wait_dma2 semaphore(%arg23 : memref<!tpu.dma_semaphore, #tpu.memory_space<semaphore_mem>>) src(%dma_wait3A_1005 : memref<4x20x128xf32, #tpu.memory_space<vmem>>) dst(%dma_wait3A_1004 : memref<4x20x128xf32, #tpu.memory_space<hbm>>)
    %mul3A_1006 = arith.constant 40 : i32
    %mul3A_1007 = arith.muli %add3A, %mul3A_1006 : i32
    %dma_start3A_1008 = arith.constant 4 : i32
    %dma_start3A_1009 = arith.constant 2 : i32
    %dma_start3A_1010 = arith.constant 0 : i32
    %dma_start3A_1011 = tpu.memref_slice %arg9[%dma_start3A_1009, %dma_start3A_1010] : memref<128x80xi32, #tpu.memory_space<vmem>> -> memref<1x80xi32, #tpu.memory_space<vmem>>
    %dma_start3A_1012 = tpu.memref_squeeze %dma_start3A_1011 : memref<1x80xi32, #tpu.memory_space<vmem>> -> memref<80xi32, #tpu.memory_space<vmem>>
    %dma_start3A_1013 = arith.constant 0 : i32
    %dma_start3A_1014 = arith.constant 0 : i32
    %dma_start3A_1015 = tpu.memref_slice %arg3[%dma_start3A_1008, %dma_start3A_1013, %dma_start3A_1014] : memref<5x1280x128xf32, #tpu.memory_space<hbm>> -> memref<1x1280x128xf32, #tpu.memory_space<hbm>>
    %dma_start3A_1016 = tpu.memref_squeeze %dma_start3A_1015 : memref<1x1280x128xf32, #tpu.memory_space<hbm>> -> memref<1280x128xf32, #tpu.memory_space<hbm>>
    %dma_start3A_1017 = arith.constant 0 : i32
    %dma_start3A_1018 = tpu.memref_slice %dma_start3A_1016[%mul3A_1007, %dma_start3A_1017] : memref<1280x128xf32, #tpu.memory_space<hbm>> -> memref<40x128xf32, #tpu.memory_space<hbm>>
    %dma_start3A_1019 = arith.constant 0 : i32
    %dma_start3A_1020 = arith.constant 0 : i32
    %dma_start3A_1021 = tpu.memref_slice %dma_start3A_1018[%dma_start3A_1019, %dma_start3A_1020] : memref<40x128xf32, #tpu.memory_space<hbm>> -> memref<40x128xf32, #tpu.memory_space<hbm>>
    tpu.enqueue_indirect_dma source(%dma_start3A_1021 : memref<40x128xf32, #tpu.memory_space<hbm>>) target(%arg13 : memref<80x128xf32, #tpu.memory_space<vmem>>) offsets(%dma_start3A_1012 : memref<80xi32, #tpu.memory_space<vmem>>) semaphore(%arg19 : memref<!tpu.dma_semaphore, #tpu.memory_space<semaphore_mem>>)
    %mul3A_1022 = arith.constant 40 : i32
    %mul3A_1023 = arith.muli %add3A, %mul3A_1022 : i32
    %dma_wait3A_1024 = arith.constant 4 : i32
    %dma_wait3A_1025 = arith.constant 0 : i32
    %dma_wait3A_1026 = arith.constant 0 : i32
    %dma_wait3A_1027 = tpu.memref_slice %arg9[%dma_wait3A_1025, %dma_wait3A_1026] : memref<128x80xi32, #tpu.memory_space<vmem>> -> memref<1x80xi32, #tpu.memory_space<vmem>>
    %dma_wait3A_1028 = tpu.memref_squeeze %dma_wait3A_1027 : memref<1x80xi32, #tpu.memory_space<vmem>> -> memref<80xi32, #tpu.memory_space<vmem>>
    %dma_wait3A_1029 = arith.constant 0 : i32
    %dma_wait3A_1030 = arith.constant 0 : i32
    %dma_wait3A_1031 = tpu.memref_slice %arg3[%dma_wait3A_1024, %dma_wait3A_1029, %dma_wait3A_1030] : memref<5x1280x128xf32, #tpu.memory_space<hbm>> -> memref<1x1280x128xf32, #tpu.memory_space<hbm>>
    %dma_wait3A_1032 = tpu.memref_squeeze %dma_wait3A_1031 : memref<1x1280x128xf32, #tpu.memory_space<hbm>> -> memref<1280x128xf32, #tpu.memory_space<hbm>>
    %dma_wait3A_1033 = arith.constant 0 : i32
    %dma_wait3A_1034 = tpu.memref_slice %dma_wait3A_1032[%mul3A_1023, %dma_wait3A_1033] : memref<1280x128xf32, #tpu.memory_space<hbm>> -> memref<40x128xf32, #tpu.memory_space<hbm>>
    %dma_wait3A_1035 = arith.constant 0 : i32
    %dma_wait3A_1036 = arith.constant 0 : i32
    %dma_wait3A_1037 = tpu.memref_slice %dma_wait3A_1034[%dma_wait3A_1035, %dma_wait3A_1036] : memref<40x128xf32, #tpu.memory_space<hbm>> -> memref<40x128xf32, #tpu.memory_space<hbm>>
    tpu.wait_indirect_dma semaphore(%arg17 : memref<!tpu.dma_semaphore, #tpu.memory_space<semaphore_mem>>) src(%dma_wait3A_1037 : memref<40x128xf32, #tpu.memory_space<hbm>>) dst(%arg11 : memref<80x128xf32, #tpu.memory_space<vmem>>)
    %add3A_1038 = arith.constant 0 : i32
    %add3A_1039 = arith.addi %mul3A_2, %add3A_1038 : i32
    %dma_start3A_1040 = tpu.memref_reshape %arg11 : memref<80x128xf32, #tpu.memory_space<vmem>> -> memref<4x20x128xf32, #tpu.memory_space<vmem>>
    %dma_start3A_1041 = arith.constant 0 : i32
    %dma_start3A_1042 = arith.constant 0 : i32
    %dma_start3A_1043 = tpu.memref_slice %arg8[%add3A_1039, %dma_start3A_1041, %dma_start3A_1042] : memref<16384x20x128xf32, #tpu.memory_space<hbm>> -> memref<4x20x128xf32, #tpu.memory_space<hbm>>
    %dma_start3A_1044 = arith.constant 0 : i32
    %dma_start3A_1045 = arith.constant 0 : i32
    %dma_start3A_1046 = tpu.memref_slice %arg8[%add3A_1039, %dma_start3A_1044, %dma_start3A_1045] : memref<16384x20x128xf32, #tpu.memory_space<hbm>> -> memref<4x20x128xf32, #tpu.memory_space<hbm>>
    %dma_start3A_1047 = tpu.memref_reshape %arg11 : memref<80x128xf32, #tpu.memory_space<vmem>> -> memref<4x20x128xf32, #tpu.memory_space<vmem>>
    tpu.enqueue_dma source(%dma_start3A_1047 : memref<4x20x128xf32, #tpu.memory_space<vmem>>) target(%dma_start3A_1046 : memref<4x20x128xf32, #tpu.memory_space<hbm>>) target_semaphore(%arg21 : memref<!tpu.dma_semaphore, #tpu.memory_space<semaphore_mem>>)
    %add3A_1048 = arith.constant 508 : i32
    %add3A_1049 = arith.addi %mul3A_2, %add3A_1048 : i32
    %dma_wait3A_1050 = tpu.memref_reshape %arg14 : memref<80x128xf32, #tpu.memory_space<vmem>> -> memref<4x20x128xf32, #tpu.memory_space<vmem>>
    %dma_wait3A_1051 = arith.constant 0 : i32
    %dma_wait3A_1052 = arith.constant 0 : i32
    %dma_wait3A_1053 = tpu.memref_slice %arg7[%add3A_1049, %dma_wait3A_1051, %dma_wait3A_1052] : memref<16384x20x128xf32, #tpu.memory_space<hbm>> -> memref<4x20x128xf32, #tpu.memory_space<hbm>>
    %dma_wait3A_1054 = arith.constant 0 : i32
    %dma_wait3A_1055 = arith.constant 0 : i32
    %dma_wait3A_1056 = tpu.memref_slice %arg7[%add3A_1049, %dma_wait3A_1054, %dma_wait3A_1055] : memref<16384x20x128xf32, #tpu.memory_space<hbm>> -> memref<4x20x128xf32, #tpu.memory_space<hbm>>
    %dma_wait3A_1057 = tpu.memref_reshape %arg14 : memref<80x128xf32, #tpu.memory_space<vmem>> -> memref<4x20x128xf32, #tpu.memory_space<vmem>>
    tpu.wait_dma2 semaphore(%arg24 : memref<!tpu.dma_semaphore, #tpu.memory_space<semaphore_mem>>) src(%dma_wait3A_1057 : memref<4x20x128xf32, #tpu.memory_space<vmem>>) dst(%dma_wait3A_1056 : memref<4x20x128xf32, #tpu.memory_space<hbm>>)
    %mul3A_1058 = arith.constant 40 : i32
    %mul3A_1059 = arith.muli %add3A, %mul3A_1058 : i32
    %dma_start3A_1060 = arith.constant 4 : i32
    %dma_start3A_1061 = arith.constant 3 : i32
    %dma_start3A_1062 = arith.constant 0 : i32
    %dma_start3A_1063 = tpu.memref_slice %arg9[%dma_start3A_1061, %dma_start3A_1062] : memref<128x80xi32, #tpu.memory_space<vmem>> -> memref<1x80xi32, #tpu.memory_space<vmem>>
    %dma_start3A_1064 = tpu.memref_squeeze %dma_start3A_1063 : memref<1x80xi32, #tpu.memory_space<vmem>> -> memref<80xi32, #tpu.memory_space<vmem>>
    %dma_start3A_1065 = arith.constant 0 : i32
    %dma_start3A_1066 = arith.constant 0 : i32
    %dma_start3A_1067 = tpu.memref_slice %arg3[%dma_start3A_1060, %dma_start3A_1065, %dma_start3A_1066] : memref<5x1280x128xf32, #tpu.memory_space<hbm>> -> memref<1x1280x128xf32, #tpu.memory_space<hbm>>
    %dma_start3A_1068 = tpu.memref_squeeze %dma_start3A_1067 : memref<1x1280x128xf32, #tpu.memory_space<hbm>> -> memref<1280x128xf32, #tpu.memory_space<hbm>>
    %dma_start3A_1069 = arith.constant 0 : i32
    %dma_start3A_1070 = tpu.memref_slice %dma_start3A_1068[%mul3A_1059, %dma_start3A_1069] : memref<1280x128xf32, #tpu.memory_space<hbm>> -> memref<40x128xf32, #tpu.memory_space<hbm>>
    %dma_start3A_1071 = arith.constant 0 : i32
    %dma_start3A_1072 = arith.constant 0 : i32
    %dma_start3A_1073 = tpu.memref_slice %dma_start3A_1070[%dma_start3A_1071, %dma_start3A_1072] : memref<40x128xf32, #tpu.memory_space<hbm>> -> memref<40x128xf32, #tpu.memory_space<hbm>>
    tpu.enqueue_indirect_dma source(%dma_start3A_1073 : memref<40x128xf32, #tpu.memory_space<hbm>>) target(%arg14 : memref<80x128xf32, #tpu.memory_space<vmem>>) offsets(%dma_start3A_1064 : memref<80xi32, #tpu.memory_space<vmem>>) semaphore(%arg20 : memref<!tpu.dma_semaphore, #tpu.memory_space<semaphore_mem>>)
    %mul3A_1074 = arith.constant 40 : i32
    %mul3A_1075 = arith.muli %add3A, %mul3A_1074 : i32
    %dma_wait3A_1076 = arith.constant 4 : i32
    %dma_wait3A_1077 = arith.constant 1 : i32
    %dma_wait3A_1078 = arith.constant 0 : i32
    %dma_wait3A_1079 = tpu.memref_slice %arg9[%dma_wait3A_1077, %dma_wait3A_1078] : memref<128x80xi32, #tpu.memory_space<vmem>> -> memref<1x80xi32, #tpu.memory_space<vmem>>
    %dma_wait3A_1080 = tpu.memref_squeeze %dma_wait3A_1079 : memref<1x80xi32, #tpu.memory_space<vmem>> -> memref<80xi32, #tpu.memory_space<vmem>>
    %dma_wait3A_1081 = arith.constant 0 : i32
    %dma_wait3A_1082 = arith.constant 0 : i32
    %dma_wait3A_1083 = tpu.memref_slice %arg3[%dma_wait3A_1076, %dma_wait3A_1081, %dma_wait3A_1082] : memref<5x1280x128xf32, #tpu.memory_space<hbm>> -> memref<1x1280x128xf32, #tpu.memory_space<hbm>>
    %dma_wait3A_1084 = tpu.memref_squeeze %dma_wait3A_1083 : memref<1x1280x128xf32, #tpu.memory_space<hbm>> -> memref<1280x128xf32, #tpu.memory_space<hbm>>
    %dma_wait3A_1085 = arith.constant 0 : i32
    %dma_wait3A_1086 = tpu.memref_slice %dma_wait3A_1084[%mul3A_1075, %dma_wait3A_1085] : memref<1280x128xf32, #tpu.memory_space<hbm>> -> memref<40x128xf32, #tpu.memory_space<hbm>>
    %dma_wait3A_1087 = arith.constant 0 : i32
    %dma_wait3A_1088 = arith.constant 0 : i32
    %dma_wait3A_1089 = tpu.memref_slice %dma_wait3A_1086[%dma_wait3A_1087, %dma_wait3A_1088] : memref<40x128xf32, #tpu.memory_space<hbm>> -> memref<40x128xf32, #tpu.memory_space<hbm>>
    tpu.wait_indirect_dma semaphore(%arg18 : memref<!tpu.dma_semaphore, #tpu.memory_space<semaphore_mem>>) src(%dma_wait3A_1089 : memref<40x128xf32, #tpu.memory_space<hbm>>) dst(%arg12 : memref<80x128xf32, #tpu.memory_space<vmem>>)
    %add3A_1090 = arith.constant 4 : i32
    %add3A_1091 = arith.addi %mul3A_2, %add3A_1090 : i32
    %dma_start3A_1092 = tpu.memref_reshape %arg12 : memref<80x128xf32, #tpu.memory_space<vmem>> -> memref<4x20x128xf32, #tpu.memory_space<vmem>>
    %dma_start3A_1093 = arith.constant 0 : i32
    %dma_start3A_1094 = arith.constant 0 : i32
    %dma_start3A_1095 = tpu.memref_slice %arg8[%add3A_1091, %dma_start3A_1093, %dma_start3A_1094] : memref<16384x20x128xf32, #tpu.memory_space<hbm>> -> memref<4x20x128xf32, #tpu.memory_space<hbm>>
    %dma_start3A_1096 = arith.constant 0 : i32
    %dma_start3A_1097 = arith.constant 0 : i32
    %dma_start3A_1098 = tpu.memref_slice %arg8[%add3A_1091, %dma_start3A_1096, %dma_start3A_1097] : memref<16384x20x128xf32, #tpu.memory_space<hbm>> -> memref<4x20x128xf32, #tpu.memory_space<hbm>>
    %dma_start3A_1099 = tpu.memref_reshape %arg12 : memref<80x128xf32, #tpu.memory_space<vmem>> -> memref<4x20x128xf32, #tpu.memory_space<vmem>>
    tpu.enqueue_dma source(%dma_start3A_1099 : memref<4x20x128xf32, #tpu.memory_space<vmem>>) target(%dma_start3A_1098 : memref<4x20x128xf32, #tpu.memory_space<hbm>>) target_semaphore(%arg22 : memref<!tpu.dma_semaphore, #tpu.memory_space<semaphore_mem>>)
    %scan3A_1100 = arith.constant 0 : i32
    %scan3A_1101 = arith.constant 31 : i32
    %scan3A_1102 = arith.addi %scan3A_1100, %scan3A_1101 : i32
    %scan3A_1103 = arith.constant 1 : i32
    scf.for %scan3A_1197 = %scan3A_1100 to %scan3A_1102 step %scan3A_1103  : i32 {
      %mul3A_1198 = arith.constant 1 : i32
      %mul3A_1199 = arith.muli %scan3A_1197, %mul3A_1198 : i32
      %add3A_1200 = arith.constant 1 : i32
      %add3A_1201 = arith.addi %add3A_1200, %mul3A_1199 : i32
      %mul3A_1202 = arith.constant 4 : i32
      %mul3A_1203 = arith.muli %add3A_1201, %mul3A_1202 : i32
      %add3A_1204 = arith.constant 0 : i32
      %add3A_1205 = arith.addi %mul3A_1203, %add3A_1204 : i32
      %sub3A = arith.constant 4 : i32
      %sub3A_1206 = arith.subi %add3A_1205, %sub3A : i32
      %mul3A_1207 = arith.constant 4 : i32
      %mul3A_1208 = arith.muli %sub3A_1206, %mul3A_1207 : i32
      %add3A_1209 = arith.addi %mul3A_2, %mul3A_1208 : i32
      %dma_wait3A_1210 = tpu.memref_reshape %arg11 : memref<80x128xf32, #tpu.memory_space<vmem>> -> memref<4x20x128xf32, #tpu.memory_space<vmem>>
      %dma_wait3A_1211 = arith.constant 0 : i32
      %dma_wait3A_1212 = arith.constant 0 : i32
      %dma_wait3A_1213 = tpu.memref_slice %arg8[%add3A_1209, %dma_wait3A_1211, %dma_wait3A_1212] : memref<16384x20x128xf32, #tpu.memory_space<hbm>> -> memref<4x20x128xf32, #tpu.memory_space<hbm>>
      %dma_wait3A_1214 = arith.constant 0 : i32
      %dma_wait3A_1215 = arith.constant 0 : i32
      %dma_wait3A_1216 = tpu.memref_slice %arg8[%add3A_1209, %dma_wait3A_1214, %dma_wait3A_1215] : memref<16384x20x128xf32, #tpu.memory_space<hbm>> -> memref<4x20x128xf32, #tpu.memory_space<hbm>>
      %dma_wait3A_1217 = tpu.memref_reshape %arg11 : memref<80x128xf32, #tpu.memory_space<vmem>> -> memref<4x20x128xf32, #tpu.memory_space<vmem>>
      tpu.wait_dma2 semaphore(%arg21 : memref<!tpu.dma_semaphore, #tpu.memory_space<semaphore_mem>>) src(%dma_wait3A_1217 : memref<4x20x128xf32, #tpu.memory_space<vmem>>) dst(%dma_wait3A_1216 : memref<4x20x128xf32, #tpu.memory_space<hbm>>)
      %mul3A_1218 = arith.constant 40 : i32
      %mul3A_1219 = arith.muli %add3A, %mul3A_1218 : i32
      %dma_start3A_1220 = arith.constant 4 : i32
      %dma_start3A_1221 = arith.constant 0 : i32
      %dma_start3A_1222 = tpu.memref_slice %arg9[%add3A_1205, %dma_start3A_1221] : memref<128x80xi32, #tpu.memory_space<vmem>> -> memref<1x80xi32, #tpu.memory_space<vmem>>
      %dma_start3A_1223 = tpu.memref_squeeze %dma_start3A_1222 : memref<1x80xi32, #tpu.memory_space<vmem>> -> memref<80xi32, #tpu.memory_space<vmem>>
      %dma_start3A_1224 = arith.constant 0 : i32
      %dma_start3A_1225 = arith.constant 0 : i32
      %dma_start3A_1226 = tpu.memref_slice %arg3[%dma_start3A_1220, %dma_start3A_1224, %dma_start3A_1225] : memref<5x1280x128xf32, #tpu.memory_space<hbm>> -> memref<1x1280x128xf32, #tpu.memory_space<hbm>>
      %dma_start3A_1227 = tpu.memref_squeeze %dma_start3A_1226 : memref<1x1280x128xf32, #tpu.memory_space<hbm>> -> memref<1280x128xf32, #tpu.memory_space<hbm>>
      %dma_start3A_1228 = arith.constant 0 : i32
      %dma_start3A_1229 = tpu.memref_slice %dma_start3A_1227[%mul3A_1219, %dma_start3A_1228] : memref<1280x128xf32, #tpu.memory_space<hbm>> -> memref<40x128xf32, #tpu.memory_space<hbm>>
      %dma_start3A_1230 = arith.constant 0 : i32
      %dma_start3A_1231 = arith.constant 0 : i32
      %dma_start3A_1232 = tpu.memref_slice %dma_start3A_1229[%dma_start3A_1230, %dma_start3A_1231] : memref<40x128xf32, #tpu.memory_space<hbm>> -> memref<40x128xf32, #tpu.memory_space<hbm>>
      tpu.enqueue_indirect_dma source(%dma_start3A_1232 : memref<40x128xf32, #tpu.memory_space<hbm>>) target(%arg11 : memref<80x128xf32, #tpu.memory_space<vmem>>) offsets(%dma_start3A_1223 : memref<80xi32, #tpu.memory_space<vmem>>) semaphore(%arg17 : memref<!tpu.dma_semaphore, #tpu.memory_space<semaphore_mem>>)
      %sub3A_1233 = arith.constant 2 : i32
      %sub3A_1234 = arith.subi %add3A_1205, %sub3A_1233 : i32
      %mul3A_1235 = arith.constant 40 : i32
      %mul3A_1236 = arith.muli %add3A, %mul3A_1235 : i32
      %dma_wait3A_1237 = arith.constant 4 : i32
      %dma_wait3A_1238 = arith.constant 0 : i32
      %dma_wait3A_1239 = tpu.memref_slice %arg9[%sub3A_1234, %dma_wait3A_1238] : memref<128x80xi32, #tpu.memory_space<vmem>> -> memref<1x80xi32, #tpu.memory_space<vmem>>
      %dma_wait3A_1240 = tpu.memref_squeeze %dma_wait3A_1239 : memref<1x80xi32, #tpu.memory_space<vmem>> -> memref<80xi32, #tpu.memory_space<vmem>>
      %dma_wait3A_1241 = arith.constant 0 : i32
      %dma_wait3A_1242 = arith.constant 0 : i32
      %dma_wait3A_1243 = tpu.memref_slice %arg3[%dma_wait3A_1237, %dma_wait3A_1241, %dma_wait3A_1242] : memref<5x1280x128xf32, #tpu.memory_space<hbm>> -> memref<1x1280x128xf32, #tpu.memory_space<hbm>>
      %dma_wait3A_1244 = tpu.memref_squeeze %dma_wait3A_1243 : memref<1x1280x128xf32, #tpu.memory_space<hbm>> -> memref<1280x128xf32, #tpu.memory_space<hbm>>
      %dma_wait3A_1245 = arith.constant 0 : i32
      %dma_wait3A_1246 = tpu.memref_slice %dma_wait3A_1244[%mul3A_1236, %dma_wait3A_1245] : memref<1280x128xf32, #tpu.memory_space<hbm>> -> memref<40x128xf32, #tpu.memory_space<hbm>>
      %dma_wait3A_1247 = arith.constant 0 : i32
      %dma_wait3A_1248 = arith.constant 0 : i32
      %dma_wait3A_1249 = tpu.memref_slice %dma_wait3A_1246[%dma_wait3A_1247, %dma_wait3A_1248] : memref<40x128xf32, #tpu.memory_space<hbm>> -> memref<40x128xf32, #tpu.memory_space<hbm>>
      tpu.wait_indirect_dma semaphore(%arg19 : memref<!tpu.dma_semaphore, #tpu.memory_space<semaphore_mem>>) src(%dma_wait3A_1249 : memref<40x128xf32, #tpu.memory_space<hbm>>) dst(%arg13 : memref<80x128xf32, #tpu.memory_space<vmem>>)
      %sub3A_1250 = arith.constant 2 : i32
      %sub3A_1251 = arith.subi %add3A_1205, %sub3A_1250 : i32
      %mul3A_1252 = arith.constant 4 : i32
      %mul3A_1253 = arith.muli %sub3A_1251, %mul3A_1252 : i32
      %add3A_1254 = arith.addi %mul3A_2, %mul3A_1253 : i32
      %dma_start3A_1255 = tpu.memref_reshape %arg13 : memref<80x128xf32, #tpu.memory_space<vmem>> -> memref<4x20x128xf32, #tpu.memory_space<vmem>>
      %dma_start3A_1256 = arith.constant 0 : i32
      %dma_start3A_1257 = arith.constant 0 : i32
      %dma_start3A_1258 = tpu.memref_slice %arg8[%add3A_1254, %dma_start3A_1256, %dma_start3A_1257] : memref<16384x20x128xf32, #tpu.memory_space<hbm>> -> memref<4x20x128xf32, #tpu.memory_space<hbm>>
      %dma_start3A_1259 = arith.constant 0 : i32
      %dma_start3A_1260 = arith.constant 0 : i32
      %dma_start3A_1261 = tpu.memref_slice %arg8[%add3A_1254, %dma_start3A_1259, %dma_start3A_1260] : memref<16384x20x128xf32, #tpu.memory_space<hbm>> -> memref<4x20x128xf32, #tpu.memory_space<hbm>>
      %dma_start3A_1262 = tpu.memref_reshape %arg13 : memref<80x128xf32, #tpu.memory_space<vmem>> -> memref<4x20x128xf32, #tpu.memory_space<vmem>>
      tpu.enqueue_dma source(%dma_start3A_1262 : memref<4x20x128xf32, #tpu.memory_space<vmem>>) target(%dma_start3A_1261 : memref<4x20x128xf32, #tpu.memory_space<hbm>>) target_semaphore(%arg23 : memref<!tpu.dma_semaphore, #tpu.memory_space<semaphore_mem>>)
      %mul3A_1263 = arith.constant 4 : i32
      %mul3A_1264 = arith.muli %add3A_1201, %mul3A_1263 : i32
      %add3A_1265 = arith.constant 1 : i32
      %add3A_1266 = arith.addi %mul3A_1264, %add3A_1265 : i32
      %sub3A_1267 = arith.constant 4 : i32
      %sub3A_1268 = arith.subi %add3A_1266, %sub3A_1267 : i32
      %mul3A_1269 = arith.constant 4 : i32
      %mul3A_1270 = arith.muli %sub3A_1268, %mul3A_1269 : i32
      %add3A_1271 = arith.addi %mul3A_2, %mul3A_1270 : i32
      %dma_wait3A_1272 = tpu.memref_reshape %arg12 : memref<80x128xf32, #tpu.memory_space<vmem>> -> memref<4x20x128xf32, #tpu.memory_space<vmem>>
      %dma_wait3A_1273 = arith.constant 0 : i32
      %dma_wait3A_1274 = arith.constant 0 : i32
      %dma_wait3A_1275 = tpu.memref_slice %arg8[%add3A_1271, %dma_wait3A_1273, %dma_wait3A_1274] : memref<16384x20x128xf32, #tpu.memory_space<hbm>> -> memref<4x20x128xf32, #tpu.memory_space<hbm>>
      %dma_wait3A_1276 = arith.constant 0 : i32
      %dma_wait3A_1277 = arith.constant 0 : i32
      %dma_wait3A_1278 = tpu.memref_slice %arg8[%add3A_1271, %dma_wait3A_1276, %dma_wait3A_1277] : memref<16384x20x128xf32, #tpu.memory_space<hbm>> -> memref<4x20x128xf32, #tpu.memory_space<hbm>>
      %dma_wait3A_1279 = tpu.memref_reshape %arg12 : memref<80x128xf32, #tpu.memory_space<vmem>> -> memref<4x20x128xf32, #tpu.memory_space<vmem>>
      tpu.wait_dma2 semaphore(%arg22 : memref<!tpu.dma_semaphore, #tpu.memory_space<semaphore_mem>>) src(%dma_wait3A_1279 : memref<4x20x128xf32, #tpu.memory_space<vmem>>) dst(%dma_wait3A_1278 : memref<4x20x128xf32, #tpu.memory_space<hbm>>)
      %mul3A_1280 = arith.constant 40 : i32
      %mul3A_1281 = arith.muli %add3A, %mul3A_1280 : i32
      %dma_start3A_1282 = arith.constant 4 : i32
      %dma_start3A_1283 = arith.constant 0 : i32
      %dma_start3A_1284 = tpu.memref_slice %arg9[%add3A_1266, %dma_start3A_1283] : memref<128x80xi32, #tpu.memory_space<vmem>> -> memref<1x80xi32, #tpu.memory_space<vmem>>
      %dma_start3A_1285 = tpu.memref_squeeze %dma_start3A_1284 : memref<1x80xi32, #tpu.memory_space<vmem>> -> memref<80xi32, #tpu.memory_space<vmem>>
      %dma_start3A_1286 = arith.constant 0 : i32
      %dma_start3A_1287 = arith.constant 0 : i32
      %dma_start3A_1288 = tpu.memref_slice %arg3[%dma_start3A_1282, %dma_start3A_1286, %dma_start3A_1287] : memref<5x1280x128xf32, #tpu.memory_space<hbm>> -> memref<1x1280x128xf32, #tpu.memory_space<hbm>>
      %dma_start3A_1289 = tpu.memref_squeeze %dma_start3A_1288 : memref<1x1280x128xf32, #tpu.memory_space<hbm>> -> memref<1280x128xf32, #tpu.memory_space<hbm>>
      %dma_start3A_1290 = arith.constant 0 : i32
      %dma_start3A_1291 = tpu.memref_slice %dma_start3A_1289[%mul3A_1281, %dma_start3A_1290] : memref<1280x128xf32, #tpu.memory_space<hbm>> -> memref<40x128xf32, #tpu.memory_space<hbm>>
      %dma_start3A_1292 = arith.constant 0 : i32
      %dma_start3A_1293 = arith.constant 0 : i32
      %dma_start3A_1294 = tpu.memref_slice %dma_start3A_1291[%dma_start3A_1292, %dma_start3A_1293] : memref<40x128xf32, #tpu.memory_space<hbm>> -> memref<40x128xf32, #tpu.memory_space<hbm>>
      tpu.enqueue_indirect_dma source(%dma_start3A_1294 : memref<40x128xf32, #tpu.memory_space<hbm>>) target(%arg12 : memref<80x128xf32, #tpu.memory_space<vmem>>) offsets(%dma_start3A_1285 : memref<80xi32, #tpu.memory_space<vmem>>) semaphore(%arg18 : memref<!tpu.dma_semaphore, #tpu.memory_space<semaphore_mem>>)
      %sub3A_1295 = arith.constant 2 : i32
      %sub3A_1296 = arith.subi %add3A_1266, %sub3A_1295 : i32
      %mul3A_1297 = arith.constant 40 : i32
      %mul3A_1298 = arith.muli %add3A, %mul3A_1297 : i32
      %dma_wait3A_1299 = arith.constant 4 : i32
      %dma_wait3A_1300 = arith.constant 0 : i32
      %dma_wait3A_1301 = tpu.memref_slice %arg9[%sub3A_1296, %dma_wait3A_1300] : memref<128x80xi32, #tpu.memory_space<vmem>> -> memref<1x80xi32, #tpu.memory_space<vmem>>
      %dma_wait3A_1302 = tpu.memref_squeeze %dma_wait3A_1301 : memref<1x80xi32, #tpu.memory_space<vmem>> -> memref<80xi32, #tpu.memory_space<vmem>>
      %dma_wait3A_1303 = arith.constant 0 : i32
      %dma_wait3A_1304 = arith.constant 0 : i32
      %dma_wait3A_1305 = tpu.memref_slice %arg3[%dma_wait3A_1299, %dma_wait3A_1303, %dma_wait3A_1304] : memref<5x1280x128xf32, #tpu.memory_space<hbm>> -> memref<1x1280x128xf32, #tpu.memory_space<hbm>>
      %dma_wait3A_1306 = tpu.memref_squeeze %dma_wait3A_1305 : memref<1x1280x128xf32, #tpu.memory_space<hbm>> -> memref<1280x128xf32, #tpu.memory_space<hbm>>
      %dma_wait3A_1307 = arith.constant 0 : i32
      %dma_wait3A_1308 = tpu.memref_slice %dma_wait3A_1306[%mul3A_1298, %dma_wait3A_1307] : memref<1280x128xf32, #tpu.memory_space<hbm>> -> memref<40x128xf32, #tpu.memory_space<hbm>>
      %dma_wait3A_1309 = arith.constant 0 : i32
      %dma_wait3A_1310 = arith.constant 0 : i32
      %dma_wait3A_1311 = tpu.memref_slice %dma_wait3A_1308[%dma_wait3A_1309, %dma_wait3A_1310] : memref<40x128xf32, #tpu.memory_space<hbm>> -> memref<40x128xf32, #tpu.memory_space<hbm>>
      tpu.wait_indirect_dma semaphore(%arg20 : memref<!tpu.dma_semaphore, #tpu.memory_space<semaphore_mem>>) src(%dma_wait3A_1311 : memref<40x128xf32, #tpu.memory_space<hbm>>) dst(%arg14 : memref<80x128xf32, #tpu.memory_space<vmem>>)
      %sub3A_1312 = arith.constant 2 : i32
      %sub3A_1313 = arith.subi %add3A_1266, %sub3A_1312 : i32
      %mul3A_1314 = arith.constant 4 : i32
      %mul3A_1315 = arith.muli %sub3A_1313, %mul3A_1314 : i32
      %add3A_1316 = arith.addi %mul3A_2, %mul3A_1315 : i32
      %dma_start3A_1317 = tpu.memref_reshape %arg14 : memref<80x128xf32, #tpu.memory_space<vmem>> -> memref<4x20x128xf32, #tpu.memory_space<vmem>>
      %dma_start3A_1318 = arith.constant 0 : i32
      %dma_start3A_1319 = arith.constant 0 : i32
      %dma_start3A_1320 = tpu.memref_slice %arg8[%add3A_1316, %dma_start3A_1318, %dma_start3A_1319] : memref<16384x20x128xf32, #tpu.memory_space<hbm>> -> memref<4x20x128xf32, #tpu.memory_space<hbm>>
      %dma_start3A_1321 = arith.constant 0 : i32
      %dma_start3A_1322 = arith.constant 0 : i32
      %dma_start3A_1323 = tpu.memref_slice %arg8[%add3A_1316, %dma_start3A_1321, %dma_start3A_1322] : memref<16384x20x128xf32, #tpu.memory_space<hbm>> -> memref<4x20x128xf32, #tpu.memory_space<hbm>>
      %dma_start3A_1324 = tpu.memref_reshape %arg14 : memref<80x128xf32, #tpu.memory_space<vmem>> -> memref<4x20x128xf32, #tpu.memory_space<vmem>>
      tpu.enqueue_dma source(%dma_start3A_1324 : memref<4x20x128xf32, #tpu.memory_space<vmem>>) target(%dma_start3A_1323 : memref<4x20x128xf32, #tpu.memory_space<hbm>>) target_semaphore(%arg24 : memref<!tpu.dma_semaphore, #tpu.memory_space<semaphore_mem>>)
      %mul3A_1325 = arith.constant 4 : i32
      %mul3A_1326 = arith.muli %add3A_1201, %mul3A_1325 : i32
      %add3A_1327 = arith.constant 2 : i32
      %add3A_1328 = arith.addi %mul3A_1326, %add3A_1327 : i32
      %sub3A_1329 = arith.constant 4 : i32
      %sub3A_1330 = arith.subi %add3A_1328, %sub3A_1329 : i32
      %mul3A_1331 = arith.constant 4 : i32
      %mul3A_1332 = arith.muli %sub3A_1330, %mul3A_1331 : i32
      %add3A_1333 = arith.addi %mul3A_2, %mul3A_1332 : i32
      %dma_wait3A_1334 = tpu.memref_reshape %arg13 : memref<80x128xf32, #tpu.memory_space<vmem>> -> memref<4x20x128xf32, #tpu.memory_space<vmem>>
      %dma_wait3A_1335 = arith.constant 0 : i32
      %dma_wait3A_1336 = arith.constant 0 : i32
      %dma_wait3A_1337 = tpu.memref_slice %arg8[%add3A_1333, %dma_wait3A_1335, %dma_wait3A_1336] : memref<16384x20x128xf32, #tpu.memory_space<hbm>> -> memref<4x20x128xf32, #tpu.memory_space<hbm>>
      %dma_wait3A_1338 = arith.constant 0 : i32
      %dma_wait3A_1339 = arith.constant 0 : i32
      %dma_wait3A_1340 = tpu.memref_slice %arg8[%add3A_1333, %dma_wait3A_1338, %dma_wait3A_1339] : memref<16384x20x128xf32, #tpu.memory_space<hbm>> -> memref<4x20x128xf32, #tpu.memory_space<hbm>>
      %dma_wait3A_1341 = tpu.memref_reshape %arg13 : memref<80x128xf32, #tpu.memory_space<vmem>> -> memref<4x20x128xf32, #tpu.memory_space<vmem>>
      tpu.wait_dma2 semaphore(%arg23 : memref<!tpu.dma_semaphore, #tpu.memory_space<semaphore_mem>>) src(%dma_wait3A_1341 : memref<4x20x128xf32, #tpu.memory_space<vmem>>) dst(%dma_wait3A_1340 : memref<4x20x128xf32, #tpu.memory_space<hbm>>)
      %mul3A_1342 = arith.constant 40 : i32
      %mul3A_1343 = arith.muli %add3A, %mul3A_1342 : i32
      %dma_start3A_1344 = arith.constant 4 : i32
      %dma_start3A_1345 = arith.constant 0 : i32
      %dma_start3A_1346 = tpu.memref_slice %arg9[%add3A_1328, %dma_start3A_1345] : memref<128x80xi32, #tpu.memory_space<vmem>> -> memref<1x80xi32, #tpu.memory_space<vmem>>
      %dma_start3A_1347 = tpu.memref_squeeze %dma_start3A_1346 : memref<1x80xi32, #tpu.memory_space<vmem>> -> memref<80xi32, #tpu.memory_space<vmem>>
      %dma_start3A_1348 = arith.constant 0 : i32
      %dma_start3A_1349 = arith.constant 0 : i32
      %dma_start3A_1350 = tpu.memref_slice %arg3[%dma_start3A_1344, %dma_start3A_1348, %dma_start3A_1349] : memref<5x1280x128xf32, #tpu.memory_space<hbm>> -> memref<1x1280x128xf32, #tpu.memory_space<hbm>>
      %dma_start3A_1351 = tpu.memref_squeeze %dma_start3A_1350 : memref<1x1280x128xf32, #tpu.memory_space<hbm>> -> memref<1280x128xf32, #tpu.memory_space<hbm>>
      %dma_start3A_1352 = arith.constant 0 : i32
      %dma_start3A_1353 = tpu.memref_slice %dma_start3A_1351[%mul3A_1343, %dma_start3A_1352] : memref<1280x128xf32, #tpu.memory_space<hbm>> -> memref<40x128xf32, #tpu.memory_space<hbm>>
      %dma_start3A_1354 = arith.constant 0 : i32
      %dma_start3A_1355 = arith.constant 0 : i32
      %dma_start3A_1356 = tpu.memref_slice %dma_start3A_1353[%dma_start3A_1354, %dma_start3A_1355] : memref<40x128xf32, #tpu.memory_space<hbm>> -> memref<40x128xf32, #tpu.memory_space<hbm>>
      tpu.enqueue_indirect_dma source(%dma_start3A_1356 : memref<40x128xf32, #tpu.memory_space<hbm>>) target(%arg13 : memref<80x128xf32, #tpu.memory_space<vmem>>) offsets(%dma_start3A_1347 : memref<80xi32, #tpu.memory_space<vmem>>) semaphore(%arg19 : memref<!tpu.dma_semaphore, #tpu.memory_space<semaphore_mem>>)
      %sub3A_1357 = arith.constant 2 : i32
      %sub3A_1358 = arith.subi %add3A_1328, %sub3A_1357 : i32
      %mul3A_1359 = arith.constant 40 : i32
      %mul3A_1360 = arith.muli %add3A, %mul3A_1359 : i32
      %dma_wait3A_1361 = arith.constant 4 : i32
      %dma_wait3A_1362 = arith.constant 0 : i32
      %dma_wait3A_1363 = tpu.memref_slice %arg9[%sub3A_1358, %dma_wait3A_1362] : memref<128x80xi32, #tpu.memory_space<vmem>> -> memref<1x80xi32, #tpu.memory_space<vmem>>
      %dma_wait3A_1364 = tpu.memref_squeeze %dma_wait3A_1363 : memref<1x80xi32, #tpu.memory_space<vmem>> -> memref<80xi32, #tpu.memory_space<vmem>>
      %dma_wait3A_1365 = arith.constant 0 : i32
      %dma_wait3A_1366 = arith.constant 0 : i32
      %dma_wait3A_1367 = tpu.memref_slice %arg3[%dma_wait3A_1361, %dma_wait3A_1365, %dma_wait3A_1366] : memref<5x1280x128xf32, #tpu.memory_space<hbm>> -> memref<1x1280x128xf32, #tpu.memory_space<hbm>>
      %dma_wait3A_1368 = tpu.memref_squeeze %dma_wait3A_1367 : memref<1x1280x128xf32, #tpu.memory_space<hbm>> -> memref<1280x128xf32, #tpu.memory_space<hbm>>
      %dma_wait3A_1369 = arith.constant 0 : i32
      %dma_wait3A_1370 = tpu.memref_slice %dma_wait3A_1368[%mul3A_1360, %dma_wait3A_1369] : memref<1280x128xf32, #tpu.memory_space<hbm>> -> memref<40x128xf32, #tpu.memory_space<hbm>>
      %dma_wait3A_1371 = arith.constant 0 : i32
      %dma_wait3A_1372 = arith.constant 0 : i32
      %dma_wait3A_1373 = tpu.memref_slice %dma_wait3A_1370[%dma_wait3A_1371, %dma_wait3A_1372] : memref<40x128xf32, #tpu.memory_space<hbm>> -> memref<40x128xf32, #tpu.memory_space<hbm>>
      tpu.wait_indirect_dma semaphore(%arg17 : memref<!tpu.dma_semaphore, #tpu.memory_space<semaphore_mem>>) src(%dma_wait3A_1373 : memref<40x128xf32, #tpu.memory_space<hbm>>) dst(%arg11 : memref<80x128xf32, #tpu.memory_space<vmem>>)
      %sub3A_1374 = arith.constant 2 : i32
      %sub3A_1375 = arith.subi %add3A_1328, %sub3A_1374 : i32
      %mul3A_1376 = arith.constant 4 : i32
      %mul3A_1377 = arith.muli %sub3A_1375, %mul3A_1376 : i32
      %add3A_1378 = arith.addi %mul3A_2, %mul3A_1377 : i32
      %dma_start3A_1379 = tpu.memref_reshape %arg11 : memref<80x128xf32, #tpu.memory_space<vmem>> -> memref<4x20x128xf32, #tpu.memory_space<vmem>>
      %dma_start3A_1380 = arith.constant 0 : i32
      %dma_start3A_1381 = arith.constant 0 : i32
      %dma_start3A_1382 = tpu.memref_slice %arg8[%add3A_1378, %dma_start3A_1380, %dma_start3A_1381] : memref<16384x20x128xf32, #tpu.memory_space<hbm>> -> memref<4x20x128xf32, #tpu.memory_space<hbm>>
      %dma_start3A_1383 = arith.constant 0 : i32
      %dma_start3A_1384 = arith.constant 0 : i32
      %dma_start3A_1385 = tpu.memref_slice %arg8[%add3A_1378, %dma_start3A_1383, %dma_start3A_1384] : memref<16384x20x128xf32, #tpu.memory_space<hbm>> -> memref<4x20x128xf32, #tpu.memory_space<hbm>>
      %dma_start3A_1386 = tpu.memref_reshape %arg11 : memref<80x128xf32, #tpu.memory_space<vmem>> -> memref<4x20x128xf32, #tpu.memory_space<vmem>>
      tpu.enqueue_dma source(%dma_start3A_1386 : memref<4x20x128xf32, #tpu.memory_space<vmem>>) target(%dma_start3A_1385 : memref<4x20x128xf32, #tpu.memory_space<hbm>>) target_semaphore(%arg21 : memref<!tpu.dma_semaphore, #tpu.memory_space<semaphore_mem>>)
      %mul3A_1387 = arith.constant 4 : i32
      %mul3A_1388 = arith.muli %add3A_1201, %mul3A_1387 : i32
      %add3A_1389 = arith.constant 3 : i32
      %add3A_1390 = arith.addi %mul3A_1388, %add3A_1389 : i32
      %sub3A_1391 = arith.constant 4 : i32
      %sub3A_1392 = arith.subi %add3A_1390, %sub3A_1391 : i32
      %mul3A_1393 = arith.constant 4 : i32
      %mul3A_1394 = arith.muli %sub3A_1392, %mul3A_1393 : i32
      %add3A_1395 = arith.addi %mul3A_2, %mul3A_1394 : i32
      %dma_wait3A_1396 = tpu.memref_reshape %arg14 : memref<80x128xf32, #tpu.memory_space<vmem>> -> memref<4x20x128xf32, #tpu.memory_space<vmem>>
      %dma_wait3A_1397 = arith.constant 0 : i32
      %dma_wait3A_1398 = arith.constant 0 : i32
      %dma_wait3A_1399 = tpu.memref_slice %arg8[%add3A_1395, %dma_wait3A_1397, %dma_wait3A_1398] : memref<16384x20x128xf32, #tpu.memory_space<hbm>> -> memref<4x20x128xf32, #tpu.memory_space<hbm>>
      %dma_wait3A_1400 = arith.constant 0 : i32
      %dma_wait3A_1401 = arith.constant 0 : i32
      %dma_wait3A_1402 = tpu.memref_slice %arg8[%add3A_1395, %dma_wait3A_1400, %dma_wait3A_1401] : memref<16384x20x128xf32, #tpu.memory_space<hbm>> -> memref<4x20x128xf32, #tpu.memory_space<hbm>>
      %dma_wait3A_1403 = tpu.memref_reshape %arg14 : memref<80x128xf32, #tpu.memory_space<vmem>> -> memref<4x20x128xf32, #tpu.memory_space<vmem>>
      tpu.wait_dma2 semaphore(%arg24 : memref<!tpu.dma_semaphore, #tpu.memory_space<semaphore_mem>>) src(%dma_wait3A_1403 : memref<4x20x128xf32, #tpu.memory_space<vmem>>) dst(%dma_wait3A_1402 : memref<4x20x128xf32, #tpu.memory_space<hbm>>)
      %mul3A_1404 = arith.constant 40 : i32
      %mul3A_1405 = arith.muli %add3A, %mul3A_1404 : i32
      %dma_start3A_1406 = arith.constant 4 : i32
      %dma_start3A_1407 = arith.constant 0 : i32
      %dma_start3A_1408 = tpu.memref_slice %arg9[%add3A_1390, %dma_start3A_1407] : memref<128x80xi32, #tpu.memory_space<vmem>> -> memref<1x80xi32, #tpu.memory_space<vmem>>
      %dma_start3A_1409 = tpu.memref_squeeze %dma_start3A_1408 : memref<1x80xi32, #tpu.memory_space<vmem>> -> memref<80xi32, #tpu.memory_space<vmem>>
      %dma_start3A_1410 = arith.constant 0 : i32
      %dma_start3A_1411 = arith.constant 0 : i32
      %dma_start3A_1412 = tpu.memref_slice %arg3[%dma_start3A_1406, %dma_start3A_1410, %dma_start3A_1411] : memref<5x1280x128xf32, #tpu.memory_space<hbm>> -> memref<1x1280x128xf32, #tpu.memory_space<hbm>>
      %dma_start3A_1413 = tpu.memref_squeeze %dma_start3A_1412 : memref<1x1280x128xf32, #tpu.memory_space<hbm>> -> memref<1280x128xf32, #tpu.memory_space<hbm>>
      %dma_start3A_1414 = arith.constant 0 : i32
      %dma_start3A_1415 = tpu.memref_slice %dma_start3A_1413[%mul3A_1405, %dma_start3A_1414] : memref<1280x128xf32, #tpu.memory_space<hbm>> -> memref<40x128xf32, #tpu.memory_space<hbm>>
      %dma_start3A_1416 = arith.constant 0 : i32
      %dma_start3A_1417 = arith.constant 0 : i32
      %dma_start3A_1418 = tpu.memref_slice %dma_start3A_1415[%dma_start3A_1416, %dma_start3A_1417] : memref<40x128xf32, #tpu.memory_space<hbm>> -> memref<40x128xf32, #tpu.memory_space<hbm>>
      tpu.enqueue_indirect_dma source(%dma_start3A_1418 : memref<40x128xf32, #tpu.memory_space<hbm>>) target(%arg14 : memref<80x128xf32, #tpu.memory_space<vmem>>) offsets(%dma_start3A_1409 : memref<80xi32, #tpu.memory_space<vmem>>) semaphore(%arg20 : memref<!tpu.dma_semaphore, #tpu.memory_space<semaphore_mem>>)
      %sub3A_1419 = arith.constant 2 : i32
      %sub3A_1420 = arith.subi %add3A_1390, %sub3A_1419 : i32
      %mul3A_1421 = arith.constant 40 : i32
      %mul3A_1422 = arith.muli %add3A, %mul3A_1421 : i32
      %dma_wait3A_1423 = arith.constant 4 : i32
      %dma_wait3A_1424 = arith.constant 0 : i32
      %dma_wait3A_1425 = tpu.memref_slice %arg9[%sub3A_1420, %dma_wait3A_1424] : memref<128x80xi32, #tpu.memory_space<vmem>> -> memref<1x80xi32, #tpu.memory_space<vmem>>
      %dma_wait3A_1426 = tpu.memref_squeeze %dma_wait3A_1425 : memref<1x80xi32, #tpu.memory_space<vmem>> -> memref<80xi32, #tpu.memory_space<vmem>>
      %dma_wait3A_1427 = arith.constant 0 : i32
      %dma_wait3A_1428 = arith.constant 0 : i32
      %dma_wait3A_1429 = tpu.memref_slice %arg3[%dma_wait3A_1423, %dma_wait3A_1427, %dma_wait3A_1428] : memref<5x1280x128xf32, #tpu.memory_space<hbm>> -> memref<1x1280x128xf32, #tpu.memory_space<hbm>>
      %dma_wait3A_1430 = tpu.memref_squeeze %dma_wait3A_1429 : memref<1x1280x128xf32, #tpu.memory_space<hbm>> -> memref<1280x128xf32, #tpu.memory_space<hbm>>
      %dma_wait3A_1431 = arith.constant 0 : i32
      %dma_wait3A_1432 = tpu.memref_slice %dma_wait3A_1430[%mul3A_1422, %dma_wait3A_1431] : memref<1280x128xf32, #tpu.memory_space<hbm>> -> memref<40x128xf32, #tpu.memory_space<hbm>>
      %dma_wait3A_1433 = arith.constant 0 : i32
      %dma_wait3A_1434 = arith.constant 0 : i32
      %dma_wait3A_1435 = tpu.memref_slice %dma_wait3A_1432[%dma_wait3A_1433, %dma_wait3A_1434] : memref<40x128xf32, #tpu.memory_space<hbm>> -> memref<40x128xf32, #tpu.memory_space<hbm>>
      tpu.wait_indirect_dma semaphore(%arg18 : memref<!tpu.dma_semaphore, #tpu.memory_space<semaphore_mem>>) src(%dma_wait3A_1435 : memref<40x128xf32, #tpu.memory_space<hbm>>) dst(%arg12 : memref<80x128xf32, #tpu.memory_space<vmem>>)
      %sub3A_1436 = arith.constant 2 : i32
      %sub3A_1437 = arith.subi %add3A_1390, %sub3A_1436 : i32
      %mul3A_1438 = arith.constant 4 : i32
      %mul3A_1439 = arith.muli %sub3A_1437, %mul3A_1438 : i32
      %add3A_1440 = arith.addi %mul3A_2, %mul3A_1439 : i32
      %dma_start3A_1441 = tpu.memref_reshape %arg12 : memref<80x128xf32, #tpu.memory_space<vmem>> -> memref<4x20x128xf32, #tpu.memory_space<vmem>>
      %dma_start3A_1442 = arith.constant 0 : i32
      %dma_start3A_1443 = arith.constant 0 : i32
      %dma_start3A_1444 = tpu.memref_slice %arg8[%add3A_1440, %dma_start3A_1442, %dma_start3A_1443] : memref<16384x20x128xf32, #tpu.memory_space<hbm>> -> memref<4x20x128xf32, #tpu.memory_space<hbm>>
      %dma_start3A_1445 = arith.constant 0 : i32
      %dma_start3A_1446 = arith.constant 0 : i32
      %dma_start3A_1447 = tpu.memref_slice %arg8[%add3A_1440, %dma_start3A_1445, %dma_start3A_1446] : memref<16384x20x128xf32, #tpu.memory_space<hbm>> -> memref<4x20x128xf32, #tpu.memory_space<hbm>>
      %dma_start3A_1448 = tpu.memref_reshape %arg12 : memref<80x128xf32, #tpu.memory_space<vmem>> -> memref<4x20x128xf32, #tpu.memory_space<vmem>>
      tpu.enqueue_dma source(%dma_start3A_1448 : memref<4x20x128xf32, #tpu.memory_space<vmem>>) target(%dma_start3A_1447 : memref<4x20x128xf32, #tpu.memory_space<hbm>>) target_semaphore(%arg22 : memref<!tpu.dma_semaphore, #tpu.memory_space<semaphore_mem>>)
    }
    %scan3A_1104 = arith.constant 31 : i32
    %mul3A_1105 = arith.constant 40 : i32
    %mul3A_1106 = arith.muli %add3A, %mul3A_1105 : i32
    %dma_wait3A_1107 = arith.constant 4 : i32
    %dma_wait3A_1108 = arith.constant 126 : i32
    %dma_wait3A_1109 = arith.constant 0 : i32
    %dma_wait3A_1110 = tpu.memref_slice %arg9[%dma_wait3A_1108, %dma_wait3A_1109] : memref<128x80xi32, #tpu.memory_space<vmem>> -> memref<1x80xi32, #tpu.memory_space<vmem>>
    %dma_wait3A_1111 = tpu.memref_squeeze %dma_wait3A_1110 : memref<1x80xi32, #tpu.memory_space<vmem>> -> memref<80xi32, #tpu.memory_space<vmem>>
    %dma_wait3A_1112 = arith.constant 0 : i32
    %dma_wait3A_1113 = arith.constant 0 : i32
    %dma_wait3A_1114 = tpu.memref_slice %arg3[%dma_wait3A_1107, %dma_wait3A_1112, %dma_wait3A_1113] : memref<5x1280x128xf32, #tpu.memory_space<hbm>> -> memref<1x1280x128xf32, #tpu.memory_space<hbm>>
    %dma_wait3A_1115 = tpu.memref_squeeze %dma_wait3A_1114 : memref<1x1280x128xf32, #tpu.memory_space<hbm>> -> memref<1280x128xf32, #tpu.memory_space<hbm>>
    %dma_wait3A_1116 = arith.constant 0 : i32
    %dma_wait3A_1117 = tpu.memref_slice %dma_wait3A_1115[%mul3A_1106, %dma_wait3A_1116] : memref<1280x128xf32, #tpu.memory_space<hbm>> -> memref<40x128xf32, #tpu.memory_space<hbm>>
    %dma_wait3A_1118 = arith.constant 0 : i32
    %dma_wait3A_1119 = arith.constant 0 : i32
    %dma_wait3A_1120 = tpu.memref_slice %dma_wait3A_1117[%dma_wait3A_1118, %dma_wait3A_1119] : memref<40x128xf32, #tpu.memory_space<hbm>> -> memref<40x128xf32, #tpu.memory_space<hbm>>
    tpu.wait_indirect_dma semaphore(%arg19 : memref<!tpu.dma_semaphore, #tpu.memory_space<semaphore_mem>>) src(%dma_wait3A_1120 : memref<40x128xf32, #tpu.memory_space<hbm>>) dst(%arg13 : memref<80x128xf32, #tpu.memory_space<vmem>>)
    %add3A_1121 = arith.constant 504 : i32
    %add3A_1122 = arith.addi %mul3A_2, %add3A_1121 : i32
    %dma_start3A_1123 = tpu.memref_reshape %arg13 : memref<80x128xf32, #tpu.memory_space<vmem>> -> memref<4x20x128xf32, #tpu.memory_space<vmem>>
    %dma_start3A_1124 = arith.constant 0 : i32
    %dma_start3A_1125 = arith.constant 0 : i32
    %dma_start3A_1126 = tpu.memref_slice %arg8[%add3A_1122, %dma_start3A_1124, %dma_start3A_1125] : memref<16384x20x128xf32, #tpu.memory_space<hbm>> -> memref<4x20x128xf32, #tpu.memory_space<hbm>>
    %dma_start3A_1127 = arith.constant 0 : i32
    %dma_start3A_1128 = arith.constant 0 : i32
    %dma_start3A_1129 = tpu.memref_slice %arg8[%add3A_1122, %dma_start3A_1127, %dma_start3A_1128] : memref<16384x20x128xf32, #tpu.memory_space<hbm>> -> memref<4x20x128xf32, #tpu.memory_space<hbm>>
    %dma_start3A_1130 = tpu.memref_reshape %arg13 : memref<80x128xf32, #tpu.memory_space<vmem>> -> memref<4x20x128xf32, #tpu.memory_space<vmem>>
    tpu.enqueue_dma source(%dma_start3A_1130 : memref<4x20x128xf32, #tpu.memory_space<vmem>>) target(%dma_start3A_1129 : memref<4x20x128xf32, #tpu.memory_space<hbm>>) target_semaphore(%arg23 : memref<!tpu.dma_semaphore, #tpu.memory_space<semaphore_mem>>)
    %mul3A_1131 = arith.constant 40 : i32
    %mul3A_1132 = arith.muli %add3A, %mul3A_1131 : i32
    %dma_wait3A_1133 = arith.constant 4 : i32
    %dma_wait3A_1134 = arith.constant 127 : i32
    %dma_wait3A_1135 = arith.constant 0 : i32
    %dma_wait3A_1136 = tpu.memref_slice %arg9[%dma_wait3A_1134, %dma_wait3A_1135] : memref<128x80xi32, #tpu.memory_space<vmem>> -> memref<1x80xi32, #tpu.memory_space<vmem>>
    %dma_wait3A_1137 = tpu.memref_squeeze %dma_wait3A_1136 : memref<1x80xi32, #tpu.memory_space<vmem>> -> memref<80xi32, #tpu.memory_space<vmem>>
    %dma_wait3A_1138 = arith.constant 0 : i32
    %dma_wait3A_1139 = arith.constant 0 : i32
    %dma_wait3A_1140 = tpu.memref_slice %arg3[%dma_wait3A_1133, %dma_wait3A_1138, %dma_wait3A_1139] : memref<5x1280x128xf32, #tpu.memory_space<hbm>> -> memref<1x1280x128xf32, #tpu.memory_space<hbm>>
    %dma_wait3A_1141 = tpu.memref_squeeze %dma_wait3A_1140 : memref<1x1280x128xf32, #tpu.memory_space<hbm>> -> memref<1280x128xf32, #tpu.memory_space<hbm>>
    %dma_wait3A_1142 = arith.constant 0 : i32
    %dma_wait3A_1143 = tpu.memref_slice %dma_wait3A_1141[%mul3A_1132, %dma_wait3A_1142] : memref<1280x128xf32, #tpu.memory_space<hbm>> -> memref<40x128xf32, #tpu.memory_space<hbm>>
    %dma_wait3A_1144 = arith.constant 0 : i32
    %dma_wait3A_1145 = arith.constant 0 : i32
    %dma_wait3A_1146 = tpu.memref_slice %dma_wait3A_1143[%dma_wait3A_1144, %dma_wait3A_1145] : memref<40x128xf32, #tpu.memory_space<hbm>> -> memref<40x128xf32, #tpu.memory_space<hbm>>
    tpu.wait_indirect_dma semaphore(%arg20 : memref<!tpu.dma_semaphore, #tpu.memory_space<semaphore_mem>>) src(%dma_wait3A_1146 : memref<40x128xf32, #tpu.memory_space<hbm>>) dst(%arg14 : memref<80x128xf32, #tpu.memory_space<vmem>>)
    %add3A_1147 = arith.constant 508 : i32
    %add3A_1148 = arith.addi %mul3A_2, %add3A_1147 : i32
    %dma_start3A_1149 = tpu.memref_reshape %arg14 : memref<80x128xf32, #tpu.memory_space<vmem>> -> memref<4x20x128xf32, #tpu.memory_space<vmem>>
    %dma_start3A_1150 = arith.constant 0 : i32
    %dma_start3A_1151 = arith.constant 0 : i32
    %dma_start3A_1152 = tpu.memref_slice %arg8[%add3A_1148, %dma_start3A_1150, %dma_start3A_1151] : memref<16384x20x128xf32, #tpu.memory_space<hbm>> -> memref<4x20x128xf32, #tpu.memory_space<hbm>>
    %dma_start3A_1153 = arith.constant 0 : i32
    %dma_start3A_1154 = arith.constant 0 : i32
    %dma_start3A_1155 = tpu.memref_slice %arg8[%add3A_1148, %dma_start3A_1153, %dma_start3A_1154] : memref<16384x20x128xf32, #tpu.memory_space<hbm>> -> memref<4x20x128xf32, #tpu.memory_space<hbm>>
    %dma_start3A_1156 = tpu.memref_reshape %arg14 : memref<80x128xf32, #tpu.memory_space<vmem>> -> memref<4x20x128xf32, #tpu.memory_space<vmem>>
    tpu.enqueue_dma source(%dma_start3A_1156 : memref<4x20x128xf32, #tpu.memory_space<vmem>>) target(%dma_start3A_1155 : memref<4x20x128xf32, #tpu.memory_space<hbm>>) target_semaphore(%arg24 : memref<!tpu.dma_semaphore, #tpu.memory_space<semaphore_mem>>)
    %add3A_1157 = arith.constant 496 : i32
    %add3A_1158 = arith.addi %mul3A_2, %add3A_1157 : i32
    %dma_wait3A_1159 = tpu.memref_reshape %arg11 : memref<80x128xf32, #tpu.memory_space<vmem>> -> memref<4x20x128xf32, #tpu.memory_space<vmem>>
    %dma_wait3A_1160 = arith.constant 0 : i32
    %dma_wait3A_1161 = arith.constant 0 : i32
    %dma_wait3A_1162 = tpu.memref_slice %arg8[%add3A_1158, %dma_wait3A_1160, %dma_wait3A_1161] : memref<16384x20x128xf32, #tpu.memory_space<hbm>> -> memref<4x20x128xf32, #tpu.memory_space<hbm>>
    %dma_wait3A_1163 = arith.constant 0 : i32
    %dma_wait3A_1164 = arith.constant 0 : i32
    %dma_wait3A_1165 = tpu.memref_slice %arg8[%add3A_1158, %dma_wait3A_1163, %dma_wait3A_1164] : memref<16384x20x128xf32, #tpu.memory_space<hbm>> -> memref<4x20x128xf32, #tpu.memory_space<hbm>>
    %dma_wait3A_1166 = tpu.memref_reshape %arg11 : memref<80x128xf32, #tpu.memory_space<vmem>> -> memref<4x20x128xf32, #tpu.memory_space<vmem>>
    tpu.wait_dma2 semaphore(%arg21 : memref<!tpu.dma_semaphore, #tpu.memory_space<semaphore_mem>>) src(%dma_wait3A_1166 : memref<4x20x128xf32, #tpu.memory_space<vmem>>) dst(%dma_wait3A_1165 : memref<4x20x128xf32, #tpu.memory_space<hbm>>)
    %add3A_1167 = arith.constant 500 : i32
    %add3A_1168 = arith.addi %mul3A_2, %add3A_1167 : i32
    %dma_wait3A_1169 = tpu.memref_reshape %arg12 : memref<80x128xf32, #tpu.memory_space<vmem>> -> memref<4x20x128xf32, #tpu.memory_space<vmem>>
    %dma_wait3A_1170 = arith.constant 0 : i32
    %dma_wait3A_1171 = arith.constant 0 : i32
    %dma_wait3A_1172 = tpu.memref_slice %arg8[%add3A_1168, %dma_wait3A_1170, %dma_wait3A_1171] : memref<16384x20x128xf32, #tpu.memory_space<hbm>> -> memref<4x20x128xf32, #tpu.memory_space<hbm>>
    %dma_wait3A_1173 = arith.constant 0 : i32
    %dma_wait3A_1174 = arith.constant 0 : i32
    %dma_wait3A_1175 = tpu.memref_slice %arg8[%add3A_1168, %dma_wait3A_1173, %dma_wait3A_1174] : memref<16384x20x128xf32, #tpu.memory_space<hbm>> -> memref<4x20x128xf32, #tpu.memory_space<hbm>>
    %dma_wait3A_1176 = tpu.memref_reshape %arg12 : memref<80x128xf32, #tpu.memory_space<vmem>> -> memref<4x20x128xf32, #tpu.memory_space<vmem>>
    tpu.wait_dma2 semaphore(%arg22 : memref<!tpu.dma_semaphore, #tpu.memory_space<semaphore_mem>>) src(%dma_wait3A_1176 : memref<4x20x128xf32, #tpu.memory_space<vmem>>) dst(%dma_wait3A_1175 : memref<4x20x128xf32, #tpu.memory_space<hbm>>)
    %add3A_1177 = arith.constant 504 : i32
    %add3A_1178 = arith.addi %mul3A_2, %add3A_1177 : i32
    %dma_wait3A_1179 = tpu.memref_reshape %arg13 : memref<80x128xf32, #tpu.memory_space<vmem>> -> memref<4x20x128xf32, #tpu.memory_space<vmem>>
    %dma_wait3A_1180 = arith.constant 0 : i32
    %dma_wait3A_1181 = arith.constant 0 : i32
    %dma_wait3A_1182 = tpu.memref_slice %arg8[%add3A_1178, %dma_wait3A_1180, %dma_wait3A_1181] : memref<16384x20x128xf32, #tpu.memory_space<hbm>> -> memref<4x20x128xf32, #tpu.memory_space<hbm>>
    %dma_wait3A_1183 = arith.constant 0 : i32
    %dma_wait3A_1184 = arith.constant 0 : i32
    %dma_wait3A_1185 = tpu.memref_slice %arg8[%add3A_1178, %dma_wait3A_1183, %dma_wait3A_1184] : memref<16384x20x128xf32, #tpu.memory_space<hbm>> -> memref<4x20x128xf32, #tpu.memory_space<hbm>>
    %dma_wait3A_1186 = tpu.memref_reshape %arg13 : memref<80x128xf32, #tpu.memory_space<vmem>> -> memref<4x20x128xf32, #tpu.memory_space<vmem>>
    tpu.wait_dma2 semaphore(%arg23 : memref<!tpu.dma_semaphore, #tpu.memory_space<semaphore_mem>>) src(%dma_wait3A_1186 : memref<4x20x128xf32, #tpu.memory_space<vmem>>) dst(%dma_wait3A_1185 : memref<4x20x128xf32, #tpu.memory_space<hbm>>)
    %add3A_1187 = arith.constant 508 : i32
    %add3A_1188 = arith.addi %mul3A_2, %add3A_1187 : i32
    %dma_wait3A_1189 = tpu.memref_reshape %arg14 : memref<80x128xf32, #tpu.memory_space<vmem>> -> memref<4x20x128xf32, #tpu.memory_space<vmem>>
    %dma_wait3A_1190 = arith.constant 0 : i32
    %dma_wait3A_1191 = arith.constant 0 : i32
    %dma_wait3A_1192 = tpu.memref_slice %arg8[%add3A_1188, %dma_wait3A_1190, %dma_wait3A_1191] : memref<16384x20x128xf32, #tpu.memory_space<hbm>> -> memref<4x20x128xf32, #tpu.memory_space<hbm>>
    %dma_wait3A_1193 = arith.constant 0 : i32
    %dma_wait3A_1194 = arith.constant 0 : i32
    %dma_wait3A_1195 = tpu.memref_slice %arg8[%add3A_1188, %dma_wait3A_1193, %dma_wait3A_1194] : memref<16384x20x128xf32, #tpu.memory_space<hbm>> -> memref<4x20x128xf32, #tpu.memory_space<hbm>>
    %dma_wait3A_1196 = tpu.memref_reshape %arg14 : memref<80x128xf32, #tpu.memory_space<vmem>> -> memref<4x20x128xf32, #tpu.memory_space<vmem>>
    tpu.wait_dma2 semaphore(%arg24 : memref<!tpu.dma_semaphore, #tpu.memory_space<semaphore_mem>>) src(%dma_wait3A_1196 : memref<4x20x128xf32, #tpu.memory_space<vmem>>) dst(%dma_wait3A_1195 : memref<4x20x128xf32, #tpu.memory_space<hbm>>)
    return
  }
}

module attributes {stable_mosaic.version = 14 : i64} {
  func.func @tck(%arg0: i32, %arg1: memref<3072xi32, #tpu.memory_space<vmem>>, %arg2: memref<33x128xf32, #tpu.memory_space<vmem>>, %arg3: memref<128x20x128xf32, #tpu.memory_space<vmem>>) attributes {dimension_semantics = [#tpu.dimension_semantics<arbitrary>], iteration_bounds = array<i64: 128>, scalar_prefetch = 0 : i64, scratch_operands = 0 : i64, tpu.core_type = #tpu.core_type<tc>, window_params = [{transform_indices = @transform_0, window_bounds = array<i64: 3072>}, {pipeline_mode = #tpu.pipeline_mode<synchronous>, transform_indices = @transform_1, window_bounds = array<i64: 33, 128>}, {transform_indices = @transform_2, window_bounds = array<i64: 128, 20, 128>}]} {
    %get3A = arith.constant 0 : index
    %get3A_0 = vector.load %arg1[%get3A] : memref<3072xi32, #tpu.memory_space<vmem>>, vector<3072xi32>
    %iota3A = tpu.iota {dimensions = array<i32: 1>} : vector<1x33xi32>
    %broadcast_in_dim3A = vector.shape_cast %get3A_0 : vector<3072xi32> to vector<3072x1xi32>
    %eq3A = vector.broadcast %broadcast_in_dim3A : vector<3072x1xi32> to vector<3072x33xi32>
    %eq3A_1 = vector.broadcast %iota3A : vector<1x33xi32> to vector<3072x33xi32>
    %eq3A_2 = arith.cmpi eq, %eq3A, %eq3A_1 : vector<3072x33xi32>
    %convert_element_type3A = arith.extui %eq3A_2 : vector<3072x33xi1> to vector<3072x33xi32>
    %convert_element_type3A_3 = arith.sitofp %convert_element_type3A : vector<3072x33xi32> to vector<3072x33xf32>
    %get3A_4 = arith.constant 0 : index
    %get3A_5 = arith.constant 0 : index
    %get3A_6 = vector.load %arg2[%get3A_4, %get3A_5] : memref<33x128xf32, #tpu.memory_space<vmem>>, vector<33x128xf32>
    %dot_general3A = arith.constant dense<0.000000e+00> : vector<3072x128xf32>
    %dot_general3A_7 = tpu.matmul %convert_element_type3A_3, %get3A_6, %dot_general3A {dimension_numbers = #tpu.dot_dimension_numbers<[1], [0], [0], [1], [0, 0, 1, 1], [], []>, precision = #tpu.contract_precision<fp32>, transpose_lhs_hint = false} : vector<3072x33xf32>, vector<33x128xf32>, vector<3072x128xf32> -> vector<3072x128xf32>
    %reshape3A = vector.shape_cast %dot_general3A_7 : vector<3072x128xf32> to vector<128x24x128xf32>
    %slice3A = vector.extract_strided_slice %reshape3A {offsets = [0, 0, 0], sizes = [128, 20, 128], strides = [1, 1, 1]} : vector<128x24x128xf32> to vector<128x20x128xf32>
    %swap3A = arith.constant 0 : index
    %swap3A_8 = arith.constant 0 : index
    %swap3A_9 = arith.constant 0 : index
    %swap3A_10 = vector.load %arg3[%swap3A, %swap3A_8, %swap3A_9] : memref<128x20x128xf32, #tpu.memory_space<vmem>>, vector<128x20x128xf32>
    tpu.vector_store %arg3[%swap3A, %swap3A_8, %swap3A_9], %slice3A {strides = array<i32>} : memref<128x20x128xf32, #tpu.memory_space<vmem>>, vector<128x20x128xf32>,
    return
  }
  func.func @transform_0(%arg0: i32) -> i32 {
    %c0_i32 = arith.constant 0 : i32
    return %arg0 : i32
  }
  func.func @transform_1(%arg0: i32) -> (i32, i32) {
    %c0_i32 = arith.constant 0 : i32
    %c0_i32_0 = arith.constant 0 : i32
    %c0_i32_1 = arith.constant 0 : i32
    return %c0_i32, %c0_i32_0 : i32, i32
  }
  func.func @transform_2(%arg0: i32) -> (i32, i32, i32) {
    %c0_i32 = arith.constant 0 : i32
    %c0_i32_0 = arith.constant 0 : i32
    %c0_i32_1 = arith.constant 0 : i32
    return %arg0, %c0_i32, %c0_i32_0 : i32, i32, i32
  }
}

</mosaic_0001>

<sc_bundles>
// kernel: kernel.5.cloned.1.call-start
scs
__scs_entry_jumppad:
0x0: {  	(pc) =	sbr.rel $0x88, $3  }
0x1: {  	(tag) =	ssettag $0x0;
	lr =	simm.s32 $0x1  }
0x2: {  	[smem:$0x3F93] =	sst lr;
	_ =	strace $0xD0000000  }
0x3: {  	_ = 	snop  }
0x4: {  	_ = 	snop  }
0x5: {  	_ = 	snop  }
0x6: {  	_ = 	snop  }
0x7: {  	_ = 	snop  }
__scs_overlays_trampoline_lowered:
0x8: {  	[smem:$0x3FA2] =	sst s0  }
0x9: {  	[smem:$0x3FA3] =	sst s1  }
0xa: {  	[smem:$0x3FA4] =	sst s2  }
0xb: {  	[smem:$0x3FA5] =	sst s3  }
0xc: {  	[smem:$0x3FA6] =	sst s4  }
0xd: {  	[smem:$0x3FA7] =	sst s5  }
0xe: {  	[smem:$0x3FA8] =	sst s6  }
0xf: {  	[smem:$0x3FA9] =	sst s7  }
0x10: {  	[smem:$0x3FAA] =	sst s8  }
0x11: {  	[smem:$0x3FAB] =	sst s9;
	s0 =	simm.s32 @!p0 $0x0  }
0x12: {  	s1 =	sld [smem:$0x3F91];
	s0 =	simm.s32 @p0 $0x1  }
0x13: {  	[smem:$0x3FAC] =	sst s0;
	s0 =	simm.s32 @!p1 $0x0  }
0x14: {  	s2 =	sld [smem:$0x3F90];
	s0 =	simm.s32 @p1 $0x1  }
0x15: {  	[smem:$0x3FAD] =	sst s0;
	s0 =	simm.s32 @!p2 $0x0  }
0x16: {  	s3 =	sld [smem:$0x3FDB];
	s0 =	simm.s32 @p2 $0x1  }
0x17: {  	s4 =	simm.s32 $0x1BF5;
	[smem:$0x3FAF] =	sst s0  }
0x18: {  	s0 =	sld [smem:$0x3F92];
	_ =	swait.ge [sflag:s4], $0x0  }
0x19: {  	s7 =	sld [smem:$0x3F93]  }
0x1a: {  	s8 =	sadd.s32 $0xFFFFE003, lr  }
0x1b: {  	s9 =	sadd.s32 $0xFFFFFEF7, lr;
	s5 =	simm.s32 $0xFFFFFFFF;
	p2 =	slt.u32 s8, $0xFFFFF086  }
0x1c: {  	p1 =	slt.u32 s9, $0xF7A;
	s5 =	simm.s32 @!p2 $0x0  }
0x1d: {  	s5 =	simm.s32 @p1 $0x1;
	p0 =	seq.s32 s7, s2  }
0x1e: {  	s7 =	smul.u32 @!p0 $0xF7A, s2;
	p2 =	seq.s32 @!p0 s5, $0x0  }
0x1f: {  	s9 =	smul.u32 $0xF7A, s1;
	s8 =	simm.s32 @!p0 $0x1BF5;
	p2 =	por !p2, p0  }
0x20: {  	[sflag:s8] =	ssyncset.s32 @!p0 $0xFFFFF086;
	s6 =	sadd.s32 @!p0 s3, s7;
	s7 =	simm.s32 @!p0 $0x108  }
0x21: {  	s3 =	sadd.s32 s3, s9;
	s6 =	sadd.s32 @!p0 $0x88, s6;
	s7 =	simm.s32 @p2 $0x1082  }
0x22: {  	[simem:s7], [sflag:s8] =	dma.local @!p0 [hbm:s6], $0xF7A  }
0x23: {  	s9 =	sor.u32 $0xD0000000, s2;
	s6 =	simm.s32 $0x108;
	_ =	swait.ge @!p0 [sflag:s8], $0x0  }
0x24: {  	s3 =	sadd.s32 $0x88, s3;
	s6 =	simm.s32 @!p1 $0x1082;
	[sflag:s4] =	ssyncset.s32 $0xFFFFF086  }
0x25: {  	[simem:s6], [sflag:s4] =	dma.local [hbm:s3], $0xF7A  }
0x26: {  	[smem:$0x3F93] =	sst s1;
	(tag) =	ssettag s2;
	_ =	strace s9  }
0x27: {  	s1 =	sld [smem:$0x3FA3]  }
0x28: {  	s2 =	sld [smem:$0x3FA4]  }
0x29: {  	s4 =	sld [smem:$0x3FA6]  }
0x2a: {  	p0 =	seq.s32 s5, $0x0;
	s5 =	sld [smem:$0x3FA7]  }
0x2b: {  	s6 =	sld [smem:$0x3FA8]  }
0x2c: {  	s7 =	sld [smem:$0x3FA9]  }
0x2d: {  	s3 =	simm.s32 $0x108;
	s8 =	sld [smem:$0x3FAA]  }
0x2e: {  	s3 =	simm.s32 @!p0 $0x1082;
	s9 =	sld [smem:$0x3FAB]  }
0x2f: {  	lr =	sadd.s32 s0, s3;
	s0 =	sld [smem:$0x3FA2]  }
0x30: {  	s3 =	sld [smem:$0x3FA5]  }
0x31: {  	[smem:$0x3FAE] =	sst s10  }
0x32: {  	s10 =	sld [smem:$0x3FAC];
	_ =	sdelay $0x3  }
0x33: {  	p0 =	seq.s32 s10, $0x1;
	s10 =	sld [smem:$0x3FAE];
	_ =	sdelay $0x3  }
0x34: {  	[smem:$0x3FAE] =	sst s10  }
0x35: {  	s10 =	sld [smem:$0x3FAD];
	_ =	sdelay $0x3  }
0x36: {  	p1 =	seq.s32 s10, $0x1;
	s10 =	sld [smem:$0x3FAE];
	_ =	sdelay $0x3  }
0x37: {  	[smem:$0x3FAE] =	sst s10  }
0x38: {  	s10 =	sld [smem:$0x3FAF]  }
0x39: {  	_ = 	snop;
	(pc) =	sbr.ind lr, $3  }
0x3a: {  	_ = 	snop  }
0x3b: {  	_ = 	snop  }
0x3c: {  	p2 =	seq.s32 s10, $0x1;
	s10 =	sld [smem:$0x3FAE]  }
0x3d: {  	_ =	shalt  }
0x3e: {  	_ =	shalt  }
0x3f: {  	_ =	shalt  }
0x40: {  	_ =	shalt  }
0x41: {  	_ =	shalt  }
0x42: {  	_ =	shalt  }
0x43: {  	_ =	shalt  }
0x44: {  	_ =	shalt  }
0x45: {  	_ =	shalt  }
0x46: {  	_ =	shalt  }
0x47: {  	_ =	shalt  }
0x48: {  	_ =	shalt  }
0x49: {  	_ =	shalt  }
0x4a: {  	_ =	shalt  }
0x4b: {  	_ =	shalt  }
0x4c: {  	_ =	shalt  }
0x4d: {  	_ =	shalt  }
0x4e: {  	_ =	shalt  }
0x4f: {  	_ =	shalt  }
0x50: {  	_ =	shalt  }
0x51: {  	_ =	shalt  }
0x52: {  	_ =	shalt  }
0x53: {  	_ =	shalt  }
0x54: {  	_ =	shalt  }
0x55: {  	_ =	shalt  }
0x56: {  	_ =	shalt  }
0x57: {  	_ =	shalt  }
0x58: {  	_ =	shalt  }
0x59: {  	_ =	shalt  }
0x5a: {  	_ =	shalt  }
0x5b: {  	_ =	shalt  }
0x5c: {  	_ =	shalt  }
0x5d: {  	_ =	shalt  }
0x5e: {  	_ =	shalt  }
0x5f: {  	_ =	shalt  }
0x60: {  	_ =	shalt  }
0x61: {  	_ =	shalt  }
0x62: {  	_ =	shalt  }
0x63: {  	_ =	shalt  }
0x64: {  	_ =	shalt  }
0x65: {  	_ =	shalt  }
0x66: {  	_ =	shalt  }
0x67: {  	_ =	shalt  }
0x68: {  	_ =	shalt  }
0x69: {  	_ =	shalt  }
0x6a: {  	_ =	shalt  }
0x6b: {  	_ =	shalt  }
0x6c: {  	_ =	shalt  }
0x6d: {  	_ =	shalt  }
0x6e: {  	_ =	shalt  }
0x6f: {  	_ =	shalt  }
0x70: {  	_ =	shalt  }
0x71: {  	_ =	shalt  }
0x72: {  	_ =	shalt  }
0x73: {  	_ =	shalt  }
0x74: {  	_ =	shalt  }
0x75: {  	_ =	shalt  }
0x76: {  	_ =	shalt  }
0x77: {  	_ =	shalt  }
0x78: {  	_ =	shalt  }
0x79: {  	_ =	shalt  }
0x7a: {  	_ =	shalt  }
0x7b: {  	_ =	shalt  }
0x7c: {  	_ =	shalt  }
0x7d: {  	_ =	shalt  }
0x7e: {  	_ =	shalt  }
0x7f: {  	_ =	shalt  }
0x80: {  	_ =	shalt  }
0x81: {  	_ =	shalt  }
0x82: {  	_ =	shalt  }
0x83: {  	_ =	shalt  }
0x84: {  	_ =	shalt  }
0x85: {  	_ =	shalt  }
0x86: {  	_ =	shalt  }
0x87: {  	_ =	shalt  }
.Lfunc_end0:
.L_simem_size_0:
called_computation_lowered:
.L_overlay_start_0:
0x88: {  	s2 =	sld [smem:$0x3FD9]  }
0x89: {  	s3 =	sld [smem:$0x3FFE];
	_ =	sdelay $0x1  }
0x8a: {  	s1 =	srdreg.scid  }
0x8b: {  	s0 =	sand.u32 $0x1, s1  }
0x8c: {  	s14 =	sshll.u32 s0, $0xA;
	s2 =	sadd.s32 s3, s2  }
0x8d: {  	s2 =	sadd.s32 s2, s14  }
0x8e: {  	[smem:$0x3FBA] =	sst s2  }
0x8f: {  	_ = 	snop  }
0x90: {  	s2 =	sld [smem:$0x3FD0];
	_ =	sdelay $0x2  }
0x91: {  	s15 =	simm.s32 $0xA;
	s4 =	simm.s32 $0x10  }
0x92: {  	[smem:s4], [sflag:s15] =	dma.local [hbm:s2], $0x1  }
0x93: {  	_ =	swait.eq [sflag:s15], $0x1  }
0x94: {  	[sflag:s15] =	ssyncset.done $0x0  }
0x95: {  	s16 =	sld [smem:$0x13];
	[sflag:s15] =	ssyncadd.s32 $0xFFFFFFFF  }
0x96: {  	s17 =	sld [smem:$0x14];
	(tm) =	ssettm $0x1  }
0x97: {  	s18 =	sld [smem:$0x3FFB];
	_ =	sdelay $0x3  }
0x98: {  	_ =	strace s18  }
0x99: {  	s4 =	sld [smem:$0x3FFC];
	_ =	sdelay $0x3  }
0x9a: {  	_ =	strace s4  }
0x9b: {  	s4 =	sld [smem:$0x3FFD];
	_ =	sdelay $0x3  }
0x9c: {  	_ =	strace s4  }
0x9d: {  	_ =	strace $0x8FFFFFFF  }
0x9e: {  	s19 =	sld [smem:$0x3FDB];
	_ =	sdelay $0x1  }
0x9f: {  	s5 =	simm.s32 $_scs_section_size  }
0xa0: {  	s6 =	simm.s32 $_size__tile_overlayer_lowered;
	s7 =	simm.s32 $_tile_overlayer_lowered  }
0xa1: {  	s22 =	simm.s32 $0x1BFF;
	s21 =	sshll.u32 s7, $0x1;
	s4 =	sadd.s32 s5, s19  }
0xa2: {  	s8 =	simm.s32 $0x0;
	s20 =	sshll.u32 s6, $0x1;
	s6 =	sadd.s32 s21, s4  }
0xa3: {  	[timem:s8], [sflag:s22] =	dma.local [hbm:s6], s20  }
0xa4: {  	_ =	swait.ge [sflag:s22], s20  }
0xa5: {  	s5 =	ssub.s32 $0x0, s20;
	[sflag:s22] =	ssyncset.done $0x0  }
0xa6: {  	[sflag:s22] =	ssyncadd.s32 s5;
	_ =	sdelay $0x1  }
0xa7: {  	s23 =	simm.s32 $0x1B8B  }
0xa8: {  	_ =	swait.ge [sflag:s23], $0x1  }
0xa9: {  	[sflag:s23] =	ssyncset.done $0x0  }
0xaa: {  	s25 =	simm.s32 $0x1B8E;
	s24 =	sld [smem:$0x3FFE];
	[sflag:s23] =	ssyncadd.s32 $0xFFFFFFFF  }
0xab: {  	s26 =	simm.s32 $execute0_lowered;
	[smem:$0x3FD2] =	sst s25  }
0xac: {  	s6 =	sshll.u32 s26, $0x1;
	_ =	strace $0x80000046;
	[dreg:$0x1] =	wrdreg $0xFFFFFFFF  }
0xad: {  	s28 =	simm.s32 $_size_execute0_lowered;
	s4 =	sadd.s32 s4, s6;
	[dreg:$0x0] =	wrdreg $0x0  }
0xae: {  	s6 =	sshll.u32 s28, $0x1;
	[dreg:$0x2] =	wrdreg s4  }
0xaf: {  	[dreg:$0x3] =	wrdreg s6  }
0xb0: {  	[dreg:$0x4] =	wrdreg $0xC0  }
0xb1: {  	_ =	task [dreg:s8], $0x5FFFF  }
0xb2: {  	[dreg:$0x1] =	wrdreg $0xFFFFFFFF  }
0xb3: {  	[dreg:$0x0] =	wrdreg $0x60  }
0xb4: {  	[dreg:$0x2] =	wrdreg s17  }
0xb5: {  	[dreg:$0x3] =	wrdreg s16  }
0xb6: {  	[dreg:$0x4] =	wrdreg s24  }
0xb7: {  	[dreg:$0x5] =	wrdreg $0x9  }
0xb8: {  	_ =	task.clear_ibuf [dreg:s8], $0x6FFFF;
	_ =	strace $0x90000046  }
0xb9: {  	s29 =	simm.s32 $0x9;
	_ =	strace $0x80000048  }
0xba: {  	_ =	swait.ge [sflag:s29], $0x1  }
0xbb: {  	[sflag:s29] =	ssyncadd.s32 $0xFFFFFFFF  }
0xbc: {  	_ =	strace $0x90000048  }
0xbd: {  	_ =	sfence  }
0xbe: {  	s30 =	sld [smem:$0x0];
	_ =	sdelay $0x2  }
0xbf: {  	s31 =	sshll.u32 s1, $0xD;
	s1 =	sshrl.u32 s1, $0x2  }
0xc0: {  	s3 =	sand.u32 $0x4000, s31;
	s1 =	sadd.s32 s1, s30  }
0xc1: {  	s0 =	sor.u32 s3, s0;
	s1 =	sshll.u32 s1, $0x11  }
0xc2: {  	s0 =	sor.u32 s1, s0  }
0xc3: {  	s0 =	sadd.s32 $0x8F2B, s0  }
0xc4: {  	[sflag:s0] =	ssyncadd.remote.s32 $0x1  }
0xc5: {  	_ =	sfence.sel $0xFFFF  }
0xc6: {  	[dreg:$0x0] =	wrdreg $0xFFFFFFFF;
	(pc) =	sbr.abs _section_cstart, $3  }
0xc7: {  	[dreg:$0x1] =	wrdreg $0xFFFFFFFF  }
0xc8: {  	_ =	task.clear_ibuf [dreg:s8], $0x2FFFF;
	_ =	strace $0x9FFFFFFF  }
0xc9: {  	(tm) =	ssettm $0x7FFFFFFF  }
tec
execute0_lowered:
.L_overlay_start_1:
0x0: {  	(tag) =	ssettag $0x1  }
0x1: {  	s0 =	srdreg.scid;
	s12 =	stileid.u32  }
0x2: {  	s2 =	sand.u32 $0x1, s0;
	s22 =	sshll.u32 s12, $0x1  }
0x3: {  	s5 =	sor.u32 s2, s22  }
0x4: {  	s1 =	rddreg [dreg:$0x2];
	s10 =	smul.u32 $0x30000, s5  }
0x5: {  	s3 =	sadd.s32 $0x2600, s1  }
0x6: {  	s4 =	sadd.s32 $0x602600, s1;
	s24 =	sadd.s32 s3, s10  }
0x7: {  	s6 =	sadd.s32 $0xC02600, s1;
	s14 =	sadd.s32 s4, s10;
	[dreg:$0x4] =	wrdreg s24  }
0x8: {  	s8 =	sadd.s32 $0x1202600, s1;
	s17 =	sadd.s32 s6, s10;
	[dreg:$0x8] =	wrdreg s14  }
0x9: {  	s1 =	sadd.s32 $0x1802600, s1;
	s20 =	sadd.s32 s8, s10;
	[dreg:$0xb] =	wrdreg s17  }
0xa: {  	s25 =	sor.u32 $0x600, s10;
	s10 =	sadd.s32 s1, s10;
	[dreg:$0xe] =	wrdreg s20  }
0xb: {  	s28 =	simm.s32 $0x5;
	s29 =	simm.s32 $0x8;
	[dreg:$0x11] =	wrdreg s10  }
0xc: {  	s23 =	ssub.s32 $0x2, s2;
	s13 =	sadd.s32 s3, s25;
	s17 =	rddreg [dreg:$0x1]  }
0xd: {  	s7 =	smul.u32 $0x180000, s5;
	s15 =	sadd.s32 s4, s25;
	[dreg:$0x5] =	wrdreg s13  }
0xe: {  	s9 =	sshrl.u32 s23, $0x1;
	s18 =	sadd.s32 s6, s25;
	[dreg:$0x9] =	wrdreg s15  }
0xf: {  	s0 =	ssub.s32 s23, s9;
	s21 =	sadd.s32 s8, s25;
	[dreg:$0xc] =	wrdreg s18  }
0x10: {  	s7 =	sshrl.u32 s7, $0x3;
	s9 =	sadd.s32 s1, s25;
	[dreg:$0xf] =	wrdreg s21  }
0x11: {  	s30 =	simm.s32 $0x6;
	s11 =	sadd.s32 $0x2F400, s7;
	[dreg:$0x12] =	wrdreg s9  }
0x12: {  	s7 =	sadd.s32 $0x2FA00, s7;
	s26 =	sadd.s32 s3, s11;
	s9 =	rddreg [dreg:$0x0]  }
0x13: {  	s2 =	smul.u32 $0x30000, s2;
	s31 =	sadd.s32 s3, s7;
	[dreg:$0x6] =	wrdreg s26  }
0x14: {  	s0 =	smax.u32 s0, $0x1;
	s16 =	sadd.s32 s4, s11;
	[dreg:$0x7] =	wrdreg s31  }
0x15: {  	s25 =	smul.u32 $0x60000, s12;
	s19 =	sadd.s32 s6, s11;
	[dreg:$0xa] =	wrdreg s16  }
0x16: {  	s10 =	sshll.u32 s5, $0xB;
	s22 =	sadd.s32 s8, s11;
	[dreg:$0xd] =	wrdreg s19  }
0x17: {  	s5 =	smul.u32 $0x280, s5;
	s23 =	sadd.s32 s1, s11;
	[dreg:$0x10] =	wrdreg s22  }
0x18: {  	s24 =	sadd.s32 s4, s7;
	s18 =	simm.s32 $0x0;
	[dreg:$0x13] =	wrdreg s23  }
0x19: {  	s20 =	sadd.s32 $0xA000, s17;
	[dreg:$0x14] =	wrdreg s24;
	s26 =	sadd.s32 s6, s7  }
0x1a: {  	s31 =	sadd.s32 s8, s7;
	s7 =	sadd.s32 s1, s7;
	s3 =	sadd.s32 s25, s3  }
0x1b: {  	s4 =	sadd.s32 s25, s4;
	s6 =	sadd.s32 s25, s6;
	s8 =	sadd.s32 s25, s8  }
0x1c: {  	s1 =	sadd.s32 s25, s1;
	s11 =	sadd.s32 s9, s10;
	[smem:$0x7FF] =	sst s18  }
0x1d: {  	s12 =	sadd.s32 $0x10000, s9;
	s13 =	sadd.s32 $0x20000, s9;
	[dreg:$0x15] =	wrdreg s26  }
0x1e: {  	s14 =	sadd.s32 $0x30000, s9;
	s19 =	sadd.s32 $0x5000, s17;
	[dreg:$0x16] =	wrdreg s31  }
0x1f: {  	[dreg:$0x17] =	wrdreg s7;
	s21 =	sadd.s32 s2, s3;
	s22 =	sadd.s32 s2, s4  }
0x20: {  	s23 =	sadd.s32 s2, s6;
	s24 =	sadd.s32 s2, s8;
	s25 =	sadd.s32 s2, s1  }
0x21: {  	[dreg:$0x18] =	wrdreg s11;
	s3 =	sadd.s32 $0x40000, s9;
	s1 =	sadd.s32 s10, s12  }
0x22: {  	s15 =	sadd.s32 s10, s13;
	s16 =	sadd.s32 s10, s14;
	s26 =	sadd.s32 $0xF000, s17  }
0x23: {  	s31 =	sadd.s32 $0x14000, s17;
	s2 =	sadd.s32 s5, s19;
	s7 =	simm.s32 $0x1  }
0x24: {  	s9 =	simm.s32 $0x50;
	s12 =	simm.s32 $0xA800;
	[dreg:$0x19] =	wrdreg s1  }
0x25: {  	s14 =	simm.s32 $0xD000;
	s19 =	simm.s32 $0xF800;
	[dreg:$0x1a] =	wrdreg s15  }
0x26: {  	s6 =	simm.s32 $0xA;
	s11 =	simm.s32 $0x0;
	[dreg:$0x1b] =	wrdreg s16  }
0x27: {  	s3 =	sadd.s32 s10, s3;
	s1 =	sadd.s32 s17, s5;
	s4 =	sadd.s32 s5, s26  }
0x28: {  	s10 =	simm.s32 $0x8000;
	s15 =	simm.s32 $0x3;
	s16 =	simm.s32 $0xA00  }
0x29: {  	s17 =	simm.s32 $0xC00;
	s26 =	simm.s32 $0x7;
	[dreg:$0x1c] =	wrdreg s3  }
0x2a: {  	s3 =	sadd.s32 s5, s20;
	s5 =	sadd.s32 s5, s31;
	s20 =	simm.s32 $0x4  }
0x2b: {  	_ =	strace $0x80000047;
	[dreg:$0x1d] =	wrdreg s0;
	s0 =	simm.s32 $0x9  }
.LBB2_1:
0x2c: {  	s8 =	rddreg [dreg:$0x18];
	s13 =	simm.s32 $0x0  }
0x2d: {  	[tilespmem:s13], [sflag:$0x1] =	stream.linear.gather [hbm4b:s8+s13], $0x4000, $0x38;
	[tilespmem:$0x12000] =	vst v63  }
0x2e: {  	_ =	swait.ge [sflag:s7], $0x4000  }
0x2f: {  	[sflag:s7] =	ssyncset.done $0x0  }
0x30: {  	s18 =	simm.s32 $0x4000;
	s31 =	rddreg [dreg:$0x19];
	[sflag:s7] =	ssyncadd.s32 $0xFFFFC000  }
0x31: {  	[tilespmem:s18], [sflag:$0x2] =	stream.linear.gather [hbm4b:s31+s13], $0x4000, $0x38;
	[tilespmem:$0x12000] =	vst v63  }
0x32: {  	_ = 	snop  }
0x33: {  	[tilespmem:s10], [sflag:$0x3] =	stream.indirect.gather [hbm4b:s1+s9], $0x80, s13, s9, $0xb8;
	[tilespmem:$0x12000] =	vst v63  }
0x34: {  	s18 =	simm.s32 $0x80  }
0x35: {  	[tilespmem:s12], [sflag:$0x4] =	stream.indirect.gather [hbm4b:s1+s9], $0x80, s18, s9, $0xb8;
	[tilespmem:$0x12000] =	vst v63  }
0x36: {  	s31 =	simm.s32 $0x100  }
0x37: {  	[tilespmem:s14], [sflag:$0x5] =	stream.indirect.gather [hbm4b:s1+s9], $0x80, s31, s9, $0xb8;
	[tilespmem:$0x12000] =	vst v63  }
0x38: {  	_ =	swait.ge [sflag:s15], $0x2800  }
0x39: {  	[sflag:s15] =	ssyncset.done $0x0  }
0x3a: {  	s13 =	rddreg [dreg:$0x4];
	[sflag:s15] =	ssyncadd.s32 $0xFFFFD800  }
0x3b: {  	[hbm4b:s13+s16] =	stream.strided.scatter [tilespmem:s10], [sflag:$0x7], $0x2800, s17, s16, $0x38;
	[tilespmem:$0x12000] =	vst v63  }
0x3c: {  	s18 =	simm.s32 $0x180  }
0x3d: {  	[tilespmem:s19], [sflag:$0x6] =	stream.indirect.gather [hbm4b:s1+s9], $0x80, s18, s9, $0xb8;
	[tilespmem:$0x12000] =	vst v63  }
0x3e: {  	_ =	swait.ge [sflag:s20], $0x2800  }
0x3f: {  	[sflag:s20] =	ssyncset.done $0x0  }
0x40: {  	s31 =	rddreg [dreg:$0x5];
	[sflag:s20] =	ssyncadd.s32 $0xFFFFD800  }
0x41: {  	[hbm4b:s31+s16] =	stream.strided.scatter [tilespmem:s12], [sflag:$0x8], $0x2800, s17, s16, $0x38;
	[tilespmem:$0x12000] =	vst v63  }
0x42: {  	_ =	swait.ge [sflag:s26], $0x2800  }
0x43: {  	[sflag:s26] =	ssyncset.done $0x0  }
0x44: {  	s13 =	simm.s32 $0x200;
	[sflag:s26] =	ssyncadd.s32 $0xFFFFD800  }
0x45: {  	[tilespmem:s10], [sflag:$0x3] =	stream.indirect.gather [hbm4b:s1+s9], $0x80, s13, s9, $0xb8;
	[tilespmem:$0x12000] =	vst v63  }
0x46: {  	_ =	swait.ge [sflag:s28], $0x2800  }
0x47: {  	s8 =	sadd.s32 $0x0, s21;
	[sflag:s28] =	ssyncset.done $0x0  }
0x48: {  	s18 =	sadd.s32 $0xC00, s8;
	[sflag:s28] =	ssyncadd.s32 $0xFFFFD800  }
0x49: {  	[hbm4b:s18+s16] =	stream.strided.scatter [tilespmem:s14], [sflag:$0x9], $0x2800, s17, s16, $0x38;
	[tilespmem:$0x12000] =	vst v63  }
0x4a: {  	_ =	swait.ge [sflag:s29], $0x2800  }
0x4b: {  	[sflag:s29] =	ssyncset.done $0x0  }
0x4c: {  	s31 =	simm.s32 $0x280;
	[sflag:s29] =	ssyncadd.s32 $0xFFFFD800  }
0x4d: {  	[tilespmem:s12], [sflag:$0x4] =	stream.indirect.gather [hbm4b:s1+s9], $0x80, s31, s9, $0xb8;
	[tilespmem:$0x12000] =	vst v63  }
0x4e: {  	_ =	swait.ge [sflag:s30], $0x2800  }
0x4f: {  	[sflag:s30] =	ssyncset.done $0x0  }
0x50: {  	s18 =	sadd.s32 $0x1200, s8;
	[sflag:s30] =	ssyncadd.s32 $0xFFFFD800  }
0x51: {  	[hbm4b:s18+s16] =	stream.strided.scatter [tilespmem:s19], [sflag:$0xA], $0x2800, s17, s16, $0x38;
	[tilespmem:$0x12000] =	vst v63  }
0x52: {  	_ =	swait.ge [sflag:s0], $0x2800  }
0x53: {  	[sflag:s0] =	ssyncset.done $0x0  }
0x54: {  	s31 =	simm.s32 $0x300;
	[sflag:s0] =	ssyncadd.s32 $0xFFFFD800  }
0x55: {  	[tilespmem:s14], [sflag:$0x5] =	stream.indirect.gather [hbm4b:s1+s9], $0x80, s31, s9, $0xb8;
	[tilespmem:$0x12000] =	vst v63  }
0x56: {  	_ =	swait.ge [sflag:s15], $0x2800  }
0x57: {  	[sflag:s15] =	ssyncset.done $0x0  }
0x58: {  	s18 =	sadd.s32 $0x1800, s8;
	[sflag:s15] =	ssyncadd.s32 $0xFFFFD800  }
0x59: {  	[hbm4b:s18+s16] =	stream.strided.scatter [tilespmem:s10], [sflag:$0x7], $0x2800, s17, s16, $0x38;
	[tilespmem:$0x12000] =	vst v63  }
0x5a: {  	_ =	swait.ge [sflag:s6], $0x2800  }
0x5b: {  	[sflag:s6] =	ssyncset.done $0x0  }
0x5c: {  	s31 =	simm.s32 $0x380;
	[sflag:s6] =	ssyncadd.s32 $0xFFFFD800  }
0x5d: {  	[tilespmem:s19], [sflag:$0x6] =	stream.indirect.gather [hbm4b:s1+s9], $0x80, s31, s9, $0xb8;
	[tilespmem:$0x12000] =	vst v63  }
0x5e: {  	_ =	swait.ge [sflag:s20], $0x2800  }
0x5f: {  	s13 =	simm.s32 $0x1800;
	[sflag:s20] =	ssyncset.done $0x0  }
0x60: {  	s8 =	sadd.s32 $0x1E00, s8;
	s18 =	simm.s32 $0x580;
	[sflag:s20] =	ssyncadd.s32 $0xFFFFD800  }
.LBB2_2:
0x61: {  	[hbm4b:s8+s16] =	stream.strided.scatter [tilespmem:s12], [sflag:$0x8], $0x2800, s17, s16, $0x38;
	[tilespmem:$0x12000] =	vst v63  }
0x62: {  	s8 =	smov.u32 s13  }
0x63: {  	p0 =	sne.s32 s13, $0x2D000;
	s13 =	sadd.s32 $0x1800, s13;
	_ =	swait.ge [sflag:s26], $0x2800  }
0x64: {  	[sflag:s26] =	ssyncset.done $0x0  }
0x65: {  	s31 =	sadd.s32 $0xFFFFFE80, s18;
	[sflag:s26] =	ssyncadd.s32 $0xFFFFD800  }
0x66: {  	[tilespmem:s10], [sflag:$0x3] =	stream.indirect.gather [hbm4b:s1+s9], $0x80, s31, s9, $0xb8;
	[tilespmem:$0x12000] =	vst v63  }
0x67: {  	_ =	swait.ge [sflag:s28], $0x2800  }
0x68: {  	s8 =	sadd.s32 s8, s21;
	[sflag:s28] =	ssyncset.done $0x0  }
0x69: {  	s31 =	sadd.s32 $0xC00, s8;
	[sflag:s28] =	ssyncadd.s32 $0xFFFFD800  }
0x6a: {  	[hbm4b:s31+s16] =	stream.strided.scatter [tilespmem:s14], [sflag:$0x9], $0x2800, s17, s16, $0x38;
	[tilespmem:$0x12000] =	vst v63  }
0x6b: {  	_ =	swait.ge [sflag:s29], $0x2800  }
0x6c: {  	[sflag:s29] =	ssyncset.done $0x0  }
0x6d: {  	s31 =	sadd.s32 $0xFFFFFF00, s18;
	[sflag:s29] =	ssyncadd.s32 $0xFFFFD800  }
0x6e: {  	[tilespmem:s12], [sflag:$0x4] =	stream.indirect.gather [hbm4b:s1+s9], $0x80, s31, s9, $0xb8;
	[tilespmem:$0x12000] =	vst v63  }
0x6f: {  	_ =	swait.ge [sflag:s30], $0x2800  }
0x70: {  	[sflag:s30] =	ssyncset.done $0x0  }
0x71: {  	s31 =	sadd.s32 $0x1200, s8;
	[sflag:s30] =	ssyncadd.s32 $0xFFFFD800  }
0x72: {  	[hbm4b:s31+s16] =	stream.strided.scatter [tilespmem:s19], [sflag:$0xA], $0x2800, s17, s16, $0x38;
	[tilespmem:$0x12000] =	vst v63  }
0x73: {  	_ =	swait.ge [sflag:s0], $0x2800  }
0x74: {  	[sflag:s0] =	ssyncset.done $0x0  }
0x75: {  	s31 =	sadd.s32 $0xFFFFFF80, s18;
	[sflag:s0] =	ssyncadd.s32 $0xFFFFD800  }
0x76: {  	[tilespmem:s14], [sflag:$0x5] =	stream.indirect.gather [hbm4b:s1+s9], $0x80, s31, s9, $0xb8;
	[tilespmem:$0x12000] =	vst v63  }
0x77: {  	_ =	swait.ge [sflag:s15], $0x2800  }
0x78: {  	[sflag:s15] =	ssyncset.done $0x0  }
0x79: {  	s31 =	sadd.s32 $0x1800, s8;
	[sflag:s15] =	ssyncadd.s32 $0xFFFFD800  }
0x7a: {  	[hbm4b:s31+s16] =	stream.strided.scatter [tilespmem:s10], [sflag:$0x7], $0x2800, s17, s16, $0x38;
	[tilespmem:$0x12000] =	vst v63  }
0x7b: {  	_ =	swait.ge [sflag:s6], $0x2800  }
0x7c: {  	[sflag:s6] =	ssyncset.done $0x0  }
.Ltmp0:
0x7d: {  	[sflag:s6] =	ssyncadd.s32 $0xFFFFD800;
	(pc) =	sbr.rel @p0 .LBB2_2-.Ltmp0, $4  }
0x7e: {  	[tilespmem:s19], [sflag:$0x6] =	stream.indirect.gather [hbm4b:s1+s9], $0x80, s18, s9, $0xb8;
	[tilespmem:$0x12000] =	vst v63  }
0x7f: {  	_ =	swait.ge [sflag:s20], $0x2800  }
0x80: {  	[sflag:s20] =	ssyncset.done $0x0  }
0x81: {  	s8 =	sadd.s32 $0x1E00, s8;
	s18 =	sadd.s32 $0x200, s18;
	[sflag:s20] =	ssyncadd.s32 $0xFFFFD800  }
0x82: {  	[hbm4b:s8+s16] =	stream.strided.scatter [tilespmem:s12], [sflag:$0x8], $0x2800, s17, s16, $0x38;
	[tilespmem:$0x12000] =	vst v63  }
0x83: {  	_ =	swait.ge [sflag:s28], $0x2800  }
0x84: {  	[sflag:s28] =	ssyncset.done $0x0  }
0x85: {  	s31 =	rddreg [dreg:$0x6];
	[sflag:s28] =	ssyncadd.s32 $0xFFFFD800  }
0x86: {  	[hbm4b:s31+s16] =	stream.strided.scatter [tilespmem:s14], [sflag:$0x9], $0x2800, s17, s16, $0x38;
	[tilespmem:$0x12000] =	vst v63  }
0x87: {  	_ =	swait.ge [sflag:s30], $0x2800  }
0x88: {  	[sflag:s30] =	ssyncset.done $0x0  }
0x89: {  	s18 =	simm.s32 $0x2;
	s13 =	rddreg [dreg:$0x7];
	[sflag:s30] =	ssyncadd.s32 $0xFFFFD800  }
0x8a: {  	[hbm4b:s13+s16] =	stream.strided.scatter [tilespmem:s19], [sflag:$0xA], $0x2800, s17, s16, $0x38;
	[tilespmem:$0x12000] =	vst v63  }
0x8b: {  	_ =	swait.ge [sflag:s18], $0x4000  }
0x8c: {  	[sflag:s18] =	ssyncset.done $0x0  }
0x8d: {  	s31 =	simm.s32 $0x0;
	s13 =	rddreg [dreg:$0x1a];
	[sflag:s18] =	ssyncadd.s32 $0xFFFFC000  }
0x8e: {  	[tilespmem:s31], [sflag:$0x1] =	stream.linear.gather [hbm4b:s13+s31], $0x4000, $0x38;
	[tilespmem:$0x12000] =	vst v63  }
0x8f: {  	_ =	swait.ge [sflag:s26], $0x2800  }
0x90: {  	[sflag:s26] =	ssyncset.done $0x0  }
0x91: {  	s13 =	simm.s32 $0x4000;
	[sflag:s26] =	ssyncadd.s32 $0xFFFFD800  }
0x92: {  	[tilespmem:s10], [sflag:$0x3] =	stream.indirect.gather [hbm4b:s2+s9], $0x80, s13, s9, $0xb8;
	[tilespmem:$0x12000] =	vst v63  }
0x93: {  	_ =	swait.ge [sflag:s29], $0x2800  }
0x94: {  	[sflag:s29] =	ssyncset.done $0x0  }
0x95: {  	s18 =	simm.s32 $0x4080;
	[sflag:s29] =	ssyncadd.s32 $0xFFFFD800  }
0x96: {  	[tilespmem:s12], [sflag:$0x4] =	stream.indirect.gather [hbm4b:s2+s9], $0x80, s18, s9, $0xb8;
	[tilespmem:$0x12000] =	vst v63  }
0x97: {  	_ =	swait.ge [sflag:s0], $0x2800  }
0x98: {  	[sflag:s0] =	ssyncset.done $0x0  }
0x99: {  	s31 =	simm.s32 $0x4100;
	[sflag:s0] =	ssyncadd.s32 $0xFFFFD800  }
0x9a: {  	[tilespmem:s14], [sflag:$0x5] =	stream.indirect.gather [hbm4b:s2+s9], $0x80, s31, s9, $0xb8;
	[tilespmem:$0x12000] =	vst v63  }
0x9b: {  	_ =	swait.ge [sflag:s15], $0x2800  }
0x9c: {  	[sflag:s15] =	ssyncset.done $0x0  }
0x9d: {  	s13 =	rddreg [dreg:$0x8];
	[sflag:s15] =	ssyncadd.s32 $0xFFFFD800  }
0x9e: {  	[hbm4b:s13+s16] =	stream.strided.scatter [tilespmem:s10], [sflag:$0x7], $0x2800, s17, s16, $0x38;
	[tilespmem:$0x12000] =	vst v63  }
0x9f: {  	_ =	swait.ge [sflag:s6], $0x2800  }
0xa0: {  	[sflag:s6] =	ssyncset.done $0x0  }
0xa1: {  	s18 =	simm.s32 $0x4180;
	[sflag:s6] =	ssyncadd.s32 $0xFFFFD800  }
0xa2: {  	[tilespmem:s19], [sflag:$0x6] =	stream.indirect.gather [hbm4b:s2+s9], $0x80, s18, s9, $0xb8;
	[tilespmem:$0x12000] =	vst v63  }
0xa3: {  	_ =	swait.ge [sflag:s20], $0x2800  }
0xa4: {  	[sflag:s20] =	ssyncset.done $0x0  }
0xa5: {  	s31 =	rddreg [dreg:$0x9];
	[sflag:s20] =	ssyncadd.s32 $0xFFFFD800  }
0xa6: {  	[hbm4b:s31+s16] =	stream.strided.scatter [tilespmem:s12], [sflag:$0x8], $0x2800, s17, s16, $0x38;
	[tilespmem:$0x12000] =	vst v63  }
0xa7: {  	_ =	swait.ge [sflag:s26], $0x2800  }
0xa8: {  	[sflag:s26] =	ssyncset.done $0x0  }
0xa9: {  	s13 =	simm.s32 $0x4200;
	[sflag:s26] =	ssyncadd.s32 $0xFFFFD800  }
0xaa: {  	[tilespmem:s10], [sflag:$0x3] =	stream.indirect.gather [hbm4b:s2+s9], $0x80, s13, s9, $0xb8;
	[tilespmem:$0x12000] =	vst v63  }
0xab: {  	_ =	swait.ge [sflag:s28], $0x2800  }
0xac: {  	s8 =	sadd.s32 $0x0, s22;
	[sflag:s28] =	ssyncset.done $0x0  }
0xad: {  	s18 =	sadd.s32 $0xC00, s8;
	[sflag:s28] =	ssyncadd.s32 $0xFFFFD800  }
0xae: {  	[hbm4b:s18+s16] =	stream.strided.scatter [tilespmem:s14], [sflag:$0x9], $0x2800, s17, s16, $0x38;
	[tilespmem:$0x12000] =	vst v63  }
0xaf: {  	_ =	swait.ge [sflag:s29], $0x2800  }
0xb0: {  	[sflag:s29] =	ssyncset.done $0x0  }
0xb1: {  	s31 =	simm.s32 $0x4280;
	[sflag:s29] =	ssyncadd.s32 $0xFFFFD800  }
0xb2: {  	[tilespmem:s12], [sflag:$0x4] =	stream.indirect.gather [hbm4b:s2+s9], $0x80, s31, s9, $0xb8;
	[tilespmem:$0x12000] =	vst v63  }
0xb3: {  	_ =	swait.ge [sflag:s30], $0x2800  }
0xb4: {  	[sflag:s30] =	ssyncset.done $0x0  }
0xb5: {  	s18 =	sadd.s32 $0x1200, s8;
	[sflag:s30] =	ssyncadd.s32 $0xFFFFD800  }
0xb6: {  	[hbm4b:s18+s16] =	stream.strided.scatter [tilespmem:s19], [sflag:$0xA], $0x2800, s17, s16, $0x38;
	[tilespmem:$0x12000] =	vst v63  }
0xb7: {  	_ =	swait.ge [sflag:s0], $0x2800  }
0xb8: {  	[sflag:s0] =	ssyncset.done $0x0  }
0xb9: {  	s31 =	simm.s32 $0x4300;
	[sflag:s0] =	ssyncadd.s32 $0xFFFFD800  }
0xba: {  	[tilespmem:s14], [sflag:$0x5] =	stream.indirect.gather [hbm4b:s2+s9], $0x80, s31, s9, $0xb8;
	[tilespmem:$0x12000] =	vst v63  }
0xbb: {  	_ =	swait.ge [sflag:s15], $0x2800  }
0xbc: {  	[sflag:s15] =	ssyncset.done $0x0  }
0xbd: {  	s18 =	sadd.s32 $0x1800, s8;
	[sflag:s15] =	ssyncadd.s32 $0xFFFFD800  }
0xbe: {  	[hbm4b:s18+s16] =	stream.strided.scatter [tilespmem:s10], [sflag:$0x7], $0x2800, s17, s16, $0x38;
	[tilespmem:$0x12000] =	vst v63  }
0xbf: {  	_ =	swait.ge [sflag:s6], $0x2800  }
0xc0: {  	[sflag:s6] =	ssyncset.done $0x0  }
0xc1: {  	s31 =	simm.s32 $0x4380;
	[sflag:s6] =	ssyncadd.s32 $0xFFFFD800  }
0xc2: {  	[tilespmem:s19], [sflag:$0x6] =	stream.indirect.gather [hbm4b:s2+s9], $0x80, s31, s9, $0xb8;
	[tilespmem:$0x12000] =	vst v63  }
0xc3: {  	_ =	swait.ge [sflag:s20], $0x2800  }
0xc4: {  	s13 =	simm.s32 $0x1800;
	[sflag:s20] =	ssyncset.done $0x0  }
0xc5: {  	s8 =	sadd.s32 $0x1E00, s8;
	s18 =	simm.s32 $0x4580;
	[sflag:s20] =	ssyncadd.s32 $0xFFFFD800  }
.LBB2_4:
0xc6: {  	[hbm4b:s8+s16] =	stream.strided.scatter [tilespmem:s12], [sflag:$0x8], $0x2800, s17, s16, $0x38;
	[tilespmem:$0x12000] =	vst v63  }
0xc7: {  	s8 =	smov.u32 s13  }
0xc8: {  	p0 =	sne.s32 s13, $0x2D000;
	s13 =	sadd.s32 $0x1800, s13;
	_ =	swait.ge [sflag:s26], $0x2800  }
0xc9: {  	[sflag:s26] =	ssyncset.done $0x0  }
0xca: {  	s31 =	sadd.s32 $0xFFFFFE80, s18;
	[sflag:s26] =	ssyncadd.s32 $0xFFFFD800  }
0xcb: {  	[tilespmem:s10], [sflag:$0x3] =	stream.indirect.gather [hbm4b:s2+s9], $0x80, s31, s9, $0xb8;
	[tilespmem:$0x12000] =	vst v63  }
0xcc: {  	_ =	swait.ge [sflag:s28], $0x2800  }
0xcd: {  	s8 =	sadd.s32 s8, s22;
	[sflag:s28] =	ssyncset.done $0x0  }
0xce: {  	s31 =	sadd.s32 $0xC00, s8;
	[sflag:s28] =	ssyncadd.s32 $0xFFFFD800  }
0xcf: {  	[hbm4b:s31+s16] =	stream.strided.scatter [tilespmem:s14], [sflag:$0x9], $0x2800, s17, s16, $0x38;
	[tilespmem:$0x12000] =	vst v63  }
0xd0: {  	_ =	swait.ge [sflag:s29], $0x2800  }
0xd1: {  	[sflag:s29] =	ssyncset.done $0x0  }
0xd2: {  	s31 =	sadd.s32 $0xFFFFFF00, s18;
	[sflag:s29] =	ssyncadd.s32 $0xFFFFD800  }
0xd3: {  	[tilespmem:s12], [sflag:$0x4] =	stream.indirect.gather [hbm4b:s2+s9], $0x80, s31, s9, $0xb8;
	[tilespmem:$0x12000] =	vst v63  }
0xd4: {  	_ =	swait.ge [sflag:s30], $0x2800  }
0xd5: {  	[sflag:s30] =	ssyncset.done $0x0  }
0xd6: {  	s31 =	sadd.s32 $0x1200, s8;
	[sflag:s30] =	ssyncadd.s32 $0xFFFFD800  }
0xd7: {  	[hbm4b:s31+s16] =	stream.strided.scatter [tilespmem:s19], [sflag:$0xA], $0x2800, s17, s16, $0x38;
	[tilespmem:$0x12000] =	vst v63  }
0xd8: {  	_ =	swait.ge [sflag:s0], $0x2800  }
0xd9: {  	[sflag:s0] =	ssyncset.done $0x0  }
0xda: {  	s31 =	sadd.s32 $0xFFFFFF80, s18;
	[sflag:s0] =	ssyncadd.s32 $0xFFFFD800  }
0xdb: {  	[tilespmem:s14], [sflag:$0x5] =	stream.indirect.gather [hbm4b:s2+s9], $0x80, s31, s9, $0xb8;
	[tilespmem:$0x12000] =	vst v63  }
0xdc: {  	_ =	swait.ge [sflag:s15], $0x2800  }
0xdd: {  	[sflag:s15] =	ssyncset.done $0x0  }
0xde: {  	s31 =	sadd.s32 $0x1800, s8;
	[sflag:s15] =	ssyncadd.s32 $0xFFFFD800  }
0xdf: {  	[hbm4b:s31+s16] =	stream.strided.scatter [tilespmem:s10], [sflag:$0x7], $0x2800, s17, s16, $0x38;
	[tilespmem:$0x12000] =	vst v63  }
0xe0: {  	_ =	swait.ge [sflag:s6], $0x2800  }
0xe1: {  	[sflag:s6] =	ssyncset.done $0x0  }
.Ltmp1:
0xe2: {  	[sflag:s6] =	ssyncadd.s32 $0xFFFFD800;
	(pc) =	sbr.rel @p0 .LBB2_4-.Ltmp1, $4  }
0xe3: {  	[tilespmem:s19], [sflag:$0x6] =	stream.indirect.gather [hbm4b:s2+s9], $0x80, s18, s9, $0xb8;
	[tilespmem:$0x12000] =	vst v63  }
0xe4: {  	_ =	swait.ge [sflag:s20], $0x2800  }
0xe5: {  	[sflag:s20] =	ssyncset.done $0x0  }
0xe6: {  	s8 =	sadd.s32 $0x1E00, s8;
	s18 =	sadd.s32 $0x200, s18;
	[sflag:s20] =	ssyncadd.s32 $0xFFFFD800  }
0xe7: {  	[hbm4b:s8+s16] =	stream.strided.scatter [tilespmem:s12], [sflag:$0x8], $0x2800, s17, s16, $0x38;
	[tilespmem:$0x12000] =	vst v63  }
0xe8: {  	_ =	swait.ge [sflag:s28], $0x2800  }
0xe9: {  	[sflag:s28] =	ssyncset.done $0x0  }
0xea: {  	s13 =	rddreg [dreg:$0xa];
	[sflag:s28] =	ssyncadd.s32 $0xFFFFD800  }
0xeb: {  	[hbm4b:s13+s16] =	stream.strided.scatter [tilespmem:s14], [sflag:$0x9], $0x2800, s17, s16, $0x38;
	[tilespmem:$0x12000] =	vst v63  }
0xec: {  	_ =	swait.ge [sflag:s30], $0x2800  }
0xed: {  	[sflag:s30] =	ssyncset.done $0x0  }
0xee: {  	s18 =	rddreg [dreg:$0x14];
	[sflag:s30] =	ssyncadd.s32 $0xFFFFD800  }
0xef: {  	[hbm4b:s18+s16] =	stream.strided.scatter [tilespmem:s19], [sflag:$0xA], $0x2800, s17, s16, $0x38;
	[tilespmem:$0x12000] =	vst v63  }
0xf0: {  	_ =	swait.ge [sflag:s7], $0x4000  }
0xf1: {  	s31 =	simm.s32 $0x0;
	[sflag:s7] =	ssyncset.done $0x0  }
0xf2: {  	s18 =	simm.s32 $0x4000;
	s13 =	rddreg [dreg:$0x1b];
	[sflag:s7] =	ssyncadd.s32 $0xFFFFC000  }
0xf3: {  	[tilespmem:s18], [sflag:$0x2] =	stream.linear.gather [hbm4b:s13+s31], $0x4000, $0x38;
	[tilespmem:$0x12000] =	vst v63  }
0xf4: {  	_ =	swait.ge [sflag:s26], $0x2800  }
0xf5: {  	[sflag:s26] =	ssyncset.done $0x0  }
0xf6: {  	[sflag:s26] =	ssyncadd.s32 $0xFFFFD800  }
0xf7: {  	[tilespmem:s10], [sflag:$0x3] =	stream.indirect.gather [hbm4b:s3+s9], $0x80, s31, s9, $0xb8;
	[tilespmem:$0x12000] =	vst v63  }
0xf8: {  	_ =	swait.ge [sflag:s29], $0x2800  }
0xf9: {  	[sflag:s29] =	ssyncset.done $0x0  }
0xfa: {  	s18 =	simm.s32 $0x80;
	[sflag:s29] =	ssyncadd.s32 $0xFFFFD800  }
0xfb: {  	[tilespmem:s12], [sflag:$0x4] =	stream.indirect.gather [hbm4b:s3+s9], $0x80, s18, s9, $0xb8;
	[tilespmem:$0x12000] =	vst v63  }
0xfc: {  	_ =	swait.ge [sflag:s0], $0x2800  }
0xfd: {  	[sflag:s0] =	ssyncset.done $0x0  }
0xfe: {  	s31 =	simm.s32 $0x100;
	[sflag:s0] =	ssyncadd.s32 $0xFFFFD800  }
0xff: {  	[tilespmem:s14], [sflag:$0x5] =	stream.indirect.gather [hbm4b:s3+s9], $0x80, s31, s9, $0xb8;
	[tilespmem:$0x12000] =	vst v63  }
0x100: {  	_ =	swait.ge [sflag:s15], $0x2800  }
0x101: {  	[sflag:s15] =	ssyncset.done $0x0  }
0x102: {  	s13 =	rddreg [dreg:$0xb];
	[sflag:s15] =	ssyncadd.s32 $0xFFFFD800  }
0x103: {  	[hbm4b:s13+s16] =	stream.strided.scatter [tilespmem:s10], [sflag:$0x7], $0x2800, s17, s16, $0x38;
	[tilespmem:$0x12000] =	vst v63  }
0x104: {  	_ =	swait.ge [sflag:s6], $0x2800  }
0x105: {  	[sflag:s6] =	ssyncset.done $0x0  }
0x106: {  	s18 =	simm.s32 $0x180;
	[sflag:s6] =	ssyncadd.s32 $0xFFFFD800  }
0x107: {  	[tilespmem:s19], [sflag:$0x6] =	stream.indirect.gather [hbm4b:s3+s9], $0x80, s18, s9, $0xb8;
	[tilespmem:$0x12000] =	vst v63  }
0x108: {  	_ =	swait.ge [sflag:s20], $0x2800  }
0x109: {  	[sflag:s20] =	ssyncset.done $0x0  }
0x10a: {  	s31 =	rddreg [dreg:$0xc];
	[sflag:s20] =	ssyncadd.s32 $0xFFFFD800  }
0x10b: {  	[hbm4b:s31+s16] =	stream.strided.scatter [tilespmem:s12], [sflag:$0x8], $0x2800, s17, s16, $0x38;
	[tilespmem:$0x12000] =	vst v63  }
0x10c: {  	_ =	swait.ge [sflag:s26], $0x2800  }
0x10d: {  	[sflag:s26] =	ssyncset.done $0x0  }
0x10e: {  	s13 =	simm.s32 $0x200;
	[sflag:s26] =	ssyncadd.s32 $0xFFFFD800  }
0x10f: {  	[tilespmem:s10], [sflag:$0x3] =	stream.indirect.gather [hbm4b:s3+s9], $0x80, s13, s9, $0xb8;
	[tilespmem:$0x12000] =	vst v63  }
0x110: {  	_ =	swait.ge [sflag:s28], $0x2800  }
0x111: {  	s8 =	sadd.s32 $0x0, s23;
	[sflag:s28] =	ssyncset.done $0x0  }
0x112: {  	s18 =	sadd.s32 $0xC00, s8;
	[sflag:s28] =	ssyncadd.s32 $0xFFFFD800  }
0x113: {  	[hbm4b:s18+s16] =	stream.strided.scatter [tilespmem:s14], [sflag:$0x9], $0x2800, s17, s16, $0x38;
	[tilespmem:$0x12000] =	vst v63  }
0x114: {  	_ =	swait.ge [sflag:s29], $0x2800  }
0x115: {  	[sflag:s29] =	ssyncset.done $0x0  }
0x116: {  	s31 =	simm.s32 $0x280;
	[sflag:s29] =	ssyncadd.s32 $0xFFFFD800  }
0x117: {  	[tilespmem:s12], [sflag:$0x4] =	stream.indirect.gather [hbm4b:s3+s9], $0x80, s31, s9, $0xb8;
	[tilespmem:$0x12000] =	vst v63  }
0x118: {  	_ =	swait.ge [sflag:s30], $0x2800  }
0x119: {  	[sflag:s30] =	ssyncset.done $0x0  }
0x11a: {  	s18 =	sadd.s32 $0x1200, s8;
	[sflag:s30] =	ssyncadd.s32 $0xFFFFD800  }
0x11b: {  	[hbm4b:s18+s16] =	stream.strided.scatter [tilespmem:s19], [sflag:$0xA], $0x2800, s17, s16, $0x38;
	[tilespmem:$0x12000] =	vst v63  }
0x11c: {  	_ =	swait.ge [sflag:s0], $0x2800  }
0x11d: {  	[sflag:s0] =	ssyncset.done $0x0  }
0x11e: {  	s31 =	simm.s32 $0x300;
	[sflag:s0] =	ssyncadd.s32 $0xFFFFD800  }
0x11f: {  	[tilespmem:s14], [sflag:$0x5] =	stream.indirect.gather [hbm4b:s3+s9], $0x80, s31, s9, $0xb8;
	[tilespmem:$0x12000] =	vst v63  }
0x120: {  	_ =	swait.ge [sflag:s15], $0x2800  }
0x121: {  	[sflag:s15] =	ssyncset.done $0x0  }
0x122: {  	s18 =	sadd.s32 $0x1800, s8;
	[sflag:s15] =	ssyncadd.s32 $0xFFFFD800  }
0x123: {  	[hbm4b:s18+s16] =	stream.strided.scatter [tilespmem:s10], [sflag:$0x7], $0x2800, s17, s16, $0x38;
	[tilespmem:$0x12000] =	vst v63  }
0x124: {  	_ =	swait.ge [sflag:s6], $0x2800  }
0x125: {  	[sflag:s6] =	ssyncset.done $0x0  }
0x126: {  	s31 =	simm.s32 $0x380;
	[sflag:s6] =	ssyncadd.s32 $0xFFFFD800  }
0x127: {  	[tilespmem:s19], [sflag:$0x6] =	stream.indirect.gather [hbm4b:s3+s9], $0x80, s31, s9, $0xb8;
	[tilespmem:$0x12000] =	vst v63  }
0x128: {  	_ =	swait.ge [sflag:s20], $0x2800  }
0x129: {  	s13 =	simm.s32 $0x1800;
	[sflag:s20] =	ssyncset.done $0x0  }
0x12a: {  	s8 =	sadd.s32 $0x1E00, s8;
	s18 =	simm.s32 $0x580;
	[sflag:s20] =	ssyncadd.s32 $0xFFFFD800  }
.LBB2_6:
0x12b: {  	[hbm4b:s8+s16] =	stream.strided.scatter [tilespmem:s12], [sflag:$0x8], $0x2800, s17, s16, $0x38;
	[tilespmem:$0x12000] =	vst v63  }
0x12c: {  	s8 =	smov.u32 s13  }
0x12d: {  	p0 =	sne.s32 s13, $0x2D000;
	s13 =	sadd.s32 $0x1800, s13;
	_ =	swait.ge [sflag:s26], $0x2800  }
0x12e: {  	[sflag:s26] =	ssyncset.done $0x0  }
0x12f: {  	s31 =	sadd.s32 $0xFFFFFE80, s18;
	[sflag:s26] =	ssyncadd.s32 $0xFFFFD800  }
0x130: {  	[tilespmem:s10], [sflag:$0x3] =	stream.indirect.gather [hbm4b:s3+s9], $0x80, s31, s9, $0xb8;
	[tilespmem:$0x12000] =	vst v63  }
0x131: {  	_ =	swait.ge [sflag:s28], $0x2800  }
0x132: {  	s8 =	sadd.s32 s8, s23;
	[sflag:s28] =	ssyncset.done $0x0  }
0x133: {  	s31 =	sadd.s32 $0xC00, s8;
	[sflag:s28] =	ssyncadd.s32 $0xFFFFD800  }
0x134: {  	[hbm4b:s31+s16] =	stream.strided.scatter [tilespmem:s14], [sflag:$0x9], $0x2800, s17, s16, $0x38;
	[tilespmem:$0x12000] =	vst v63  }
0x135: {  	_ =	swait.ge [sflag:s29], $0x2800  }
0x136: {  	[sflag:s29] =	ssyncset.done $0x0  }
0x137: {  	s31 =	sadd.s32 $0xFFFFFF00, s18;
	[sflag:s29] =	ssyncadd.s32 $0xFFFFD800  }
0x138: {  	[tilespmem:s12], [sflag:$0x4] =	stream.indirect.gather [hbm4b:s3+s9], $0x80, s31, s9, $0xb8;
	[tilespmem:$0x12000] =	vst v63  }
0x139: {  	_ =	swait.ge [sflag:s30], $0x2800  }
0x13a: {  	[sflag:s30] =	ssyncset.done $0x0  }
0x13b: {  	s31 =	sadd.s32 $0x1200, s8;
	[sflag:s30] =	ssyncadd.s32 $0xFFFFD800  }
0x13c: {  	[hbm4b:s31+s16] =	stream.strided.scatter [tilespmem:s19], [sflag:$0xA], $0x2800, s17, s16, $0x38;
	[tilespmem:$0x12000] =	vst v63  }
0x13d: {  	_ =	swait.ge [sflag:s0], $0x2800  }
0x13e: {  	[sflag:s0] =	ssyncset.done $0x0  }
0x13f: {  	s31 =	sadd.s32 $0xFFFFFF80, s18;
	[sflag:s0] =	ssyncadd.s32 $0xFFFFD800  }
0x140: {  	[tilespmem:s14], [sflag:$0x5] =	stream.indirect.gather [hbm4b:s3+s9], $0x80, s31, s9, $0xb8;
	[tilespmem:$0x12000] =	vst v63  }
0x141: {  	_ =	swait.ge [sflag:s15], $0x2800  }
0x142: {  	[sflag:s15] =	ssyncset.done $0x0  }
0x143: {  	s31 =	sadd.s32 $0x1800, s8;
	[sflag:s15] =	ssyncadd.s32 $0xFFFFD800  }
0x144: {  	[hbm4b:s31+s16] =	stream.strided.scatter [tilespmem:s10], [sflag:$0x7], $0x2800, s17, s16, $0x38;
	[tilespmem:$0x12000] =	vst v63  }
0x145: {  	_ =	swait.ge [sflag:s6], $0x2800  }
0x146: {  	[sflag:s6] =	ssyncset.done $0x0  }
.Ltmp2:
0x147: {  	[sflag:s6] =	ssyncadd.s32 $0xFFFFD800;
	(pc) =	sbr.rel @p0 .LBB2_6-.Ltmp2, $4  }
0x148: {  	[tilespmem:s19], [sflag:$0x6] =	stream.indirect.gather [hbm4b:s3+s9], $0x80, s18, s9, $0xb8;
	[tilespmem:$0x12000] =	vst v63  }
0x149: {  	_ =	swait.ge [sflag:s20], $0x2800  }
0x14a: {  	[sflag:s20] =	ssyncset.done $0x0  }
0x14b: {  	s8 =	sadd.s32 $0x1E00, s8;
	s18 =	sadd.s32 $0x200, s18;
	[sflag:s20] =	ssyncadd.s32 $0xFFFFD800  }
0x14c: {  	[hbm4b:s8+s16] =	stream.strided.scatter [tilespmem:s12], [sflag:$0x8], $0x2800, s17, s16, $0x38;
	[tilespmem:$0x12000] =	vst v63  }
0x14d: {  	_ =	swait.ge [sflag:s28], $0x2800  }
0x14e: {  	[sflag:s28] =	ssyncset.done $0x0  }
0x14f: {  	s31 =	rddreg [dreg:$0xd];
	[sflag:s28] =	ssyncadd.s32 $0xFFFFD800  }
0x150: {  	[hbm4b:s31+s16] =	stream.strided.scatter [tilespmem:s14], [sflag:$0x9], $0x2800, s17, s16, $0x38;
	[tilespmem:$0x12000] =	vst v63  }
0x151: {  	_ =	swait.ge [sflag:s30], $0x2800  }
0x152: {  	[sflag:s30] =	ssyncset.done $0x0  }
0x153: {  	s18 =	simm.s32 $0x2;
	s13 =	rddreg [dreg:$0x15];
	[sflag:s30] =	ssyncadd.s32 $0xFFFFD800  }
0x154: {  	[hbm4b:s13+s16] =	stream.strided.scatter [tilespmem:s19], [sflag:$0xA], $0x2800, s17, s16, $0x38;
	[tilespmem:$0x12000] =	vst v63  }
0x155: {  	_ =	swait.ge [sflag:s18], $0x4000  }
0x156: {  	[sflag:s18] =	ssyncset.done $0x0  }
0x157: {  	s31 =	simm.s32 $0x0;
	s13 =	rddreg [dreg:$0x1c];
	[sflag:s18] =	ssyncadd.s32 $0xFFFFC000  }
0x158: {  	[tilespmem:s31], [sflag:$0x1] =	stream.linear.gather [hbm4b:s13+s31], $0x4000, $0x38;
	[tilespmem:$0x12000] =	vst v63  }
0x159: {  	_ =	swait.ge [sflag:s26], $0x2800  }
0x15a: {  	[sflag:s26] =	ssyncset.done $0x0  }
0x15b: {  	s13 =	simm.s32 $0x4000;
	[sflag:s26] =	ssyncadd.s32 $0xFFFFD800  }
0x15c: {  	[tilespmem:s10], [sflag:$0x3] =	stream.indirect.gather [hbm4b:s4+s9], $0x80, s13, s9, $0xb8;
	[tilespmem:$0x12000] =	vst v63  }
0x15d: {  	_ =	swait.ge [sflag:s29], $0x2800  }
0x15e: {  	[sflag:s29] =	ssyncset.done $0x0  }
0x15f: {  	s18 =	simm.s32 $0x4080;
	[sflag:s29] =	ssyncadd.s32 $0xFFFFD800  }
0x160: {  	[tilespmem:s12], [sflag:$0x4] =	stream.indirect.gather [hbm4b:s4+s9], $0x80, s18, s9, $0xb8;
	[tilespmem:$0x12000] =	vst v63  }
0x161: {  	_ =	swait.ge [sflag:s0], $0x2800  }
0x162: {  	[sflag:s0] =	ssyncset.done $0x0  }
0x163: {  	s31 =	simm.s32 $0x4100;
	[sflag:s0] =	ssyncadd.s32 $0xFFFFD800  }
0x164: {  	[tilespmem:s14], [sflag:$0x5] =	stream.indirect.gather [hbm4b:s4+s9], $0x80, s31, s9, $0xb8;
	[tilespmem:$0x12000] =	vst v63  }
0x165: {  	_ =	swait.ge [sflag:s15], $0x2800  }
0x166: {  	[sflag:s15] =	ssyncset.done $0x0  }
0x167: {  	s13 =	rddreg [dreg:$0xe];
	[sflag:s15] =	ssyncadd.s32 $0xFFFFD800  }
0x168: {  	[hbm4b:s13+s16] =	stream.strided.scatter [tilespmem:s10], [sflag:$0x7], $0x2800, s17, s16, $0x38;
	[tilespmem:$0x12000] =	vst v63  }
0x169: {  	_ =	swait.ge [sflag:s6], $0x2800  }
0x16a: {  	[sflag:s6] =	ssyncset.done $0x0  }
0x16b: {  	s18 =	simm.s32 $0x4180;
	[sflag:s6] =	ssyncadd.s32 $0xFFFFD800  }
0x16c: {  	[tilespmem:s19], [sflag:$0x6] =	stream.indirect.gather [hbm4b:s4+s9], $0x80, s18, s9, $0xb8;
	[tilespmem:$0x12000] =	vst v63  }
0x16d: {  	_ =	swait.ge [sflag:s20], $0x2800  }
0x16e: {  	[sflag:s20] =	ssyncset.done $0x0  }
0x16f: {  	s31 =	rddreg [dreg:$0xf];
	[sflag:s20] =	ssyncadd.s32 $0xFFFFD800  }
0x170: {  	[hbm4b:s31+s16] =	stream.strided.scatter [tilespmem:s12], [sflag:$0x8], $0x2800, s17, s16, $0x38;
	[tilespmem:$0x12000] =	vst v63  }
0x171: {  	_ =	swait.ge [sflag:s26], $0x2800  }
0x172: {  	[sflag:s26] =	ssyncset.done $0x0  }
0x173: {  	s13 =	simm.s32 $0x4200;
	[sflag:s26] =	ssyncadd.s32 $0xFFFFD800  }
0x174: {  	[tilespmem:s10], [sflag:$0x3] =	stream.indirect.gather [hbm4b:s4+s9], $0x80, s13, s9, $0xb8;
	[tilespmem:$0x12000] =	vst v63  }
0x175: {  	_ =	swait.ge [sflag:s28], $0x2800  }
0x176: {  	s8 =	sadd.s32 $0x0, s24;
	[sflag:s28] =	ssyncset.done $0x0  }
0x177: {  	s18 =	sadd.s32 $0xC00, s8;
	[sflag:s28] =	ssyncadd.s32 $0xFFFFD800  }
0x178: {  	[hbm4b:s18+s16] =	stream.strided.scatter [tilespmem:s14], [sflag:$0x9], $0x2800, s17, s16, $0x38;
	[tilespmem:$0x12000] =	vst v63  }
0x179: {  	_ =	swait.ge [sflag:s29], $0x2800  }
0x17a: {  	[sflag:s29] =	ssyncset.done $0x0  }
0x17b: {  	s31 =	simm.s32 $0x4280;
	[sflag:s29] =	ssyncadd.s32 $0xFFFFD800  }
0x17c: {  	[tilespmem:s12], [sflag:$0x4] =	stream.indirect.gather [hbm4b:s4+s9], $0x80, s31, s9, $0xb8;
	[tilespmem:$0x12000] =	vst v63  }
0x17d: {  	_ =	swait.ge [sflag:s30], $0x2800  }
0x17e: {  	[sflag:s30] =	ssyncset.done $0x0  }
0x17f: {  	s18 =	sadd.s32 $0x1200, s8;
	[sflag:s30] =	ssyncadd.s32 $0xFFFFD800  }
0x180: {  	[hbm4b:s18+s16] =	stream.strided.scatter [tilespmem:s19], [sflag:$0xA], $0x2800, s17, s16, $0x38;
	[tilespmem:$0x12000] =	vst v63  }
0x181: {  	_ =	swait.ge [sflag:s0], $0x2800  }
0x182: {  	[sflag:s0] =	ssyncset.done $0x0  }
0x183: {  	s31 =	simm.s32 $0x4300;
	[sflag:s0] =	ssyncadd.s32 $0xFFFFD800  }
0x184: {  	[tilespmem:s14], [sflag:$0x5] =	stream.indirect.gather [hbm4b:s4+s9], $0x80, s31, s9, $0xb8;
	[tilespmem:$0x12000] =	vst v63  }
0x185: {  	_ =	swait.ge [sflag:s15], $0x2800  }
0x186: {  	[sflag:s15] =	ssyncset.done $0x0  }
0x187: {  	s18 =	sadd.s32 $0x1800, s8;
	[sflag:s15] =	ssyncadd.s32 $0xFFFFD800  }
0x188: {  	[hbm4b:s18+s16] =	stream.strided.scatter [tilespmem:s10], [sflag:$0x7], $0x2800, s17, s16, $0x38;
	[tilespmem:$0x12000] =	vst v63  }
0x189: {  	_ =	swait.ge [sflag:s6], $0x2800  }
0x18a: {  	[sflag:s6] =	ssyncset.done $0x0  }
0x18b: {  	s31 =	simm.s32 $0x4380;
	[sflag:s6] =	ssyncadd.s32 $0xFFFFD800  }
0x18c: {  	[tilespmem:s19], [sflag:$0x6] =	stream.indirect.gather [hbm4b:s4+s9], $0x80, s31, s9, $0xb8;
	[tilespmem:$0x12000] =	vst v63  }
0x18d: {  	_ =	swait.ge [sflag:s20], $0x2800  }
0x18e: {  	s13 =	simm.s32 $0x1800;
	[sflag:s20] =	ssyncset.done $0x0  }
0x18f: {  	s8 =	sadd.s32 $0x1E00, s8;
	s18 =	simm.s32 $0x4580;
	[sflag:s20] =	ssyncadd.s32 $0xFFFFD800  }
.LBB2_8:
0x190: {  	[hbm4b:s8+s16] =	stream.strided.scatter [tilespmem:s12], [sflag:$0x8], $0x2800, s17, s16, $0x38;
	[tilespmem:$0x12000] =	vst v63  }
0x191: {  	s8 =	smov.u32 s13  }
0x192: {  	p0 =	sne.s32 s13, $0x2D000;
	s13 =	sadd.s32 $0x1800, s13;
	_ =	swait.ge [sflag:s26], $0x2800  }
0x193: {  	[sflag:s26] =	ssyncset.done $0x0  }
0x194: {  	s31 =	sadd.s32 $0xFFFFFE80, s18;
	[sflag:s26] =	ssyncadd.s32 $0xFFFFD800  }
0x195: {  	[tilespmem:s10], [sflag:$0x3] =	stream.indirect.gather [hbm4b:s4+s9], $0x80, s31, s9, $0xb8;
	[tilespmem:$0x12000] =	vst v63  }
0x196: {  	_ =	swait.ge [sflag:s28], $0x2800  }
0x197: {  	s8 =	sadd.s32 s8, s24;
	[sflag:s28] =	ssyncset.done $0x0  }
0x198: {  	s31 =	sadd.s32 $0xC00, s8;
	[sflag:s28] =	ssyncadd.s32 $0xFFFFD800  }
0x199: {  	[hbm4b:s31+s16] =	stream.strided.scatter [tilespmem:s14], [sflag:$0x9], $0x2800, s17, s16, $0x38;
	[tilespmem:$0x12000] =	vst v63  }
0x19a: {  	_ =	swait.ge [sflag:s29], $0x2800  }
0x19b: {  	[sflag:s29] =	ssyncset.done $0x0  }
0x19c: {  	s31 =	sadd.s32 $0xFFFFFF00, s18;
	[sflag:s29] =	ssyncadd.s32 $0xFFFFD800  }
0x19d: {  	[tilespmem:s12], [sflag:$0x4] =	stream.indirect.gather [hbm4b:s4+s9], $0x80, s31, s9, $0xb8;
	[tilespmem:$0x12000] =	vst v63  }
0x19e: {  	_ =	swait.ge [sflag:s30], $0x2800  }
0x19f: {  	[sflag:s30] =	ssyncset.done $0x0  }
0x1a0: {  	s31 =	sadd.s32 $0x1200, s8;
	[sflag:s30] =	ssyncadd.s32 $0xFFFFD800  }
0x1a1: {  	[hbm4b:s31+s16] =	stream.strided.scatter [tilespmem:s19], [sflag:$0xA], $0x2800, s17, s16, $0x38;
	[tilespmem:$0x12000] =	vst v63  }
0x1a2: {  	_ =	swait.ge [sflag:s0], $0x2800  }
0x1a3: {  	[sflag:s0] =	ssyncset.done $0x0  }
0x1a4: {  	s31 =	sadd.s32 $0xFFFFFF80, s18;
	[sflag:s0] =	ssyncadd.s32 $0xFFFFD800  }
0x1a5: {  	[tilespmem:s14], [sflag:$0x5] =	stream.indirect.gather [hbm4b:s4+s9], $0x80, s31, s9, $0xb8;
	[tilespmem:$0x12000] =	vst v63  }
0x1a6: {  	_ =	swait.ge [sflag:s15], $0x2800  }
0x1a7: {  	[sflag:s15] =	ssyncset.done $0x0  }
0x1a8: {  	s31 =	sadd.s32 $0x1800, s8;
	[sflag:s15] =	ssyncadd.s32 $0xFFFFD800  }
0x1a9: {  	[hbm4b:s31+s16] =	stream.strided.scatter [tilespmem:s10], [sflag:$0x7], $0x2800, s17, s16, $0x38;
	[tilespmem:$0x12000] =	vst v63  }
0x1aa: {  	_ =	swait.ge [sflag:s6], $0x2800  }
0x1ab: {  	[sflag:s6] =	ssyncset.done $0x0  }
.Ltmp3:
0x1ac: {  	[sflag:s6] =	ssyncadd.s32 $0xFFFFD800;
	(pc) =	sbr.rel @p0 .LBB2_8-.Ltmp3, $4  }
0x1ad: {  	[tilespmem:s19], [sflag:$0x6] =	stream.indirect.gather [hbm4b:s4+s9], $0x80, s18, s9, $0xb8;
	[tilespmem:$0x12000] =	vst v63  }
0x1ae: {  	_ =	swait.ge [sflag:s20], $0x2800  }
0x1af: {  	[sflag:s20] =	ssyncset.done $0x0  }
0x1b0: {  	s8 =	sadd.s32 $0x1E00, s8;
	s18 =	sadd.s32 $0x200, s18;
	[sflag:s20] =	ssyncadd.s32 $0xFFFFD800  }
0x1b1: {  	[hbm4b:s8+s16] =	stream.strided.scatter [tilespmem:s12], [sflag:$0x8], $0x2800, s17, s16, $0x38;
	[tilespmem:$0x12000] =	vst v63  }
0x1b2: {  	_ =	swait.ge [sflag:s28], $0x2800  }
0x1b3: {  	[sflag:s28] =	ssyncset.done $0x0  }
0x1b4: {  	s31 =	rddreg [dreg:$0x10];
	[sflag:s28] =	ssyncadd.s32 $0xFFFFD800  }
0x1b5: {  	[hbm4b:s31+s16] =	stream.strided.scatter [tilespmem:s14], [sflag:$0x9], $0x2800, s17, s16, $0x38;
	[tilespmem:$0x12000] =	vst v63  }
0x1b6: {  	_ =	swait.ge [sflag:s30], $0x2800  }
0x1b7: {  	[sflag:s30] =	ssyncset.done $0x0  }
0x1b8: {  	s13 =	rddreg [dreg:$0x16];
	[sflag:s30] =	ssyncadd.s32 $0xFFFFD800  }
0x1b9: {  	[hbm4b:s13+s16] =	stream.strided.scatter [tilespmem:s19], [sflag:$0xA], $0x2800, s17, s16, $0x38;
	[tilespmem:$0x12000] =	vst v63  }
0x1ba: {  	_ =	swait.ge [sflag:s7], $0x4000  }
0x1bb: {  	[sflag:s7] =	ssyncset.done $0x0  }
0x1bc: {  	[sflag:s7] =	ssyncadd.s32 $0xFFFFC000  }
0x1bd: {  	_ =	swait.ge [sflag:s26], $0x2800  }
0x1be: {  	[sflag:s26] =	ssyncset.done $0x0  }
0x1bf: {  	s18 =	simm.s32 $0x0;
	[sflag:s26] =	ssyncadd.s32 $0xFFFFD800  }
0x1c0: {  	[tilespmem:s10], [sflag:$0x3] =	stream.indirect.gather [hbm4b:s5+s9], $0x80, s18, s9, $0xb8;
	[tilespmem:$0x12000] =	vst v63  }
0x1c1: {  	_ =	swait.ge [sflag:s29], $0x2800  }
0x1c2: {  	[sflag:s29] =	ssyncset.done $0x0  }
0x1c3: {  	s31 =	simm.s32 $0x80;
	[sflag:s29] =	ssyncadd.s32 $0xFFFFD800  }
0x1c4: {  	[tilespmem:s12], [sflag:$0x4] =	stream.indirect.gather [hbm4b:s5+s9], $0x80, s31, s9, $0xb8;
	[tilespmem:$0x12000] =	vst v63  }
0x1c5: {  	_ =	swait.ge [sflag:s0], $0x2800  }
0x1c6: {  	[sflag:s0] =	ssyncset.done $0x0  }
0x1c7: {  	s13 =	simm.s32 $0x100;
	[sflag:s0] =	ssyncadd.s32 $0xFFFFD800  }
0x1c8: {  	[tilespmem:s14], [sflag:$0x5] =	stream.indirect.gather [hbm4b:s5+s9], $0x80, s13, s9, $0xb8;
	[tilespmem:$0x12000] =	vst v63  }
0x1c9: {  	_ =	swait.ge [sflag:s15], $0x2800  }
0x1ca: {  	[sflag:s15] =	ssyncset.done $0x0  }
0x1cb: {  	s18 =	rddreg [dreg:$0x11];
	[sflag:s15] =	ssyncadd.s32 $0xFFFFD800  }
0x1cc: {  	[hbm4b:s18+s16] =	stream.strided.scatter [tilespmem:s10], [sflag:$0x7], $0x2800, s17, s16, $0x38;
	[tilespmem:$0x12000] =	vst v63  }
0x1cd: {  	_ =	swait.ge [sflag:s6], $0x2800  }
0x1ce: {  	[sflag:s6] =	ssyncset.done $0x0  }
0x1cf: {  	s31 =	simm.s32 $0x180;
	[sflag:s6] =	ssyncadd.s32 $0xFFFFD800  }
0x1d0: {  	[tilespmem:s19], [sflag:$0x6] =	stream.indirect.gather [hbm4b:s5+s9], $0x80, s31, s9, $0xb8;
	[tilespmem:$0x12000] =	vst v63  }
0x1d1: {  	_ =	swait.ge [sflag:s20], $0x2800  }
0x1d2: {  	[sflag:s20] =	ssyncset.done $0x0  }
0x1d3: {  	s13 =	rddreg [dreg:$0x12];
	[sflag:s20] =	ssyncadd.s32 $0xFFFFD800  }
0x1d4: {  	[hbm4b:s13+s16] =	stream.strided.scatter [tilespmem:s12], [sflag:$0x8], $0x2800, s17, s16, $0x38;
	[tilespmem:$0x12000] =	vst v63  }
0x1d5: {  	_ =	swait.ge [sflag:s26], $0x2800  }
0x1d6: {  	[sflag:s26] =	ssyncset.done $0x0  }
0x1d7: {  	s18 =	simm.s32 $0x200;
	[sflag:s26] =	ssyncadd.s32 $0xFFFFD800  }
0x1d8: {  	[tilespmem:s10], [sflag:$0x3] =	stream.indirect.gather [hbm4b:s5+s9], $0x80, s18, s9, $0xb8;
	[tilespmem:$0x12000] =	vst v63  }
0x1d9: {  	_ =	swait.ge [sflag:s28], $0x2800  }
0x1da: {  	s8 =	sadd.s32 $0x0, s25;
	[sflag:s28] =	ssyncset.done $0x0  }
0x1db: {  	s13 =	sadd.s32 $0xC00, s8;
	[sflag:s28] =	ssyncadd.s32 $0xFFFFD800  }
0x1dc: {  	[hbm4b:s13+s16] =	stream.strided.scatter [tilespmem:s14], [sflag:$0x9], $0x2800, s17, s16, $0x38;
	[tilespmem:$0x12000] =	vst v63  }
0x1dd: {  	_ =	swait.ge [sflag:s29], $0x2800  }
0x1de: {  	[sflag:s29] =	ssyncset.done $0x0  }
0x1df: {  	s31 =	simm.s32 $0x280;
	[sflag:s29] =	ssyncadd.s32 $0xFFFFD800  }
0x1e0: {  	[tilespmem:s12], [sflag:$0x4] =	stream.indirect.gather [hbm4b:s5+s9], $0x80, s31, s9, $0xb8;
	[tilespmem:$0x12000] =	vst v63  }
0x1e1: {  	_ =	swait.ge [sflag:s30], $0x2800  }
0x1e2: {  	[sflag:s30] =	ssyncset.done $0x0  }
0x1e3: {  	s18 =	sadd.s32 $0x1200, s8;
	[sflag:s30] =	ssyncadd.s32 $0xFFFFD800  }
0x1e4: {  	[hbm4b:s18+s16] =	stream.strided.scatter [tilespmem:s19], [sflag:$0xA], $0x2800, s17, s16, $0x38;
	[tilespmem:$0x12000] =	vst v63  }
0x1e5: {  	_ =	swait.ge [sflag:s0], $0x2800  }
0x1e6: {  	[sflag:s0] =	ssyncset.done $0x0  }
0x1e7: {  	s31 =	simm.s32 $0x300;
	[sflag:s0] =	ssyncadd.s32 $0xFFFFD800  }
0x1e8: {  	[tilespmem:s14], [sflag:$0x5] =	stream.indirect.gather [hbm4b:s5+s9], $0x80, s31, s9, $0xb8;
	[tilespmem:$0x12000] =	vst v63  }
0x1e9: {  	_ =	swait.ge [sflag:s15], $0x2800  }
0x1ea: {  	[sflag:s15] =	ssyncset.done $0x0  }
0x1eb: {  	s18 =	sadd.s32 $0x1800, s8;
	[sflag:s15] =	ssyncadd.s32 $0xFFFFD800  }
0x1ec: {  	[hbm4b:s18+s16] =	stream.strided.scatter [tilespmem:s10], [sflag:$0x7], $0x2800, s17, s16, $0x38;
	[tilespmem:$0x12000] =	vst v63  }
0x1ed: {  	_ =	swait.ge [sflag:s6], $0x2800  }
0x1ee: {  	[sflag:s6] =	ssyncset.done $0x0  }
0x1ef: {  	s31 =	simm.s32 $0x380;
	[sflag:s6] =	ssyncadd.s32 $0xFFFFD800  }
0x1f0: {  	[tilespmem:s19], [sflag:$0x6] =	stream.indirect.gather [hbm4b:s5+s9], $0x80, s31, s9, $0xb8;
	[tilespmem:$0x12000] =	vst v63  }
0x1f1: {  	_ =	swait.ge [sflag:s20], $0x2800  }
0x1f2: {  	s13 =	simm.s32 $0x1800;
	[sflag:s20] =	ssyncset.done $0x0  }
0x1f3: {  	s8 =	sadd.s32 $0x1E00, s8;
	s18 =	simm.s32 $0x580;
	[sflag:s20] =	ssyncadd.s32 $0xFFFFD800  }
.LBB2_10:
0x1f4: {  	[hbm4b:s8+s16] =	stream.strided.scatter [tilespmem:s12], [sflag:$0x8], $0x2800, s17, s16, $0x38;
	[tilespmem:$0x12000] =	vst v63  }
0x1f5: {  	s8 =	smov.u32 s13  }
0x1f6: {  	p0 =	sne.s32 s13, $0x2D000;
	s13 =	sadd.s32 $0x1800, s13;
	_ =	swait.ge [sflag:s26], $0x2800  }
0x1f7: {  	[sflag:s26] =	ssyncset.done $0x0  }
0x1f8: {  	s31 =	sadd.s32 $0xFFFFFE80, s18;
	[sflag:s26] =	ssyncadd.s32 $0xFFFFD800  }
0x1f9: {  	[tilespmem:s10], [sflag:$0x3] =	stream.indirect.gather [hbm4b:s5+s9], $0x80, s31, s9, $0xb8;
	[tilespmem:$0x12000] =	vst v63  }
0x1fa: {  	_ =	swait.ge [sflag:s28], $0x2800  }
0x1fb: {  	s8 =	sadd.s32 s8, s25;
	[sflag:s28] =	ssyncset.done $0x0  }
0x1fc: {  	s31 =	sadd.s32 $0xC00, s8;
	[sflag:s28] =	ssyncadd.s32 $0xFFFFD800  }
0x1fd: {  	[hbm4b:s31+s16] =	stream.strided.scatter [tilespmem:s14], [sflag:$0x9], $0x2800, s17, s16, $0x38;
	[tilespmem:$0x12000] =	vst v63  }
0x1fe: {  	_ =	swait.ge [sflag:s29], $0x2800  }
0x1ff: {  	[sflag:s29] =	ssyncset.done $0x0  }
0x200: {  	s31 =	sadd.s32 $0xFFFFFF00, s18;
	[sflag:s29] =	ssyncadd.s32 $0xFFFFD800  }
0x201: {  	[tilespmem:s12], [sflag:$0x4] =	stream.indirect.gather [hbm4b:s5+s9], $0x80, s31, s9, $0xb8;
	[tilespmem:$0x12000] =	vst v63  }
0x202: {  	_ =	swait.ge [sflag:s30], $0x2800  }
0x203: {  	[sflag:s30] =	ssyncset.done $0x0  }
0x204: {  	s31 =	sadd.s32 $0x1200, s8;
	[sflag:s30] =	ssyncadd.s32 $0xFFFFD800  }
0x205: {  	[hbm4b:s31+s16] =	stream.strided.scatter [tilespmem:s19], [sflag:$0xA], $0x2800, s17, s16, $0x38;
	[tilespmem:$0x12000] =	vst v63  }
0x206: {  	_ =	swait.ge [sflag:s0], $0x2800  }
0x207: {  	[sflag:s0] =	ssyncset.done $0x0  }
0x208: {  	s31 =	sadd.s32 $0xFFFFFF80, s18;
	[sflag:s0] =	ssyncadd.s32 $0xFFFFD800  }
0x209: {  	[tilespmem:s14], [sflag:$0x5] =	stream.indirect.gather [hbm4b:s5+s9], $0x80, s31, s9, $0xb8;
	[tilespmem:$0x12000] =	vst v63  }
0x20a: {  	_ =	swait.ge [sflag:s15], $0x2800  }
0x20b: {  	[sflag:s15] =	ssyncset.done $0x0  }
0x20c: {  	s31 =	sadd.s32 $0x1800, s8;
	[sflag:s15] =	ssyncadd.s32 $0xFFFFD800  }
0x20d: {  	[hbm4b:s31+s16] =	stream.strided.scatter [tilespmem:s10], [sflag:$0x7], $0x2800, s17, s16, $0x38;
	[tilespmem:$0x12000] =	vst v63  }
0x20e: {  	_ =	swait.ge [sflag:s6], $0x2800  }
0x20f: {  	[sflag:s6] =	ssyncset.done $0x0  }
.Ltmp4:
0x210: {  	[sflag:s6] =	ssyncadd.s32 $0xFFFFD800;
	(pc) =	sbr.rel @p0 .LBB2_10-.Ltmp4, $4  }
0x211: {  	[tilespmem:s19], [sflag:$0x6] =	stream.indirect.gather [hbm4b:s5+s9], $0x80, s18, s9, $0xb8;
	[tilespmem:$0x12000] =	vst v63  }
0x212: {  	_ =	swait.ge [sflag:s20], $0x2800  }
0x213: {  	[sflag:s20] =	ssyncset.done $0x0  }
0x214: {  	s8 =	sadd.s32 $0x1E00, s8;
	s18 =	sadd.s32 $0x200, s18;
	[sflag:s20] =	ssyncadd.s32 $0xFFFFD800  }
0x215: {  	[hbm4b:s8+s16] =	stream.strided.scatter [tilespmem:s12], [sflag:$0x8], $0x2800, s17, s16, $0x38;
	[tilespmem:$0x12000] =	vst v63  }
0x216: {  	_ =	swait.ge [sflag:s28], $0x2800  }
0x217: {  	[sflag:s28] =	ssyncset.done $0x0  }
0x218: {  	s13 =	rddreg [dreg:$0x13];
	[sflag:s28] =	ssyncadd.s32 $0xFFFFD800  }
0x219: {  	[hbm4b:s13+s16] =	stream.strided.scatter [tilespmem:s14], [sflag:$0x9], $0x2800, s17, s16, $0x38;
	[tilespmem:$0x12000] =	vst v63  }
0x21a: {  	_ =	swait.ge [sflag:s30], $0x2800  }
0x21b: {  	[sflag:s30] =	ssyncset.done $0x0  }
0x21c: {  	s18 =	rddreg [dreg:$0x17];
	[sflag:s30] =	ssyncadd.s32 $0xFFFFD800  }
0x21d: {  	[hbm4b:s18+s16] =	stream.strided.scatter [tilespmem:s19], [sflag:$0xA], $0x2800, s17, s16, $0x38;
	[tilespmem:$0x12000] =	vst v63  }
0x21e: {  	_ =	swait.ge [sflag:s26], $0x2800  }
0x21f: {  	[sflag:s26] =	ssyncset.done $0x0  }
0x220: {  	[sflag:s26] =	ssyncadd.s32 $0xFFFFD800  }
0x221: {  	_ =	swait.ge [sflag:s29], $0x2800  }
0x222: {  	[sflag:s29] =	ssyncset.done $0x0  }
0x223: {  	[sflag:s29] =	ssyncadd.s32 $0xFFFFD800  }
0x224: {  	_ =	swait.ge [sflag:s0], $0x2800  }
0x225: {  	[sflag:s0] =	ssyncset.done $0x0  }
0x226: {  	[sflag:s0] =	ssyncadd.s32 $0xFFFFD800  }
0x227: {  	_ =	swait.ge [sflag:s6], $0x2800  }
0x228: {  	s11 =	sadd.s32 $0x1, s11;
	s31 =	rddreg [dreg:$0x1d]  }
0x229: {  	p0 =	sne.s32 s11, s31  }
.Ltmp5:
0x22a: {  	_ = 	snop;
	(pc) =	sbr.rel @p0 .LBB2_1-.Ltmp5, $3  }
0x22b: {  	_ =	sdelay $0x1  }
0x22c: {  	[sflag:s6] =	ssyncset.done $0x0  }
0x22d: {  	[sflag:s6] =	ssyncadd.s32 $0xFFFFD800  }
0x22e: {  	_ =	sfence.sel $0x180000  }
0x22f: {  	[bflag:$0x0] =	sbarrier.arrive $0xFFFF  }
0x230: {  	_ =	strace $0x90000047  }
0x231: {  	s0 =	stileid.u32;
	[bflag:$0x2] =	sbarrier.arrive $0xFFFF  }
0x232: {  	p0 =	sne.s32 s0, $0x0;
	s0 =	rddreg [dreg:$0x3]  }
0x233: {  	s0 =	sadd.s32 @!p0 $0x100000, s0  }
0x234: {  	[sflag:s0] =	ssyncadd.tile.s32 @!p0 $0x1;
	_ =	shalt  }
.Lfunc_end2:
_tile_overlayer_lowered:
.L_overlay_start_2:
0x235: {  	(tag) =	ssettag $0x2  }
0x236: {  	s0 =	rddreg [dreg:$0x0];
	s2 =	stileid.u32  }
0x237: {  	s1 =	rddreg [dreg:$0x1];
	p0 =	sne.s32 s2, $0x0  }
0x238: {  	s3 =	rddreg [dreg:$0x2];
	[bflag:$0x3] =	sbarrier.arrive $0xFFFF;
	s2 =	simm.s32 @!p0 $0x1C0B  }
0x239: {  	[timem:s3], [sflag:s2] =	dma.local @!p0 [hbm:s0], s1  }
0x23a: {  	s0 =	simm.s32 @!p0 $0xB  }
0x23b: {  	_ =	swait.ge @!p0 [sflag:s0], s1  }
0x23c: {  	s1 =	ssub.s32 @!p0 $0x0, s1;
	[sflag:s0] =	ssyncset.done @!p0 $0x0  }
0x23d: {  	[sflag:s0] =	ssyncadd.s32 @!p0 s1  }
0x23e: {  	[bflag:$0x3] =	sbarrier.arrive $0xFFFF  }
0x23f: {  	_ =	shalt  }

</sc_bundles>
